<compile_context>
chip_gen: v7x
topology: tpu7x:2x2x1
jax: 0.10.2.dev20260603
libtpu: 0.0.44.dev20260713+nightly
codegen_flags: <defaults>
</compile_context>

<pallas_src>
import functools

import jax
import jax.numpy as jnp
from jax import lax
from jax.experimental import pallas as pl
from jax.experimental.pallas import tpu as pltpu
from jax.experimental.pallas import tpu_sc as plsc

VOCAB = 250002
DIM = 1024
B = 2
S = 4096

NC = 2
NS = 16
NW = NC * NS
N = B * S
PER_W = N // NW
W_PER_ROW = S // PER_W
LANES = 16
NCOL = DIM // LANES

SIZES = [64, 56, 64, 56, 16]
OFFS = [0, 64, 120, 184, 240]
NCHUNK = len(SIZES)
SROWS = 16

_mesh = plsc.VectorSubcoreMesh(core_axis_name="c", subcore_axis_name="s")


@functools.partial(
    pl.kernel,
    mesh=_mesh,
    out_type=jax.ShapeDtypeStruct((B, S, DIM), jnp.float32),
    scratch_types=[
        pltpu.VMEM((PER_W,), jnp.int32),
        pltpu.VMEM((DIM,), jnp.float32),
        pltpu.VMEM((64, DIM), jnp.float32),
        pltpu.VMEM((56, DIM), jnp.float32),
        pltpu.SemaphoreType.DMA((2,)),
        pltpu.SemaphoreType.DMA((2,)),
    ],
)
def _embed(ids_hbm, tt_hbm, table_hbm, out_hbm, idx_v, tt_v, buf_a, buf_b,
           gsem, osem):
    wid = lax.axis_index("s") * NC + lax.axis_index("c")
    brow = wid // W_PER_ROW
    col0 = (wid % W_PER_ROW) * PER_W
    bufs = [buf_a, buf_b]
    pltpu.sync_copy(ids_hbm.at[brow, pl.ds(col0, PER_W)], idx_v)

    def gather(c):
        b = c % 2
        return pltpu.async_copy(
            table_hbm.at[idx_v.at[pl.ds(OFFS[c], SIZES[c])]],
            bufs[b].at[pl.ds(0, SIZES[c])],
            gsem.at[b],
        )

    def scatter_wait(c):
        b = c % 2
        pltpu.make_async_copy(
            bufs[b].at[pl.ds(0, SIZES[c])],
            out_hbm.at[brow, pl.ds(col0, SIZES[c])],
            osem.at[b],
        ).wait()

    def add_and_scatter(c):
        b = c % 2
        buf = bufs[b]
        for r0 in range(0, SIZES[c], SROWS):
            nr = min(SROWS, SIZES[c] - r0)

            @plsc.parallel_loop(0, NCOL)
            def _(j):
                ttv = tt_v[pl.ds(j * LANES, LANES)]
                for i in range(r0, r0 + nr):
                    plsc.addupdate(buf.at[i, pl.ds(j * LANES, LANES)], ttv)

            pltpu.async_copy(
                buf.at[pl.ds(r0, nr)],
                out_hbm.at[brow, pl.ds(col0 + OFFS[c] + r0, nr)],
                osem.at[b],
            )

    gathers = [None] * NCHUNK
    gathers[0] = gather(0)
    gathers[1] = gather(1)
    pltpu.sync_copy(tt_hbm.at[0], tt_v)
    for c in range(NCHUNK):
        gathers[c].wait()
        if c >= 1 and c + 1 < NCHUNK:
            scatter_wait(c - 1)
            gathers[c + 1] = gather(c + 1)
        add_and_scatter(c)
    scatter_wait(NCHUNK - 2)
    scatter_wait(NCHUNK - 1)


def kernel(input_ids, word_table, token_type_table):
    return _embed(input_ids.astype(jnp.int32), token_type_table, word_table)

# --- scband reference (transcript-rebuilt; emitter-appended) ---
"""Pipeline reference for scband-xlmroberta-embeddings-16045997818162 (READ-ONLY COPY).

The authoritative reference and input builder live on the scoring server;
editing this copy changes nothing except your own understanding.
"""

import jax, jax.numpy as jnp
import numpy as np

VOCAB = 250002
DIM = 1024
TYPE_VOCAB = 1
PAD_IDX = 1
B = 2
S = 4096


def setup_inputs(seed: int = 0) -> dict:
    key = jax.random.key(seed)
    k1, k2, k3 = jax.random.split(key, 3)
    input_ids = jax.random.randint(k1, (B, S), 0, VOCAB, dtype=jnp.int64)
    word_table = jax.random.normal(k2, (VOCAB, DIM), dtype=jnp.float32) * 0.02
    # padding_idx row is initialized to zero in torch nn.Embedding
    word_table = word_table.at[PAD_IDX].set(0.0)
    token_type_table = jax.random.normal(k3, (TYPE_VOCAB, DIM), dtype=jnp.float32) * 0.02
    return {"input_ids": input_ids, "word_table": word_table, "token_type_table": token_type_table}


def reference(input_ids, word_table, token_type_table):
    # embeddings = self.word_embeddings(input_ids)
    embeddings = jnp.take(word_table, input_ids, axis=0)  # [B, S, D]
    # token_type_ids = zeros(embeddings.shape[1]) -> all-zero ids over seq dim
    token_type_ids = jnp.zeros((embeddings.shape[1],), dtype=jnp.int32)  # [S]
    token_type_embeddings = jnp.take(token_type_table, token_type_ids, axis=0)  # [S, D]
    # broadcast add over batch dim, matching torch broadcasting [B,S,D] + [S,D]
    embeddings = embeddings + token_type_embeddings
    return embeddings

if __name__ == "__main__":
    import jax
    _d = setup_inputs()
    print(jax.jit(kernel)(*tuple(_d.values())))

</pallas_src>

<mosaic_0001>
#map = affine_map<(d0, d1) -> (0, 0)>
#map1 = affine_map<(d0, d1) -> (0, 0, 0)>
module attributes {stable_mosaic.version = 14 : i64} {
  func.func @_embed(%arg0: i32, %arg1: i32, %arg2: memref<2x4096xi32, #tpu.memory_space<hbm>>, %arg3: memref<1x1024xf32, #tpu.memory_space<hbm>>, %arg4: memref<250002x1024xf32, #tpu.memory_space<hbm>>, %arg5: memref<2x4096x1024xf32, #tpu.memory_space<hbm>>, %arg6: memref<256xi32, #tpu.memory_space<vmem>>, %arg7: memref<1024xf32, #tpu.memory_space<vmem>>, %arg8: memref<64x1024xf32, #tpu.memory_space<vmem>>, %arg9: memref<56x1024xf32, #tpu.memory_space<vmem>>, %arg10: memref<2x!tpu.dma_semaphore, #tpu.memory_space<semaphore_mem>>, %arg11: memref<2x!tpu.dma_semaphore, #tpu.memory_space<semaphore_mem>>) attributes {dimension_semantics = [#tpu.dimension_semantics<core_parallel>, #tpu.dimension_semantics<subcore_parallel>], iteration_bounds = array<i64: 2, 16>, scalar_prefetch = 0 : i64, scratch_operands = 6 : i64, tpu.core_type = #tpu.core_type<sc_vector_subcore>, window_params = [{transform_indices = #map}, {transform_indices = #map}, {transform_indices = #map}, {transform_indices = #map1}]} {
    %mul3A = arith.constant 2 : i32
    %mul3A_0 = arith.muli %arg1, %mul3A : i32
    %add3A = arith.addi %mul3A_0, %arg0 : i32
    %jit3A = arith.constant 16 : i32
    %div3A = arith.divsi %add3A, %jit3A : i32
    %sign3A = arith.constant 0 : i32
    %sign3A_1 = arith.cmpi sgt, %add3A, %sign3A : i32
    %sign3A_2 = arith.extui %sign3A_1 : i1 to i32
    %sign3A_3 = arith.constant 0 : i32
    %sign3A_4 = arith.cmpi slt, %add3A, %sign3A_3 : i32
    %sign3A_5 = arith.extui %sign3A_4 : i1 to i32
    %sign3A_6 = arith.subi %sign3A_2, %sign3A_5 : i32
    %sign3A_7 = arith.constant 0 : i32
    %sign3A_8 = arith.cmpi sgt, %jit3A, %sign3A_7 : i32
    %sign3A_9 = arith.extui %sign3A_8 : i1 to i32
    %sign3A_10 = arith.constant 0 : i32
    %sign3A_11 = arith.cmpi slt, %jit3A, %sign3A_10 : i32
    %sign3A_12 = arith.extui %sign3A_11 : i1 to i32
    %sign3A_13 = arith.subi %sign3A_9, %sign3A_12 : i32
    %ne3A = arith.cmpi ne, %sign3A_6, %sign3A_13 : i32
    %rem3A = arith.remsi %add3A, %jit3A : i32
    %ne3A_14 = arith.constant 0 : i32
    %ne3A_15 = arith.cmpi ne, %rem3A, %ne3A_14 : i32
    %and3A = arith.andi %ne3A, %ne3A_15 : i1
    %sub3A = arith.constant 1 : i32
    %sub3A_16 = arith.subi %div3A, %sub3A : i32
    %select_n3A = arith.select %and3A, %sub3A_16, %div3A : i32
    %jit3A_17 = arith.constant 16 : i32
    %eq3A = arith.constant 0 : i32
    %eq3A_18 = arith.cmpi eq, %jit3A_17, %eq3A : i32
    %jit3A_19 = arith.constant 1 : i32
    %select_n3A_20 = arith.select %eq3A_18, %jit3A_19, %jit3A_17 : i32
    %rem3A_21 = arith.remsi %add3A, %select_n3A_20 : i32
    %ne3A_22 = arith.constant 0 : i32
    %ne3A_23 = arith.cmpi ne, %rem3A_21, %ne3A_22 : i32
    %lt3A = arith.constant 0 : i32
    %lt3A_24 = arith.cmpi slt, %rem3A_21, %lt3A : i32
    %lt3A_25 = arith.constant 0 : i32
    %lt3A_26 = arith.cmpi slt, %select_n3A_20, %lt3A_25 : i32
    %ne3A_27 = arith.xori %lt3A_24, %lt3A_26 : i1
    %and3A_28 = arith.andi %ne3A_27, %ne3A_23 : i1
    %add3A_29 = arith.addi %rem3A_21, %select_n3A_20 : i32
    %select_n3A_30 = arith.select %and3A_28, %add3A_29, %rem3A_21 : i32
    %mul3A_31 = arith.constant 256 : i32
    %mul3A_32 = arith.muli %select_n3A_30, %mul3A_31 : i32
    "tpu.region"() ({
      %run_scoped3A_589 = tpu.sem_alloc : memref<!tpu.dma_semaphore, #tpu.memory_space<semaphore_mem>>
      %dma_start3A_590 = tpu.memref_slice %arg2[%select_n3A, %mul3A_32] : memref<2x4096xi32, #tpu.memory_space<hbm>> -> memref<1x256xi32, #tpu.memory_space<hbm>>
      %dma_start3A_591 = tpu.memref_squeeze %dma_start3A_590 : memref<1x256xi32, #tpu.memory_space<hbm>> -> memref<256xi32, #tpu.memory_space<hbm>>
      %dma_start3A_592 = tpu.memref_slice %arg2[%select_n3A, %mul3A_32] : memref<2x4096xi32, #tpu.memory_space<hbm>> -> memref<1x256xi32, #tpu.memory_space<hbm>>
      %dma_start3A_593 = tpu.memref_squeeze %dma_start3A_592 : memref<1x256xi32, #tpu.memory_space<hbm>> -> memref<256xi32, #tpu.memory_space<hbm>>
      tpu.enqueue_dma source(%dma_start3A_593 : memref<256xi32, #tpu.memory_space<hbm>>) target(%arg6 : memref<256xi32, #tpu.memory_space<vmem>>) target_semaphore(%run_scoped3A_589 : memref<!tpu.dma_semaphore, #tpu.memory_space<semaphore_mem>>)
      %dma_wait3A_594 = tpu.memref_slice %arg2[%select_n3A, %mul3A_32] : memref<2x4096xi32, #tpu.memory_space<hbm>> -> memref<1x256xi32, #tpu.memory_space<hbm>>
      %dma_wait3A_595 = tpu.memref_squeeze %dma_wait3A_594 : memref<1x256xi32, #tpu.memory_space<hbm>> -> memref<256xi32, #tpu.memory_space<hbm>>
      %dma_wait3A_596 = tpu.memref_slice %arg2[%select_n3A, %mul3A_32] : memref<2x4096xi32, #tpu.memory_space<hbm>> -> memref<1x256xi32, #tpu.memory_space<hbm>>
      %dma_wait3A_597 = tpu.memref_squeeze %dma_wait3A_596 : memref<1x256xi32, #tpu.memory_space<hbm>> -> memref<256xi32, #tpu.memory_space<hbm>>
      tpu.wait_dma2 semaphore(%run_scoped3A_589 : memref<!tpu.dma_semaphore, #tpu.memory_space<semaphore_mem>>) src(%dma_wait3A_597 : memref<256xi32, #tpu.memory_space<hbm>>) dst(%arg6 : memref<256xi32, #tpu.memory_space<vmem>>)
      tpu.yield
    }) : () -> ()
    %dma_start3A = arith.constant 0 : i32
    %dma_start3A_33 = arith.constant 0 : i32
    %dma_start3A_34 = arith.constant 0 : i32
    %dma_start3A_35 = tpu.memref_slice %arg8[%dma_start3A_33, %dma_start3A_34] : memref<64x1024xf32, #tpu.memory_space<vmem>> -> memref<64x1024xf32, #tpu.memory_space<vmem>>
    %dma_start3A_36 = arith.constant 0 : i32
    %dma_start3A_37 = tpu.memref_slice %arg6[%dma_start3A_36] : memref<256xi32, #tpu.memory_space<vmem>> -> memref<64xi32, #tpu.memory_space<vmem>>
    %dma_start3A_38 = arith.constant 0 : i32
    %dma_start3A_39 = arith.constant 0 : i32
    %dma_start3A_40 = tpu.memref_slice %arg4[%dma_start3A_38, %dma_start3A_39] : memref<250002x1024xf32, #tpu.memory_space<hbm>> -> memref<250002x1024xf32, #tpu.memory_space<hbm>>
    %dma_start3A_41 = tpu.memref_slice %arg10[%dma_start3A] : memref<2x!tpu.dma_semaphore, #tpu.memory_space<semaphore_mem>> -> memref<1x!tpu.dma_semaphore, #tpu.memory_space<semaphore_mem>>
    %dma_start3A_42 = tpu.memref_squeeze %dma_start3A_41 : memref<1x!tpu.dma_semaphore, #tpu.memory_space<semaphore_mem>> -> memref<!tpu.dma_semaphore, #tpu.memory_space<semaphore_mem>>
    tpu.enqueue_indirect_dma source(%dma_start3A_40 : memref<250002x1024xf32, #tpu.memory_space<hbm>>) target(%dma_start3A_35 : memref<64x1024xf32, #tpu.memory_space<vmem>>) offsets(%dma_start3A_37 : memref<64xi32, #tpu.memory_space<vmem>>) semaphore(%dma_start3A_42 : memref<!tpu.dma_semaphore, #tpu.memory_space<semaphore_mem>>)
    %dma_start3A_43 = arith.constant 1 : i32
    %dma_start3A_44 = arith.constant 0 : i32
    %dma_start3A_45 = arith.constant 0 : i32
    %dma_start3A_46 = tpu.memref_slice %arg9[%dma_start3A_44, %dma_start3A_45] : memref<56x1024xf32, #tpu.memory_space<vmem>> -> memref<56x1024xf32, #tpu.memory_space<vmem>>
    %dma_start3A_47 = arith.constant 64 : i32
    %dma_start3A_48 = tpu.memref_slice %arg6[%dma_start3A_47] : memref<256xi32, #tpu.memory_space<vmem>> -> memref<56xi32, #tpu.memory_space<vmem>>
    %dma_start3A_49 = arith.constant 0 : i32
    %dma_start3A_50 = arith.constant 0 : i32
    %dma_start3A_51 = tpu.memref_slice %arg4[%dma_start3A_49, %dma_start3A_50] : memref<250002x1024xf32, #tpu.memory_space<hbm>> -> memref<250002x1024xf32, #tpu.memory_space<hbm>>
    %dma_start3A_52 = tpu.memref_slice %arg10[%dma_start3A_43] : memref<2x!tpu.dma_semaphore, #tpu.memory_space<semaphore_mem>> -> memref<1x!tpu.dma_semaphore, #tpu.memory_space<semaphore_mem>>
    %dma_start3A_53 = tpu.memref_squeeze %dma_start3A_52 : memref<1x!tpu.dma_semaphore, #tpu.memory_space<semaphore_mem>> -> memref<!tpu.dma_semaphore, #tpu.memory_space<semaphore_mem>>
    tpu.enqueue_indirect_dma source(%dma_start3A_51 : memref<250002x1024xf32, #tpu.memory_space<hbm>>) target(%dma_start3A_46 : memref<56x1024xf32, #tpu.memory_space<vmem>>) offsets(%dma_start3A_48 : memref<56xi32, #tpu.memory_space<vmem>>) semaphore(%dma_start3A_53 : memref<!tpu.dma_semaphore, #tpu.memory_space<semaphore_mem>>)
    %run_scoped3A = arith.constant 0 : i32
    "tpu.region"() ({
      %run_scoped3A_589 = tpu.sem_alloc : memref<!tpu.dma_semaphore, #tpu.memory_space<semaphore_mem>>
      %dma_start3A_590 = arith.constant 0 : i32
      %dma_start3A_591 = tpu.memref_slice %arg3[%run_scoped3A, %dma_start3A_590] : memref<1x1024xf32, #tpu.memory_space<hbm>> -> memref<1x1024xf32, #tpu.memory_space<hbm>>
      %dma_start3A_592 = tpu.memref_squeeze %dma_start3A_591 : memref<1x1024xf32, #tpu.memory_space<hbm>> -> memref<1024xf32, #tpu.memory_space<hbm>>
      %dma_start3A_593 = arith.constant 0 : i32
      %dma_start3A_594 = tpu.memref_slice %arg3[%run_scoped3A, %dma_start3A_593] : memref<1x1024xf32, #tpu.memory_space<hbm>> -> memref<1x1024xf32, #tpu.memory_space<hbm>>
      %dma_start3A_595 = tpu.memref_squeeze %dma_start3A_594 : memref<1x1024xf32, #tpu.memory_space<hbm>> -> memref<1024xf32, #tpu.memory_space<hbm>>
      tpu.enqueue_dma source(%dma_start3A_595 : memref<1024xf32, #tpu.memory_space<hbm>>) target(%arg7 : memref<1024xf32, #tpu.memory_space<vmem>>) target_semaphore(%run_scoped3A_589 : memref<!tpu.dma_semaphore, #tpu.memory_space<semaphore_mem>>)
      %dma_wait3A_596 = arith.constant 0 : i32
      %dma_wait3A_597 = tpu.memref_slice %arg3[%run_scoped3A, %dma_wait3A_596] : memref<1x1024xf32, #tpu.memory_space<hbm>> -> memref<1x1024xf32, #tpu.memory_space<hbm>>
      %dma_wait3A_598 = tpu.memref_squeeze %dma_wait3A_597 : memref<1x1024xf32, #tpu.memory_space<hbm>> -> memref<1024xf32, #tpu.memory_space<hbm>>
      %dma_wait3A_599 = arith.constant 0 : i32
      %dma_wait3A_600 = tpu.memref_slice %arg3[%run_scoped3A, %dma_wait3A_599] : memref<1x1024xf32, #tpu.memory_space<hbm>> -> memref<1x1024xf32, #tpu.memory_space<hbm>>
      %dma_wait3A_601 = tpu.memref_squeeze %dma_wait3A_600 : memref<1x1024xf32, #tpu.memory_space<hbm>> -> memref<1024xf32, #tpu.memory_space<hbm>>
      tpu.wait_dma2 semaphore(%run_scoped3A_589 : memref<!tpu.dma_semaphore, #tpu.memory_space<semaphore_mem>>) src(%dma_wait3A_601 : memref<1024xf32, #tpu.memory_space<hbm>>) dst(%arg7 : memref<1024xf32, #tpu.memory_space<vmem>>)
      tpu.yield
    }) : () -> ()
    %dma_wait3A = arith.constant 0 : i32
    %dma_wait3A_54 = arith.constant 0 : i32
    %dma_wait3A_55 = arith.constant 0 : i32
    %dma_wait3A_56 = tpu.memref_slice %arg8[%dma_wait3A_54, %dma_wait3A_55] : memref<64x1024xf32, #tpu.memory_space<vmem>> -> memref<64x1024xf32, #tpu.memory_space<vmem>>
    %dma_wait3A_57 = arith.constant 0 : i32
    %dma_wait3A_58 = tpu.memref_slice %arg6[%dma_wait3A_57] : memref<256xi32, #tpu.memory_space<vmem>> -> memref<64xi32, #tpu.memory_space<vmem>>
    %dma_wait3A_59 = arith.constant 0 : i32
    %dma_wait3A_60 = arith.constant 0 : i32
    %dma_wait3A_61 = tpu.memref_slice %arg4[%dma_wait3A_59, %dma_wait3A_60] : memref<250002x1024xf32, #tpu.memory_space<hbm>> -> memref<250002x1024xf32, #tpu.memory_space<hbm>>
    %dma_wait3A_62 = tpu.memref_slice %arg10[%dma_wait3A] : memref<2x!tpu.dma_semaphore, #tpu.memory_space<semaphore_mem>> -> memref<1x!tpu.dma_semaphore, #tpu.memory_space<semaphore_mem>>
    %dma_wait3A_63 = tpu.memref_squeeze %dma_wait3A_62 : memref<1x!tpu.dma_semaphore, #tpu.memory_space<semaphore_mem>> -> memref<!tpu.dma_semaphore, #tpu.memory_space<semaphore_mem>>
    tpu.wait_indirect_dma semaphore(%dma_wait3A_63 : memref<!tpu.dma_semaphore, #tpu.memory_space<semaphore_mem>>) src(%dma_wait3A_61 : memref<250002x1024xf32, #tpu.memory_space<hbm>>) dst(%dma_wait3A_56 : memref<64x1024xf32, #tpu.memory_space<vmem>>)
    %parallel_loop3A = arith.constant 0 : i32
    %parallel_loop3A_64 = arith.constant 64 : i32
    %parallel_loop3A_65 = arith.constant 1 : i32
    scf.for %parallel_loop3A_589 = %parallel_loop3A to %parallel_loop3A_64 step %parallel_loop3A_65  : i32 {
      %parallel_loop3A_590 = arith.constant 16 : i32
      %parallel_loop3A_591 = arith.muli %parallel_loop3A_589, %parallel_loop3A_590 : i32
      %parallel_loop3A_592 = arith.index_cast %parallel_loop3A_591 : i32 to index
      %parallel_loop3A_593 = tpu.vector_load %arg7[%parallel_loop3A_592] {strides = array<i32>} : memref<1024xf32, #tpu.memory_space<vmem>>, vector<16xf32>,
      %parallel_loop3A_594 = vector.shape_cast %parallel_loop3A_593 : vector<16xf32> to vector<16xf32>
      %parallel_loop3A_595 = arith.constant 16 : i32
      %parallel_loop3A_596 = arith.muli %parallel_loop3A_589, %parallel_loop3A_595 : i32
      %parallel_loop3A_597 = arith.constant 0 : i32
      %parallel_loop3A_598 = arith.index_cast %parallel_loop3A_597 : i32 to index
      %parallel_loop3A_599 = arith.index_cast %parallel_loop3A_596 : i32 to index
      %parallel_loop3A_600 = tpu.vector_load %arg8[%parallel_loop3A_598, %parallel_loop3A_599] {strides = array<i32>} : memref<64x1024xf32, #tpu.memory_space<vmem>>, vector<1x16xf32>,
      %parallel_loop3A_601 = vector.shape_cast %parallel_loop3A_600 : vector<1x16xf32> to vector<16xf32>
      %parallel_loop3A_602 = vector.shape_cast %parallel_loop3A_594 : vector<16xf32> to vector<1x16xf32>
      tpu.vector_store %arg8[%parallel_loop3A_598, %parallel_loop3A_599], %parallel_loop3A_602 {add = true, strides = array<i32>} : memref<64x1024xf32, #tpu.memory_space<vmem>>, vector<1x16xf32>,
      %parallel_loop3A_603 = arith.constant 16 : i32
      %parallel_loop3A_604 = arith.muli %parallel_loop3A_589, %parallel_loop3A_603 : i32
      %parallel_loop3A_605 = arith.constant 1 : i32
      %parallel_loop3A_606 = arith.index_cast %parallel_loop3A_605 : i32 to index
      %parallel_loop3A_607 = arith.index_cast %parallel_loop3A_604 : i32 to index
      %parallel_loop3A_608 = tpu.vector_load %arg8[%parallel_loop3A_606, %parallel_loop3A_607] {strides = array<i32>} : memref<64x1024xf32, #tpu.memory_space<vmem>>, vector<1x16xf32>,
      %parallel_loop3A_609 = vector.shape_cast %parallel_loop3A_608 : vector<1x16xf32> to vector<16xf32>
      %parallel_loop3A_610 = vector.shape_cast %parallel_loop3A_594 : vector<16xf32> to vector<1x16xf32>
      tpu.vector_store %arg8[%parallel_loop3A_606, %parallel_loop3A_607], %parallel_loop3A_610 {add = true, strides = array<i32>} : memref<64x1024xf32, #tpu.memory_space<vmem>>, vector<1x16xf32>,
      %parallel_loop3A_611 = arith.constant 16 : i32
      %parallel_loop3A_612 = arith.muli %parallel_loop3A_589, %parallel_loop3A_611 : i32
      %parallel_loop3A_613 = arith.constant 2 : i32
      %parallel_loop3A_614 = arith.index_cast %parallel_loop3A_613 : i32 to index
      %parallel_loop3A_615 = arith.index_cast %parallel_loop3A_612 : i32 to index
      %parallel_loop3A_616 = tpu.vector_load %arg8[%parallel_loop3A_614, %parallel_loop3A_615] {strides = array<i32>} : memref<64x1024xf32, #tpu.memory_space<vmem>>, vector<1x16xf32>,
      %parallel_loop3A_617 = vector.shape_cast %parallel_loop3A_616 : vector<1x16xf32> to vector<16xf32>
      %parallel_loop3A_618 = vector.shape_cast %parallel_loop3A_594 : vector<16xf32> to vector<1x16xf32>
      tpu.vector_store %arg8[%parallel_loop3A_614, %parallel_loop3A_615], %parallel_loop3A_618 {add = true, strides = array<i32>} : memref<64x1024xf32, #tpu.memory_space<vmem>>, vector<1x16xf32>,
      %parallel_loop3A_619 = arith.constant 16 : i32
      %parallel_loop3A_620 = arith.muli %parallel_loop3A_589, %parallel_loop3A_619 : i32
      %parallel_loop3A_621 = arith.constant 3 : i32
      %parallel_loop3A_622 = arith.index_cast %parallel_loop3A_621 : i32 to index
      %parallel_loop3A_623 = arith.index_cast %parallel_loop3A_620 : i32 to index
      %parallel_loop3A_624 = tpu.vector_load %arg8[%parallel_loop3A_622, %parallel_loop3A_623] {strides = array<i32>} : memref<64x1024xf32, #tpu.memory_space<vmem>>, vector<1x16xf32>,
      %parallel_loop3A_625 = vector.shape_cast %parallel_loop3A_624 : vector<1x16xf32> to vector<16xf32>
      %parallel_loop3A_626 = vector.shape_cast %parallel_loop3A_594 : vector<16xf32> to vector<1x16xf32>
      tpu.vector_store %arg8[%parallel_loop3A_622, %parallel_loop3A_623], %parallel_loop3A_626 {add = true, strides = array<i32>} : memref<64x1024xf32, #tpu.memory_space<vmem>>, vector<1x16xf32>,
      %parallel_loop3A_627 = arith.constant 16 : i32
      %parallel_loop3A_628 = arith.muli %parallel_loop3A_589, %parallel_loop3A_627 : i32
      %parallel_loop3A_629 = arith.constant 4 : i32
      %parallel_loop3A_630 = arith.index_cast %parallel_loop3A_629 : i32 to index
      %parallel_loop3A_631 = arith.index_cast %parallel_loop3A_628 : i32 to index
      %parallel_loop3A_632 = tpu.vector_load %arg8[%parallel_loop3A_630, %parallel_loop3A_631] {strides = array<i32>} : memref<64x1024xf32, #tpu.memory_space<vmem>>, vector<1x16xf32>,
      %parallel_loop3A_633 = vector.shape_cast %parallel_loop3A_632 : vector<1x16xf32> to vector<16xf32>
      %parallel_loop3A_634 = vector.shape_cast %parallel_loop3A_594 : vector<16xf32> to vector<1x16xf32>
      tpu.vector_store %arg8[%parallel_loop3A_630, %parallel_loop3A_631], %parallel_loop3A_634 {add = true, strides = array<i32>} : memref<64x1024xf32, #tpu.memory_space<vmem>>, vector<1x16xf32>,
      %parallel_loop3A_635 = arith.constant 16 : i32
      %parallel_loop3A_636 = arith.muli %parallel_loop3A_589, %parallel_loop3A_635 : i32
      %parallel_loop3A_637 = arith.constant 5 : i32
      %parallel_loop3A_638 = arith.index_cast %parallel_loop3A_637 : i32 to index
      %parallel_loop3A_639 = arith.index_cast %parallel_loop3A_636 : i32 to index
      %parallel_loop3A_640 = tpu.vector_load %arg8[%parallel_loop3A_638, %parallel_loop3A_639] {strides = array<i32>} : memref<64x1024xf32, #tpu.memory_space<vmem>>, vector<1x16xf32>,
      %parallel_loop3A_641 = vector.shape_cast %parallel_loop3A_640 : vector<1x16xf32> to vector<16xf32>
      %parallel_loop3A_642 = vector.shape_cast %parallel_loop3A_594 : vector<16xf32> to vector<1x16xf32>
      tpu.vector_store %arg8[%parallel_loop3A_638, %parallel_loop3A_639], %parallel_loop3A_642 {add = true, strides = array<i32>} : memref<64x1024xf32, #tpu.memory_space<vmem>>, vector<1x16xf32>,
      %parallel_loop3A_643 = arith.constant 16 : i32
      %parallel_loop3A_644 = arith.muli %parallel_loop3A_589, %parallel_loop3A_643 : i32
      %parallel_loop3A_645 = arith.constant 6 : i32
      %parallel_loop3A_646 = arith.index_cast %parallel_loop3A_645 : i32 to index
      %parallel_loop3A_647 = arith.index_cast %parallel_loop3A_644 : i32 to index
      %parallel_loop3A_648 = tpu.vector_load %arg8[%parallel_loop3A_646, %parallel_loop3A_647] {strides = array<i32>} : memref<64x1024xf32, #tpu.memory_space<vmem>>, vector<1x16xf32>,
      %parallel_loop3A_649 = vector.shape_cast %parallel_loop3A_648 : vector<1x16xf32> to vector<16xf32>
      %parallel_loop3A_650 = vector.shape_cast %parallel_loop3A_594 : vector<16xf32> to vector<1x16xf32>
      tpu.vector_store %arg8[%parallel_loop3A_646, %parallel_loop3A_647], %parallel_loop3A_650 {add = true, strides = array<i32>} : memref<64x1024xf32, #tpu.memory_space<vmem>>, vector<1x16xf32>,
      %parallel_loop3A_651 = arith.constant 16 : i32
      %parallel_loop3A_652 = arith.muli %parallel_loop3A_589, %parallel_loop3A_651 : i32
      %parallel_loop3A_653 = arith.constant 7 : i32
      %parallel_loop3A_654 = arith.index_cast %parallel_loop3A_653 : i32 to index
      %parallel_loop3A_655 = arith.index_cast %parallel_loop3A_652 : i32 to index
      %parallel_loop3A_656 = tpu.vector_load %arg8[%parallel_loop3A_654, %parallel_loop3A_655] {strides = array<i32>} : memref<64x1024xf32, #tpu.memory_space<vmem>>, vector<1x16xf32>,
      %parallel_loop3A_657 = vector.shape_cast %parallel_loop3A_656 : vector<1x16xf32> to vector<16xf32>
      %parallel_loop3A_658 = vector.shape_cast %parallel_loop3A_594 : vector<16xf32> to vector<1x16xf32>
      tpu.vector_store %arg8[%parallel_loop3A_654, %parallel_loop3A_655], %parallel_loop3A_658 {add = true, strides = array<i32>} : memref<64x1024xf32, #tpu.memory_space<vmem>>, vector<1x16xf32>,
      %parallel_loop3A_659 = arith.constant 16 : i32
      %parallel_loop3A_660 = arith.muli %parallel_loop3A_589, %parallel_loop3A_659 : i32
      %parallel_loop3A_661 = arith.constant 8 : i32
      %parallel_loop3A_662 = arith.index_cast %parallel_loop3A_661 : i32 to index
      %parallel_loop3A_663 = arith.index_cast %parallel_loop3A_660 : i32 to index
      %parallel_loop3A_664 = tpu.vector_load %arg8[%parallel_loop3A_662, %parallel_loop3A_663] {strides = array<i32>} : memref<64x1024xf32, #tpu.memory_space<vmem>>, vector<1x16xf32>,
      %parallel_loop3A_665 = vector.shape_cast %parallel_loop3A_664 : vector<1x16xf32> to vector<16xf32>
      %parallel_loop3A_666 = vector.shape_cast %parallel_loop3A_594 : vector<16xf32> to vector<1x16xf32>
      tpu.vector_store %arg8[%parallel_loop3A_662, %parallel_loop3A_663], %parallel_loop3A_666 {add = true, strides = array<i32>} : memref<64x1024xf32, #tpu.memory_space<vmem>>, vector<1x16xf32>,
      %parallel_loop3A_667 = arith.constant 16 : i32
      %parallel_loop3A_668 = arith.muli %parallel_loop3A_589, %parallel_loop3A_667 : i32
      %parallel_loop3A_669 = arith.constant 9 : i32
      %parallel_loop3A_670 = arith.index_cast %parallel_loop3A_669 : i32 to index
      %parallel_loop3A_671 = arith.index_cast %parallel_loop3A_668 : i32 to index
      %parallel_loop3A_672 = tpu.vector_load %arg8[%parallel_loop3A_670, %parallel_loop3A_671] {strides = array<i32>} : memref<64x1024xf32, #tpu.memory_space<vmem>>, vector<1x16xf32>,
      %parallel_loop3A_673 = vector.shape_cast %parallel_loop3A_672 : vector<1x16xf32> to vector<16xf32>
      %parallel_loop3A_674 = vector.shape_cast %parallel_loop3A_594 : vector<16xf32> to vector<1x16xf32>
      tpu.vector_store %arg8[%parallel_loop3A_670, %parallel_loop3A_671], %parallel_loop3A_674 {add = true, strides = array<i32>} : memref<64x1024xf32, #tpu.memory_space<vmem>>, vector<1x16xf32>,
      %parallel_loop3A_675 = arith.constant 16 : i32
      %parallel_loop3A_676 = arith.muli %parallel_loop3A_589, %parallel_loop3A_675 : i32
      %parallel_loop3A_677 = arith.constant 10 : i32
      %parallel_loop3A_678 = arith.index_cast %parallel_loop3A_677 : i32 to index
      %parallel_loop3A_679 = arith.index_cast %parallel_loop3A_676 : i32 to index
      %parallel_loop3A_680 = tpu.vector_load %arg8[%parallel_loop3A_678, %parallel_loop3A_679] {strides = array<i32>} : memref<64x1024xf32, #tpu.memory_space<vmem>>, vector<1x16xf32>,
      %parallel_loop3A_681 = vector.shape_cast %parallel_loop3A_680 : vector<1x16xf32> to vector<16xf32>
      %parallel_loop3A_682 = vector.shape_cast %parallel_loop3A_594 : vector<16xf32> to vector<1x16xf32>
      tpu.vector_store %arg8[%parallel_loop3A_678, %parallel_loop3A_679], %parallel_loop3A_682 {add = true, strides = array<i32>} : memref<64x1024xf32, #tpu.memory_space<vmem>>, vector<1x16xf32>,
      %parallel_loop3A_683 = arith.constant 16 : i32
      %parallel_loop3A_684 = arith.muli %parallel_loop3A_589, %parallel_loop3A_683 : i32
      %parallel_loop3A_685 = arith.constant 11 : i32
      %parallel_loop3A_686 = arith.index_cast %parallel_loop3A_685 : i32 to index
      %parallel_loop3A_687 = arith.index_cast %parallel_loop3A_684 : i32 to index
      %parallel_loop3A_688 = tpu.vector_load %arg8[%parallel_loop3A_686, %parallel_loop3A_687] {strides = array<i32>} : memref<64x1024xf32, #tpu.memory_space<vmem>>, vector<1x16xf32>,
      %parallel_loop3A_689 = vector.shape_cast %parallel_loop3A_688 : vector<1x16xf32> to vector<16xf32>
      %parallel_loop3A_690 = vector.shape_cast %parallel_loop3A_594 : vector<16xf32> to vector<1x16xf32>
      tpu.vector_store %arg8[%parallel_loop3A_686, %parallel_loop3A_687], %parallel_loop3A_690 {add = true, strides = array<i32>} : memref<64x1024xf32, #tpu.memory_space<vmem>>, vector<1x16xf32>,
      %parallel_loop3A_691 = arith.constant 16 : i32
      %parallel_loop3A_692 = arith.muli %parallel_loop3A_589, %parallel_loop3A_691 : i32
      %parallel_loop3A_693 = arith.constant 12 : i32
      %parallel_loop3A_694 = arith.index_cast %parallel_loop3A_693 : i32 to index
      %parallel_loop3A_695 = arith.index_cast %parallel_loop3A_692 : i32 to index
      %parallel_loop3A_696 = tpu.vector_load %arg8[%parallel_loop3A_694, %parallel_loop3A_695] {strides = array<i32>} : memref<64x1024xf32, #tpu.memory_space<vmem>>, vector<1x16xf32>,
      %parallel_loop3A_697 = vector.shape_cast %parallel_loop3A_696 : vector<1x16xf32> to vector<16xf32>
      %parallel_loop3A_698 = vector.shape_cast %parallel_loop3A_594 : vector<16xf32> to vector<1x16xf32>
      tpu.vector_store %arg8[%parallel_loop3A_694, %parallel_loop3A_695], %parallel_loop3A_698 {add = true, strides = array<i32>} : memref<64x1024xf32, #tpu.memory_space<vmem>>, vector<1x16xf32>,
      %parallel_loop3A_699 = arith.constant 16 : i32
      %parallel_loop3A_700 = arith.muli %parallel_loop3A_589, %parallel_loop3A_699 : i32
      %parallel_loop3A_701 = arith.constant 13 : i32
      %parallel_loop3A_702 = arith.index_cast %parallel_loop3A_701 : i32 to index
      %parallel_loop3A_703 = arith.index_cast %parallel_loop3A_700 : i32 to index
      %parallel_loop3A_704 = tpu.vector_load %arg8[%parallel_loop3A_702, %parallel_loop3A_703] {strides = array<i32>} : memref<64x1024xf32, #tpu.memory_space<vmem>>, vector<1x16xf32>,
      %parallel_loop3A_705 = vector.shape_cast %parallel_loop3A_704 : vector<1x16xf32> to vector<16xf32>
      %parallel_loop3A_706 = vector.shape_cast %parallel_loop3A_594 : vector<16xf32> to vector<1x16xf32>
      tpu.vector_store %arg8[%parallel_loop3A_702, %parallel_loop3A_703], %parallel_loop3A_706 {add = true, strides = array<i32>} : memref<64x1024xf32, #tpu.memory_space<vmem>>, vector<1x16xf32>,
      %parallel_loop3A_707 = arith.constant 16 : i32
      %parallel_loop3A_708 = arith.muli %parallel_loop3A_589, %parallel_loop3A_707 : i32
      %parallel_loop3A_709 = arith.constant 14 : i32
      %parallel_loop3A_710 = arith.index_cast %parallel_loop3A_709 : i32 to index
      %parallel_loop3A_711 = arith.index_cast %parallel_loop3A_708 : i32 to index
      %parallel_loop3A_712 = tpu.vector_load %arg8[%parallel_loop3A_710, %parallel_loop3A_711] {strides = array<i32>} : memref<64x1024xf32, #tpu.memory_space<vmem>>, vector<1x16xf32>,
      %parallel_loop3A_713 = vector.shape_cast %parallel_loop3A_712 : vector<1x16xf32> to vector<16xf32>
      %parallel_loop3A_714 = vector.shape_cast %parallel_loop3A_594 : vector<16xf32> to vector<1x16xf32>
      tpu.vector_store %arg8[%parallel_loop3A_710, %parallel_loop3A_711], %parallel_loop3A_714 {add = true, strides = array<i32>} : memref<64x1024xf32, #tpu.memory_space<vmem>>, vector<1x16xf32>,
      %parallel_loop3A_715 = arith.constant 16 : i32
      %parallel_loop3A_716 = arith.muli %parallel_loop3A_589, %parallel_loop3A_715 : i32
      %parallel_loop3A_717 = arith.constant 15 : i32
      %parallel_loop3A_718 = arith.index_cast %parallel_loop3A_717 : i32 to index
      %parallel_loop3A_719 = arith.index_cast %parallel_loop3A_716 : i32 to index
      %parallel_loop3A_720 = tpu.vector_load %arg8[%parallel_loop3A_718, %parallel_loop3A_719] {strides = array<i32>} : memref<64x1024xf32, #tpu.memory_space<vmem>>, vector<1x16xf32>,
      %parallel_loop3A_721 = vector.shape_cast %parallel_loop3A_720 : vector<1x16xf32> to vector<16xf32>
      %parallel_loop3A_722 = vector.shape_cast %parallel_loop3A_594 : vector<16xf32> to vector<1x16xf32>
      tpu.vector_store %arg8[%parallel_loop3A_718, %parallel_loop3A_719], %parallel_loop3A_722 {add = true, strides = array<i32>} : memref<64x1024xf32, #tpu.memory_space<vmem>>, vector<1x16xf32>,
    } {sc.loop_unroll_factor = 1 : i64, sc.parallel_access}
    %add3A_66 = arith.constant 0 : i32
    %add3A_67 = arith.addi %mul3A_32, %add3A_66 : i32
    %add3A_68 = arith.constant 0 : i32
    %add3A_69 = arith.addi %add3A_67, %add3A_68 : i32
    %dma_start3A_70 = arith.constant 0 : i32
    %dma_start3A_71 = arith.constant 0 : i32
    %dma_start3A_72 = arith.constant 0 : i32
    %dma_start3A_73 = tpu.memref_slice %arg8[%dma_start3A_71, %dma_start3A_72] : memref<64x1024xf32, #tpu.memory_space<vmem>> -> memref<16x1024xf32, #tpu.memory_space<vmem>>
    %dma_start3A_74 = arith.constant 0 : i32
    %dma_start3A_75 = tpu.memref_slice %arg5[%select_n3A, %add3A_69, %dma_start3A_74] : memref<2x4096x1024xf32, #tpu.memory_space<hbm>> -> memref<1x16x1024xf32, #tpu.memory_space<hbm>>
    %dma_start3A_76 = tpu.memref_squeeze %dma_start3A_75 : memref<1x16x1024xf32, #tpu.memory_space<hbm>> -> memref<16x1024xf32, #tpu.memory_space<hbm>>
    %dma_start3A_77 = tpu.memref_slice %arg11[%dma_start3A_70] : memref<2x!tpu.dma_semaphore, #tpu.memory_space<semaphore_mem>> -> memref<1x!tpu.dma_semaphore, #tpu.memory_space<semaphore_mem>>
    %dma_start3A_78 = tpu.memref_squeeze %dma_start3A_77 : memref<1x!tpu.dma_semaphore, #tpu.memory_space<semaphore_mem>> -> memref<!tpu.dma_semaphore, #tpu.memory_space<semaphore_mem>>
    %dma_start3A_79 = arith.constant 0 : i32
    %dma_start3A_80 = tpu.memref_slice %arg5[%select_n3A, %add3A_69, %dma_start3A_79] : memref<2x4096x1024xf32, #tpu.memory_space<hbm>> -> memref<1x16x1024xf32, #tpu.memory_space<hbm>>
    %dma_start3A_81 = tpu.memref_squeeze %dma_start3A_80 : memref<1x16x1024xf32, #tpu.memory_space<hbm>> -> memref<16x1024xf32, #tpu.memory_space<hbm>>
    %dma_start3A_82 = arith.constant 0 : i32
    %dma_start3A_83 = arith.constant 0 : i32
    %dma_start3A_84 = tpu.memref_slice %arg8[%dma_start3A_82, %dma_start3A_83] : memref<64x1024xf32, #tpu.memory_space<vmem>> -> memref<16x1024xf32, #tpu.memory_space<vmem>>
    tpu.enqueue_dma source(%dma_start3A_84 : memref<16x1024xf32, #tpu.memory_space<vmem>>) target(%dma_start3A_81 : memref<16x1024xf32, #tpu.memory_space<hbm>>) target_semaphore(%dma_start3A_78 : memref<!tpu.dma_semaphore, #tpu.memory_space<semaphore_mem>>)
    %parallel_loop3A_85 = arith.constant 0 : i32
    %parallel_loop3A_86 = arith.constant 64 : i32
    %parallel_loop3A_87 = arith.constant 1 : i32
    scf.for %parallel_loop3A_589 = %parallel_loop3A_85 to %parallel_loop3A_86 step %parallel_loop3A_87  : i32 {
      %parallel_loop3A_590 = arith.constant 16 : i32
      %parallel_loop3A_591 = arith.muli %parallel_loop3A_589, %parallel_loop3A_590 : i32
      %parallel_loop3A_592 = arith.index_cast %parallel_loop3A_591 : i32 to index
      %parallel_loop3A_593 = tpu.vector_load %arg7[%parallel_loop3A_592] {strides = array<i32>} : memref<1024xf32, #tpu.memory_space<vmem>>, vector<16xf32>,
      %parallel_loop3A_594 = vector.shape_cast %parallel_loop3A_593 : vector<16xf32> to vector<16xf32>
      %parallel_loop3A_595 = arith.constant 16 : i32
      %parallel_loop3A_596 = arith.muli %parallel_loop3A_589, %parallel_loop3A_595 : i32
      %parallel_loop3A_597 = arith.constant 16 : i32
      %parallel_loop3A_598 = arith.index_cast %parallel_loop3A_597 : i32 to index
      %parallel_loop3A_599 = arith.index_cast %parallel_loop3A_596 : i32 to index
      %parallel_loop3A_600 = tpu.vector_load %arg8[%parallel_loop3A_598, %parallel_loop3A_599] {strides = array<i32>} : memref<64x1024xf32, #tpu.memory_space<vmem>>, vector<1x16xf32>,
      %parallel_loop3A_601 = vector.shape_cast %parallel_loop3A_600 : vector<1x16xf32> to vector<16xf32>
      %parallel_loop3A_602 = vector.shape_cast %parallel_loop3A_594 : vector<16xf32> to vector<1x16xf32>
      tpu.vector_store %arg8[%parallel_loop3A_598, %parallel_loop3A_599], %parallel_loop3A_602 {add = true, strides = array<i32>} : memref<64x1024xf32, #tpu.memory_space<vmem>>, vector<1x16xf32>,
      %parallel_loop3A_603 = arith.constant 16 : i32
      %parallel_loop3A_604 = arith.muli %parallel_loop3A_589, %parallel_loop3A_603 : i32
      %parallel_loop3A_605 = arith.constant 17 : i32
      %parallel_loop3A_606 = arith.index_cast %parallel_loop3A_605 : i32 to index
      %parallel_loop3A_607 = arith.index_cast %parallel_loop3A_604 : i32 to index
      %parallel_loop3A_608 = tpu.vector_load %arg8[%parallel_loop3A_606, %parallel_loop3A_607] {strides = array<i32>} : memref<64x1024xf32, #tpu.memory_space<vmem>>, vector<1x16xf32>,
      %parallel_loop3A_609 = vector.shape_cast %parallel_loop3A_608 : vector<1x16xf32> to vector<16xf32>
      %parallel_loop3A_610 = vector.shape_cast %parallel_loop3A_594 : vector<16xf32> to vector<1x16xf32>
      tpu.vector_store %arg8[%parallel_loop3A_606, %parallel_loop3A_607], %parallel_loop3A_610 {add = true, strides = array<i32>} : memref<64x1024xf32, #tpu.memory_space<vmem>>, vector<1x16xf32>,
      %parallel_loop3A_611 = arith.constant 16 : i32
      %parallel_loop3A_612 = arith.muli %parallel_loop3A_589, %parallel_loop3A_611 : i32
      %parallel_loop3A_613 = arith.constant 18 : i32
      %parallel_loop3A_614 = arith.index_cast %parallel_loop3A_613 : i32 to index
      %parallel_loop3A_615 = arith.index_cast %parallel_loop3A_612 : i32 to index
      %parallel_loop3A_616 = tpu.vector_load %arg8[%parallel_loop3A_614, %parallel_loop3A_615] {strides = array<i32>} : memref<64x1024xf32, #tpu.memory_space<vmem>>, vector<1x16xf32>,
      %parallel_loop3A_617 = vector.shape_cast %parallel_loop3A_616 : vector<1x16xf32> to vector<16xf32>
      %parallel_loop3A_618 = vector.shape_cast %parallel_loop3A_594 : vector<16xf32> to vector<1x16xf32>
      tpu.vector_store %arg8[%parallel_loop3A_614, %parallel_loop3A_615], %parallel_loop3A_618 {add = true, strides = array<i32>} : memref<64x1024xf32, #tpu.memory_space<vmem>>, vector<1x16xf32>,
      %parallel_loop3A_619 = arith.constant 16 : i32
      %parallel_loop3A_620 = arith.muli %parallel_loop3A_589, %parallel_loop3A_619 : i32
      %parallel_loop3A_621 = arith.constant 19 : i32
      %parallel_loop3A_622 = arith.index_cast %parallel_loop3A_621 : i32 to index
      %parallel_loop3A_623 = arith.index_cast %parallel_loop3A_620 : i32 to index
      %parallel_loop3A_624 = tpu.vector_load %arg8[%parallel_loop3A_622, %parallel_loop3A_623] {strides = array<i32>} : memref<64x1024xf32, #tpu.memory_space<vmem>>, vector<1x16xf32>,
      %parallel_loop3A_625 = vector.shape_cast %parallel_loop3A_624 : vector<1x16xf32> to vector<16xf32>
      %parallel_loop3A_626 = vector.shape_cast %parallel_loop3A_594 : vector<16xf32> to vector<1x16xf32>
      tpu.vector_store %arg8[%parallel_loop3A_622, %parallel_loop3A_623], %parallel_loop3A_626 {add = true, strides = array<i32>} : memref<64x1024xf32, #tpu.memory_space<vmem>>, vector<1x16xf32>,
      %parallel_loop3A_627 = arith.constant 16 : i32
      %parallel_loop3A_628 = arith.muli %parallel_loop3A_589, %parallel_loop3A_627 : i32
      %parallel_loop3A_629 = arith.constant 20 : i32
      %parallel_loop3A_630 = arith.index_cast %parallel_loop3A_629 : i32 to index
      %parallel_loop3A_631 = arith.index_cast %parallel_loop3A_628 : i32 to index
      %parallel_loop3A_632 = tpu.vector_load %arg8[%parallel_loop3A_630, %parallel_loop3A_631] {strides = array<i32>} : memref<64x1024xf32, #tpu.memory_space<vmem>>, vector<1x16xf32>,
      %parallel_loop3A_633 = vector.shape_cast %parallel_loop3A_632 : vector<1x16xf32> to vector<16xf32>
      %parallel_loop3A_634 = vector.shape_cast %parallel_loop3A_594 : vector<16xf32> to vector<1x16xf32>
      tpu.vector_store %arg8[%parallel_loop3A_630, %parallel_loop3A_631], %parallel_loop3A_634 {add = true, strides = array<i32>} : memref<64x1024xf32, #tpu.memory_space<vmem>>, vector<1x16xf32>,
      %parallel_loop3A_635 = arith.constant 16 : i32
      %parallel_loop3A_636 = arith.muli %parallel_loop3A_589, %parallel_loop3A_635 : i32
      %parallel_loop3A_637 = arith.constant 21 : i32
      %parallel_loop3A_638 = arith.index_cast %parallel_loop3A_637 : i32 to index
      %parallel_loop3A_639 = arith.index_cast %parallel_loop3A_636 : i32 to index
      %parallel_loop3A_640 = tpu.vector_load %arg8[%parallel_loop3A_638, %parallel_loop3A_639] {strides = array<i32>} : memref<64x1024xf32, #tpu.memory_space<vmem>>, vector<1x16xf32>,
      %parallel_loop3A_641 = vector.shape_cast %parallel_loop3A_640 : vector<1x16xf32> to vector<16xf32>
      %parallel_loop3A_642 = vector.shape_cast %parallel_loop3A_594 : vector<16xf32> to vector<1x16xf32>
      tpu.vector_store %arg8[%parallel_loop3A_638, %parallel_loop3A_639], %parallel_loop3A_642 {add = true, strides = array<i32>} : memref<64x1024xf32, #tpu.memory_space<vmem>>, vector<1x16xf32>,
      %parallel_loop3A_643 = arith.constant 16 : i32
      %parallel_loop3A_644 = arith.muli %parallel_loop3A_589, %parallel_loop3A_643 : i32
      %parallel_loop3A_645 = arith.constant 22 : i32
      %parallel_loop3A_646 = arith.index_cast %parallel_loop3A_645 : i32 to index
      %parallel_loop3A_647 = arith.index_cast %parallel_loop3A_644 : i32 to index
      %parallel_loop3A_648 = tpu.vector_load %arg8[%parallel_loop3A_646, %parallel_loop3A_647] {strides = array<i32>} : memref<64x1024xf32, #tpu.memory_space<vmem>>, vector<1x16xf32>,
      %parallel_loop3A_649 = vector.shape_cast %parallel_loop3A_648 : vector<1x16xf32> to vector<16xf32>
      %parallel_loop3A_650 = vector.shape_cast %parallel_loop3A_594 : vector<16xf32> to vector<1x16xf32>
      tpu.vector_store %arg8[%parallel_loop3A_646, %parallel_loop3A_647], %parallel_loop3A_650 {add = true, strides = array<i32>} : memref<64x1024xf32, #tpu.memory_space<vmem>>, vector<1x16xf32>,
      %parallel_loop3A_651 = arith.constant 16 : i32
      %parallel_loop3A_652 = arith.muli %parallel_loop3A_589, %parallel_loop3A_651 : i32
      %parallel_loop3A_653 = arith.constant 23 : i32
      %parallel_loop3A_654 = arith.index_cast %parallel_loop3A_653 : i32 to index
      %parallel_loop3A_655 = arith.index_cast %parallel_loop3A_652 : i32 to index
      %parallel_loop3A_656 = tpu.vector_load %arg8[%parallel_loop3A_654, %parallel_loop3A_655] {strides = array<i32>} : memref<64x1024xf32, #tpu.memory_space<vmem>>, vector<1x16xf32>,
      %parallel_loop3A_657 = vector.shape_cast %parallel_loop3A_656 : vector<1x16xf32> to vector<16xf32>
      %parallel_loop3A_658 = vector.shape_cast %parallel_loop3A_594 : vector<16xf32> to vector<1x16xf32>
      tpu.vector_store %arg8[%parallel_loop3A_654, %parallel_loop3A_655], %parallel_loop3A_658 {add = true, strides = array<i32>} : memref<64x1024xf32, #tpu.memory_space<vmem>>, vector<1x16xf32>,
      %parallel_loop3A_659 = arith.constant 16 : i32
      %parallel_loop3A_660 = arith.muli %parallel_loop3A_589, %parallel_loop3A_659 : i32
      %parallel_loop3A_661 = arith.constant 24 : i32
      %parallel_loop3A_662 = arith.index_cast %parallel_loop3A_661 : i32 to index
      %parallel_loop3A_663 = arith.index_cast %parallel_loop3A_660 : i32 to index
      %parallel_loop3A_664 = tpu.vector_load %arg8[%parallel_loop3A_662, %parallel_loop3A_663] {strides = array<i32>} : memref<64x1024xf32, #tpu.memory_space<vmem>>, vector<1x16xf32>,
      %parallel_loop3A_665 = vector.shape_cast %parallel_loop3A_664 : vector<1x16xf32> to vector<16xf32>
      %parallel_loop3A_666 = vector.shape_cast %parallel_loop3A_594 : vector<16xf32> to vector<1x16xf32>
      tpu.vector_store %arg8[%parallel_loop3A_662, %parallel_loop3A_663], %parallel_loop3A_666 {add = true, strides = array<i32>} : memref<64x1024xf32, #tpu.memory_space<vmem>>, vector<1x16xf32>,
      %parallel_loop3A_667 = arith.constant 16 : i32
      %parallel_loop3A_668 = arith.muli %parallel_loop3A_589, %parallel_loop3A_667 : i32
      %parallel_loop3A_669 = arith.constant 25 : i32
      %parallel_loop3A_670 = arith.index_cast %parallel_loop3A_669 : i32 to index
      %parallel_loop3A_671 = arith.index_cast %parallel_loop3A_668 : i32 to index
      %parallel_loop3A_672 = tpu.vector_load %arg8[%parallel_loop3A_670, %parallel_loop3A_671] {strides = array<i32>} : memref<64x1024xf32, #tpu.memory_space<vmem>>, vector<1x16xf32>,
      %parallel_loop3A_673 = vector.shape_cast %parallel_loop3A_672 : vector<1x16xf32> to vector<16xf32>
      %parallel_loop3A_674 = vector.shape_cast %parallel_loop3A_594 : vector<16xf32> to vector<1x16xf32>
      tpu.vector_store %arg8[%parallel_loop3A_670, %parallel_loop3A_671], %parallel_loop3A_674 {add = true, strides = array<i32>} : memref<64x1024xf32, #tpu.memory_space<vmem>>, vector<1x16xf32>,
      %parallel_loop3A_675 = arith.constant 16 : i32
      %parallel_loop3A_676 = arith.muli %parallel_loop3A_589, %parallel_loop3A_675 : i32
      %parallel_loop3A_677 = arith.constant 26 : i32
      %parallel_loop3A_678 = arith.index_cast %parallel_loop3A_677 : i32 to index
      %parallel_loop3A_679 = arith.index_cast %parallel_loop3A_676 : i32 to index
      %parallel_loop3A_680 = tpu.vector_load %arg8[%parallel_loop3A_678, %parallel_loop3A_679] {strides = array<i32>} : memref<64x1024xf32, #tpu.memory_space<vmem>>, vector<1x16xf32>,
      %parallel_loop3A_681 = vector.shape_cast %parallel_loop3A_680 : vector<1x16xf32> to vector<16xf32>
      %parallel_loop3A_682 = vector.shape_cast %parallel_loop3A_594 : vector<16xf32> to vector<1x16xf32>
      tpu.vector_store %arg8[%parallel_loop3A_678, %parallel_loop3A_679], %parallel_loop3A_682 {add = true, strides = array<i32>} : memref<64x1024xf32, #tpu.memory_space<vmem>>, vector<1x16xf32>,
      %parallel_loop3A_683 = arith.constant 16 : i32
      %parallel_loop3A_684 = arith.muli %parallel_loop3A_589, %parallel_loop3A_683 : i32
      %parallel_loop3A_685 = arith.constant 27 : i32
      %parallel_loop3A_686 = arith.index_cast %parallel_loop3A_685 : i32 to index
      %parallel_loop3A_687 = arith.index_cast %parallel_loop3A_684 : i32 to index
      %parallel_loop3A_688 = tpu.vector_load %arg8[%parallel_loop3A_686, %parallel_loop3A_687] {strides = array<i32>} : memref<64x1024xf32, #tpu.memory_space<vmem>>, vector<1x16xf32>,
      %parallel_loop3A_689 = vector.shape_cast %parallel_loop3A_688 : vector<1x16xf32> to vector<16xf32>
      %parallel_loop3A_690 = vector.shape_cast %parallel_loop3A_594 : vector<16xf32> to vector<1x16xf32>
      tpu.vector_store %arg8[%parallel_loop3A_686, %parallel_loop3A_687], %parallel_loop3A_690 {add = true, strides = array<i32>} : memref<64x1024xf32, #tpu.memory_space<vmem>>, vector<1x16xf32>,
      %parallel_loop3A_691 = arith.constant 16 : i32
      %parallel_loop3A_692 = arith.muli %parallel_loop3A_589, %parallel_loop3A_691 : i32
      %parallel_loop3A_693 = arith.constant 28 : i32
      %parallel_loop3A_694 = arith.index_cast %parallel_loop3A_693 : i32 to index
      %parallel_loop3A_695 = arith.index_cast %parallel_loop3A_692 : i32 to index
      %parallel_loop3A_696 = tpu.vector_load %arg8[%parallel_loop3A_694, %parallel_loop3A_695] {strides = array<i32>} : memref<64x1024xf32, #tpu.memory_space<vmem>>, vector<1x16xf32>,
      %parallel_loop3A_697 = vector.shape_cast %parallel_loop3A_696 : vector<1x16xf32> to vector<16xf32>
      %parallel_loop3A_698 = vector.shape_cast %parallel_loop3A_594 : vector<16xf32> to vector<1x16xf32>
      tpu.vector_store %arg8[%parallel_loop3A_694, %parallel_loop3A_695], %parallel_loop3A_698 {add = true, strides = array<i32>} : memref<64x1024xf32, #tpu.memory_space<vmem>>, vector<1x16xf32>,
      %parallel_loop3A_699 = arith.constant 16 : i32
      %parallel_loop3A_700 = arith.muli %parallel_loop3A_589, %parallel_loop3A_699 : i32
      %parallel_loop3A_701 = arith.constant 29 : i32
      %parallel_loop3A_702 = arith.index_cast %parallel_loop3A_701 : i32 to index
      %parallel_loop3A_703 = arith.index_cast %parallel_loop3A_700 : i32 to index
      %parallel_loop3A_704 = tpu.vector_load %arg8[%parallel_loop3A_702, %parallel_loop3A_703] {strides = array<i32>} : memref<64x1024xf32, #tpu.memory_space<vmem>>, vector<1x16xf32>,
      %parallel_loop3A_705 = vector.shape_cast %parallel_loop3A_704 : vector<1x16xf32> to vector<16xf32>
      %parallel_loop3A_706 = vector.shape_cast %parallel_loop3A_594 : vector<16xf32> to vector<1x16xf32>
      tpu.vector_store %arg8[%parallel_loop3A_702, %parallel_loop3A_703], %parallel_loop3A_706 {add = true, strides = array<i32>} : memref<64x1024xf32, #tpu.memory_space<vmem>>, vector<1x16xf32>,
      %parallel_loop3A_707 = arith.constant 16 : i32
      %parallel_loop3A_708 = arith.muli %parallel_loop3A_589, %parallel_loop3A_707 : i32
      %parallel_loop3A_709 = arith.constant 30 : i32
      %parallel_loop3A_710 = arith.index_cast %parallel_loop3A_709 : i32 to index
      %parallel_loop3A_711 = arith.index_cast %parallel_loop3A_708 : i32 to index
      %parallel_loop3A_712 = tpu.vector_load %arg8[%parallel_loop3A_710, %parallel_loop3A_711] {strides = array<i32>} : memref<64x1024xf32, #tpu.memory_space<vmem>>, vector<1x16xf32>,
      %parallel_loop3A_713 = vector.shape_cast %parallel_loop3A_712 : vector<1x16xf32> to vector<16xf32>
      %parallel_loop3A_714 = vector.shape_cast %parallel_loop3A_594 : vector<16xf32> to vector<1x16xf32>
      tpu.vector_store %arg8[%parallel_loop3A_710, %parallel_loop3A_711], %parallel_loop3A_714 {add = true, strides = array<i32>} : memref<64x1024xf32, #tpu.memory_space<vmem>>, vector<1x16xf32>,
      %parallel_loop3A_715 = arith.constant 16 : i32
      %parallel_loop3A_716 = arith.muli %parallel_loop3A_589, %parallel_loop3A_715 : i32
      %parallel_loop3A_717 = arith.constant 31 : i32
      %parallel_loop3A_718 = arith.index_cast %parallel_loop3A_717 : i32 to index
      %parallel_loop3A_719 = arith.index_cast %parallel_loop3A_716 : i32 to index
      %parallel_loop3A_720 = tpu.vector_load %arg8[%parallel_loop3A_718, %parallel_loop3A_719] {strides = array<i32>} : memref<64x1024xf32, #tpu.memory_space<vmem>>, vector<1x16xf32>,
      %parallel_loop3A_721 = vector.shape_cast %parallel_loop3A_720 : vector<1x16xf32> to vector<16xf32>
      %parallel_loop3A_722 = vector.shape_cast %parallel_loop3A_594 : vector<16xf32> to vector<1x16xf32>
      tpu.vector_store %arg8[%parallel_loop3A_718, %parallel_loop3A_719], %parallel_loop3A_722 {add = true, strides = array<i32>} : memref<64x1024xf32, #tpu.memory_space<vmem>>, vector<1x16xf32>,
    } {sc.loop_unroll_factor = 1 : i64, sc.parallel_access}
    %add3A_88 = arith.constant 0 : i32
    %add3A_89 = arith.addi %mul3A_32, %add3A_88 : i32
    %add3A_90 = arith.constant 16 : i32
    %add3A_91 = arith.addi %add3A_89, %add3A_90 : i32
    %dma_start3A_92 = arith.constant 0 : i32
    %dma_start3A_93 = arith.constant 16 : i32
    %dma_start3A_94 = arith.constant 0 : i32
    %dma_start3A_95 = tpu.memref_slice %arg8[%dma_start3A_93, %dma_start3A_94] : memref<64x1024xf32, #tpu.memory_space<vmem>> -> memref<16x1024xf32, #tpu.memory_space<vmem>>
    %dma_start3A_96 = arith.constant 0 : i32
    %dma_start3A_97 = tpu.memref_slice %arg5[%select_n3A, %add3A_91, %dma_start3A_96] : memref<2x4096x1024xf32, #tpu.memory_space<hbm>> -> memref<1x16x1024xf32, #tpu.memory_space<hbm>>
    %dma_start3A_98 = tpu.memref_squeeze %dma_start3A_97 : memref<1x16x1024xf32, #tpu.memory_space<hbm>> -> memref<16x1024xf32, #tpu.memory_space<hbm>>
    %dma_start3A_99 = tpu.memref_slice %arg11[%dma_start3A_92] : memref<2x!tpu.dma_semaphore, #tpu.memory_space<semaphore_mem>> -> memref<1x!tpu.dma_semaphore, #tpu.memory_space<semaphore_mem>>
    %dma_start3A_100 = tpu.memref_squeeze %dma_start3A_99 : memref<1x!tpu.dma_semaphore, #tpu.memory_space<semaphore_mem>> -> memref<!tpu.dma_semaphore, #tpu.memory_space<semaphore_mem>>
    %dma_start3A_101 = arith.constant 0 : i32
    %dma_start3A_102 = tpu.memref_slice %arg5[%select_n3A, %add3A_91, %dma_start3A_101] : memref<2x4096x1024xf32, #tpu.memory_space<hbm>> -> memref<1x16x1024xf32, #tpu.memory_space<hbm>>
    %dma_start3A_103 = tpu.memref_squeeze %dma_start3A_102 : memref<1x16x1024xf32, #tpu.memory_space<hbm>> -> memref<16x1024xf32, #tpu.memory_space<hbm>>
    %dma_start3A_104 = arith.constant 16 : i32
    %dma_start3A_105 = arith.constant 0 : i32
    %dma_start3A_106 = tpu.memref_slice %arg8[%dma_start3A_104, %dma_start3A_105] : memref<64x1024xf32, #tpu.memory_space<vmem>> -> memref<16x1024xf32, #tpu.memory_space<vmem>>
    tpu.enqueue_dma source(%dma_start3A_106 : memref<16x1024xf32, #tpu.memory_space<vmem>>) target(%dma_start3A_103 : memref<16x1024xf32, #tpu.memory_space<hbm>>) target_semaphore(%dma_start3A_100 : memref<!tpu.dma_semaphore, #tpu.memory_space<semaphore_mem>>)
    %parallel_loop3A_107 = arith.constant 0 : i32
    %parallel_loop3A_108 = arith.constant 64 : i32
    %parallel_loop3A_109 = arith.constant 1 : i32
    scf.for %parallel_loop3A_589 = %parallel_loop3A_107 to %parallel_loop3A_108 step %parallel_loop3A_109  : i32 {
      %parallel_loop3A_590 = arith.constant 16 : i32
      %parallel_loop3A_591 = arith.muli %parallel_loop3A_589, %parallel_loop3A_590 : i32
      %parallel_loop3A_592 = arith.index_cast %parallel_loop3A_591 : i32 to index
      %parallel_loop3A_593 = tpu.vector_load %arg7[%parallel_loop3A_592] {strides = array<i32>} : memref<1024xf32, #tpu.memory_space<vmem>>, vector<16xf32>,
      %parallel_loop3A_594 = vector.shape_cast %parallel_loop3A_593 : vector<16xf32> to vector<16xf32>
      %parallel_loop3A_595 = arith.constant 16 : i32
      %parallel_loop3A_596 = arith.muli %parallel_loop3A_589, %parallel_loop3A_595 : i32
      %parallel_loop3A_597 = arith.constant 32 : i32
      %parallel_loop3A_598 = arith.index_cast %parallel_loop3A_597 : i32 to index
      %parallel_loop3A_599 = arith.index_cast %parallel_loop3A_596 : i32 to index
      %parallel_loop3A_600 = tpu.vector_load %arg8[%parallel_loop3A_598, %parallel_loop3A_599] {strides = array<i32>} : memref<64x1024xf32, #tpu.memory_space<vmem>>, vector<1x16xf32>,
      %parallel_loop3A_601 = vector.shape_cast %parallel_loop3A_600 : vector<1x16xf32> to vector<16xf32>
      %parallel_loop3A_602 = vector.shape_cast %parallel_loop3A_594 : vector<16xf32> to vector<1x16xf32>
      tpu.vector_store %arg8[%parallel_loop3A_598, %parallel_loop3A_599], %parallel_loop3A_602 {add = true, strides = array<i32>} : memref<64x1024xf32, #tpu.memory_space<vmem>>, vector<1x16xf32>,
      %parallel_loop3A_603 = arith.constant 16 : i32
      %parallel_loop3A_604 = arith.muli %parallel_loop3A_589, %parallel_loop3A_603 : i32
      %parallel_loop3A_605 = arith.constant 33 : i32
      %parallel_loop3A_606 = arith.index_cast %parallel_loop3A_605 : i32 to index
      %parallel_loop3A_607 = arith.index_cast %parallel_loop3A_604 : i32 to index
      %parallel_loop3A_608 = tpu.vector_load %arg8[%parallel_loop3A_606, %parallel_loop3A_607] {strides = array<i32>} : memref<64x1024xf32, #tpu.memory_space<vmem>>, vector<1x16xf32>,
      %parallel_loop3A_609 = vector.shape_cast %parallel_loop3A_608 : vector<1x16xf32> to vector<16xf32>
      %parallel_loop3A_610 = vector.shape_cast %parallel_loop3A_594 : vector<16xf32> to vector<1x16xf32>
      tpu.vector_store %arg8[%parallel_loop3A_606, %parallel_loop3A_607], %parallel_loop3A_610 {add = true, strides = array<i32>} : memref<64x1024xf32, #tpu.memory_space<vmem>>, vector<1x16xf32>,
      %parallel_loop3A_611 = arith.constant 16 : i32
      %parallel_loop3A_612 = arith.muli %parallel_loop3A_589, %parallel_loop3A_611 : i32
      %parallel_loop3A_613 = arith.constant 34 : i32
      %parallel_loop3A_614 = arith.index_cast %parallel_loop3A_613 : i32 to index
      %parallel_loop3A_615 = arith.index_cast %parallel_loop3A_612 : i32 to index
      %parallel_loop3A_616 = tpu.vector_load %arg8[%parallel_loop3A_614, %parallel_loop3A_615] {strides = array<i32>} : memref<64x1024xf32, #tpu.memory_space<vmem>>, vector<1x16xf32>,
      %parallel_loop3A_617 = vector.shape_cast %parallel_loop3A_616 : vector<1x16xf32> to vector<16xf32>
      %parallel_loop3A_618 = vector.shape_cast %parallel_loop3A_594 : vector<16xf32> to vector<1x16xf32>
      tpu.vector_store %arg8[%parallel_loop3A_614, %parallel_loop3A_615], %parallel_loop3A_618 {add = true, strides = array<i32>} : memref<64x1024xf32, #tpu.memory_space<vmem>>, vector<1x16xf32>,
      %parallel_loop3A_619 = arith.constant 16 : i32
      %parallel_loop3A_620 = arith.muli %parallel_loop3A_589, %parallel_loop3A_619 : i32
      %parallel_loop3A_621 = arith.constant 35 : i32
      %parallel_loop3A_622 = arith.index_cast %parallel_loop3A_621 : i32 to index
      %parallel_loop3A_623 = arith.index_cast %parallel_loop3A_620 : i32 to index
      %parallel_loop3A_624 = tpu.vector_load %arg8[%parallel_loop3A_622, %parallel_loop3A_623] {strides = array<i32>} : memref<64x1024xf32, #tpu.memory_space<vmem>>, vector<1x16xf32>,
      %parallel_loop3A_625 = vector.shape_cast %parallel_loop3A_624 : vector<1x16xf32> to vector<16xf32>
      %parallel_loop3A_626 = vector.shape_cast %parallel_loop3A_594 : vector<16xf32> to vector<1x16xf32>
      tpu.vector_store %arg8[%parallel_loop3A_622, %parallel_loop3A_623], %parallel_loop3A_626 {add = true, strides = array<i32>} : memref<64x1024xf32, #tpu.memory_space<vmem>>, vector<1x16xf32>,
      %parallel_loop3A_627 = arith.constant 16 : i32
      %parallel_loop3A_628 = arith.muli %parallel_loop3A_589, %parallel_loop3A_627 : i32
      %parallel_loop3A_629 = arith.constant 36 : i32
      %parallel_loop3A_630 = arith.index_cast %parallel_loop3A_629 : i32 to index
      %parallel_loop3A_631 = arith.index_cast %parallel_loop3A_628 : i32 to index
      %parallel_loop3A_632 = tpu.vector_load %arg8[%parallel_loop3A_630, %parallel_loop3A_631] {strides = array<i32>} : memref<64x1024xf32, #tpu.memory_space<vmem>>, vector<1x16xf32>,
      %parallel_loop3A_633 = vector.shape_cast %parallel_loop3A_632 : vector<1x16xf32> to vector<16xf32>
      %parallel_loop3A_634 = vector.shape_cast %parallel_loop3A_594 : vector<16xf32> to vector<1x16xf32>
      tpu.vector_store %arg8[%parallel_loop3A_630, %parallel_loop3A_631], %parallel_loop3A_634 {add = true, strides = array<i32>} : memref<64x1024xf32, #tpu.memory_space<vmem>>, vector<1x16xf32>,
      %parallel_loop3A_635 = arith.constant 16 : i32
      %parallel_loop3A_636 = arith.muli %parallel_loop3A_589, %parallel_loop3A_635 : i32
      %parallel_loop3A_637 = arith.constant 37 : i32
      %parallel_loop3A_638 = arith.index_cast %parallel_loop3A_637 : i32 to index
      %parallel_loop3A_639 = arith.index_cast %parallel_loop3A_636 : i32 to index
      %parallel_loop3A_640 = tpu.vector_load %arg8[%parallel_loop3A_638, %parallel_loop3A_639] {strides = array<i32>} : memref<64x1024xf32, #tpu.memory_space<vmem>>, vector<1x16xf32>,
      %parallel_loop3A_641 = vector.shape_cast %parallel_loop3A_640 : vector<1x16xf32> to vector<16xf32>
      %parallel_loop3A_642 = vector.shape_cast %parallel_loop3A_594 : vector<16xf32> to vector<1x16xf32>
      tpu.vector_store %arg8[%parallel_loop3A_638, %parallel_loop3A_639], %parallel_loop3A_642 {add = true, strides = array<i32>} : memref<64x1024xf32, #tpu.memory_space<vmem>>, vector<1x16xf32>,
      %parallel_loop3A_643 = arith.constant 16 : i32
      %parallel_loop3A_644 = arith.muli %parallel_loop3A_589, %parallel_loop3A_643 : i32
      %parallel_loop3A_645 = arith.constant 38 : i32
      %parallel_loop3A_646 = arith.index_cast %parallel_loop3A_645 : i32 to index
      %parallel_loop3A_647 = arith.index_cast %parallel_loop3A_644 : i32 to index
      %parallel_loop3A_648 = tpu.vector_load %arg8[%parallel_loop3A_646, %parallel_loop3A_647] {strides = array<i32>} : memref<64x1024xf32, #tpu.memory_space<vmem>>, vector<1x16xf32>,
      %parallel_loop3A_649 = vector.shape_cast %parallel_loop3A_648 : vector<1x16xf32> to vector<16xf32>
      %parallel_loop3A_650 = vector.shape_cast %parallel_loop3A_594 : vector<16xf32> to vector<1x16xf32>
      tpu.vector_store %arg8[%parallel_loop3A_646, %parallel_loop3A_647], %parallel_loop3A_650 {add = true, strides = array<i32>} : memref<64x1024xf32, #tpu.memory_space<vmem>>, vector<1x16xf32>,
      %parallel_loop3A_651 = arith.constant 16 : i32
      %parallel_loop3A_652 = arith.muli %parallel_loop3A_589, %parallel_loop3A_651 : i32
      %parallel_loop3A_653 = arith.constant 39 : i32
      %parallel_loop3A_654 = arith.index_cast %parallel_loop3A_653 : i32 to index
      %parallel_loop3A_655 = arith.index_cast %parallel_loop3A_652 : i32 to index
      %parallel_loop3A_656 = tpu.vector_load %arg8[%parallel_loop3A_654, %parallel_loop3A_655] {strides = array<i32>} : memref<64x1024xf32, #tpu.memory_space<vmem>>, vector<1x16xf32>,
      %parallel_loop3A_657 = vector.shape_cast %parallel_loop3A_656 : vector<1x16xf32> to vector<16xf32>
      %parallel_loop3A_658 = vector.shape_cast %parallel_loop3A_594 : vector<16xf32> to vector<1x16xf32>
      tpu.vector_store %arg8[%parallel_loop3A_654, %parallel_loop3A_655], %parallel_loop3A_658 {add = true, strides = array<i32>} : memref<64x1024xf32, #tpu.memory_space<vmem>>, vector<1x16xf32>,
      %parallel_loop3A_659 = arith.constant 16 : i32
      %parallel_loop3A_660 = arith.muli %parallel_loop3A_589, %parallel_loop3A_659 : i32
      %parallel_loop3A_661 = arith.constant 40 : i32
      %parallel_loop3A_662 = arith.index_cast %parallel_loop3A_661 : i32 to index
      %parallel_loop3A_663 = arith.index_cast %parallel_loop3A_660 : i32 to index
      %parallel_loop3A_664 = tpu.vector_load %arg8[%parallel_loop3A_662, %parallel_loop3A_663] {strides = array<i32>} : memref<64x1024xf32, #tpu.memory_space<vmem>>, vector<1x16xf32>,
      %parallel_loop3A_665 = vector.shape_cast %parallel_loop3A_664 : vector<1x16xf32> to vector<16xf32>
      %parallel_loop3A_666 = vector.shape_cast %parallel_loop3A_594 : vector<16xf32> to vector<1x16xf32>
      tpu.vector_store %arg8[%parallel_loop3A_662, %parallel_loop3A_663], %parallel_loop3A_666 {add = true, strides = array<i32>} : memref<64x1024xf32, #tpu.memory_space<vmem>>, vector<1x16xf32>,
      %parallel_loop3A_667 = arith.constant 16 : i32
      %parallel_loop3A_668 = arith.muli %parallel_loop3A_589, %parallel_loop3A_667 : i32
      %parallel_loop3A_669 = arith.constant 41 : i32
      %parallel_loop3A_670 = arith.index_cast %parallel_loop3A_669 : i32 to index
      %parallel_loop3A_671 = arith.index_cast %parallel_loop3A_668 : i32 to index
      %parallel_loop3A_672 = tpu.vector_load %arg8[%parallel_loop3A_670, %parallel_loop3A_671] {strides = array<i32>} : memref<64x1024xf32, #tpu.memory_space<vmem>>, vector<1x16xf32>,
      %parallel_loop3A_673 = vector.shape_cast %parallel_loop3A_672 : vector<1x16xf32> to vector<16xf32>
      %parallel_loop3A_674 = vector.shape_cast %parallel_loop3A_594 : vector<16xf32> to vector<1x16xf32>
      tpu.vector_store %arg8[%parallel_loop3A_670, %parallel_loop3A_671], %parallel_loop3A_674 {add = true, strides = array<i32>} : memref<64x1024xf32, #tpu.memory_space<vmem>>, vector<1x16xf32>,
      %parallel_loop3A_675 = arith.constant 16 : i32
      %parallel_loop3A_676 = arith.muli %parallel_loop3A_589, %parallel_loop3A_675 : i32
      %parallel_loop3A_677 = arith.constant 42 : i32
      %parallel_loop3A_678 = arith.index_cast %parallel_loop3A_677 : i32 to index
      %parallel_loop3A_679 = arith.index_cast %parallel_loop3A_676 : i32 to index
      %parallel_loop3A_680 = tpu.vector_load %arg8[%parallel_loop3A_678, %parallel_loop3A_679] {strides = array<i32>} : memref<64x1024xf32, #tpu.memory_space<vmem>>, vector<1x16xf32>,
      %parallel_loop3A_681 = vector.shape_cast %parallel_loop3A_680 : vector<1x16xf32> to vector<16xf32>
      %parallel_loop3A_682 = vector.shape_cast %parallel_loop3A_594 : vector<16xf32> to vector<1x16xf32>
      tpu.vector_store %arg8[%parallel_loop3A_678, %parallel_loop3A_679], %parallel_loop3A_682 {add = true, strides = array<i32>} : memref<64x1024xf32, #tpu.memory_space<vmem>>, vector<1x16xf32>,
      %parallel_loop3A_683 = arith.constant 16 : i32
      %parallel_loop3A_684 = arith.muli %parallel_loop3A_589, %parallel_loop3A_683 : i32
      %parallel_loop3A_685 = arith.constant 43 : i32
      %parallel_loop3A_686 = arith.index_cast %parallel_loop3A_685 : i32 to index
      %parallel_loop3A_687 = arith.index_cast %parallel_loop3A_684 : i32 to index
      %parallel_loop3A_688 = tpu.vector_load %arg8[%parallel_loop3A_686, %parallel_loop3A_687] {strides = array<i32>} : memref<64x1024xf32, #tpu.memory_space<vmem>>, vector<1x16xf32>,
      %parallel_loop3A_689 = vector.shape_cast %parallel_loop3A_688 : vector<1x16xf32> to vector<16xf32>
      %parallel_loop3A_690 = vector.shape_cast %parallel_loop3A_594 : vector<16xf32> to vector<1x16xf32>
      tpu.vector_store %arg8[%parallel_loop3A_686, %parallel_loop3A_687], %parallel_loop3A_690 {add = true, strides = array<i32>} : memref<64x1024xf32, #tpu.memory_space<vmem>>, vector<1x16xf32>,
      %parallel_loop3A_691 = arith.constant 16 : i32
      %parallel_loop3A_692 = arith.muli %parallel_loop3A_589, %parallel_loop3A_691 : i32
      %parallel_loop3A_693 = arith.constant 44 : i32
      %parallel_loop3A_694 = arith.index_cast %parallel_loop3A_693 : i32 to index
      %parallel_loop3A_695 = arith.index_cast %parallel_loop3A_692 : i32 to index
      %parallel_loop3A_696 = tpu.vector_load %arg8[%parallel_loop3A_694, %parallel_loop3A_695] {strides = array<i32>} : memref<64x1024xf32, #tpu.memory_space<vmem>>, vector<1x16xf32>,
      %parallel_loop3A_697 = vector.shape_cast %parallel_loop3A_696 : vector<1x16xf32> to vector<16xf32>
      %parallel_loop3A_698 = vector.shape_cast %parallel_loop3A_594 : vector<16xf32> to vector<1x16xf32>
      tpu.vector_store %arg8[%parallel_loop3A_694, %parallel_loop3A_695], %parallel_loop3A_698 {add = true, strides = array<i32>} : memref<64x1024xf32, #tpu.memory_space<vmem>>, vector<1x16xf32>,
      %parallel_loop3A_699 = arith.constant 16 : i32
      %parallel_loop3A_700 = arith.muli %parallel_loop3A_589, %parallel_loop3A_699 : i32
      %parallel_loop3A_701 = arith.constant 45 : i32
      %parallel_loop3A_702 = arith.index_cast %parallel_loop3A_701 : i32 to index
      %parallel_loop3A_703 = arith.index_cast %parallel_loop3A_700 : i32 to index
      %parallel_loop3A_704 = tpu.vector_load %arg8[%parallel_loop3A_702, %parallel_loop3A_703] {strides = array<i32>} : memref<64x1024xf32, #tpu.memory_space<vmem>>, vector<1x16xf32>,
      %parallel_loop3A_705 = vector.shape_cast %parallel_loop3A_704 : vector<1x16xf32> to vector<16xf32>
      %parallel_loop3A_706 = vector.shape_cast %parallel_loop3A_594 : vector<16xf32> to vector<1x16xf32>
      tpu.vector_store %arg8[%parallel_loop3A_702, %parallel_loop3A_703], %parallel_loop3A_706 {add = true, strides = array<i32>} : memref<64x1024xf32, #tpu.memory_space<vmem>>, vector<1x16xf32>,
      %parallel_loop3A_707 = arith.constant 16 : i32
      %parallel_loop3A_708 = arith.muli %parallel_loop3A_589, %parallel_loop3A_707 : i32
      %parallel_loop3A_709 = arith.constant 46 : i32
      %parallel_loop3A_710 = arith.index_cast %parallel_loop3A_709 : i32 to index
      %parallel_loop3A_711 = arith.index_cast %parallel_loop3A_708 : i32 to index
      %parallel_loop3A_712 = tpu.vector_load %arg8[%parallel_loop3A_710, %parallel_loop3A_711] {strides = array<i32>} : memref<64x1024xf32, #tpu.memory_space<vmem>>, vector<1x16xf32>,
      %parallel_loop3A_713 = vector.shape_cast %parallel_loop3A_712 : vector<1x16xf32> to vector<16xf32>
      %parallel_loop3A_714 = vector.shape_cast %parallel_loop3A_594 : vector<16xf32> to vector<1x16xf32>
      tpu.vector_store %arg8[%parallel_loop3A_710, %parallel_loop3A_711], %parallel_loop3A_714 {add = true, strides = array<i32>} : memref<64x1024xf32, #tpu.memory_space<vmem>>, vector<1x16xf32>,
      %parallel_loop3A_715 = arith.constant 16 : i32
      %parallel_loop3A_716 = arith.muli %parallel_loop3A_589, %parallel_loop3A_715 : i32
      %parallel_loop3A_717 = arith.constant 47 : i32
      %parallel_loop3A_718 = arith.index_cast %parallel_loop3A_717 : i32 to index
      %parallel_loop3A_719 = arith.index_cast %parallel_loop3A_716 : i32 to index
      %parallel_loop3A_720 = tpu.vector_load %arg8[%parallel_loop3A_718, %parallel_loop3A_719] {strides = array<i32>} : memref<64x1024xf32, #tpu.memory_space<vmem>>, vector<1x16xf32>,
      %parallel_loop3A_721 = vector.shape_cast %parallel_loop3A_720 : vector<1x16xf32> to vector<16xf32>
      %parallel_loop3A_722 = vector.shape_cast %parallel_loop3A_594 : vector<16xf32> to vector<1x16xf32>
      tpu.vector_store %arg8[%parallel_loop3A_718, %parallel_loop3A_719], %parallel_loop3A_722 {add = true, strides = array<i32>} : memref<64x1024xf32, #tpu.memory_space<vmem>>, vector<1x16xf32>,
    } {sc.loop_unroll_factor = 1 : i64, sc.parallel_access}
    %add3A_110 = arith.constant 0 : i32
    %add3A_111 = arith.addi %mul3A_32, %add3A_110 : i32
    %add3A_112 = arith.constant 32 : i32
    %add3A_113 = arith.addi %add3A_111, %add3A_112 : i32
    %dma_start3A_114 = arith.constant 0 : i32
    %dma_start3A_115 = arith.constant 32 : i32
    %dma_start3A_116 = arith.constant 0 : i32
    %dma_start3A_117 = tpu.memref_slice %arg8[%dma_start3A_115, %dma_start3A_116] : memref<64x1024xf32, #tpu.memory_space<vmem>> -> memref<16x1024xf32, #tpu.memory_space<vmem>>
    %dma_start3A_118 = arith.constant 0 : i32
    %dma_start3A_119 = tpu.memref_slice %arg5[%select_n3A, %add3A_113, %dma_start3A_118] : memref<2x4096x1024xf32, #tpu.memory_space<hbm>> -> memref<1x16x1024xf32, #tpu.memory_space<hbm>>
    %dma_start3A_120 = tpu.memref_squeeze %dma_start3A_119 : memref<1x16x1024xf32, #tpu.memory_space<hbm>> -> memref<16x1024xf32, #tpu.memory_space<hbm>>
    %dma_start3A_121 = tpu.memref_slice %arg11[%dma_start3A_114] : memref<2x!tpu.dma_semaphore, #tpu.memory_space<semaphore_mem>> -> memref<1x!tpu.dma_semaphore, #tpu.memory_space<semaphore_mem>>
    %dma_start3A_122 = tpu.memref_squeeze %dma_start3A_121 : memref<1x!tpu.dma_semaphore, #tpu.memory_space<semaphore_mem>> -> memref<!tpu.dma_semaphore, #tpu.memory_space<semaphore_mem>>
    %dma_start3A_123 = arith.constant 0 : i32
    %dma_start3A_124 = tpu.memref_slice %arg5[%select_n3A, %add3A_113, %dma_start3A_123] : memref<2x4096x1024xf32, #tpu.memory_space<hbm>> -> memref<1x16x1024xf32, #tpu.memory_space<hbm>>
    %dma_start3A_125 = tpu.memref_squeeze %dma_start3A_124 : memref<1x16x1024xf32, #tpu.memory_space<hbm>> -> memref<16x1024xf32, #tpu.memory_space<hbm>>
    %dma_start3A_126 = arith.constant 32 : i32
    %dma_start3A_127 = arith.constant 0 : i32
    %dma_start3A_128 = tpu.memref_slice %arg8[%dma_start3A_126, %dma_start3A_127] : memref<64x1024xf32, #tpu.memory_space<vmem>> -> memref<16x1024xf32, #tpu.memory_space<vmem>>
    tpu.enqueue_dma source(%dma_start3A_128 : memref<16x1024xf32, #tpu.memory_space<vmem>>) target(%dma_start3A_125 : memref<16x1024xf32, #tpu.memory_space<hbm>>) target_semaphore(%dma_start3A_122 : memref<!tpu.dma_semaphore, #tpu.memory_space<semaphore_mem>>)
    %parallel_loop3A_129 = arith.constant 0 : i32
    %parallel_loop3A_130 = arith.constant 64 : i32
    %parallel_loop3A_131 = arith.constant 1 : i32
    scf.for %parallel_loop3A_589 = %parallel_loop3A_129 to %parallel_loop3A_130 step %parallel_loop3A_131  : i32 {
      %parallel_loop3A_590 = arith.constant 16 : i32
      %parallel_loop3A_591 = arith.muli %parallel_loop3A_589, %parallel_loop3A_590 : i32
      %parallel_loop3A_592 = arith.index_cast %parallel_loop3A_591 : i32 to index
      %parallel_loop3A_593 = tpu.vector_load %arg7[%parallel_loop3A_592] {strides = array<i32>} : memref<1024xf32, #tpu.memory_space<vmem>>, vector<16xf32>,
      %parallel_loop3A_594 = vector.shape_cast %parallel_loop3A_593 : vector<16xf32> to vector<16xf32>
      %parallel_loop3A_595 = arith.constant 16 : i32
      %parallel_loop3A_596 = arith.muli %parallel_loop3A_589, %parallel_loop3A_595 : i32
      %parallel_loop3A_597 = arith.constant 48 : i32
      %parallel_loop3A_598 = arith.index_cast %parallel_loop3A_597 : i32 to index
      %parallel_loop3A_599 = arith.index_cast %parallel_loop3A_596 : i32 to index
      %parallel_loop3A_600 = tpu.vector_load %arg8[%parallel_loop3A_598, %parallel_loop3A_599] {strides = array<i32>} : memref<64x1024xf32, #tpu.memory_space<vmem>>, vector<1x16xf32>,
      %parallel_loop3A_601 = vector.shape_cast %parallel_loop3A_600 : vector<1x16xf32> to vector<16xf32>
      %parallel_loop3A_602 = vector.shape_cast %parallel_loop3A_594 : vector<16xf32> to vector<1x16xf32>
      tpu.vector_store %arg8[%parallel_loop3A_598, %parallel_loop3A_599], %parallel_loop3A_602 {add = true, strides = array<i32>} : memref<64x1024xf32, #tpu.memory_space<vmem>>, vector<1x16xf32>,
      %parallel_loop3A_603 = arith.constant 16 : i32
      %parallel_loop3A_604 = arith.muli %parallel_loop3A_589, %parallel_loop3A_603 : i32
      %parallel_loop3A_605 = arith.constant 49 : i32
      %parallel_loop3A_606 = arith.index_cast %parallel_loop3A_605 : i32 to index
      %parallel_loop3A_607 = arith.index_cast %parallel_loop3A_604 : i32 to index
      %parallel_loop3A_608 = tpu.vector_load %arg8[%parallel_loop3A_606, %parallel_loop3A_607] {strides = array<i32>} : memref<64x1024xf32, #tpu.memory_space<vmem>>, vector<1x16xf32>,
      %parallel_loop3A_609 = vector.shape_cast %parallel_loop3A_608 : vector<1x16xf32> to vector<16xf32>
      %parallel_loop3A_610 = vector.shape_cast %parallel_loop3A_594 : vector<16xf32> to vector<1x16xf32>
      tpu.vector_store %arg8[%parallel_loop3A_606, %parallel_loop3A_607], %parallel_loop3A_610 {add = true, strides = array<i32>} : memref<64x1024xf32, #tpu.memory_space<vmem>>, vector<1x16xf32>,
      %parallel_loop3A_611 = arith.constant 16 : i32
      %parallel_loop3A_612 = arith.muli %parallel_loop3A_589, %parallel_loop3A_611 : i32
      %parallel_loop3A_613 = arith.constant 50 : i32
      %parallel_loop3A_614 = arith.index_cast %parallel_loop3A_613 : i32 to index
      %parallel_loop3A_615 = arith.index_cast %parallel_loop3A_612 : i32 to index
      %parallel_loop3A_616 = tpu.vector_load %arg8[%parallel_loop3A_614, %parallel_loop3A_615] {strides = array<i32>} : memref<64x1024xf32, #tpu.memory_space<vmem>>, vector<1x16xf32>,
      %parallel_loop3A_617 = vector.shape_cast %parallel_loop3A_616 : vector<1x16xf32> to vector<16xf32>
      %parallel_loop3A_618 = vector.shape_cast %parallel_loop3A_594 : vector<16xf32> to vector<1x16xf32>
      tpu.vector_store %arg8[%parallel_loop3A_614, %parallel_loop3A_615], %parallel_loop3A_618 {add = true, strides = array<i32>} : memref<64x1024xf32, #tpu.memory_space<vmem>>, vector<1x16xf32>,
      %parallel_loop3A_619 = arith.constant 16 : i32
      %parallel_loop3A_620 = arith.muli %parallel_loop3A_589, %parallel_loop3A_619 : i32
      %parallel_loop3A_621 = arith.constant 51 : i32
      %parallel_loop3A_622 = arith.index_cast %parallel_loop3A_621 : i32 to index
      %parallel_loop3A_623 = arith.index_cast %parallel_loop3A_620 : i32 to index
      %parallel_loop3A_624 = tpu.vector_load %arg8[%parallel_loop3A_622, %parallel_loop3A_623] {strides = array<i32>} : memref<64x1024xf32, #tpu.memory_space<vmem>>, vector<1x16xf32>,
      %parallel_loop3A_625 = vector.shape_cast %parallel_loop3A_624 : vector<1x16xf32> to vector<16xf32>
      %parallel_loop3A_626 = vector.shape_cast %parallel_loop3A_594 : vector<16xf32> to vector<1x16xf32>
      tpu.vector_store %arg8[%parallel_loop3A_622, %parallel_loop3A_623], %parallel_loop3A_626 {add = true, strides = array<i32>} : memref<64x1024xf32, #tpu.memory_space<vmem>>, vector<1x16xf32>,
      %parallel_loop3A_627 = arith.constant 16 : i32
      %parallel_loop3A_628 = arith.muli %parallel_loop3A_589, %parallel_loop3A_627 : i32
      %parallel_loop3A_629 = arith.constant 52 : i32
      %parallel_loop3A_630 = arith.index_cast %parallel_loop3A_629 : i32 to index
      %parallel_loop3A_631 = arith.index_cast %parallel_loop3A_628 : i32 to index
      %parallel_loop3A_632 = tpu.vector_load %arg8[%parallel_loop3A_630, %parallel_loop3A_631] {strides = array<i32>} : memref<64x1024xf32, #tpu.memory_space<vmem>>, vector<1x16xf32>,
      %parallel_loop3A_633 = vector.shape_cast %parallel_loop3A_632 : vector<1x16xf32> to vector<16xf32>
      %parallel_loop3A_634 = vector.shape_cast %parallel_loop3A_594 : vector<16xf32> to vector<1x16xf32>
      tpu.vector_store %arg8[%parallel_loop3A_630, %parallel_loop3A_631], %parallel_loop3A_634 {add = true, strides = array<i32>} : memref<64x1024xf32, #tpu.memory_space<vmem>>, vector<1x16xf32>,
      %parallel_loop3A_635 = arith.constant 16 : i32
      %parallel_loop3A_636 = arith.muli %parallel_loop3A_589, %parallel_loop3A_635 : i32
      %parallel_loop3A_637 = arith.constant 53 : i32
      %parallel_loop3A_638 = arith.index_cast %parallel_loop3A_637 : i32 to index
      %parallel_loop3A_639 = arith.index_cast %parallel_loop3A_636 : i32 to index
      %parallel_loop3A_640 = tpu.vector_load %arg8[%parallel_loop3A_638, %parallel_loop3A_639] {strides = array<i32>} : memref<64x1024xf32, #tpu.memory_space<vmem>>, vector<1x16xf32>,
      %parallel_loop3A_641 = vector.shape_cast %parallel_loop3A_640 : vector<1x16xf32> to vector<16xf32>
      %parallel_loop3A_642 = vector.shape_cast %parallel_loop3A_594 : vector<16xf32> to vector<1x16xf32>
      tpu.vector_store %arg8[%parallel_loop3A_638, %parallel_loop3A_639], %parallel_loop3A_642 {add = true, strides = array<i32>} : memref<64x1024xf32, #tpu.memory_space<vmem>>, vector<1x16xf32>,
      %parallel_loop3A_643 = arith.constant 16 : i32
      %parallel_loop3A_644 = arith.muli %parallel_loop3A_589, %parallel_loop3A_643 : i32
      %parallel_loop3A_645 = arith.constant 54 : i32
      %parallel_loop3A_646 = arith.index_cast %parallel_loop3A_645 : i32 to index
      %parallel_loop3A_647 = arith.index_cast %parallel_loop3A_644 : i32 to index
      %parallel_loop3A_648 = tpu.vector_load %arg8[%parallel_loop3A_646, %parallel_loop3A_647] {strides = array<i32>} : memref<64x1024xf32, #tpu.memory_space<vmem>>, vector<1x16xf32>,
      %parallel_loop3A_649 = vector.shape_cast %parallel_loop3A_648 : vector<1x16xf32> to vector<16xf32>
      %parallel_loop3A_650 = vector.shape_cast %parallel_loop3A_594 : vector<16xf32> to vector<1x16xf32>
      tpu.vector_store %arg8[%parallel_loop3A_646, %parallel_loop3A_647], %parallel_loop3A_650 {add = true, strides = array<i32>} : memref<64x1024xf32, #tpu.memory_space<vmem>>, vector<1x16xf32>,
      %parallel_loop3A_651 = arith.constant 16 : i32
      %parallel_loop3A_652 = arith.muli %parallel_loop3A_589, %parallel_loop3A_651 : i32
      %parallel_loop3A_653 = arith.constant 55 : i32
      %parallel_loop3A_654 = arith.index_cast %parallel_loop3A_653 : i32 to index
      %parallel_loop3A_655 = arith.index_cast %parallel_loop3A_652 : i32 to index
      %parallel_loop3A_656 = tpu.vector_load %arg8[%parallel_loop3A_654, %parallel_loop3A_655] {strides = array<i32>} : memref<64x1024xf32, #tpu.memory_space<vmem>>, vector<1x16xf32>,
      %parallel_loop3A_657 = vector.shape_cast %parallel_loop3A_656 : vector<1x16xf32> to vector<16xf32>
      %parallel_loop3A_658 = vector.shape_cast %parallel_loop3A_594 : vector<16xf32> to vector<1x16xf32>
      tpu.vector_store %arg8[%parallel_loop3A_654, %parallel_loop3A_655], %parallel_loop3A_658 {add = true, strides = array<i32>} : memref<64x1024xf32, #tpu.memory_space<vmem>>, vector<1x16xf32>,
      %parallel_loop3A_659 = arith.constant 16 : i32
      %parallel_loop3A_660 = arith.muli %parallel_loop3A_589, %parallel_loop3A_659 : i32
      %parallel_loop3A_661 = arith.constant 56 : i32
      %parallel_loop3A_662 = arith.index_cast %parallel_loop3A_661 : i32 to index
      %parallel_loop3A_663 = arith.index_cast %parallel_loop3A_660 : i32 to index
      %parallel_loop3A_664 = tpu.vector_load %arg8[%parallel_loop3A_662, %parallel_loop3A_663] {strides = array<i32>} : memref<64x1024xf32, #tpu.memory_space<vmem>>, vector<1x16xf32>,
      %parallel_loop3A_665 = vector.shape_cast %parallel_loop3A_664 : vector<1x16xf32> to vector<16xf32>
      %parallel_loop3A_666 = vector.shape_cast %parallel_loop3A_594 : vector<16xf32> to vector<1x16xf32>
      tpu.vector_store %arg8[%parallel_loop3A_662, %parallel_loop3A_663], %parallel_loop3A_666 {add = true, strides = array<i32>} : memref<64x1024xf32, #tpu.memory_space<vmem>>, vector<1x16xf32>,
      %parallel_loop3A_667 = arith.constant 16 : i32
      %parallel_loop3A_668 = arith.muli %parallel_loop3A_589, %parallel_loop3A_667 : i32
      %parallel_loop3A_669 = arith.constant 57 : i32
      %parallel_loop3A_670 = arith.index_cast %parallel_loop3A_669 : i32 to index
      %parallel_loop3A_671 = arith.index_cast %parallel_loop3A_668 : i32 to index
      %parallel_loop3A_672 = tpu.vector_load %arg8[%parallel_loop3A_670, %parallel_loop3A_671] {strides = array<i32>} : memref<64x1024xf32, #tpu.memory_space<vmem>>, vector<1x16xf32>,
      %parallel_loop3A_673 = vector.shape_cast %parallel_loop3A_672 : vector<1x16xf32> to vector<16xf32>
      %parallel_loop3A_674 = vector.shape_cast %parallel_loop3A_594 : vector<16xf32> to vector<1x16xf32>
      tpu.vector_store %arg8[%parallel_loop3A_670, %parallel_loop3A_671], %parallel_loop3A_674 {add = true, strides = array<i32>} : memref<64x1024xf32, #tpu.memory_space<vmem>>, vector<1x16xf32>,
      %parallel_loop3A_675 = arith.constant 16 : i32
      %parallel_loop3A_676 = arith.muli %parallel_loop3A_589, %parallel_loop3A_675 : i32
      %parallel_loop3A_677 = arith.constant 58 : i32
      %parallel_loop3A_678 = arith.index_cast %parallel_loop3A_677 : i32 to index
      %parallel_loop3A_679 = arith.index_cast %parallel_loop3A_676 : i32 to index
      %parallel_loop3A_680 = tpu.vector_load %arg8[%parallel_loop3A_678, %parallel_loop3A_679] {strides = array<i32>} : memref<64x1024xf32, #tpu.memory_space<vmem>>, vector<1x16xf32>,
      %parallel_loop3A_681 = vector.shape_cast %parallel_loop3A_680 : vector<1x16xf32> to vector<16xf32>
      %parallel_loop3A_682 = vector.shape_cast %parallel_loop3A_594 : vector<16xf32> to vector<1x16xf32>
      tpu.vector_store %arg8[%parallel_loop3A_678, %parallel_loop3A_679], %parallel_loop3A_682 {add = true, strides = array<i32>} : memref<64x1024xf32, #tpu.memory_space<vmem>>, vector<1x16xf32>,
      %parallel_loop3A_683 = arith.constant 16 : i32
      %parallel_loop3A_684 = arith.muli %parallel_loop3A_589, %parallel_loop3A_683 : i32
      %parallel_loop3A_685 = arith.constant 59 : i32
      %parallel_loop3A_686 = arith.index_cast %parallel_loop3A_685 : i32 to index
      %parallel_loop3A_687 = arith.index_cast %parallel_loop3A_684 : i32 to index
      %parallel_loop3A_688 = tpu.vector_load %arg8[%parallel_loop3A_686, %parallel_loop3A_687] {strides = array<i32>} : memref<64x1024xf32, #tpu.memory_space<vmem>>, vector<1x16xf32>,
      %parallel_loop3A_689 = vector.shape_cast %parallel_loop3A_688 : vector<1x16xf32> to vector<16xf32>
      %parallel_loop3A_690 = vector.shape_cast %parallel_loop3A_594 : vector<16xf32> to vector<1x16xf32>
      tpu.vector_store %arg8[%parallel_loop3A_686, %parallel_loop3A_687], %parallel_loop3A_690 {add = true, strides = array<i32>} : memref<64x1024xf32, #tpu.memory_space<vmem>>, vector<1x16xf32>,
      %parallel_loop3A_691 = arith.constant 16 : i32
      %parallel_loop3A_692 = arith.muli %parallel_loop3A_589, %parallel_loop3A_691 : i32
      %parallel_loop3A_693 = arith.constant 60 : i32
      %parallel_loop3A_694 = arith.index_cast %parallel_loop3A_693 : i32 to index
      %parallel_loop3A_695 = arith.index_cast %parallel_loop3A_692 : i32 to index
      %parallel_loop3A_696 = tpu.vector_load %arg8[%parallel_loop3A_694, %parallel_loop3A_695] {strides = array<i32>} : memref<64x1024xf32, #tpu.memory_space<vmem>>, vector<1x16xf32>,
      %parallel_loop3A_697 = vector.shape_cast %parallel_loop3A_696 : vector<1x16xf32> to vector<16xf32>
      %parallel_loop3A_698 = vector.shape_cast %parallel_loop3A_594 : vector<16xf32> to vector<1x16xf32>
      tpu.vector_store %arg8[%parallel_loop3A_694, %parallel_loop3A_695], %parallel_loop3A_698 {add = true, strides = array<i32>} : memref<64x1024xf32, #tpu.memory_space<vmem>>, vector<1x16xf32>,
      %parallel_loop3A_699 = arith.constant 16 : i32
      %parallel_loop3A_700 = arith.muli %parallel_loop3A_589, %parallel_loop3A_699 : i32
      %parallel_loop3A_701 = arith.constant 61 : i32
      %parallel_loop3A_702 = arith.index_cast %parallel_loop3A_701 : i32 to index
      %parallel_loop3A_703 = arith.index_cast %parallel_loop3A_700 : i32 to index
      %parallel_loop3A_704 = tpu.vector_load %arg8[%parallel_loop3A_702, %parallel_loop3A_703] {strides = array<i32>} : memref<64x1024xf32, #tpu.memory_space<vmem>>, vector<1x16xf32>,
      %parallel_loop3A_705 = vector.shape_cast %parallel_loop3A_704 : vector<1x16xf32> to vector<16xf32>
      %parallel_loop3A_706 = vector.shape_cast %parallel_loop3A_594 : vector<16xf32> to vector<1x16xf32>
      tpu.vector_store %arg8[%parallel_loop3A_702, %parallel_loop3A_703], %parallel_loop3A_706 {add = true, strides = array<i32>} : memref<64x1024xf32, #tpu.memory_space<vmem>>, vector<1x16xf32>,
      %parallel_loop3A_707 = arith.constant 16 : i32
      %parallel_loop3A_708 = arith.muli %parallel_loop3A_589, %parallel_loop3A_707 : i32
      %parallel_loop3A_709 = arith.constant 62 : i32
      %parallel_loop3A_710 = arith.index_cast %parallel_loop3A_709 : i32 to index
      %parallel_loop3A_711 = arith.index_cast %parallel_loop3A_708 : i32 to index
      %parallel_loop3A_712 = tpu.vector_load %arg8[%parallel_loop3A_710, %parallel_loop3A_711] {strides = array<i32>} : memref<64x1024xf32, #tpu.memory_space<vmem>>, vector<1x16xf32>,
      %parallel_loop3A_713 = vector.shape_cast %parallel_loop3A_712 : vector<1x16xf32> to vector<16xf32>
      %parallel_loop3A_714 = vector.shape_cast %parallel_loop3A_594 : vector<16xf32> to vector<1x16xf32>
      tpu.vector_store %arg8[%parallel_loop3A_710, %parallel_loop3A_711], %parallel_loop3A_714 {add = true, strides = array<i32>} : memref<64x1024xf32, #tpu.memory_space<vmem>>, vector<1x16xf32>,
      %parallel_loop3A_715 = arith.constant 16 : i32
      %parallel_loop3A_716 = arith.muli %parallel_loop3A_589, %parallel_loop3A_715 : i32
      %parallel_loop3A_717 = arith.constant 63 : i32
      %parallel_loop3A_718 = arith.index_cast %parallel_loop3A_717 : i32 to index
      %parallel_loop3A_719 = arith.index_cast %parallel_loop3A_716 : i32 to index
      %parallel_loop3A_720 = tpu.vector_load %arg8[%parallel_loop3A_718, %parallel_loop3A_719] {strides = array<i32>} : memref<64x1024xf32, #tpu.memory_space<vmem>>, vector<1x16xf32>,
      %parallel_loop3A_721 = vector.shape_cast %parallel_loop3A_720 : vector<1x16xf32> to vector<16xf32>
      %parallel_loop3A_722 = vector.shape_cast %parallel_loop3A_594 : vector<16xf32> to vector<1x16xf32>
      tpu.vector_store %arg8[%parallel_loop3A_718, %parallel_loop3A_719], %parallel_loop3A_722 {add = true, strides = array<i32>} : memref<64x1024xf32, #tpu.memory_space<vmem>>, vector<1x16xf32>,
    } {sc.loop_unroll_factor = 1 : i64, sc.parallel_access}
    %add3A_132 = arith.constant 0 : i32
    %add3A_133 = arith.addi %mul3A_32, %add3A_132 : i32
    %add3A_134 = arith.constant 48 : i32
    %add3A_135 = arith.addi %add3A_133, %add3A_134 : i32
    %dma_start3A_136 = arith.constant 0 : i32
    %dma_start3A_137 = arith.constant 48 : i32
    %dma_start3A_138 = arith.constant 0 : i32
    %dma_start3A_139 = tpu.memref_slice %arg8[%dma_start3A_137, %dma_start3A_138] : memref<64x1024xf32, #tpu.memory_space<vmem>> -> memref<16x1024xf32, #tpu.memory_space<vmem>>
    %dma_start3A_140 = arith.constant 0 : i32
    %dma_start3A_141 = tpu.memref_slice %arg5[%select_n3A, %add3A_135, %dma_start3A_140] : memref<2x4096x1024xf32, #tpu.memory_space<hbm>> -> memref<1x16x1024xf32, #tpu.memory_space<hbm>>
    %dma_start3A_142 = tpu.memref_squeeze %dma_start3A_141 : memref<1x16x1024xf32, #tpu.memory_space<hbm>> -> memref<16x1024xf32, #tpu.memory_space<hbm>>
    %dma_start3A_143 = tpu.memref_slice %arg11[%dma_start3A_136] : memref<2x!tpu.dma_semaphore, #tpu.memory_space<semaphore_mem>> -> memref<1x!tpu.dma_semaphore, #tpu.memory_space<semaphore_mem>>
    %dma_start3A_144 = tpu.memref_squeeze %dma_start3A_143 : memref<1x!tpu.dma_semaphore, #tpu.memory_space<semaphore_mem>> -> memref<!tpu.dma_semaphore, #tpu.memory_space<semaphore_mem>>
    %dma_start3A_145 = arith.constant 0 : i32
    %dma_start3A_146 = tpu.memref_slice %arg5[%select_n3A, %add3A_135, %dma_start3A_145] : memref<2x4096x1024xf32, #tpu.memory_space<hbm>> -> memref<1x16x1024xf32, #tpu.memory_space<hbm>>
    %dma_start3A_147 = tpu.memref_squeeze %dma_start3A_146 : memref<1x16x1024xf32, #tpu.memory_space<hbm>> -> memref<16x1024xf32, #tpu.memory_space<hbm>>
    %dma_start3A_148 = arith.constant 48 : i32
    %dma_start3A_149 = arith.constant 0 : i32
    %dma_start3A_150 = tpu.memref_slice %arg8[%dma_start3A_148, %dma_start3A_149] : memref<64x1024xf32, #tpu.memory_space<vmem>> -> memref<16x1024xf32, #tpu.memory_space<vmem>>
    tpu.enqueue_dma source(%dma_start3A_150 : memref<16x1024xf32, #tpu.memory_space<vmem>>) target(%dma_start3A_147 : memref<16x1024xf32, #tpu.memory_space<hbm>>) target_semaphore(%dma_start3A_144 : memref<!tpu.dma_semaphore, #tpu.memory_space<semaphore_mem>>)
    %dma_wait3A_151 = arith.constant 1 : i32
    %dma_wait3A_152 = arith.constant 0 : i32
    %dma_wait3A_153 = arith.constant 0 : i32
    %dma_wait3A_154 = tpu.memref_slice %arg9[%dma_wait3A_152, %dma_wait3A_153] : memref<56x1024xf32, #tpu.memory_space<vmem>> -> memref<56x1024xf32, #tpu.memory_space<vmem>>
    %dma_wait3A_155 = arith.constant 64 : i32
    %dma_wait3A_156 = tpu.memref_slice %arg6[%dma_wait3A_155] : memref<256xi32, #tpu.memory_space<vmem>> -> memref<56xi32, #tpu.memory_space<vmem>>
    %dma_wait3A_157 = arith.constant 0 : i32
    %dma_wait3A_158 = arith.constant 0 : i32
    %dma_wait3A_159 = tpu.memref_slice %arg4[%dma_wait3A_157, %dma_wait3A_158] : memref<250002x1024xf32, #tpu.memory_space<hbm>> -> memref<250002x1024xf32, #tpu.memory_space<hbm>>
    %dma_wait3A_160 = tpu.memref_slice %arg10[%dma_wait3A_151] : memref<2x!tpu.dma_semaphore, #tpu.memory_space<semaphore_mem>> -> memref<1x!tpu.dma_semaphore, #tpu.memory_space<semaphore_mem>>
    %dma_wait3A_161 = tpu.memref_squeeze %dma_wait3A_160 : memref<1x!tpu.dma_semaphore, #tpu.memory_space<semaphore_mem>> -> memref<!tpu.dma_semaphore, #tpu.memory_space<semaphore_mem>>
    tpu.wait_indirect_dma semaphore(%dma_wait3A_161 : memref<!tpu.dma_semaphore, #tpu.memory_space<semaphore_mem>>) src(%dma_wait3A_159 : memref<250002x1024xf32, #tpu.memory_space<hbm>>) dst(%dma_wait3A_154 : memref<56x1024xf32, #tpu.memory_space<vmem>>)
    %dma_wait3A_162 = arith.constant 0 : i32
    %dma_wait3A_163 = arith.constant 0 : i32
    %dma_wait3A_164 = arith.constant 0 : i32
    %dma_wait3A_165 = tpu.memref_slice %arg8[%dma_wait3A_163, %dma_wait3A_164] : memref<64x1024xf32, #tpu.memory_space<vmem>> -> memref<64x1024xf32, #tpu.memory_space<vmem>>
    %dma_wait3A_166 = arith.constant 0 : i32
    %dma_wait3A_167 = tpu.memref_slice %arg5[%select_n3A, %mul3A_32, %dma_wait3A_166] : memref<2x4096x1024xf32, #tpu.memory_space<hbm>> -> memref<1x64x1024xf32, #tpu.memory_space<hbm>>
    %dma_wait3A_168 = tpu.memref_squeeze %dma_wait3A_167 : memref<1x64x1024xf32, #tpu.memory_space<hbm>> -> memref<64x1024xf32, #tpu.memory_space<hbm>>
    %dma_wait3A_169 = tpu.memref_slice %arg11[%dma_wait3A_162] : memref<2x!tpu.dma_semaphore, #tpu.memory_space<semaphore_mem>> -> memref<1x!tpu.dma_semaphore, #tpu.memory_space<semaphore_mem>>
    %dma_wait3A_170 = tpu.memref_squeeze %dma_wait3A_169 : memref<1x!tpu.dma_semaphore, #tpu.memory_space<semaphore_mem>> -> memref<!tpu.dma_semaphore, #tpu.memory_space<semaphore_mem>>
    %dma_wait3A_171 = arith.constant 0 : i32
    %dma_wait3A_172 = tpu.memref_slice %arg5[%select_n3A, %mul3A_32, %dma_wait3A_171] : memref<2x4096x1024xf32, #tpu.memory_space<hbm>> -> memref<1x64x1024xf32, #tpu.memory_space<hbm>>
    %dma_wait3A_173 = tpu.memref_squeeze %dma_wait3A_172 : memref<1x64x1024xf32, #tpu.memory_space<hbm>> -> memref<64x1024xf32, #tpu.memory_space<hbm>>
    %dma_wait3A_174 = arith.constant 0 : i32
    %dma_wait3A_175 = arith.constant 0 : i32
    %dma_wait3A_176 = tpu.memref_slice %arg8[%dma_wait3A_174, %dma_wait3A_175] : memref<64x1024xf32, #tpu.memory_space<vmem>> -> memref<64x1024xf32, #tpu.memory_space<vmem>>
    tpu.wait_dma2 semaphore(%dma_wait3A_170 : memref<!tpu.dma_semaphore, #tpu.memory_space<semaphore_mem>>) src(%dma_wait3A_176 : memref<64x1024xf32, #tpu.memory_space<vmem>>) dst(%dma_wait3A_173 : memref<64x1024xf32, #tpu.memory_space<hbm>>)
    %dma_start3A_177 = arith.constant 0 : i32
    %dma_start3A_178 = arith.constant 0 : i32
    %dma_start3A_179 = arith.constant 0 : i32
    %dma_start3A_180 = tpu.memref_slice %arg8[%dma_start3A_178, %dma_start3A_179] : memref<64x1024xf32, #tpu.memory_space<vmem>> -> memref<64x1024xf32, #tpu.memory_space<vmem>>
    %dma_start3A_181 = arith.constant 120 : i32
    %dma_start3A_182 = tpu.memref_slice %arg6[%dma_start3A_181] : memref<256xi32, #tpu.memory_space<vmem>> -> memref<64xi32, #tpu.memory_space<vmem>>
    %dma_start3A_183 = arith.constant 0 : i32
    %dma_start3A_184 = arith.constant 0 : i32
    %dma_start3A_185 = tpu.memref_slice %arg4[%dma_start3A_183, %dma_start3A_184] : memref<250002x1024xf32, #tpu.memory_space<hbm>> -> memref<250002x1024xf32, #tpu.memory_space<hbm>>
    %dma_start3A_186 = tpu.memref_slice %arg10[%dma_start3A_177] : memref<2x!tpu.dma_semaphore, #tpu.memory_space<semaphore_mem>> -> memref<1x!tpu.dma_semaphore, #tpu.memory_space<semaphore_mem>>
    %dma_start3A_187 = tpu.memref_squeeze %dma_start3A_186 : memref<1x!tpu.dma_semaphore, #tpu.memory_space<semaphore_mem>> -> memref<!tpu.dma_semaphore, #tpu.memory_space<semaphore_mem>>
    tpu.enqueue_indirect_dma source(%dma_start3A_185 : memref<250002x1024xf32, #tpu.memory_space<hbm>>) target(%dma_start3A_180 : memref<64x1024xf32, #tpu.memory_space<vmem>>) offsets(%dma_start3A_182 : memref<64xi32, #tpu.memory_space<vmem>>) semaphore(%dma_start3A_187 : memref<!tpu.dma_semaphore, #tpu.memory_space<semaphore_mem>>)
    %parallel_loop3A_188 = arith.constant 0 : i32
    %parallel_loop3A_189 = arith.constant 64 : i32
    %parallel_loop3A_190 = arith.constant 1 : i32
    scf.for %parallel_loop3A_589 = %parallel_loop3A_188 to %parallel_loop3A_189 step %parallel_loop3A_190  : i32 {
      %parallel_loop3A_590 = arith.constant 16 : i32
      %parallel_loop3A_591 = arith.muli %parallel_loop3A_589, %parallel_loop3A_590 : i32
      %parallel_loop3A_592 = arith.index_cast %parallel_loop3A_591 : i32 to index
      %parallel_loop3A_593 = tpu.vector_load %arg7[%parallel_loop3A_592] {strides = array<i32>} : memref<1024xf32, #tpu.memory_space<vmem>>, vector<16xf32>,
      %parallel_loop3A_594 = vector.shape_cast %parallel_loop3A_593 : vector<16xf32> to vector<16xf32>
      %parallel_loop3A_595 = arith.constant 16 : i32
      %parallel_loop3A_596 = arith.muli %parallel_loop3A_589, %parallel_loop3A_595 : i32
      %parallel_loop3A_597 = arith.constant 0 : i32
      %parallel_loop3A_598 = arith.index_cast %parallel_loop3A_597 : i32 to index
      %parallel_loop3A_599 = arith.index_cast %parallel_loop3A_596 : i32 to index
      %parallel_loop3A_600 = tpu.vector_load %arg9[%parallel_loop3A_598, %parallel_loop3A_599] {strides = array<i32>} : memref<56x1024xf32, #tpu.memory_space<vmem>>, vector<1x16xf32>,
      %parallel_loop3A_601 = vector.shape_cast %parallel_loop3A_600 : vector<1x16xf32> to vector<16xf32>
      %parallel_loop3A_602 = vector.shape_cast %parallel_loop3A_594 : vector<16xf32> to vector<1x16xf32>
      tpu.vector_store %arg9[%parallel_loop3A_598, %parallel_loop3A_599], %parallel_loop3A_602 {add = true, strides = array<i32>} : memref<56x1024xf32, #tpu.memory_space<vmem>>, vector<1x16xf32>,
      %parallel_loop3A_603 = arith.constant 16 : i32
      %parallel_loop3A_604 = arith.muli %parallel_loop3A_589, %parallel_loop3A_603 : i32
      %parallel_loop3A_605 = arith.constant 1 : i32
      %parallel_loop3A_606 = arith.index_cast %parallel_loop3A_605 : i32 to index
      %parallel_loop3A_607 = arith.index_cast %parallel_loop3A_604 : i32 to index
      %parallel_loop3A_608 = tpu.vector_load %arg9[%parallel_loop3A_606, %parallel_loop3A_607] {strides = array<i32>} : memref<56x1024xf32, #tpu.memory_space<vmem>>, vector<1x16xf32>,
      %parallel_loop3A_609 = vector.shape_cast %parallel_loop3A_608 : vector<1x16xf32> to vector<16xf32>
      %parallel_loop3A_610 = vector.shape_cast %parallel_loop3A_594 : vector<16xf32> to vector<1x16xf32>
      tpu.vector_store %arg9[%parallel_loop3A_606, %parallel_loop3A_607], %parallel_loop3A_610 {add = true, strides = array<i32>} : memref<56x1024xf32, #tpu.memory_space<vmem>>, vector<1x16xf32>,
      %parallel_loop3A_611 = arith.constant 16 : i32
      %parallel_loop3A_612 = arith.muli %parallel_loop3A_589, %parallel_loop3A_611 : i32
      %parallel_loop3A_613 = arith.constant 2 : i32
      %parallel_loop3A_614 = arith.index_cast %parallel_loop3A_613 : i32 to index
      %parallel_loop3A_615 = arith.index_cast %parallel_loop3A_612 : i32 to index
      %parallel_loop3A_616 = tpu.vector_load %arg9[%parallel_loop3A_614, %parallel_loop3A_615] {strides = array<i32>} : memref<56x1024xf32, #tpu.memory_space<vmem>>, vector<1x16xf32>,
      %parallel_loop3A_617 = vector.shape_cast %parallel_loop3A_616 : vector<1x16xf32> to vector<16xf32>
      %parallel_loop3A_618 = vector.shape_cast %parallel_loop3A_594 : vector<16xf32> to vector<1x16xf32>
      tpu.vector_store %arg9[%parallel_loop3A_614, %parallel_loop3A_615], %parallel_loop3A_618 {add = true, strides = array<i32>} : memref<56x1024xf32, #tpu.memory_space<vmem>>, vector<1x16xf32>,
      %parallel_loop3A_619 = arith.constant 16 : i32
      %parallel_loop3A_620 = arith.muli %parallel_loop3A_589, %parallel_loop3A_619 : i32
      %parallel_loop3A_621 = arith.constant 3 : i32
      %parallel_loop3A_622 = arith.index_cast %parallel_loop3A_621 : i32 to index
      %parallel_loop3A_623 = arith.index_cast %parallel_loop3A_620 : i32 to index
      %parallel_loop3A_624 = tpu.vector_load %arg9[%parallel_loop3A_622, %parallel_loop3A_623] {strides = array<i32>} : memref<56x1024xf32, #tpu.memory_space<vmem>>, vector<1x16xf32>,
      %parallel_loop3A_625 = vector.shape_cast %parallel_loop3A_624 : vector<1x16xf32> to vector<16xf32>
      %parallel_loop3A_626 = vector.shape_cast %parallel_loop3A_594 : vector<16xf32> to vector<1x16xf32>
      tpu.vector_store %arg9[%parallel_loop3A_622, %parallel_loop3A_623], %parallel_loop3A_626 {add = true, strides = array<i32>} : memref<56x1024xf32, #tpu.memory_space<vmem>>, vector<1x16xf32>,
      %parallel_loop3A_627 = arith.constant 16 : i32
      %parallel_loop3A_628 = arith.muli %parallel_loop3A_589, %parallel_loop3A_627 : i32
      %parallel_loop3A_629 = arith.constant 4 : i32
      %parallel_loop3A_630 = arith.index_cast %parallel_loop3A_629 : i32 to index
      %parallel_loop3A_631 = arith.index_cast %parallel_loop3A_628 : i32 to index
      %parallel_loop3A_632 = tpu.vector_load %arg9[%parallel_loop3A_630, %parallel_loop3A_631] {strides = array<i32>} : memref<56x1024xf32, #tpu.memory_space<vmem>>, vector<1x16xf32>,
      %parallel_loop3A_633 = vector.shape_cast %parallel_loop3A_632 : vector<1x16xf32> to vector<16xf32>
      %parallel_loop3A_634 = vector.shape_cast %parallel_loop3A_594 : vector<16xf32> to vector<1x16xf32>
      tpu.vector_store %arg9[%parallel_loop3A_630, %parallel_loop3A_631], %parallel_loop3A_634 {add = true, strides = array<i32>} : memref<56x1024xf32, #tpu.memory_space<vmem>>, vector<1x16xf32>,
      %parallel_loop3A_635 = arith.constant 16 : i32
      %parallel_loop3A_636 = arith.muli %parallel_loop3A_589, %parallel_loop3A_635 : i32
      %parallel_loop3A_637 = arith.constant 5 : i32
      %parallel_loop3A_638 = arith.index_cast %parallel_loop3A_637 : i32 to index
      %parallel_loop3A_639 = arith.index_cast %parallel_loop3A_636 : i32 to index
      %parallel_loop3A_640 = tpu.vector_load %arg9[%parallel_loop3A_638, %parallel_loop3A_639] {strides = array<i32>} : memref<56x1024xf32, #tpu.memory_space<vmem>>, vector<1x16xf32>,
      %parallel_loop3A_641 = vector.shape_cast %parallel_loop3A_640 : vector<1x16xf32> to vector<16xf32>
      %parallel_loop3A_642 = vector.shape_cast %parallel_loop3A_594 : vector<16xf32> to vector<1x16xf32>
      tpu.vector_store %arg9[%parallel_loop3A_638, %parallel_loop3A_639], %parallel_loop3A_642 {add = true, strides = array<i32>} : memref<56x1024xf32, #tpu.memory_space<vmem>>, vector<1x16xf32>,
      %parallel_loop3A_643 = arith.constant 16 : i32
      %parallel_loop3A_644 = arith.muli %parallel_loop3A_589, %parallel_loop3A_643 : i32
      %parallel_loop3A_645 = arith.constant 6 : i32
      %parallel_loop3A_646 = arith.index_cast %parallel_loop3A_645 : i32 to index
      %parallel_loop3A_647 = arith.index_cast %parallel_loop3A_644 : i32 to index
      %parallel_loop3A_648 = tpu.vector_load %arg9[%parallel_loop3A_646, %parallel_loop3A_647] {strides = array<i32>} : memref<56x1024xf32, #tpu.memory_space<vmem>>, vector<1x16xf32>,
      %parallel_loop3A_649 = vector.shape_cast %parallel_loop3A_648 : vector<1x16xf32> to vector<16xf32>
      %parallel_loop3A_650 = vector.shape_cast %parallel_loop3A_594 : vector<16xf32> to vector<1x16xf32>
      tpu.vector_store %arg9[%parallel_loop3A_646, %parallel_loop3A_647], %parallel_loop3A_650 {add = true, strides = array<i32>} : memref<56x1024xf32, #tpu.memory_space<vmem>>, vector<1x16xf32>,
      %parallel_loop3A_651 = arith.constant 16 : i32
      %parallel_loop3A_652 = arith.muli %parallel_loop3A_589, %parallel_loop3A_651 : i32
      %parallel_loop3A_653 = arith.constant 7 : i32
      %parallel_loop3A_654 = arith.index_cast %parallel_loop3A_653 : i32 to index
      %parallel_loop3A_655 = arith.index_cast %parallel_loop3A_652 : i32 to index
      %parallel_loop3A_656 = tpu.vector_load %arg9[%parallel_loop3A_654, %parallel_loop3A_655] {strides = array<i32>} : memref<56x1024xf32, #tpu.memory_space<vmem>>, vector<1x16xf32>,
      %parallel_loop3A_657 = vector.shape_cast %parallel_loop3A_656 : vector<1x16xf32> to vector<16xf32>
      %parallel_loop3A_658 = vector.shape_cast %parallel_loop3A_594 : vector<16xf32> to vector<1x16xf32>
      tpu.vector_store %arg9[%parallel_loop3A_654, %parallel_loop3A_655], %parallel_loop3A_658 {add = true, strides = array<i32>} : memref<56x1024xf32, #tpu.memory_space<vmem>>, vector<1x16xf32>,
      %parallel_loop3A_659 = arith.constant 16 : i32
      %parallel_loop3A_660 = arith.muli %parallel_loop3A_589, %parallel_loop3A_659 : i32
      %parallel_loop3A_661 = arith.constant 8 : i32
      %parallel_loop3A_662 = arith.index_cast %parallel_loop3A_661 : i32 to index
      %parallel_loop3A_663 = arith.index_cast %parallel_loop3A_660 : i32 to index
      %parallel_loop3A_664 = tpu.vector_load %arg9[%parallel_loop3A_662, %parallel_loop3A_663] {strides = array<i32>} : memref<56x1024xf32, #tpu.memory_space<vmem>>, vector<1x16xf32>,
      %parallel_loop3A_665 = vector.shape_cast %parallel_loop3A_664 : vector<1x16xf32> to vector<16xf32>
      %parallel_loop3A_666 = vector.shape_cast %parallel_loop3A_594 : vector<16xf32> to vector<1x16xf32>
      tpu.vector_store %arg9[%parallel_loop3A_662, %parallel_loop3A_663], %parallel_loop3A_666 {add = true, strides = array<i32>} : memref<56x1024xf32, #tpu.memory_space<vmem>>, vector<1x16xf32>,
      %parallel_loop3A_667 = arith.constant 16 : i32
      %parallel_loop3A_668 = arith.muli %parallel_loop3A_589, %parallel_loop3A_667 : i32
      %parallel_loop3A_669 = arith.constant 9 : i32
      %parallel_loop3A_670 = arith.index_cast %parallel_loop3A_669 : i32 to index
      %parallel_loop3A_671 = arith.index_cast %parallel_loop3A_668 : i32 to index
      %parallel_loop3A_672 = tpu.vector_load %arg9[%parallel_loop3A_670, %parallel_loop3A_671] {strides = array<i32>} : memref<56x1024xf32, #tpu.memory_space<vmem>>, vector<1x16xf32>,
      %parallel_loop3A_673 = vector.shape_cast %parallel_loop3A_672 : vector<1x16xf32> to vector<16xf32>
      %parallel_loop3A_674 = vector.shape_cast %parallel_loop3A_594 : vector<16xf32> to vector<1x16xf32>
      tpu.vector_store %arg9[%parallel_loop3A_670, %parallel_loop3A_671], %parallel_loop3A_674 {add = true, strides = array<i32>} : memref<56x1024xf32, #tpu.memory_space<vmem>>, vector<1x16xf32>,
      %parallel_loop3A_675 = arith.constant 16 : i32
      %parallel_loop3A_676 = arith.muli %parallel_loop3A_589, %parallel_loop3A_675 : i32
      %parallel_loop3A_677 = arith.constant 10 : i32
      %parallel_loop3A_678 = arith.index_cast %parallel_loop3A_677 : i32 to index
      %parallel_loop3A_679 = arith.index_cast %parallel_loop3A_676 : i32 to index
      %parallel_loop3A_680 = tpu.vector_load %arg9[%parallel_loop3A_678, %parallel_loop3A_679] {strides = array<i32>} : memref<56x1024xf32, #tpu.memory_space<vmem>>, vector<1x16xf32>,
      %parallel_loop3A_681 = vector.shape_cast %parallel_loop3A_680 : vector<1x16xf32> to vector<16xf32>
      %parallel_loop3A_682 = vector.shape_cast %parallel_loop3A_594 : vector<16xf32> to vector<1x16xf32>
      tpu.vector_store %arg9[%parallel_loop3A_678, %parallel_loop3A_679], %parallel_loop3A_682 {add = true, strides = array<i32>} : memref<56x1024xf32, #tpu.memory_space<vmem>>, vector<1x16xf32>,
      %parallel_loop3A_683 = arith.constant 16 : i32
      %parallel_loop3A_684 = arith.muli %parallel_loop3A_589, %parallel_loop3A_683 : i32
      %parallel_loop3A_685 = arith.constant 11 : i32
      %parallel_loop3A_686 = arith.index_cast %parallel_loop3A_685 : i32 to index
      %parallel_loop3A_687 = arith.index_cast %parallel_loop3A_684 : i32 to index
      %parallel_loop3A_688 = tpu.vector_load %arg9[%parallel_loop3A_686, %parallel_loop3A_687] {strides = array<i32>} : memref<56x1024xf32, #tpu.memory_space<vmem>>, vector<1x16xf32>,
      %parallel_loop3A_689 = vector.shape_cast %parallel_loop3A_688 : vector<1x16xf32> to vector<16xf32>
      %parallel_loop3A_690 = vector.shape_cast %parallel_loop3A_594 : vector<16xf32> to vector<1x16xf32>
      tpu.vector_store %arg9[%parallel_loop3A_686, %parallel_loop3A_687], %parallel_loop3A_690 {add = true, strides = array<i32>} : memref<56x1024xf32, #tpu.memory_space<vmem>>, vector<1x16xf32>,
      %parallel_loop3A_691 = arith.constant 16 : i32
      %parallel_loop3A_692 = arith.muli %parallel_loop3A_589, %parallel_loop3A_691 : i32
      %parallel_loop3A_693 = arith.constant 12 : i32
      %parallel_loop3A_694 = arith.index_cast %parallel_loop3A_693 : i32 to index
      %parallel_loop3A_695 = arith.index_cast %parallel_loop3A_692 : i32 to index
      %parallel_loop3A_696 = tpu.vector_load %arg9[%parallel_loop3A_694, %parallel_loop3A_695] {strides = array<i32>} : memref<56x1024xf32, #tpu.memory_space<vmem>>, vector<1x16xf32>,
      %parallel_loop3A_697 = vector.shape_cast %parallel_loop3A_696 : vector<1x16xf32> to vector<16xf32>
      %parallel_loop3A_698 = vector.shape_cast %parallel_loop3A_594 : vector<16xf32> to vector<1x16xf32>
      tpu.vector_store %arg9[%parallel_loop3A_694, %parallel_loop3A_695], %parallel_loop3A_698 {add = true, strides = array<i32>} : memref<56x1024xf32, #tpu.memory_space<vmem>>, vector<1x16xf32>,
      %parallel_loop3A_699 = arith.constant 16 : i32
      %parallel_loop3A_700 = arith.muli %parallel_loop3A_589, %parallel_loop3A_699 : i32
      %parallel_loop3A_701 = arith.constant 13 : i32
      %parallel_loop3A_702 = arith.index_cast %parallel_loop3A_701 : i32 to index
      %parallel_loop3A_703 = arith.index_cast %parallel_loop3A_700 : i32 to index
      %parallel_loop3A_704 = tpu.vector_load %arg9[%parallel_loop3A_702, %parallel_loop3A_703] {strides = array<i32>} : memref<56x1024xf32, #tpu.memory_space<vmem>>, vector<1x16xf32>,
      %parallel_loop3A_705 = vector.shape_cast %parallel_loop3A_704 : vector<1x16xf32> to vector<16xf32>
      %parallel_loop3A_706 = vector.shape_cast %parallel_loop3A_594 : vector<16xf32> to vector<1x16xf32>
      tpu.vector_store %arg9[%parallel_loop3A_702, %parallel_loop3A_703], %parallel_loop3A_706 {add = true, strides = array<i32>} : memref<56x1024xf32, #tpu.memory_space<vmem>>, vector<1x16xf32>,
      %parallel_loop3A_707 = arith.constant 16 : i32
      %parallel_loop3A_708 = arith.muli %parallel_loop3A_589, %parallel_loop3A_707 : i32
      %parallel_loop3A_709 = arith.constant 14 : i32
      %parallel_loop3A_710 = arith.index_cast %parallel_loop3A_709 : i32 to index
      %parallel_loop3A_711 = arith.index_cast %parallel_loop3A_708 : i32 to index
      %parallel_loop3A_712 = tpu.vector_load %arg9[%parallel_loop3A_710, %parallel_loop3A_711] {strides = array<i32>} : memref<56x1024xf32, #tpu.memory_space<vmem>>, vector<1x16xf32>,
      %parallel_loop3A_713 = vector.shape_cast %parallel_loop3A_712 : vector<1x16xf32> to vector<16xf32>
      %parallel_loop3A_714 = vector.shape_cast %parallel_loop3A_594 : vector<16xf32> to vector<1x16xf32>
      tpu.vector_store %arg9[%parallel_loop3A_710, %parallel_loop3A_711], %parallel_loop3A_714 {add = true, strides = array<i32>} : memref<56x1024xf32, #tpu.memory_space<vmem>>, vector<1x16xf32>,
      %parallel_loop3A_715 = arith.constant 16 : i32
      %parallel_loop3A_716 = arith.muli %parallel_loop3A_589, %parallel_loop3A_715 : i32
      %parallel_loop3A_717 = arith.constant 15 : i32
      %parallel_loop3A_718 = arith.index_cast %parallel_loop3A_717 : i32 to index
      %parallel_loop3A_719 = arith.index_cast %parallel_loop3A_716 : i32 to index
      %parallel_loop3A_720 = tpu.vector_load %arg9[%parallel_loop3A_718, %parallel_loop3A_719] {strides = array<i32>} : memref<56x1024xf32, #tpu.memory_space<vmem>>, vector<1x16xf32>,
      %parallel_loop3A_721 = vector.shape_cast %parallel_loop3A_720 : vector<1x16xf32> to vector<16xf32>
      %parallel_loop3A_722 = vector.shape_cast %parallel_loop3A_594 : vector<16xf32> to vector<1x16xf32>
      tpu.vector_store %arg9[%parallel_loop3A_718, %parallel_loop3A_719], %parallel_loop3A_722 {add = true, strides = array<i32>} : memref<56x1024xf32, #tpu.memory_space<vmem>>, vector<1x16xf32>,
    } {sc.loop_unroll_factor = 1 : i64, sc.parallel_access}
    %add3A_191 = arith.constant 64 : i32
    %add3A_192 = arith.addi %mul3A_32, %add3A_191 : i32
    %add3A_193 = arith.constant 0 : i32
    %add3A_194 = arith.addi %add3A_192, %add3A_193 : i32
    %dma_start3A_195 = arith.constant 1 : i32
    %dma_start3A_196 = arith.constant 0 : i32
    %dma_start3A_197 = arith.constant 0 : i32
    %dma_start3A_198 = tpu.memref_slice %arg9[%dma_start3A_196, %dma_start3A_197] : memref<56x1024xf32, #tpu.memory_space<vmem>> -> memref<16x1024xf32, #tpu.memory_space<vmem>>
    %dma_start3A_199 = arith.constant 0 : i32
    %dma_start3A_200 = tpu.memref_slice %arg5[%select_n3A, %add3A_194, %dma_start3A_199] : memref<2x4096x1024xf32, #tpu.memory_space<hbm>> -> memref<1x16x1024xf32, #tpu.memory_space<hbm>>
    %dma_start3A_201 = tpu.memref_squeeze %dma_start3A_200 : memref<1x16x1024xf32, #tpu.memory_space<hbm>> -> memref<16x1024xf32, #tpu.memory_space<hbm>>
    %dma_start3A_202 = tpu.memref_slice %arg11[%dma_start3A_195] : memref<2x!tpu.dma_semaphore, #tpu.memory_space<semaphore_mem>> -> memref<1x!tpu.dma_semaphore, #tpu.memory_space<semaphore_mem>>
    %dma_start3A_203 = tpu.memref_squeeze %dma_start3A_202 : memref<1x!tpu.dma_semaphore, #tpu.memory_space<semaphore_mem>> -> memref<!tpu.dma_semaphore, #tpu.memory_space<semaphore_mem>>
    %dma_start3A_204 = arith.constant 0 : i32
    %dma_start3A_205 = tpu.memref_slice %arg5[%select_n3A, %add3A_194, %dma_start3A_204] : memref<2x4096x1024xf32, #tpu.memory_space<hbm>> -> memref<1x16x1024xf32, #tpu.memory_space<hbm>>
    %dma_start3A_206 = tpu.memref_squeeze %dma_start3A_205 : memref<1x16x1024xf32, #tpu.memory_space<hbm>> -> memref<16x1024xf32, #tpu.memory_space<hbm>>
    %dma_start3A_207 = arith.constant 0 : i32
    %dma_start3A_208 = arith.constant 0 : i32
    %dma_start3A_209 = tpu.memref_slice %arg9[%dma_start3A_207, %dma_start3A_208] : memref<56x1024xf32, #tpu.memory_space<vmem>> -> memref<16x1024xf32, #tpu.memory_space<vmem>>
    tpu.enqueue_dma source(%dma_start3A_209 : memref<16x1024xf32, #tpu.memory_space<vmem>>) target(%dma_start3A_206 : memref<16x1024xf32, #tpu.memory_space<hbm>>) target_semaphore(%dma_start3A_203 : memref<!tpu.dma_semaphore, #tpu.memory_space<semaphore_mem>>)
    %parallel_loop3A_210 = arith.constant 0 : i32
    %parallel_loop3A_211 = arith.constant 64 : i32
    %parallel_loop3A_212 = arith.constant 1 : i32
    scf.for %parallel_loop3A_589 = %parallel_loop3A_210 to %parallel_loop3A_211 step %parallel_loop3A_212  : i32 {
      %parallel_loop3A_590 = arith.constant 16 : i32
      %parallel_loop3A_591 = arith.muli %parallel_loop3A_589, %parallel_loop3A_590 : i32
      %parallel_loop3A_592 = arith.index_cast %parallel_loop3A_591 : i32 to index
      %parallel_loop3A_593 = tpu.vector_load %arg7[%parallel_loop3A_592] {strides = array<i32>} : memref<1024xf32, #tpu.memory_space<vmem>>, vector<16xf32>,
      %parallel_loop3A_594 = vector.shape_cast %parallel_loop3A_593 : vector<16xf32> to vector<16xf32>
      %parallel_loop3A_595 = arith.constant 16 : i32
      %parallel_loop3A_596 = arith.muli %parallel_loop3A_589, %parallel_loop3A_595 : i32
      %parallel_loop3A_597 = arith.constant 16 : i32
      %parallel_loop3A_598 = arith.index_cast %parallel_loop3A_597 : i32 to index
      %parallel_loop3A_599 = arith.index_cast %parallel_loop3A_596 : i32 to index
      %parallel_loop3A_600 = tpu.vector_load %arg9[%parallel_loop3A_598, %parallel_loop3A_599] {strides = array<i32>} : memref<56x1024xf32, #tpu.memory_space<vmem>>, vector<1x16xf32>,
      %parallel_loop3A_601 = vector.shape_cast %parallel_loop3A_600 : vector<1x16xf32> to vector<16xf32>
      %parallel_loop3A_602 = vector.shape_cast %parallel_loop3A_594 : vector<16xf32> to vector<1x16xf32>
      tpu.vector_store %arg9[%parallel_loop3A_598, %parallel_loop3A_599], %parallel_loop3A_602 {add = true, strides = array<i32>} : memref<56x1024xf32, #tpu.memory_space<vmem>>, vector<1x16xf32>,
      %parallel_loop3A_603 = arith.constant 16 : i32
      %parallel_loop3A_604 = arith.muli %parallel_loop3A_589, %parallel_loop3A_603 : i32
      %parallel_loop3A_605 = arith.constant 17 : i32
      %parallel_loop3A_606 = arith.index_cast %parallel_loop3A_605 : i32 to index
      %parallel_loop3A_607 = arith.index_cast %parallel_loop3A_604 : i32 to index
      %parallel_loop3A_608 = tpu.vector_load %arg9[%parallel_loop3A_606, %parallel_loop3A_607] {strides = array<i32>} : memref<56x1024xf32, #tpu.memory_space<vmem>>, vector<1x16xf32>,
      %parallel_loop3A_609 = vector.shape_cast %parallel_loop3A_608 : vector<1x16xf32> to vector<16xf32>
      %parallel_loop3A_610 = vector.shape_cast %parallel_loop3A_594 : vector<16xf32> to vector<1x16xf32>
      tpu.vector_store %arg9[%parallel_loop3A_606, %parallel_loop3A_607], %parallel_loop3A_610 {add = true, strides = array<i32>} : memref<56x1024xf32, #tpu.memory_space<vmem>>, vector<1x16xf32>,
      %parallel_loop3A_611 = arith.constant 16 : i32
      %parallel_loop3A_612 = arith.muli %parallel_loop3A_589, %parallel_loop3A_611 : i32
      %parallel_loop3A_613 = arith.constant 18 : i32
      %parallel_loop3A_614 = arith.index_cast %parallel_loop3A_613 : i32 to index
      %parallel_loop3A_615 = arith.index_cast %parallel_loop3A_612 : i32 to index
      %parallel_loop3A_616 = tpu.vector_load %arg9[%parallel_loop3A_614, %parallel_loop3A_615] {strides = array<i32>} : memref<56x1024xf32, #tpu.memory_space<vmem>>, vector<1x16xf32>,
      %parallel_loop3A_617 = vector.shape_cast %parallel_loop3A_616 : vector<1x16xf32> to vector<16xf32>
      %parallel_loop3A_618 = vector.shape_cast %parallel_loop3A_594 : vector<16xf32> to vector<1x16xf32>
      tpu.vector_store %arg9[%parallel_loop3A_614, %parallel_loop3A_615], %parallel_loop3A_618 {add = true, strides = array<i32>} : memref<56x1024xf32, #tpu.memory_space<vmem>>, vector<1x16xf32>,
      %parallel_loop3A_619 = arith.constant 16 : i32
      %parallel_loop3A_620 = arith.muli %parallel_loop3A_589, %parallel_loop3A_619 : i32
      %parallel_loop3A_621 = arith.constant 19 : i32
      %parallel_loop3A_622 = arith.index_cast %parallel_loop3A_621 : i32 to index
      %parallel_loop3A_623 = arith.index_cast %parallel_loop3A_620 : i32 to index
      %parallel_loop3A_624 = tpu.vector_load %arg9[%parallel_loop3A_622, %parallel_loop3A_623] {strides = array<i32>} : memref<56x1024xf32, #tpu.memory_space<vmem>>, vector<1x16xf32>,
      %parallel_loop3A_625 = vector.shape_cast %parallel_loop3A_624 : vector<1x16xf32> to vector<16xf32>
      %parallel_loop3A_626 = vector.shape_cast %parallel_loop3A_594 : vector<16xf32> to vector<1x16xf32>
      tpu.vector_store %arg9[%parallel_loop3A_622, %parallel_loop3A_623], %parallel_loop3A_626 {add = true, strides = array<i32>} : memref<56x1024xf32, #tpu.memory_space<vmem>>, vector<1x16xf32>,
      %parallel_loop3A_627 = arith.constant 16 : i32
      %parallel_loop3A_628 = arith.muli %parallel_loop3A_589, %parallel_loop3A_627 : i32
      %parallel_loop3A_629 = arith.constant 20 : i32
      %parallel_loop3A_630 = arith.index_cast %parallel_loop3A_629 : i32 to index
      %parallel_loop3A_631 = arith.index_cast %parallel_loop3A_628 : i32 to index
      %parallel_loop3A_632 = tpu.vector_load %arg9[%parallel_loop3A_630, %parallel_loop3A_631] {strides = array<i32>} : memref<56x1024xf32, #tpu.memory_space<vmem>>, vector<1x16xf32>,
      %parallel_loop3A_633 = vector.shape_cast %parallel_loop3A_632 : vector<1x16xf32> to vector<16xf32>
      %parallel_loop3A_634 = vector.shape_cast %parallel_loop3A_594 : vector<16xf32> to vector<1x16xf32>
      tpu.vector_store %arg9[%parallel_loop3A_630, %parallel_loop3A_631], %parallel_loop3A_634 {add = true, strides = array<i32>} : memref<56x1024xf32, #tpu.memory_space<vmem>>, vector<1x16xf32>,
      %parallel_loop3A_635 = arith.constant 16 : i32
      %parallel_loop3A_636 = arith.muli %parallel_loop3A_589, %parallel_loop3A_635 : i32
      %parallel_loop3A_637 = arith.constant 21 : i32
      %parallel_loop3A_638 = arith.index_cast %parallel_loop3A_637 : i32 to index
      %parallel_loop3A_639 = arith.index_cast %parallel_loop3A_636 : i32 to index
      %parallel_loop3A_640 = tpu.vector_load %arg9[%parallel_loop3A_638, %parallel_loop3A_639] {strides = array<i32>} : memref<56x1024xf32, #tpu.memory_space<vmem>>, vector<1x16xf32>,
      %parallel_loop3A_641 = vector.shape_cast %parallel_loop3A_640 : vector<1x16xf32> to vector<16xf32>
      %parallel_loop3A_642 = vector.shape_cast %parallel_loop3A_594 : vector<16xf32> to vector<1x16xf32>
      tpu.vector_store %arg9[%parallel_loop3A_638, %parallel_loop3A_639], %parallel_loop3A_642 {add = true, strides = array<i32>} : memref<56x1024xf32, #tpu.memory_space<vmem>>, vector<1x16xf32>,
      %parallel_loop3A_643 = arith.constant 16 : i32
      %parallel_loop3A_644 = arith.muli %parallel_loop3A_589, %parallel_loop3A_643 : i32
      %parallel_loop3A_645 = arith.constant 22 : i32
      %parallel_loop3A_646 = arith.index_cast %parallel_loop3A_645 : i32 to index
      %parallel_loop3A_647 = arith.index_cast %parallel_loop3A_644 : i32 to index
      %parallel_loop3A_648 = tpu.vector_load %arg9[%parallel_loop3A_646, %parallel_loop3A_647] {strides = array<i32>} : memref<56x1024xf32, #tpu.memory_space<vmem>>, vector<1x16xf32>,
      %parallel_loop3A_649 = vector.shape_cast %parallel_loop3A_648 : vector<1x16xf32> to vector<16xf32>
      %parallel_loop3A_650 = vector.shape_cast %parallel_loop3A_594 : vector<16xf32> to vector<1x16xf32>
      tpu.vector_store %arg9[%parallel_loop3A_646, %parallel_loop3A_647], %parallel_loop3A_650 {add = true, strides = array<i32>} : memref<56x1024xf32, #tpu.memory_space<vmem>>, vector<1x16xf32>,
      %parallel_loop3A_651 = arith.constant 16 : i32
      %parallel_loop3A_652 = arith.muli %parallel_loop3A_589, %parallel_loop3A_651 : i32
      %parallel_loop3A_653 = arith.constant 23 : i32
      %parallel_loop3A_654 = arith.index_cast %parallel_loop3A_653 : i32 to index
      %parallel_loop3A_655 = arith.index_cast %parallel_loop3A_652 : i32 to index
      %parallel_loop3A_656 = tpu.vector_load %arg9[%parallel_loop3A_654, %parallel_loop3A_655] {strides = array<i32>} : memref<56x1024xf32, #tpu.memory_space<vmem>>, vector<1x16xf32>,
      %parallel_loop3A_657 = vector.shape_cast %parallel_loop3A_656 : vector<1x16xf32> to vector<16xf32>
      %parallel_loop3A_658 = vector.shape_cast %parallel_loop3A_594 : vector<16xf32> to vector<1x16xf32>
      tpu.vector_store %arg9[%parallel_loop3A_654, %parallel_loop3A_655], %parallel_loop3A_658 {add = true, strides = array<i32>} : memref<56x1024xf32, #tpu.memory_space<vmem>>, vector<1x16xf32>,
      %parallel_loop3A_659 = arith.constant 16 : i32
      %parallel_loop3A_660 = arith.muli %parallel_loop3A_589, %parallel_loop3A_659 : i32
      %parallel_loop3A_661 = arith.constant 24 : i32
      %parallel_loop3A_662 = arith.index_cast %parallel_loop3A_661 : i32 to index
      %parallel_loop3A_663 = arith.index_cast %parallel_loop3A_660 : i32 to index
      %parallel_loop3A_664 = tpu.vector_load %arg9[%parallel_loop3A_662, %parallel_loop3A_663] {strides = array<i32>} : memref<56x1024xf32, #tpu.memory_space<vmem>>, vector<1x16xf32>,
      %parallel_loop3A_665 = vector.shape_cast %parallel_loop3A_664 : vector<1x16xf32> to vector<16xf32>
      %parallel_loop3A_666 = vector.shape_cast %parallel_loop3A_594 : vector<16xf32> to vector<1x16xf32>
      tpu.vector_store %arg9[%parallel_loop3A_662, %parallel_loop3A_663], %parallel_loop3A_666 {add = true, strides = array<i32>} : memref<56x1024xf32, #tpu.memory_space<vmem>>, vector<1x16xf32>,
      %parallel_loop3A_667 = arith.constant 16 : i32
      %parallel_loop3A_668 = arith.muli %parallel_loop3A_589, %parallel_loop3A_667 : i32
      %parallel_loop3A_669 = arith.constant 25 : i32
      %parallel_loop3A_670 = arith.index_cast %parallel_loop3A_669 : i32 to index
      %parallel_loop3A_671 = arith.index_cast %parallel_loop3A_668 : i32 to index
      %parallel_loop3A_672 = tpu.vector_load %arg9[%parallel_loop3A_670, %parallel_loop3A_671] {strides = array<i32>} : memref<56x1024xf32, #tpu.memory_space<vmem>>, vector<1x16xf32>,
      %parallel_loop3A_673 = vector.shape_cast %parallel_loop3A_672 : vector<1x16xf32> to vector<16xf32>
      %parallel_loop3A_674 = vector.shape_cast %parallel_loop3A_594 : vector<16xf32> to vector<1x16xf32>
      tpu.vector_store %arg9[%parallel_loop3A_670, %parallel_loop3A_671], %parallel_loop3A_674 {add = true, strides = array<i32>} : memref<56x1024xf32, #tpu.memory_space<vmem>>, vector<1x16xf32>,
      %parallel_loop3A_675 = arith.constant 16 : i32
      %parallel_loop3A_676 = arith.muli %parallel_loop3A_589, %parallel_loop3A_675 : i32
      %parallel_loop3A_677 = arith.constant 26 : i32
      %parallel_loop3A_678 = arith.index_cast %parallel_loop3A_677 : i32 to index
      %parallel_loop3A_679 = arith.index_cast %parallel_loop3A_676 : i32 to index
      %parallel_loop3A_680 = tpu.vector_load %arg9[%parallel_loop3A_678, %parallel_loop3A_679] {strides = array<i32>} : memref<56x1024xf32, #tpu.memory_space<vmem>>, vector<1x16xf32>,
      %parallel_loop3A_681 = vector.shape_cast %parallel_loop3A_680 : vector<1x16xf32> to vector<16xf32>
      %parallel_loop3A_682 = vector.shape_cast %parallel_loop3A_594 : vector<16xf32> to vector<1x16xf32>
      tpu.vector_store %arg9[%parallel_loop3A_678, %parallel_loop3A_679], %parallel_loop3A_682 {add = true, strides = array<i32>} : memref<56x1024xf32, #tpu.memory_space<vmem>>, vector<1x16xf32>,
      %parallel_loop3A_683 = arith.constant 16 : i32
      %parallel_loop3A_684 = arith.muli %parallel_loop3A_589, %parallel_loop3A_683 : i32
      %parallel_loop3A_685 = arith.constant 27 : i32
      %parallel_loop3A_686 = arith.index_cast %parallel_loop3A_685 : i32 to index
      %parallel_loop3A_687 = arith.index_cast %parallel_loop3A_684 : i32 to index
      %parallel_loop3A_688 = tpu.vector_load %arg9[%parallel_loop3A_686, %parallel_loop3A_687] {strides = array<i32>} : memref<56x1024xf32, #tpu.memory_space<vmem>>, vector<1x16xf32>,
      %parallel_loop3A_689 = vector.shape_cast %parallel_loop3A_688 : vector<1x16xf32> to vector<16xf32>
      %parallel_loop3A_690 = vector.shape_cast %parallel_loop3A_594 : vector<16xf32> to vector<1x16xf32>
      tpu.vector_store %arg9[%parallel_loop3A_686, %parallel_loop3A_687], %parallel_loop3A_690 {add = true, strides = array<i32>} : memref<56x1024xf32, #tpu.memory_space<vmem>>, vector<1x16xf32>,
      %parallel_loop3A_691 = arith.constant 16 : i32
      %parallel_loop3A_692 = arith.muli %parallel_loop3A_589, %parallel_loop3A_691 : i32
      %parallel_loop3A_693 = arith.constant 28 : i32
      %parallel_loop3A_694 = arith.index_cast %parallel_loop3A_693 : i32 to index
      %parallel_loop3A_695 = arith.index_cast %parallel_loop3A_692 : i32 to index
      %parallel_loop3A_696 = tpu.vector_load %arg9[%parallel_loop3A_694, %parallel_loop3A_695] {strides = array<i32>} : memref<56x1024xf32, #tpu.memory_space<vmem>>, vector<1x16xf32>,
      %parallel_loop3A_697 = vector.shape_cast %parallel_loop3A_696 : vector<1x16xf32> to vector<16xf32>
      %parallel_loop3A_698 = vector.shape_cast %parallel_loop3A_594 : vector<16xf32> to vector<1x16xf32>
      tpu.vector_store %arg9[%parallel_loop3A_694, %parallel_loop3A_695], %parallel_loop3A_698 {add = true, strides = array<i32>} : memref<56x1024xf32, #tpu.memory_space<vmem>>, vector<1x16xf32>,
      %parallel_loop3A_699 = arith.constant 16 : i32
      %parallel_loop3A_700 = arith.muli %parallel_loop3A_589, %parallel_loop3A_699 : i32
      %parallel_loop3A_701 = arith.constant 29 : i32
      %parallel_loop3A_702 = arith.index_cast %parallel_loop3A_701 : i32 to index
      %parallel_loop3A_703 = arith.index_cast %parallel_loop3A_700 : i32 to index
      %parallel_loop3A_704 = tpu.vector_load %arg9[%parallel_loop3A_702, %parallel_loop3A_703] {strides = array<i32>} : memref<56x1024xf32, #tpu.memory_space<vmem>>, vector<1x16xf32>,
      %parallel_loop3A_705 = vector.shape_cast %parallel_loop3A_704 : vector<1x16xf32> to vector<16xf32>
      %parallel_loop3A_706 = vector.shape_cast %parallel_loop3A_594 : vector<16xf32> to vector<1x16xf32>
      tpu.vector_store %arg9[%parallel_loop3A_702, %parallel_loop3A_703], %parallel_loop3A_706 {add = true, strides = array<i32>} : memref<56x1024xf32, #tpu.memory_space<vmem>>, vector<1x16xf32>,
      %parallel_loop3A_707 = arith.constant 16 : i32
      %parallel_loop3A_708 = arith.muli %parallel_loop3A_589, %parallel_loop3A_707 : i32
      %parallel_loop3A_709 = arith.constant 30 : i32
      %parallel_loop3A_710 = arith.index_cast %parallel_loop3A_709 : i32 to index
      %parallel_loop3A_711 = arith.index_cast %parallel_loop3A_708 : i32 to index
      %parallel_loop3A_712 = tpu.vector_load %arg9[%parallel_loop3A_710, %parallel_loop3A_711] {strides = array<i32>} : memref<56x1024xf32, #tpu.memory_space<vmem>>, vector<1x16xf32>,
      %parallel_loop3A_713 = vector.shape_cast %parallel_loop3A_712 : vector<1x16xf32> to vector<16xf32>
      %parallel_loop3A_714 = vector.shape_cast %parallel_loop3A_594 : vector<16xf32> to vector<1x16xf32>
      tpu.vector_store %arg9[%parallel_loop3A_710, %parallel_loop3A_711], %parallel_loop3A_714 {add = true, strides = array<i32>} : memref<56x1024xf32, #tpu.memory_space<vmem>>, vector<1x16xf32>,
      %parallel_loop3A_715 = arith.constant 16 : i32
      %parallel_loop3A_716 = arith.muli %parallel_loop3A_589, %parallel_loop3A_715 : i32
      %parallel_loop3A_717 = arith.constant 31 : i32
      %parallel_loop3A_718 = arith.index_cast %parallel_loop3A_717 : i32 to index
      %parallel_loop3A_719 = arith.index_cast %parallel_loop3A_716 : i32 to index
      %parallel_loop3A_720 = tpu.vector_load %arg9[%parallel_loop3A_718, %parallel_loop3A_719] {strides = array<i32>} : memref<56x1024xf32, #tpu.memory_space<vmem>>, vector<1x16xf32>,
      %parallel_loop3A_721 = vector.shape_cast %parallel_loop3A_720 : vector<1x16xf32> to vector<16xf32>
      %parallel_loop3A_722 = vector.shape_cast %parallel_loop3A_594 : vector<16xf32> to vector<1x16xf32>
      tpu.vector_store %arg9[%parallel_loop3A_718, %parallel_loop3A_719], %parallel_loop3A_722 {add = true, strides = array<i32>} : memref<56x1024xf32, #tpu.memory_space<vmem>>, vector<1x16xf32>,
    } {sc.loop_unroll_factor = 1 : i64, sc.parallel_access}
    %add3A_213 = arith.constant 64 : i32
    %add3A_214 = arith.addi %mul3A_32, %add3A_213 : i32
    %add3A_215 = arith.constant 16 : i32
    %add3A_216 = arith.addi %add3A_214, %add3A_215 : i32
    %dma_start3A_217 = arith.constant 1 : i32
    %dma_start3A_218 = arith.constant 16 : i32
    %dma_start3A_219 = arith.constant 0 : i32
    %dma_start3A_220 = tpu.memref_slice %arg9[%dma_start3A_218, %dma_start3A_219] : memref<56x1024xf32, #tpu.memory_space<vmem>> -> memref<16x1024xf32, #tpu.memory_space<vmem>>
    %dma_start3A_221 = arith.constant 0 : i32
    %dma_start3A_222 = tpu.memref_slice %arg5[%select_n3A, %add3A_216, %dma_start3A_221] : memref<2x4096x1024xf32, #tpu.memory_space<hbm>> -> memref<1x16x1024xf32, #tpu.memory_space<hbm>>
    %dma_start3A_223 = tpu.memref_squeeze %dma_start3A_222 : memref<1x16x1024xf32, #tpu.memory_space<hbm>> -> memref<16x1024xf32, #tpu.memory_space<hbm>>
    %dma_start3A_224 = tpu.memref_slice %arg11[%dma_start3A_217] : memref<2x!tpu.dma_semaphore, #tpu.memory_space<semaphore_mem>> -> memref<1x!tpu.dma_semaphore, #tpu.memory_space<semaphore_mem>>
    %dma_start3A_225 = tpu.memref_squeeze %dma_start3A_224 : memref<1x!tpu.dma_semaphore, #tpu.memory_space<semaphore_mem>> -> memref<!tpu.dma_semaphore, #tpu.memory_space<semaphore_mem>>
    %dma_start3A_226 = arith.constant 0 : i32
    %dma_start3A_227 = tpu.memref_slice %arg5[%select_n3A, %add3A_216, %dma_start3A_226] : memref<2x4096x1024xf32, #tpu.memory_space<hbm>> -> memref<1x16x1024xf32, #tpu.memory_space<hbm>>
    %dma_start3A_228 = tpu.memref_squeeze %dma_start3A_227 : memref<1x16x1024xf32, #tpu.memory_space<hbm>> -> memref<16x1024xf32, #tpu.memory_space<hbm>>
    %dma_start3A_229 = arith.constant 16 : i32
    %dma_start3A_230 = arith.constant 0 : i32
    %dma_start3A_231 = tpu.memref_slice %arg9[%dma_start3A_229, %dma_start3A_230] : memref<56x1024xf32, #tpu.memory_space<vmem>> -> memref<16x1024xf32, #tpu.memory_space<vmem>>
    tpu.enqueue_dma source(%dma_start3A_231 : memref<16x1024xf32, #tpu.memory_space<vmem>>) target(%dma_start3A_228 : memref<16x1024xf32, #tpu.memory_space<hbm>>) target_semaphore(%dma_start3A_225 : memref<!tpu.dma_semaphore, #tpu.memory_space<semaphore_mem>>)
    %parallel_loop3A_232 = arith.constant 0 : i32
    %parallel_loop3A_233 = arith.constant 64 : i32
    %parallel_loop3A_234 = arith.constant 1 : i32
    scf.for %parallel_loop3A_589 = %parallel_loop3A_232 to %parallel_loop3A_233 step %parallel_loop3A_234  : i32 {
      %parallel_loop3A_590 = arith.constant 16 : i32
      %parallel_loop3A_591 = arith.muli %parallel_loop3A_589, %parallel_loop3A_590 : i32
      %parallel_loop3A_592 = arith.index_cast %parallel_loop3A_591 : i32 to index
      %parallel_loop3A_593 = tpu.vector_load %arg7[%parallel_loop3A_592] {strides = array<i32>} : memref<1024xf32, #tpu.memory_space<vmem>>, vector<16xf32>,
      %parallel_loop3A_594 = vector.shape_cast %parallel_loop3A_593 : vector<16xf32> to vector<16xf32>
      %parallel_loop3A_595 = arith.constant 16 : i32
      %parallel_loop3A_596 = arith.muli %parallel_loop3A_589, %parallel_loop3A_595 : i32
      %parallel_loop3A_597 = arith.constant 32 : i32
      %parallel_loop3A_598 = arith.index_cast %parallel_loop3A_597 : i32 to index
      %parallel_loop3A_599 = arith.index_cast %parallel_loop3A_596 : i32 to index
      %parallel_loop3A_600 = tpu.vector_load %arg9[%parallel_loop3A_598, %parallel_loop3A_599] {strides = array<i32>} : memref<56x1024xf32, #tpu.memory_space<vmem>>, vector<1x16xf32>,
      %parallel_loop3A_601 = vector.shape_cast %parallel_loop3A_600 : vector<1x16xf32> to vector<16xf32>
      %parallel_loop3A_602 = vector.shape_cast %parallel_loop3A_594 : vector<16xf32> to vector<1x16xf32>
      tpu.vector_store %arg9[%parallel_loop3A_598, %parallel_loop3A_599], %parallel_loop3A_602 {add = true, strides = array<i32>} : memref<56x1024xf32, #tpu.memory_space<vmem>>, vector<1x16xf32>,
      %parallel_loop3A_603 = arith.constant 16 : i32
      %parallel_loop3A_604 = arith.muli %parallel_loop3A_589, %parallel_loop3A_603 : i32
      %parallel_loop3A_605 = arith.constant 33 : i32
      %parallel_loop3A_606 = arith.index_cast %parallel_loop3A_605 : i32 to index
      %parallel_loop3A_607 = arith.index_cast %parallel_loop3A_604 : i32 to index
      %parallel_loop3A_608 = tpu.vector_load %arg9[%parallel_loop3A_606, %parallel_loop3A_607] {strides = array<i32>} : memref<56x1024xf32, #tpu.memory_space<vmem>>, vector<1x16xf32>,
      %parallel_loop3A_609 = vector.shape_cast %parallel_loop3A_608 : vector<1x16xf32> to vector<16xf32>
      %parallel_loop3A_610 = vector.shape_cast %parallel_loop3A_594 : vector<16xf32> to vector<1x16xf32>
      tpu.vector_store %arg9[%parallel_loop3A_606, %parallel_loop3A_607], %parallel_loop3A_610 {add = true, strides = array<i32>} : memref<56x1024xf32, #tpu.memory_space<vmem>>, vector<1x16xf32>,
      %parallel_loop3A_611 = arith.constant 16 : i32
      %parallel_loop3A_612 = arith.muli %parallel_loop3A_589, %parallel_loop3A_611 : i32
      %parallel_loop3A_613 = arith.constant 34 : i32
      %parallel_loop3A_614 = arith.index_cast %parallel_loop3A_613 : i32 to index
      %parallel_loop3A_615 = arith.index_cast %parallel_loop3A_612 : i32 to index
      %parallel_loop3A_616 = tpu.vector_load %arg9[%parallel_loop3A_614, %parallel_loop3A_615] {strides = array<i32>} : memref<56x1024xf32, #tpu.memory_space<vmem>>, vector<1x16xf32>,
      %parallel_loop3A_617 = vector.shape_cast %parallel_loop3A_616 : vector<1x16xf32> to vector<16xf32>
      %parallel_loop3A_618 = vector.shape_cast %parallel_loop3A_594 : vector<16xf32> to vector<1x16xf32>
      tpu.vector_store %arg9[%parallel_loop3A_614, %parallel_loop3A_615], %parallel_loop3A_618 {add = true, strides = array<i32>} : memref<56x1024xf32, #tpu.memory_space<vmem>>, vector<1x16xf32>,
      %parallel_loop3A_619 = arith.constant 16 : i32
      %parallel_loop3A_620 = arith.muli %parallel_loop3A_589, %parallel_loop3A_619 : i32
      %parallel_loop3A_621 = arith.constant 35 : i32
      %parallel_loop3A_622 = arith.index_cast %parallel_loop3A_621 : i32 to index
      %parallel_loop3A_623 = arith.index_cast %parallel_loop3A_620 : i32 to index
      %parallel_loop3A_624 = tpu.vector_load %arg9[%parallel_loop3A_622, %parallel_loop3A_623] {strides = array<i32>} : memref<56x1024xf32, #tpu.memory_space<vmem>>, vector<1x16xf32>,
      %parallel_loop3A_625 = vector.shape_cast %parallel_loop3A_624 : vector<1x16xf32> to vector<16xf32>
      %parallel_loop3A_626 = vector.shape_cast %parallel_loop3A_594 : vector<16xf32> to vector<1x16xf32>
      tpu.vector_store %arg9[%parallel_loop3A_622, %parallel_loop3A_623], %parallel_loop3A_626 {add = true, strides = array<i32>} : memref<56x1024xf32, #tpu.memory_space<vmem>>, vector<1x16xf32>,
      %parallel_loop3A_627 = arith.constant 16 : i32
      %parallel_loop3A_628 = arith.muli %parallel_loop3A_589, %parallel_loop3A_627 : i32
      %parallel_loop3A_629 = arith.constant 36 : i32
      %parallel_loop3A_630 = arith.index_cast %parallel_loop3A_629 : i32 to index
      %parallel_loop3A_631 = arith.index_cast %parallel_loop3A_628 : i32 to index
      %parallel_loop3A_632 = tpu.vector_load %arg9[%parallel_loop3A_630, %parallel_loop3A_631] {strides = array<i32>} : memref<56x1024xf32, #tpu.memory_space<vmem>>, vector<1x16xf32>,
      %parallel_loop3A_633 = vector.shape_cast %parallel_loop3A_632 : vector<1x16xf32> to vector<16xf32>
      %parallel_loop3A_634 = vector.shape_cast %parallel_loop3A_594 : vector<16xf32> to vector<1x16xf32>
      tpu.vector_store %arg9[%parallel_loop3A_630, %parallel_loop3A_631], %parallel_loop3A_634 {add = true, strides = array<i32>} : memref<56x1024xf32, #tpu.memory_space<vmem>>, vector<1x16xf32>,
      %parallel_loop3A_635 = arith.constant 16 : i32
      %parallel_loop3A_636 = arith.muli %parallel_loop3A_589, %parallel_loop3A_635 : i32
      %parallel_loop3A_637 = arith.constant 37 : i32
      %parallel_loop3A_638 = arith.index_cast %parallel_loop3A_637 : i32 to index
      %parallel_loop3A_639 = arith.index_cast %parallel_loop3A_636 : i32 to index
      %parallel_loop3A_640 = tpu.vector_load %arg9[%parallel_loop3A_638, %parallel_loop3A_639] {strides = array<i32>} : memref<56x1024xf32, #tpu.memory_space<vmem>>, vector<1x16xf32>,
      %parallel_loop3A_641 = vector.shape_cast %parallel_loop3A_640 : vector<1x16xf32> to vector<16xf32>
      %parallel_loop3A_642 = vector.shape_cast %parallel_loop3A_594 : vector<16xf32> to vector<1x16xf32>
      tpu.vector_store %arg9[%parallel_loop3A_638, %parallel_loop3A_639], %parallel_loop3A_642 {add = true, strides = array<i32>} : memref<56x1024xf32, #tpu.memory_space<vmem>>, vector<1x16xf32>,
      %parallel_loop3A_643 = arith.constant 16 : i32
      %parallel_loop3A_644 = arith.muli %parallel_loop3A_589, %parallel_loop3A_643 : i32
      %parallel_loop3A_645 = arith.constant 38 : i32
      %parallel_loop3A_646 = arith.index_cast %parallel_loop3A_645 : i32 to index
      %parallel_loop3A_647 = arith.index_cast %parallel_loop3A_644 : i32 to index
      %parallel_loop3A_648 = tpu.vector_load %arg9[%parallel_loop3A_646, %parallel_loop3A_647] {strides = array<i32>} : memref<56x1024xf32, #tpu.memory_space<vmem>>, vector<1x16xf32>,
      %parallel_loop3A_649 = vector.shape_cast %parallel_loop3A_648 : vector<1x16xf32> to vector<16xf32>
      %parallel_loop3A_650 = vector.shape_cast %parallel_loop3A_594 : vector<16xf32> to vector<1x16xf32>
      tpu.vector_store %arg9[%parallel_loop3A_646, %parallel_loop3A_647], %parallel_loop3A_650 {add = true, strides = array<i32>} : memref<56x1024xf32, #tpu.memory_space<vmem>>, vector<1x16xf32>,
      %parallel_loop3A_651 = arith.constant 16 : i32
      %parallel_loop3A_652 = arith.muli %parallel_loop3A_589, %parallel_loop3A_651 : i32
      %parallel_loop3A_653 = arith.constant 39 : i32
      %parallel_loop3A_654 = arith.index_cast %parallel_loop3A_653 : i32 to index
      %parallel_loop3A_655 = arith.index_cast %parallel_loop3A_652 : i32 to index
      %parallel_loop3A_656 = tpu.vector_load %arg9[%parallel_loop3A_654, %parallel_loop3A_655] {strides = array<i32>} : memref<56x1024xf32, #tpu.memory_space<vmem>>, vector<1x16xf32>,
      %parallel_loop3A_657 = vector.shape_cast %parallel_loop3A_656 : vector<1x16xf32> to vector<16xf32>
      %parallel_loop3A_658 = vector.shape_cast %parallel_loop3A_594 : vector<16xf32> to vector<1x16xf32>
      tpu.vector_store %arg9[%parallel_loop3A_654, %parallel_loop3A_655], %parallel_loop3A_658 {add = true, strides = array<i32>} : memref<56x1024xf32, #tpu.memory_space<vmem>>, vector<1x16xf32>,
      %parallel_loop3A_659 = arith.constant 16 : i32
      %parallel_loop3A_660 = arith.muli %parallel_loop3A_589, %parallel_loop3A_659 : i32
      %parallel_loop3A_661 = arith.constant 40 : i32
      %parallel_loop3A_662 = arith.index_cast %parallel_loop3A_661 : i32 to index
      %parallel_loop3A_663 = arith.index_cast %parallel_loop3A_660 : i32 to index
      %parallel_loop3A_664 = tpu.vector_load %arg9[%parallel_loop3A_662, %parallel_loop3A_663] {strides = array<i32>} : memref<56x1024xf32, #tpu.memory_space<vmem>>, vector<1x16xf32>,
      %parallel_loop3A_665 = vector.shape_cast %parallel_loop3A_664 : vector<1x16xf32> to vector<16xf32>
      %parallel_loop3A_666 = vector.shape_cast %parallel_loop3A_594 : vector<16xf32> to vector<1x16xf32>
      tpu.vector_store %arg9[%parallel_loop3A_662, %parallel_loop3A_663], %parallel_loop3A_666 {add = true, strides = array<i32>} : memref<56x1024xf32, #tpu.memory_space<vmem>>, vector<1x16xf32>,
      %parallel_loop3A_667 = arith.constant 16 : i32
      %parallel_loop3A_668 = arith.muli %parallel_loop3A_589, %parallel_loop3A_667 : i32
      %parallel_loop3A_669 = arith.constant 41 : i32
      %parallel_loop3A_670 = arith.index_cast %parallel_loop3A_669 : i32 to index
      %parallel_loop3A_671 = arith.index_cast %parallel_loop3A_668 : i32 to index
      %parallel_loop3A_672 = tpu.vector_load %arg9[%parallel_loop3A_670, %parallel_loop3A_671] {strides = array<i32>} : memref<56x1024xf32, #tpu.memory_space<vmem>>, vector<1x16xf32>,
      %parallel_loop3A_673 = vector.shape_cast %parallel_loop3A_672 : vector<1x16xf32> to vector<16xf32>
      %parallel_loop3A_674 = vector.shape_cast %parallel_loop3A_594 : vector<16xf32> to vector<1x16xf32>
      tpu.vector_store %arg9[%parallel_loop3A_670, %parallel_loop3A_671], %parallel_loop3A_674 {add = true, strides = array<i32>} : memref<56x1024xf32, #tpu.memory_space<vmem>>, vector<1x16xf32>,
      %parallel_loop3A_675 = arith.constant 16 : i32
      %parallel_loop3A_676 = arith.muli %parallel_loop3A_589, %parallel_loop3A_675 : i32
      %parallel_loop3A_677 = arith.constant 42 : i32
      %parallel_loop3A_678 = arith.index_cast %parallel_loop3A_677 : i32 to index
      %parallel_loop3A_679 = arith.index_cast %parallel_loop3A_676 : i32 to index
      %parallel_loop3A_680 = tpu.vector_load %arg9[%parallel_loop3A_678, %parallel_loop3A_679] {strides = array<i32>} : memref<56x1024xf32, #tpu.memory_space<vmem>>, vector<1x16xf32>,
      %parallel_loop3A_681 = vector.shape_cast %parallel_loop3A_680 : vector<1x16xf32> to vector<16xf32>
      %parallel_loop3A_682 = vector.shape_cast %parallel_loop3A_594 : vector<16xf32> to vector<1x16xf32>
      tpu.vector_store %arg9[%parallel_loop3A_678, %parallel_loop3A_679], %parallel_loop3A_682 {add = true, strides = array<i32>} : memref<56x1024xf32, #tpu.memory_space<vmem>>, vector<1x16xf32>,
      %parallel_loop3A_683 = arith.constant 16 : i32
      %parallel_loop3A_684 = arith.muli %parallel_loop3A_589, %parallel_loop3A_683 : i32
      %parallel_loop3A_685 = arith.constant 43 : i32
      %parallel_loop3A_686 = arith.index_cast %parallel_loop3A_685 : i32 to index
      %parallel_loop3A_687 = arith.index_cast %parallel_loop3A_684 : i32 to index
      %parallel_loop3A_688 = tpu.vector_load %arg9[%parallel_loop3A_686, %parallel_loop3A_687] {strides = array<i32>} : memref<56x1024xf32, #tpu.memory_space<vmem>>, vector<1x16xf32>,
      %parallel_loop3A_689 = vector.shape_cast %parallel_loop3A_688 : vector<1x16xf32> to vector<16xf32>
      %parallel_loop3A_690 = vector.shape_cast %parallel_loop3A_594 : vector<16xf32> to vector<1x16xf32>
      tpu.vector_store %arg9[%parallel_loop3A_686, %parallel_loop3A_687], %parallel_loop3A_690 {add = true, strides = array<i32>} : memref<56x1024xf32, #tpu.memory_space<vmem>>, vector<1x16xf32>,
      %parallel_loop3A_691 = arith.constant 16 : i32
      %parallel_loop3A_692 = arith.muli %parallel_loop3A_589, %parallel_loop3A_691 : i32
      %parallel_loop3A_693 = arith.constant 44 : i32
      %parallel_loop3A_694 = arith.index_cast %parallel_loop3A_693 : i32 to index
      %parallel_loop3A_695 = arith.index_cast %parallel_loop3A_692 : i32 to index
      %parallel_loop3A_696 = tpu.vector_load %arg9[%parallel_loop3A_694, %parallel_loop3A_695] {strides = array<i32>} : memref<56x1024xf32, #tpu.memory_space<vmem>>, vector<1x16xf32>,
      %parallel_loop3A_697 = vector.shape_cast %parallel_loop3A_696 : vector<1x16xf32> to vector<16xf32>
      %parallel_loop3A_698 = vector.shape_cast %parallel_loop3A_594 : vector<16xf32> to vector<1x16xf32>
      tpu.vector_store %arg9[%parallel_loop3A_694, %parallel_loop3A_695], %parallel_loop3A_698 {add = true, strides = array<i32>} : memref<56x1024xf32, #tpu.memory_space<vmem>>, vector<1x16xf32>,
      %parallel_loop3A_699 = arith.constant 16 : i32
      %parallel_loop3A_700 = arith.muli %parallel_loop3A_589, %parallel_loop3A_699 : i32
      %parallel_loop3A_701 = arith.constant 45 : i32
      %parallel_loop3A_702 = arith.index_cast %parallel_loop3A_701 : i32 to index
      %parallel_loop3A_703 = arith.index_cast %parallel_loop3A_700 : i32 to index
      %parallel_loop3A_704 = tpu.vector_load %arg9[%parallel_loop3A_702, %parallel_loop3A_703] {strides = array<i32>} : memref<56x1024xf32, #tpu.memory_space<vmem>>, vector<1x16xf32>,
      %parallel_loop3A_705 = vector.shape_cast %parallel_loop3A_704 : vector<1x16xf32> to vector<16xf32>
      %parallel_loop3A_706 = vector.shape_cast %parallel_loop3A_594 : vector<16xf32> to vector<1x16xf32>
      tpu.vector_store %arg9[%parallel_loop3A_702, %parallel_loop3A_703], %parallel_loop3A_706 {add = true, strides = array<i32>} : memref<56x1024xf32, #tpu.memory_space<vmem>>, vector<1x16xf32>,
      %parallel_loop3A_707 = arith.constant 16 : i32
      %parallel_loop3A_708 = arith.muli %parallel_loop3A_589, %parallel_loop3A_707 : i32
      %parallel_loop3A_709 = arith.constant 46 : i32
      %parallel_loop3A_710 = arith.index_cast %parallel_loop3A_709 : i32 to index
      %parallel_loop3A_711 = arith.index_cast %parallel_loop3A_708 : i32 to index
      %parallel_loop3A_712 = tpu.vector_load %arg9[%parallel_loop3A_710, %parallel_loop3A_711] {strides = array<i32>} : memref<56x1024xf32, #tpu.memory_space<vmem>>, vector<1x16xf32>,
      %parallel_loop3A_713 = vector.shape_cast %parallel_loop3A_712 : vector<1x16xf32> to vector<16xf32>
      %parallel_loop3A_714 = vector.shape_cast %parallel_loop3A_594 : vector<16xf32> to vector<1x16xf32>
      tpu.vector_store %arg9[%parallel_loop3A_710, %parallel_loop3A_711], %parallel_loop3A_714 {add = true, strides = array<i32>} : memref<56x1024xf32, #tpu.memory_space<vmem>>, vector<1x16xf32>,
      %parallel_loop3A_715 = arith.constant 16 : i32
      %parallel_loop3A_716 = arith.muli %parallel_loop3A_589, %parallel_loop3A_715 : i32
      %parallel_loop3A_717 = arith.constant 47 : i32
      %parallel_loop3A_718 = arith.index_cast %parallel_loop3A_717 : i32 to index
      %parallel_loop3A_719 = arith.index_cast %parallel_loop3A_716 : i32 to index
      %parallel_loop3A_720 = tpu.vector_load %arg9[%parallel_loop3A_718, %parallel_loop3A_719] {strides = array<i32>} : memref<56x1024xf32, #tpu.memory_space<vmem>>, vector<1x16xf32>,
      %parallel_loop3A_721 = vector.shape_cast %parallel_loop3A_720 : vector<1x16xf32> to vector<16xf32>
      %parallel_loop3A_722 = vector.shape_cast %parallel_loop3A_594 : vector<16xf32> to vector<1x16xf32>
      tpu.vector_store %arg9[%parallel_loop3A_718, %parallel_loop3A_719], %parallel_loop3A_722 {add = true, strides = array<i32>} : memref<56x1024xf32, #tpu.memory_space<vmem>>, vector<1x16xf32>,
    } {sc.loop_unroll_factor = 1 : i64, sc.parallel_access}
    %add3A_235 = arith.constant 64 : i32
    %add3A_236 = arith.addi %mul3A_32, %add3A_235 : i32
    %add3A_237 = arith.constant 32 : i32
    %add3A_238 = arith.addi %add3A_236, %add3A_237 : i32
    %dma_start3A_239 = arith.constant 1 : i32
    %dma_start3A_240 = arith.constant 32 : i32
    %dma_start3A_241 = arith.constant 0 : i32
    %dma_start3A_242 = tpu.memref_slice %arg9[%dma_start3A_240, %dma_start3A_241] : memref<56x1024xf32, #tpu.memory_space<vmem>> -> memref<16x1024xf32, #tpu.memory_space<vmem>>
    %dma_start3A_243 = arith.constant 0 : i32
    %dma_start3A_244 = tpu.memref_slice %arg5[%select_n3A, %add3A_238, %dma_start3A_243] : memref<2x4096x1024xf32, #tpu.memory_space<hbm>> -> memref<1x16x1024xf32, #tpu.memory_space<hbm>>
    %dma_start3A_245 = tpu.memref_squeeze %dma_start3A_244 : memref<1x16x1024xf32, #tpu.memory_space<hbm>> -> memref<16x1024xf32, #tpu.memory_space<hbm>>
    %dma_start3A_246 = tpu.memref_slice %arg11[%dma_start3A_239] : memref<2x!tpu.dma_semaphore, #tpu.memory_space<semaphore_mem>> -> memref<1x!tpu.dma_semaphore, #tpu.memory_space<semaphore_mem>>
    %dma_start3A_247 = tpu.memref_squeeze %dma_start3A_246 : memref<1x!tpu.dma_semaphore, #tpu.memory_space<semaphore_mem>> -> memref<!tpu.dma_semaphore, #tpu.memory_space<semaphore_mem>>
    %dma_start3A_248 = arith.constant 0 : i32
    %dma_start3A_249 = tpu.memref_slice %arg5[%select_n3A, %add3A_238, %dma_start3A_248] : memref<2x4096x1024xf32, #tpu.memory_space<hbm>> -> memref<1x16x1024xf32, #tpu.memory_space<hbm>>
    %dma_start3A_250 = tpu.memref_squeeze %dma_start3A_249 : memref<1x16x1024xf32, #tpu.memory_space<hbm>> -> memref<16x1024xf32, #tpu.memory_space<hbm>>
    %dma_start3A_251 = arith.constant 32 : i32
    %dma_start3A_252 = arith.constant 0 : i32
    %dma_start3A_253 = tpu.memref_slice %arg9[%dma_start3A_251, %dma_start3A_252] : memref<56x1024xf32, #tpu.memory_space<vmem>> -> memref<16x1024xf32, #tpu.memory_space<vmem>>
    tpu.enqueue_dma source(%dma_start3A_253 : memref<16x1024xf32, #tpu.memory_space<vmem>>) target(%dma_start3A_250 : memref<16x1024xf32, #tpu.memory_space<hbm>>) target_semaphore(%dma_start3A_247 : memref<!tpu.dma_semaphore, #tpu.memory_space<semaphore_mem>>)
    %parallel_loop3A_254 = arith.constant 0 : i32
    %parallel_loop3A_255 = arith.constant 64 : i32
    %parallel_loop3A_256 = arith.constant 1 : i32
    scf.for %parallel_loop3A_589 = %parallel_loop3A_254 to %parallel_loop3A_255 step %parallel_loop3A_256  : i32 {
      %parallel_loop3A_590 = arith.constant 16 : i32
      %parallel_loop3A_591 = arith.muli %parallel_loop3A_589, %parallel_loop3A_590 : i32
      %parallel_loop3A_592 = arith.index_cast %parallel_loop3A_591 : i32 to index
      %parallel_loop3A_593 = tpu.vector_load %arg7[%parallel_loop3A_592] {strides = array<i32>} : memref<1024xf32, #tpu.memory_space<vmem>>, vector<16xf32>,
      %parallel_loop3A_594 = vector.shape_cast %parallel_loop3A_593 : vector<16xf32> to vector<16xf32>
      %parallel_loop3A_595 = arith.constant 16 : i32
      %parallel_loop3A_596 = arith.muli %parallel_loop3A_589, %parallel_loop3A_595 : i32
      %parallel_loop3A_597 = arith.constant 48 : i32
      %parallel_loop3A_598 = arith.index_cast %parallel_loop3A_597 : i32 to index
      %parallel_loop3A_599 = arith.index_cast %parallel_loop3A_596 : i32 to index
      %parallel_loop3A_600 = tpu.vector_load %arg9[%parallel_loop3A_598, %parallel_loop3A_599] {strides = array<i32>} : memref<56x1024xf32, #tpu.memory_space<vmem>>, vector<1x16xf32>,
      %parallel_loop3A_601 = vector.shape_cast %parallel_loop3A_600 : vector<1x16xf32> to vector<16xf32>
      %parallel_loop3A_602 = vector.shape_cast %parallel_loop3A_594 : vector<16xf32> to vector<1x16xf32>
      tpu.vector_store %arg9[%parallel_loop3A_598, %parallel_loop3A_599], %parallel_loop3A_602 {add = true, strides = array<i32>} : memref<56x1024xf32, #tpu.memory_space<vmem>>, vector<1x16xf32>,
      %parallel_loop3A_603 = arith.constant 16 : i32
      %parallel_loop3A_604 = arith.muli %parallel_loop3A_589, %parallel_loop3A_603 : i32
      %parallel_loop3A_605 = arith.constant 49 : i32
      %parallel_loop3A_606 = arith.index_cast %parallel_loop3A_605 : i32 to index
      %parallel_loop3A_607 = arith.index_cast %parallel_loop3A_604 : i32 to index
      %parallel_loop3A_608 = tpu.vector_load %arg9[%parallel_loop3A_606, %parallel_loop3A_607] {strides = array<i32>} : memref<56x1024xf32, #tpu.memory_space<vmem>>, vector<1x16xf32>,
      %parallel_loop3A_609 = vector.shape_cast %parallel_loop3A_608 : vector<1x16xf32> to vector<16xf32>
      %parallel_loop3A_610 = vector.shape_cast %parallel_loop3A_594 : vector<16xf32> to vector<1x16xf32>
      tpu.vector_store %arg9[%parallel_loop3A_606, %parallel_loop3A_607], %parallel_loop3A_610 {add = true, strides = array<i32>} : memref<56x1024xf32, #tpu.memory_space<vmem>>, vector<1x16xf32>,
      %parallel_loop3A_611 = arith.constant 16 : i32
      %parallel_loop3A_612 = arith.muli %parallel_loop3A_589, %parallel_loop3A_611 : i32
      %parallel_loop3A_613 = arith.constant 50 : i32
      %parallel_loop3A_614 = arith.index_cast %parallel_loop3A_613 : i32 to index
      %parallel_loop3A_615 = arith.index_cast %parallel_loop3A_612 : i32 to index
      %parallel_loop3A_616 = tpu.vector_load %arg9[%parallel_loop3A_614, %parallel_loop3A_615] {strides = array<i32>} : memref<56x1024xf32, #tpu.memory_space<vmem>>, vector<1x16xf32>,
      %parallel_loop3A_617 = vector.shape_cast %parallel_loop3A_616 : vector<1x16xf32> to vector<16xf32>
      %parallel_loop3A_618 = vector.shape_cast %parallel_loop3A_594 : vector<16xf32> to vector<1x16xf32>
      tpu.vector_store %arg9[%parallel_loop3A_614, %parallel_loop3A_615], %parallel_loop3A_618 {add = true, strides = array<i32>} : memref<56x1024xf32, #tpu.memory_space<vmem>>, vector<1x16xf32>,
      %parallel_loop3A_619 = arith.constant 16 : i32
      %parallel_loop3A_620 = arith.muli %parallel_loop3A_589, %parallel_loop3A_619 : i32
      %parallel_loop3A_621 = arith.constant 51 : i32
      %parallel_loop3A_622 = arith.index_cast %parallel_loop3A_621 : i32 to index
      %parallel_loop3A_623 = arith.index_cast %parallel_loop3A_620 : i32 to index
      %parallel_loop3A_624 = tpu.vector_load %arg9[%parallel_loop3A_622, %parallel_loop3A_623] {strides = array<i32>} : memref<56x1024xf32, #tpu.memory_space<vmem>>, vector<1x16xf32>,
      %parallel_loop3A_625 = vector.shape_cast %parallel_loop3A_624 : vector<1x16xf32> to vector<16xf32>
      %parallel_loop3A_626 = vector.shape_cast %parallel_loop3A_594 : vector<16xf32> to vector<1x16xf32>
      tpu.vector_store %arg9[%parallel_loop3A_622, %parallel_loop3A_623], %parallel_loop3A_626 {add = true, strides = array<i32>} : memref<56x1024xf32, #tpu.memory_space<vmem>>, vector<1x16xf32>,
      %parallel_loop3A_627 = arith.constant 16 : i32
      %parallel_loop3A_628 = arith.muli %parallel_loop3A_589, %parallel_loop3A_627 : i32
      %parallel_loop3A_629 = arith.constant 52 : i32
      %parallel_loop3A_630 = arith.index_cast %parallel_loop3A_629 : i32 to index
      %parallel_loop3A_631 = arith.index_cast %parallel_loop3A_628 : i32 to index
      %parallel_loop3A_632 = tpu.vector_load %arg9[%parallel_loop3A_630, %parallel_loop3A_631] {strides = array<i32>} : memref<56x1024xf32, #tpu.memory_space<vmem>>, vector<1x16xf32>,
      %parallel_loop3A_633 = vector.shape_cast %parallel_loop3A_632 : vector<1x16xf32> to vector<16xf32>
      %parallel_loop3A_634 = vector.shape_cast %parallel_loop3A_594 : vector<16xf32> to vector<1x16xf32>
      tpu.vector_store %arg9[%parallel_loop3A_630, %parallel_loop3A_631], %parallel_loop3A_634 {add = true, strides = array<i32>} : memref<56x1024xf32, #tpu.memory_space<vmem>>, vector<1x16xf32>,
      %parallel_loop3A_635 = arith.constant 16 : i32
      %parallel_loop3A_636 = arith.muli %parallel_loop3A_589, %parallel_loop3A_635 : i32
      %parallel_loop3A_637 = arith.constant 53 : i32
      %parallel_loop3A_638 = arith.index_cast %parallel_loop3A_637 : i32 to index
      %parallel_loop3A_639 = arith.index_cast %parallel_loop3A_636 : i32 to index
      %parallel_loop3A_640 = tpu.vector_load %arg9[%parallel_loop3A_638, %parallel_loop3A_639] {strides = array<i32>} : memref<56x1024xf32, #tpu.memory_space<vmem>>, vector<1x16xf32>,
      %parallel_loop3A_641 = vector.shape_cast %parallel_loop3A_640 : vector<1x16xf32> to vector<16xf32>
      %parallel_loop3A_642 = vector.shape_cast %parallel_loop3A_594 : vector<16xf32> to vector<1x16xf32>
      tpu.vector_store %arg9[%parallel_loop3A_638, %parallel_loop3A_639], %parallel_loop3A_642 {add = true, strides = array<i32>} : memref<56x1024xf32, #tpu.memory_space<vmem>>, vector<1x16xf32>,
      %parallel_loop3A_643 = arith.constant 16 : i32
      %parallel_loop3A_644 = arith.muli %parallel_loop3A_589, %parallel_loop3A_643 : i32
      %parallel_loop3A_645 = arith.constant 54 : i32
      %parallel_loop3A_646 = arith.index_cast %parallel_loop3A_645 : i32 to index
      %parallel_loop3A_647 = arith.index_cast %parallel_loop3A_644 : i32 to index
      %parallel_loop3A_648 = tpu.vector_load %arg9[%parallel_loop3A_646, %parallel_loop3A_647] {strides = array<i32>} : memref<56x1024xf32, #tpu.memory_space<vmem>>, vector<1x16xf32>,
      %parallel_loop3A_649 = vector.shape_cast %parallel_loop3A_648 : vector<1x16xf32> to vector<16xf32>
      %parallel_loop3A_650 = vector.shape_cast %parallel_loop3A_594 : vector<16xf32> to vector<1x16xf32>
      tpu.vector_store %arg9[%parallel_loop3A_646, %parallel_loop3A_647], %parallel_loop3A_650 {add = true, strides = array<i32>} : memref<56x1024xf32, #tpu.memory_space<vmem>>, vector<1x16xf32>,
      %parallel_loop3A_651 = arith.constant 16 : i32
      %parallel_loop3A_652 = arith.muli %parallel_loop3A_589, %parallel_loop3A_651 : i32
      %parallel_loop3A_653 = arith.constant 55 : i32
      %parallel_loop3A_654 = arith.index_cast %parallel_loop3A_653 : i32 to index
      %parallel_loop3A_655 = arith.index_cast %parallel_loop3A_652 : i32 to index
      %parallel_loop3A_656 = tpu.vector_load %arg9[%parallel_loop3A_654, %parallel_loop3A_655] {strides = array<i32>} : memref<56x1024xf32, #tpu.memory_space<vmem>>, vector<1x16xf32>,
      %parallel_loop3A_657 = vector.shape_cast %parallel_loop3A_656 : vector<1x16xf32> to vector<16xf32>
      %parallel_loop3A_658 = vector.shape_cast %parallel_loop3A_594 : vector<16xf32> to vector<1x16xf32>
      tpu.vector_store %arg9[%parallel_loop3A_654, %parallel_loop3A_655], %parallel_loop3A_658 {add = true, strides = array<i32>} : memref<56x1024xf32, #tpu.memory_space<vmem>>, vector<1x16xf32>,
    } {sc.loop_unroll_factor = 1 : i64, sc.parallel_access}
    %add3A_257 = arith.constant 64 : i32
    %add3A_258 = arith.addi %mul3A_32, %add3A_257 : i32
    %add3A_259 = arith.constant 48 : i32
    %add3A_260 = arith.addi %add3A_258, %add3A_259 : i32
    %dma_start3A_261 = arith.constant 1 : i32
    %dma_start3A_262 = arith.constant 48 : i32
    %dma_start3A_263 = arith.constant 0 : i32
    %dma_start3A_264 = tpu.memref_slice %arg9[%dma_start3A_262, %dma_start3A_263] : memref<56x1024xf32, #tpu.memory_space<vmem>> -> memref<8x1024xf32, #tpu.memory_space<vmem>>
    %dma_start3A_265 = arith.constant 0 : i32
    %dma_start3A_266 = tpu.memref_slice %arg5[%select_n3A, %add3A_260, %dma_start3A_265] : memref<2x4096x1024xf32, #tpu.memory_space<hbm>> -> memref<1x8x1024xf32, #tpu.memory_space<hbm>>
    %dma_start3A_267 = tpu.memref_squeeze %dma_start3A_266 : memref<1x8x1024xf32, #tpu.memory_space<hbm>> -> memref<8x1024xf32, #tpu.memory_space<hbm>>
    %dma_start3A_268 = tpu.memref_slice %arg11[%dma_start3A_261] : memref<2x!tpu.dma_semaphore, #tpu.memory_space<semaphore_mem>> -> memref<1x!tpu.dma_semaphore, #tpu.memory_space<semaphore_mem>>
    %dma_start3A_269 = tpu.memref_squeeze %dma_start3A_268 : memref<1x!tpu.dma_semaphore, #tpu.memory_space<semaphore_mem>> -> memref<!tpu.dma_semaphore, #tpu.memory_space<semaphore_mem>>
    %dma_start3A_270 = arith.constant 0 : i32
    %dma_start3A_271 = tpu.memref_slice %arg5[%select_n3A, %add3A_260, %dma_start3A_270] : memref<2x4096x1024xf32, #tpu.memory_space<hbm>> -> memref<1x8x1024xf32, #tpu.memory_space<hbm>>
    %dma_start3A_272 = tpu.memref_squeeze %dma_start3A_271 : memref<1x8x1024xf32, #tpu.memory_space<hbm>> -> memref<8x1024xf32, #tpu.memory_space<hbm>>
    %dma_start3A_273 = arith.constant 48 : i32
    %dma_start3A_274 = arith.constant 0 : i32
    %dma_start3A_275 = tpu.memref_slice %arg9[%dma_start3A_273, %dma_start3A_274] : memref<56x1024xf32, #tpu.memory_space<vmem>> -> memref<8x1024xf32, #tpu.memory_space<vmem>>
    tpu.enqueue_dma source(%dma_start3A_275 : memref<8x1024xf32, #tpu.memory_space<vmem>>) target(%dma_start3A_272 : memref<8x1024xf32, #tpu.memory_space<hbm>>) target_semaphore(%dma_start3A_269 : memref<!tpu.dma_semaphore, #tpu.memory_space<semaphore_mem>>)
    %dma_wait3A_276 = arith.constant 0 : i32
    %dma_wait3A_277 = arith.constant 0 : i32
    %dma_wait3A_278 = arith.constant 0 : i32
    %dma_wait3A_279 = tpu.memref_slice %arg8[%dma_wait3A_277, %dma_wait3A_278] : memref<64x1024xf32, #tpu.memory_space<vmem>> -> memref<64x1024xf32, #tpu.memory_space<vmem>>
    %dma_wait3A_280 = arith.constant 120 : i32
    %dma_wait3A_281 = tpu.memref_slice %arg6[%dma_wait3A_280] : memref<256xi32, #tpu.memory_space<vmem>> -> memref<64xi32, #tpu.memory_space<vmem>>
    %dma_wait3A_282 = arith.constant 0 : i32
    %dma_wait3A_283 = arith.constant 0 : i32
    %dma_wait3A_284 = tpu.memref_slice %arg4[%dma_wait3A_282, %dma_wait3A_283] : memref<250002x1024xf32, #tpu.memory_space<hbm>> -> memref<250002x1024xf32, #tpu.memory_space<hbm>>
    %dma_wait3A_285 = tpu.memref_slice %arg10[%dma_wait3A_276] : memref<2x!tpu.dma_semaphore, #tpu.memory_space<semaphore_mem>> -> memref<1x!tpu.dma_semaphore, #tpu.memory_space<semaphore_mem>>
    %dma_wait3A_286 = tpu.memref_squeeze %dma_wait3A_285 : memref<1x!tpu.dma_semaphore, #tpu.memory_space<semaphore_mem>> -> memref<!tpu.dma_semaphore, #tpu.memory_space<semaphore_mem>>
    tpu.wait_indirect_dma semaphore(%dma_wait3A_286 : memref<!tpu.dma_semaphore, #tpu.memory_space<semaphore_mem>>) src(%dma_wait3A_284 : memref<250002x1024xf32, #tpu.memory_space<hbm>>) dst(%dma_wait3A_279 : memref<64x1024xf32, #tpu.memory_space<vmem>>)
    %dma_wait3A_287 = arith.constant 1 : i32
    %dma_wait3A_288 = arith.constant 0 : i32
    %dma_wait3A_289 = arith.constant 0 : i32
    %dma_wait3A_290 = tpu.memref_slice %arg9[%dma_wait3A_288, %dma_wait3A_289] : memref<56x1024xf32, #tpu.memory_space<vmem>> -> memref<56x1024xf32, #tpu.memory_space<vmem>>
    %dma_wait3A_291 = arith.constant 0 : i32
    %dma_wait3A_292 = tpu.memref_slice %arg5[%select_n3A, %mul3A_32, %dma_wait3A_291] : memref<2x4096x1024xf32, #tpu.memory_space<hbm>> -> memref<1x56x1024xf32, #tpu.memory_space<hbm>>
    %dma_wait3A_293 = tpu.memref_squeeze %dma_wait3A_292 : memref<1x56x1024xf32, #tpu.memory_space<hbm>> -> memref<56x1024xf32, #tpu.memory_space<hbm>>
    %dma_wait3A_294 = tpu.memref_slice %arg11[%dma_wait3A_287] : memref<2x!tpu.dma_semaphore, #tpu.memory_space<semaphore_mem>> -> memref<1x!tpu.dma_semaphore, #tpu.memory_space<semaphore_mem>>
    %dma_wait3A_295 = tpu.memref_squeeze %dma_wait3A_294 : memref<1x!tpu.dma_semaphore, #tpu.memory_space<semaphore_mem>> -> memref<!tpu.dma_semaphore, #tpu.memory_space<semaphore_mem>>
    %dma_wait3A_296 = arith.constant 0 : i32
    %dma_wait3A_297 = tpu.memref_slice %arg5[%select_n3A, %mul3A_32, %dma_wait3A_296] : memref<2x4096x1024xf32, #tpu.memory_space<hbm>> -> memref<1x56x1024xf32, #tpu.memory_space<hbm>>
    %dma_wait3A_298 = tpu.memref_squeeze %dma_wait3A_297 : memref<1x56x1024xf32, #tpu.memory_space<hbm>> -> memref<56x1024xf32, #tpu.memory_space<hbm>>
    %dma_wait3A_299 = arith.constant 0 : i32
    %dma_wait3A_300 = arith.constant 0 : i32
    %dma_wait3A_301 = tpu.memref_slice %arg9[%dma_wait3A_299, %dma_wait3A_300] : memref<56x1024xf32, #tpu.memory_space<vmem>> -> memref<56x1024xf32, #tpu.memory_space<vmem>>
    tpu.wait_dma2 semaphore(%dma_wait3A_295 : memref<!tpu.dma_semaphore, #tpu.memory_space<semaphore_mem>>) src(%dma_wait3A_301 : memref<56x1024xf32, #tpu.memory_space<vmem>>) dst(%dma_wait3A_298 : memref<56x1024xf32, #tpu.memory_space<hbm>>)
    %dma_start3A_302 = arith.constant 1 : i32
    %dma_start3A_303 = arith.constant 0 : i32
    %dma_start3A_304 = arith.constant 0 : i32
    %dma_start3A_305 = tpu.memref_slice %arg9[%dma_start3A_303, %dma_start3A_304] : memref<56x1024xf32, #tpu.memory_space<vmem>> -> memref<56x1024xf32, #tpu.memory_space<vmem>>
    %dma_start3A_306 = arith.constant 184 : i32
    %dma_start3A_307 = tpu.memref_slice %arg6[%dma_start3A_306] : memref<256xi32, #tpu.memory_space<vmem>> -> memref<56xi32, #tpu.memory_space<vmem>>
    %dma_start3A_308 = arith.constant 0 : i32
    %dma_start3A_309 = arith.constant 0 : i32
    %dma_start3A_310 = tpu.memref_slice %arg4[%dma_start3A_308, %dma_start3A_309] : memref<250002x1024xf32, #tpu.memory_space<hbm>> -> memref<250002x1024xf32, #tpu.memory_space<hbm>>
    %dma_start3A_311 = tpu.memref_slice %arg10[%dma_start3A_302] : memref<2x!tpu.dma_semaphore, #tpu.memory_space<semaphore_mem>> -> memref<1x!tpu.dma_semaphore, #tpu.memory_space<semaphore_mem>>
    %dma_start3A_312 = tpu.memref_squeeze %dma_start3A_311 : memref<1x!tpu.dma_semaphore, #tpu.memory_space<semaphore_mem>> -> memref<!tpu.dma_semaphore, #tpu.memory_space<semaphore_mem>>
    tpu.enqueue_indirect_dma source(%dma_start3A_310 : memref<250002x1024xf32, #tpu.memory_space<hbm>>) target(%dma_start3A_305 : memref<56x1024xf32, #tpu.memory_space<vmem>>) offsets(%dma_start3A_307 : memref<56xi32, #tpu.memory_space<vmem>>) semaphore(%dma_start3A_312 : memref<!tpu.dma_semaphore, #tpu.memory_space<semaphore_mem>>)
    %parallel_loop3A_313 = arith.constant 0 : i32
    %parallel_loop3A_314 = arith.constant 64 : i32
    %parallel_loop3A_315 = arith.constant 1 : i32
    scf.for %parallel_loop3A_589 = %parallel_loop3A_313 to %parallel_loop3A_314 step %parallel_loop3A_315  : i32 {
      %parallel_loop3A_590 = arith.constant 16 : i32
      %parallel_loop3A_591 = arith.muli %parallel_loop3A_589, %parallel_loop3A_590 : i32
      %parallel_loop3A_592 = arith.index_cast %parallel_loop3A_591 : i32 to index
      %parallel_loop3A_593 = tpu.vector_load %arg7[%parallel_loop3A_592] {strides = array<i32>} : memref<1024xf32, #tpu.memory_space<vmem>>, vector<16xf32>,
      %parallel_loop3A_594 = vector.shape_cast %parallel_loop3A_593 : vector<16xf32> to vector<16xf32>
      %parallel_loop3A_595 = arith.constant 16 : i32
      %parallel_loop3A_596 = arith.muli %parallel_loop3A_589, %parallel_loop3A_595 : i32
      %parallel_loop3A_597 = arith.constant 0 : i32
      %parallel_loop3A_598 = arith.index_cast %parallel_loop3A_597 : i32 to index
      %parallel_loop3A_599 = arith.index_cast %parallel_loop3A_596 : i32 to index
      %parallel_loop3A_600 = tpu.vector_load %arg8[%parallel_loop3A_598, %parallel_loop3A_599] {strides = array<i32>} : memref<64x1024xf32, #tpu.memory_space<vmem>>, vector<1x16xf32>,
      %parallel_loop3A_601 = vector.shape_cast %parallel_loop3A_600 : vector<1x16xf32> to vector<16xf32>
      %parallel_loop3A_602 = vector.shape_cast %parallel_loop3A_594 : vector<16xf32> to vector<1x16xf32>
      tpu.vector_store %arg8[%parallel_loop3A_598, %parallel_loop3A_599], %parallel_loop3A_602 {add = true, strides = array<i32>} : memref<64x1024xf32, #tpu.memory_space<vmem>>, vector<1x16xf32>,
      %parallel_loop3A_603 = arith.constant 16 : i32
      %parallel_loop3A_604 = arith.muli %parallel_loop3A_589, %parallel_loop3A_603 : i32
      %parallel_loop3A_605 = arith.constant 1 : i32
      %parallel_loop3A_606 = arith.index_cast %parallel_loop3A_605 : i32 to index
      %parallel_loop3A_607 = arith.index_cast %parallel_loop3A_604 : i32 to index
      %parallel_loop3A_608 = tpu.vector_load %arg8[%parallel_loop3A_606, %parallel_loop3A_607] {strides = array<i32>} : memref<64x1024xf32, #tpu.memory_space<vmem>>, vector<1x16xf32>,
      %parallel_loop3A_609 = vector.shape_cast %parallel_loop3A_608 : vector<1x16xf32> to vector<16xf32>
      %parallel_loop3A_610 = vector.shape_cast %parallel_loop3A_594 : vector<16xf32> to vector<1x16xf32>
      tpu.vector_store %arg8[%parallel_loop3A_606, %parallel_loop3A_607], %parallel_loop3A_610 {add = true, strides = array<i32>} : memref<64x1024xf32, #tpu.memory_space<vmem>>, vector<1x16xf32>,
      %parallel_loop3A_611 = arith.constant 16 : i32
      %parallel_loop3A_612 = arith.muli %parallel_loop3A_589, %parallel_loop3A_611 : i32
      %parallel_loop3A_613 = arith.constant 2 : i32
      %parallel_loop3A_614 = arith.index_cast %parallel_loop3A_613 : i32 to index
      %parallel_loop3A_615 = arith.index_cast %parallel_loop3A_612 : i32 to index
      %parallel_loop3A_616 = tpu.vector_load %arg8[%parallel_loop3A_614, %parallel_loop3A_615] {strides = array<i32>} : memref<64x1024xf32, #tpu.memory_space<vmem>>, vector<1x16xf32>,
      %parallel_loop3A_617 = vector.shape_cast %parallel_loop3A_616 : vector<1x16xf32> to vector<16xf32>
      %parallel_loop3A_618 = vector.shape_cast %parallel_loop3A_594 : vector<16xf32> to vector<1x16xf32>
      tpu.vector_store %arg8[%parallel_loop3A_614, %parallel_loop3A_615], %parallel_loop3A_618 {add = true, strides = array<i32>} : memref<64x1024xf32, #tpu.memory_space<vmem>>, vector<1x16xf32>,
      %parallel_loop3A_619 = arith.constant 16 : i32
      %parallel_loop3A_620 = arith.muli %parallel_loop3A_589, %parallel_loop3A_619 : i32
      %parallel_loop3A_621 = arith.constant 3 : i32
      %parallel_loop3A_622 = arith.index_cast %parallel_loop3A_621 : i32 to index
      %parallel_loop3A_623 = arith.index_cast %parallel_loop3A_620 : i32 to index
      %parallel_loop3A_624 = tpu.vector_load %arg8[%parallel_loop3A_622, %parallel_loop3A_623] {strides = array<i32>} : memref<64x1024xf32, #tpu.memory_space<vmem>>, vector<1x16xf32>,
      %parallel_loop3A_625 = vector.shape_cast %parallel_loop3A_624 : vector<1x16xf32> to vector<16xf32>
      %parallel_loop3A_626 = vector.shape_cast %parallel_loop3A_594 : vector<16xf32> to vector<1x16xf32>
      tpu.vector_store %arg8[%parallel_loop3A_622, %parallel_loop3A_623], %parallel_loop3A_626 {add = true, strides = array<i32>} : memref<64x1024xf32, #tpu.memory_space<vmem>>, vector<1x16xf32>,
      %parallel_loop3A_627 = arith.constant 16 : i32
      %parallel_loop3A_628 = arith.muli %parallel_loop3A_589, %parallel_loop3A_627 : i32
      %parallel_loop3A_629 = arith.constant 4 : i32
      %parallel_loop3A_630 = arith.index_cast %parallel_loop3A_629 : i32 to index
      %parallel_loop3A_631 = arith.index_cast %parallel_loop3A_628 : i32 to index
      %parallel_loop3A_632 = tpu.vector_load %arg8[%parallel_loop3A_630, %parallel_loop3A_631] {strides = array<i32>} : memref<64x1024xf32, #tpu.memory_space<vmem>>, vector<1x16xf32>,
      %parallel_loop3A_633 = vector.shape_cast %parallel_loop3A_632 : vector<1x16xf32> to vector<16xf32>
      %parallel_loop3A_634 = vector.shape_cast %parallel_loop3A_594 : vector<16xf32> to vector<1x16xf32>
      tpu.vector_store %arg8[%parallel_loop3A_630, %parallel_loop3A_631], %parallel_loop3A_634 {add = true, strides = array<i32>} : memref<64x1024xf32, #tpu.memory_space<vmem>>, vector<1x16xf32>,
      %parallel_loop3A_635 = arith.constant 16 : i32
      %parallel_loop3A_636 = arith.muli %parallel_loop3A_589, %parallel_loop3A_635 : i32
      %parallel_loop3A_637 = arith.constant 5 : i32
      %parallel_loop3A_638 = arith.index_cast %parallel_loop3A_637 : i32 to index
      %parallel_loop3A_639 = arith.index_cast %parallel_loop3A_636 : i32 to index
      %parallel_loop3A_640 = tpu.vector_load %arg8[%parallel_loop3A_638, %parallel_loop3A_639] {strides = array<i32>} : memref<64x1024xf32, #tpu.memory_space<vmem>>, vector<1x16xf32>,
      %parallel_loop3A_641 = vector.shape_cast %parallel_loop3A_640 : vector<1x16xf32> to vector<16xf32>
      %parallel_loop3A_642 = vector.shape_cast %parallel_loop3A_594 : vector<16xf32> to vector<1x16xf32>
      tpu.vector_store %arg8[%parallel_loop3A_638, %parallel_loop3A_639], %parallel_loop3A_642 {add = true, strides = array<i32>} : memref<64x1024xf32, #tpu.memory_space<vmem>>, vector<1x16xf32>,
      %parallel_loop3A_643 = arith.constant 16 : i32
      %parallel_loop3A_644 = arith.muli %parallel_loop3A_589, %parallel_loop3A_643 : i32
      %parallel_loop3A_645 = arith.constant 6 : i32
      %parallel_loop3A_646 = arith.index_cast %parallel_loop3A_645 : i32 to index
      %parallel_loop3A_647 = arith.index_cast %parallel_loop3A_644 : i32 to index
      %parallel_loop3A_648 = tpu.vector_load %arg8[%parallel_loop3A_646, %parallel_loop3A_647] {strides = array<i32>} : memref<64x1024xf32, #tpu.memory_space<vmem>>, vector<1x16xf32>,
      %parallel_loop3A_649 = vector.shape_cast %parallel_loop3A_648 : vector<1x16xf32> to vector<16xf32>
      %parallel_loop3A_650 = vector.shape_cast %parallel_loop3A_594 : vector<16xf32> to vector<1x16xf32>
      tpu.vector_store %arg8[%parallel_loop3A_646, %parallel_loop3A_647], %parallel_loop3A_650 {add = true, strides = array<i32>} : memref<64x1024xf32, #tpu.memory_space<vmem>>, vector<1x16xf32>,
      %parallel_loop3A_651 = arith.constant 16 : i32
      %parallel_loop3A_652 = arith.muli %parallel_loop3A_589, %parallel_loop3A_651 : i32
      %parallel_loop3A_653 = arith.constant 7 : i32
      %parallel_loop3A_654 = arith.index_cast %parallel_loop3A_653 : i32 to index
      %parallel_loop3A_655 = arith.index_cast %parallel_loop3A_652 : i32 to index
      %parallel_loop3A_656 = tpu.vector_load %arg8[%parallel_loop3A_654, %parallel_loop3A_655] {strides = array<i32>} : memref<64x1024xf32, #tpu.memory_space<vmem>>, vector<1x16xf32>,
      %parallel_loop3A_657 = vector.shape_cast %parallel_loop3A_656 : vector<1x16xf32> to vector<16xf32>
      %parallel_loop3A_658 = vector.shape_cast %parallel_loop3A_594 : vector<16xf32> to vector<1x16xf32>
      tpu.vector_store %arg8[%parallel_loop3A_654, %parallel_loop3A_655], %parallel_loop3A_658 {add = true, strides = array<i32>} : memref<64x1024xf32, #tpu.memory_space<vmem>>, vector<1x16xf32>,
      %parallel_loop3A_659 = arith.constant 16 : i32
      %parallel_loop3A_660 = arith.muli %parallel_loop3A_589, %parallel_loop3A_659 : i32
      %parallel_loop3A_661 = arith.constant 8 : i32
      %parallel_loop3A_662 = arith.index_cast %parallel_loop3A_661 : i32 to index
      %parallel_loop3A_663 = arith.index_cast %parallel_loop3A_660 : i32 to index
      %parallel_loop3A_664 = tpu.vector_load %arg8[%parallel_loop3A_662, %parallel_loop3A_663] {strides = array<i32>} : memref<64x1024xf32, #tpu.memory_space<vmem>>, vector<1x16xf32>,
      %parallel_loop3A_665 = vector.shape_cast %parallel_loop3A_664 : vector<1x16xf32> to vector<16xf32>
      %parallel_loop3A_666 = vector.shape_cast %parallel_loop3A_594 : vector<16xf32> to vector<1x16xf32>
      tpu.vector_store %arg8[%parallel_loop3A_662, %parallel_loop3A_663], %parallel_loop3A_666 {add = true, strides = array<i32>} : memref<64x1024xf32, #tpu.memory_space<vmem>>, vector<1x16xf32>,
      %parallel_loop3A_667 = arith.constant 16 : i32
      %parallel_loop3A_668 = arith.muli %parallel_loop3A_589, %parallel_loop3A_667 : i32
      %parallel_loop3A_669 = arith.constant 9 : i32
      %parallel_loop3A_670 = arith.index_cast %parallel_loop3A_669 : i32 to index
      %parallel_loop3A_671 = arith.index_cast %parallel_loop3A_668 : i32 to index
      %parallel_loop3A_672 = tpu.vector_load %arg8[%parallel_loop3A_670, %parallel_loop3A_671] {strides = array<i32>} : memref<64x1024xf32, #tpu.memory_space<vmem>>, vector<1x16xf32>,
      %parallel_loop3A_673 = vector.shape_cast %parallel_loop3A_672 : vector<1x16xf32> to vector<16xf32>
      %parallel_loop3A_674 = vector.shape_cast %parallel_loop3A_594 : vector<16xf32> to vector<1x16xf32>
      tpu.vector_store %arg8[%parallel_loop3A_670, %parallel_loop3A_671], %parallel_loop3A_674 {add = true, strides = array<i32>} : memref<64x1024xf32, #tpu.memory_space<vmem>>, vector<1x16xf32>,
      %parallel_loop3A_675 = arith.constant 16 : i32
      %parallel_loop3A_676 = arith.muli %parallel_loop3A_589, %parallel_loop3A_675 : i32
      %parallel_loop3A_677 = arith.constant 10 : i32
      %parallel_loop3A_678 = arith.index_cast %parallel_loop3A_677 : i32 to index
      %parallel_loop3A_679 = arith.index_cast %parallel_loop3A_676 : i32 to index
      %parallel_loop3A_680 = tpu.vector_load %arg8[%parallel_loop3A_678, %parallel_loop3A_679] {strides = array<i32>} : memref<64x1024xf32, #tpu.memory_space<vmem>>, vector<1x16xf32>,
      %parallel_loop3A_681 = vector.shape_cast %parallel_loop3A_680 : vector<1x16xf32> to vector<16xf32>
      %parallel_loop3A_682 = vector.shape_cast %parallel_loop3A_594 : vector<16xf32> to vector<1x16xf32>
      tpu.vector_store %arg8[%parallel_loop3A_678, %parallel_loop3A_679], %parallel_loop3A_682 {add = true, strides = array<i32>} : memref<64x1024xf32, #tpu.memory_space<vmem>>, vector<1x16xf32>,
      %parallel_loop3A_683 = arith.constant 16 : i32
      %parallel_loop3A_684 = arith.muli %parallel_loop3A_589, %parallel_loop3A_683 : i32
      %parallel_loop3A_685 = arith.constant 11 : i32
      %parallel_loop3A_686 = arith.index_cast %parallel_loop3A_685 : i32 to index
      %parallel_loop3A_687 = arith.index_cast %parallel_loop3A_684 : i32 to index
      %parallel_loop3A_688 = tpu.vector_load %arg8[%parallel_loop3A_686, %parallel_loop3A_687] {strides = array<i32>} : memref<64x1024xf32, #tpu.memory_space<vmem>>, vector<1x16xf32>,
      %parallel_loop3A_689 = vector.shape_cast %parallel_loop3A_688 : vector<1x16xf32> to vector<16xf32>
      %parallel_loop3A_690 = vector.shape_cast %parallel_loop3A_594 : vector<16xf32> to vector<1x16xf32>
      tpu.vector_store %arg8[%parallel_loop3A_686, %parallel_loop3A_687], %parallel_loop3A_690 {add = true, strides = array<i32>} : memref<64x1024xf32, #tpu.memory_space<vmem>>, vector<1x16xf32>,
      %parallel_loop3A_691 = arith.constant 16 : i32
      %parallel_loop3A_692 = arith.muli %parallel_loop3A_589, %parallel_loop3A_691 : i32
      %parallel_loop3A_693 = arith.constant 12 : i32
      %parallel_loop3A_694 = arith.index_cast %parallel_loop3A_693 : i32 to index
      %parallel_loop3A_695 = arith.index_cast %parallel_loop3A_692 : i32 to index
      %parallel_loop3A_696 = tpu.vector_load %arg8[%parallel_loop3A_694, %parallel_loop3A_695] {strides = array<i32>} : memref<64x1024xf32, #tpu.memory_space<vmem>>, vector<1x16xf32>,
      %parallel_loop3A_697 = vector.shape_cast %parallel_loop3A_696 : vector<1x16xf32> to vector<16xf32>
      %parallel_loop3A_698 = vector.shape_cast %parallel_loop3A_594 : vector<16xf32> to vector<1x16xf32>
      tpu.vector_store %arg8[%parallel_loop3A_694, %parallel_loop3A_695], %parallel_loop3A_698 {add = true, strides = array<i32>} : memref<64x1024xf32, #tpu.memory_space<vmem>>, vector<1x16xf32>,
      %parallel_loop3A_699 = arith.constant 16 : i32
      %parallel_loop3A_700 = arith.muli %parallel_loop3A_589, %parallel_loop3A_699 : i32
      %parallel_loop3A_701 = arith.constant 13 : i32
      %parallel_loop3A_702 = arith.index_cast %parallel_loop3A_701 : i32 to index
      %parallel_loop3A_703 = arith.index_cast %parallel_loop3A_700 : i32 to index
      %parallel_loop3A_704 = tpu.vector_load %arg8[%parallel_loop3A_702, %parallel_loop3A_703] {strides = array<i32>} : memref<64x1024xf32, #tpu.memory_space<vmem>>, vector<1x16xf32>,
      %parallel_loop3A_705 = vector.shape_cast %parallel_loop3A_704 : vector<1x16xf32> to vector<16xf32>
      %parallel_loop3A_706 = vector.shape_cast %parallel_loop3A_594 : vector<16xf32> to vector<1x16xf32>
      tpu.vector_store %arg8[%parallel_loop3A_702, %parallel_loop3A_703], %parallel_loop3A_706 {add = true, strides = array<i32>} : memref<64x1024xf32, #tpu.memory_space<vmem>>, vector<1x16xf32>,
      %parallel_loop3A_707 = arith.constant 16 : i32
      %parallel_loop3A_708 = arith.muli %parallel_loop3A_589, %parallel_loop3A_707 : i32
      %parallel_loop3A_709 = arith.constant 14 : i32
      %parallel_loop3A_710 = arith.index_cast %parallel_loop3A_709 : i32 to index
      %parallel_loop3A_711 = arith.index_cast %parallel_loop3A_708 : i32 to index
      %parallel_loop3A_712 = tpu.vector_load %arg8[%parallel_loop3A_710, %parallel_loop3A_711] {strides = array<i32>} : memref<64x1024xf32, #tpu.memory_space<vmem>>, vector<1x16xf32>,
      %parallel_loop3A_713 = vector.shape_cast %parallel_loop3A_712 : vector<1x16xf32> to vector<16xf32>
      %parallel_loop3A_714 = vector.shape_cast %parallel_loop3A_594 : vector<16xf32> to vector<1x16xf32>
      tpu.vector_store %arg8[%parallel_loop3A_710, %parallel_loop3A_711], %parallel_loop3A_714 {add = true, strides = array<i32>} : memref<64x1024xf32, #tpu.memory_space<vmem>>, vector<1x16xf32>,
      %parallel_loop3A_715 = arith.constant 16 : i32
      %parallel_loop3A_716 = arith.muli %parallel_loop3A_589, %parallel_loop3A_715 : i32
      %parallel_loop3A_717 = arith.constant 15 : i32
      %parallel_loop3A_718 = arith.index_cast %parallel_loop3A_717 : i32 to index
      %parallel_loop3A_719 = arith.index_cast %parallel_loop3A_716 : i32 to index
      %parallel_loop3A_720 = tpu.vector_load %arg8[%parallel_loop3A_718, %parallel_loop3A_719] {strides = array<i32>} : memref<64x1024xf32, #tpu.memory_space<vmem>>, vector<1x16xf32>,
      %parallel_loop3A_721 = vector.shape_cast %parallel_loop3A_720 : vector<1x16xf32> to vector<16xf32>
      %parallel_loop3A_722 = vector.shape_cast %parallel_loop3A_594 : vector<16xf32> to vector<1x16xf32>
      tpu.vector_store %arg8[%parallel_loop3A_718, %parallel_loop3A_719], %parallel_loop3A_722 {add = true, strides = array<i32>} : memref<64x1024xf32, #tpu.memory_space<vmem>>, vector<1x16xf32>,
    } {sc.loop_unroll_factor = 1 : i64, sc.parallel_access}
    %add3A_316 = arith.constant 120 : i32
    %add3A_317 = arith.addi %mul3A_32, %add3A_316 : i32
    %add3A_318 = arith.constant 0 : i32
    %add3A_319 = arith.addi %add3A_317, %add3A_318 : i32
    %dma_start3A_320 = arith.constant 0 : i32
    %dma_start3A_321 = arith.constant 0 : i32
    %dma_start3A_322 = arith.constant 0 : i32
    %dma_start3A_323 = tpu.memref_slice %arg8[%dma_start3A_321, %dma_start3A_322] : memref<64x1024xf32, #tpu.memory_space<vmem>> -> memref<16x1024xf32, #tpu.memory_space<vmem>>
    %dma_start3A_324 = arith.constant 0 : i32
    %dma_start3A_325 = tpu.memref_slice %arg5[%select_n3A, %add3A_319, %dma_start3A_324] : memref<2x4096x1024xf32, #tpu.memory_space<hbm>> -> memref<1x16x1024xf32, #tpu.memory_space<hbm>>
    %dma_start3A_326 = tpu.memref_squeeze %dma_start3A_325 : memref<1x16x1024xf32, #tpu.memory_space<hbm>> -> memref<16x1024xf32, #tpu.memory_space<hbm>>
    %dma_start3A_327 = tpu.memref_slice %arg11[%dma_start3A_320] : memref<2x!tpu.dma_semaphore, #tpu.memory_space<semaphore_mem>> -> memref<1x!tpu.dma_semaphore, #tpu.memory_space<semaphore_mem>>
    %dma_start3A_328 = tpu.memref_squeeze %dma_start3A_327 : memref<1x!tpu.dma_semaphore, #tpu.memory_space<semaphore_mem>> -> memref<!tpu.dma_semaphore, #tpu.memory_space<semaphore_mem>>
    %dma_start3A_329 = arith.constant 0 : i32
    %dma_start3A_330 = tpu.memref_slice %arg5[%select_n3A, %add3A_319, %dma_start3A_329] : memref<2x4096x1024xf32, #tpu.memory_space<hbm>> -> memref<1x16x1024xf32, #tpu.memory_space<hbm>>
    %dma_start3A_331 = tpu.memref_squeeze %dma_start3A_330 : memref<1x16x1024xf32, #tpu.memory_space<hbm>> -> memref<16x1024xf32, #tpu.memory_space<hbm>>
    %dma_start3A_332 = arith.constant 0 : i32
    %dma_start3A_333 = arith.constant 0 : i32
    %dma_start3A_334 = tpu.memref_slice %arg8[%dma_start3A_332, %dma_start3A_333] : memref<64x1024xf32, #tpu.memory_space<vmem>> -> memref<16x1024xf32, #tpu.memory_space<vmem>>
    tpu.enqueue_dma source(%dma_start3A_334 : memref<16x1024xf32, #tpu.memory_space<vmem>>) target(%dma_start3A_331 : memref<16x1024xf32, #tpu.memory_space<hbm>>) target_semaphore(%dma_start3A_328 : memref<!tpu.dma_semaphore, #tpu.memory_space<semaphore_mem>>)
    %parallel_loop3A_335 = arith.constant 0 : i32
    %parallel_loop3A_336 = arith.constant 64 : i32
    %parallel_loop3A_337 = arith.constant 1 : i32
    scf.for %parallel_loop3A_589 = %parallel_loop3A_335 to %parallel_loop3A_336 step %parallel_loop3A_337  : i32 {
      %parallel_loop3A_590 = arith.constant 16 : i32
      %parallel_loop3A_591 = arith.muli %parallel_loop3A_589, %parallel_loop3A_590 : i32
      %parallel_loop3A_592 = arith.index_cast %parallel_loop3A_591 : i32 to index
      %parallel_loop3A_593 = tpu.vector_load %arg7[%parallel_loop3A_592] {strides = array<i32>} : memref<1024xf32, #tpu.memory_space<vmem>>, vector<16xf32>,
      %parallel_loop3A_594 = vector.shape_cast %parallel_loop3A_593 : vector<16xf32> to vector<16xf32>
      %parallel_loop3A_595 = arith.constant 16 : i32
      %parallel_loop3A_596 = arith.muli %parallel_loop3A_589, %parallel_loop3A_595 : i32
      %parallel_loop3A_597 = arith.constant 16 : i32
      %parallel_loop3A_598 = arith.index_cast %parallel_loop3A_597 : i32 to index
      %parallel_loop3A_599 = arith.index_cast %parallel_loop3A_596 : i32 to index
      %parallel_loop3A_600 = tpu.vector_load %arg8[%parallel_loop3A_598, %parallel_loop3A_599] {strides = array<i32>} : memref<64x1024xf32, #tpu.memory_space<vmem>>, vector<1x16xf32>,
      %parallel_loop3A_601 = vector.shape_cast %parallel_loop3A_600 : vector<1x16xf32> to vector<16xf32>
      %parallel_loop3A_602 = vector.shape_cast %parallel_loop3A_594 : vector<16xf32> to vector<1x16xf32>
      tpu.vector_store %arg8[%parallel_loop3A_598, %parallel_loop3A_599], %parallel_loop3A_602 {add = true, strides = array<i32>} : memref<64x1024xf32, #tpu.memory_space<vmem>>, vector<1x16xf32>,
      %parallel_loop3A_603 = arith.constant 16 : i32
      %parallel_loop3A_604 = arith.muli %parallel_loop3A_589, %parallel_loop3A_603 : i32
      %parallel_loop3A_605 = arith.constant 17 : i32
      %parallel_loop3A_606 = arith.index_cast %parallel_loop3A_605 : i32 to index
      %parallel_loop3A_607 = arith.index_cast %parallel_loop3A_604 : i32 to index
      %parallel_loop3A_608 = tpu.vector_load %arg8[%parallel_loop3A_606, %parallel_loop3A_607] {strides = array<i32>} : memref<64x1024xf32, #tpu.memory_space<vmem>>, vector<1x16xf32>,
      %parallel_loop3A_609 = vector.shape_cast %parallel_loop3A_608 : vector<1x16xf32> to vector<16xf32>
      %parallel_loop3A_610 = vector.shape_cast %parallel_loop3A_594 : vector<16xf32> to vector<1x16xf32>
      tpu.vector_store %arg8[%parallel_loop3A_606, %parallel_loop3A_607], %parallel_loop3A_610 {add = true, strides = array<i32>} : memref<64x1024xf32, #tpu.memory_space<vmem>>, vector<1x16xf32>,
      %parallel_loop3A_611 = arith.constant 16 : i32
      %parallel_loop3A_612 = arith.muli %parallel_loop3A_589, %parallel_loop3A_611 : i32
      %parallel_loop3A_613 = arith.constant 18 : i32
      %parallel_loop3A_614 = arith.index_cast %parallel_loop3A_613 : i32 to index
      %parallel_loop3A_615 = arith.index_cast %parallel_loop3A_612 : i32 to index
      %parallel_loop3A_616 = tpu.vector_load %arg8[%parallel_loop3A_614, %parallel_loop3A_615] {strides = array<i32>} : memref<64x1024xf32, #tpu.memory_space<vmem>>, vector<1x16xf32>,
      %parallel_loop3A_617 = vector.shape_cast %parallel_loop3A_616 : vector<1x16xf32> to vector<16xf32>
      %parallel_loop3A_618 = vector.shape_cast %parallel_loop3A_594 : vector<16xf32> to vector<1x16xf32>
      tpu.vector_store %arg8[%parallel_loop3A_614, %parallel_loop3A_615], %parallel_loop3A_618 {add = true, strides = array<i32>} : memref<64x1024xf32, #tpu.memory_space<vmem>>, vector<1x16xf32>,
      %parallel_loop3A_619 = arith.constant 16 : i32
      %parallel_loop3A_620 = arith.muli %parallel_loop3A_589, %parallel_loop3A_619 : i32
      %parallel_loop3A_621 = arith.constant 19 : i32
      %parallel_loop3A_622 = arith.index_cast %parallel_loop3A_621 : i32 to index
      %parallel_loop3A_623 = arith.index_cast %parallel_loop3A_620 : i32 to index
      %parallel_loop3A_624 = tpu.vector_load %arg8[%parallel_loop3A_622, %parallel_loop3A_623] {strides = array<i32>} : memref<64x1024xf32, #tpu.memory_space<vmem>>, vector<1x16xf32>,
      %parallel_loop3A_625 = vector.shape_cast %parallel_loop3A_624 : vector<1x16xf32> to vector<16xf32>
      %parallel_loop3A_626 = vector.shape_cast %parallel_loop3A_594 : vector<16xf32> to vector<1x16xf32>
      tpu.vector_store %arg8[%parallel_loop3A_622, %parallel_loop3A_623], %parallel_loop3A_626 {add = true, strides = array<i32>} : memref<64x1024xf32, #tpu.memory_space<vmem>>, vector<1x16xf32>,
      %parallel_loop3A_627 = arith.constant 16 : i32
      %parallel_loop3A_628 = arith.muli %parallel_loop3A_589, %parallel_loop3A_627 : i32
      %parallel_loop3A_629 = arith.constant 20 : i32
      %parallel_loop3A_630 = arith.index_cast %parallel_loop3A_629 : i32 to index
      %parallel_loop3A_631 = arith.index_cast %parallel_loop3A_628 : i32 to index
      %parallel_loop3A_632 = tpu.vector_load %arg8[%parallel_loop3A_630, %parallel_loop3A_631] {strides = array<i32>} : memref<64x1024xf32, #tpu.memory_space<vmem>>, vector<1x16xf32>,
      %parallel_loop3A_633 = vector.shape_cast %parallel_loop3A_632 : vector<1x16xf32> to vector<16xf32>
      %parallel_loop3A_634 = vector.shape_cast %parallel_loop3A_594 : vector<16xf32> to vector<1x16xf32>
      tpu.vector_store %arg8[%parallel_loop3A_630, %parallel_loop3A_631], %parallel_loop3A_634 {add = true, strides = array<i32>} : memref<64x1024xf32, #tpu.memory_space<vmem>>, vector<1x16xf32>,
      %parallel_loop3A_635 = arith.constant 16 : i32
      %parallel_loop3A_636 = arith.muli %parallel_loop3A_589, %parallel_loop3A_635 : i32
      %parallel_loop3A_637 = arith.constant 21 : i32
      %parallel_loop3A_638 = arith.index_cast %parallel_loop3A_637 : i32 to index
      %parallel_loop3A_639 = arith.index_cast %parallel_loop3A_636 : i32 to index
      %parallel_loop3A_640 = tpu.vector_load %arg8[%parallel_loop3A_638, %parallel_loop3A_639] {strides = array<i32>} : memref<64x1024xf32, #tpu.memory_space<vmem>>, vector<1x16xf32>,
      %parallel_loop3A_641 = vector.shape_cast %parallel_loop3A_640 : vector<1x16xf32> to vector<16xf32>
      %parallel_loop3A_642 = vector.shape_cast %parallel_loop3A_594 : vector<16xf32> to vector<1x16xf32>
      tpu.vector_store %arg8[%parallel_loop3A_638, %parallel_loop3A_639], %parallel_loop3A_642 {add = true, strides = array<i32>} : memref<64x1024xf32, #tpu.memory_space<vmem>>, vector<1x16xf32>,
      %parallel_loop3A_643 = arith.constant 16 : i32
      %parallel_loop3A_644 = arith.muli %parallel_loop3A_589, %parallel_loop3A_643 : i32
      %parallel_loop3A_645 = arith.constant 22 : i32
      %parallel_loop3A_646 = arith.index_cast %parallel_loop3A_645 : i32 to index
      %parallel_loop3A_647 = arith.index_cast %parallel_loop3A_644 : i32 to index
      %parallel_loop3A_648 = tpu.vector_load %arg8[%parallel_loop3A_646, %parallel_loop3A_647] {strides = array<i32>} : memref<64x1024xf32, #tpu.memory_space<vmem>>, vector<1x16xf32>,
      %parallel_loop3A_649 = vector.shape_cast %parallel_loop3A_648 : vector<1x16xf32> to vector<16xf32>
      %parallel_loop3A_650 = vector.shape_cast %parallel_loop3A_594 : vector<16xf32> to vector<1x16xf32>
      tpu.vector_store %arg8[%parallel_loop3A_646, %parallel_loop3A_647], %parallel_loop3A_650 {add = true, strides = array<i32>} : memref<64x1024xf32, #tpu.memory_space<vmem>>, vector<1x16xf32>,
      %parallel_loop3A_651 = arith.constant 16 : i32
      %parallel_loop3A_652 = arith.muli %parallel_loop3A_589, %parallel_loop3A_651 : i32
      %parallel_loop3A_653 = arith.constant 23 : i32
      %parallel_loop3A_654 = arith.index_cast %parallel_loop3A_653 : i32 to index
      %parallel_loop3A_655 = arith.index_cast %parallel_loop3A_652 : i32 to index
      %parallel_loop3A_656 = tpu.vector_load %arg8[%parallel_loop3A_654, %parallel_loop3A_655] {strides = array<i32>} : memref<64x1024xf32, #tpu.memory_space<vmem>>, vector<1x16xf32>,
      %parallel_loop3A_657 = vector.shape_cast %parallel_loop3A_656 : vector<1x16xf32> to vector<16xf32>
      %parallel_loop3A_658 = vector.shape_cast %parallel_loop3A_594 : vector<16xf32> to vector<1x16xf32>
      tpu.vector_store %arg8[%parallel_loop3A_654, %parallel_loop3A_655], %parallel_loop3A_658 {add = true, strides = array<i32>} : memref<64x1024xf32, #tpu.memory_space<vmem>>, vector<1x16xf32>,
      %parallel_loop3A_659 = arith.constant 16 : i32
      %parallel_loop3A_660 = arith.muli %parallel_loop3A_589, %parallel_loop3A_659 : i32
      %parallel_loop3A_661 = arith.constant 24 : i32
      %parallel_loop3A_662 = arith.index_cast %parallel_loop3A_661 : i32 to index
      %parallel_loop3A_663 = arith.index_cast %parallel_loop3A_660 : i32 to index
      %parallel_loop3A_664 = tpu.vector_load %arg8[%parallel_loop3A_662, %parallel_loop3A_663] {strides = array<i32>} : memref<64x1024xf32, #tpu.memory_space<vmem>>, vector<1x16xf32>,
      %parallel_loop3A_665 = vector.shape_cast %parallel_loop3A_664 : vector<1x16xf32> to vector<16xf32>
      %parallel_loop3A_666 = vector.shape_cast %parallel_loop3A_594 : vector<16xf32> to vector<1x16xf32>
      tpu.vector_store %arg8[%parallel_loop3A_662, %parallel_loop3A_663], %parallel_loop3A_666 {add = true, strides = array<i32>} : memref<64x1024xf32, #tpu.memory_space<vmem>>, vector<1x16xf32>,
      %parallel_loop3A_667 = arith.constant 16 : i32
      %parallel_loop3A_668 = arith.muli %parallel_loop3A_589, %parallel_loop3A_667 : i32
      %parallel_loop3A_669 = arith.constant 25 : i32
      %parallel_loop3A_670 = arith.index_cast %parallel_loop3A_669 : i32 to index
      %parallel_loop3A_671 = arith.index_cast %parallel_loop3A_668 : i32 to index
      %parallel_loop3A_672 = tpu.vector_load %arg8[%parallel_loop3A_670, %parallel_loop3A_671] {strides = array<i32>} : memref<64x1024xf32, #tpu.memory_space<vmem>>, vector<1x16xf32>,
      %parallel_loop3A_673 = vector.shape_cast %parallel_loop3A_672 : vector<1x16xf32> to vector<16xf32>
      %parallel_loop3A_674 = vector.shape_cast %parallel_loop3A_594 : vector<16xf32> to vector<1x16xf32>
      tpu.vector_store %arg8[%parallel_loop3A_670, %parallel_loop3A_671], %parallel_loop3A_674 {add = true, strides = array<i32>} : memref<64x1024xf32, #tpu.memory_space<vmem>>, vector<1x16xf32>,
      %parallel_loop3A_675 = arith.constant 16 : i32
      %parallel_loop3A_676 = arith.muli %parallel_loop3A_589, %parallel_loop3A_675 : i32
      %parallel_loop3A_677 = arith.constant 26 : i32
      %parallel_loop3A_678 = arith.index_cast %parallel_loop3A_677 : i32 to index
      %parallel_loop3A_679 = arith.index_cast %parallel_loop3A_676 : i32 to index
      %parallel_loop3A_680 = tpu.vector_load %arg8[%parallel_loop3A_678, %parallel_loop3A_679] {strides = array<i32>} : memref<64x1024xf32, #tpu.memory_space<vmem>>, vector<1x16xf32>,
      %parallel_loop3A_681 = vector.shape_cast %parallel_loop3A_680 : vector<1x16xf32> to vector<16xf32>
      %parallel_loop3A_682 = vector.shape_cast %parallel_loop3A_594 : vector<16xf32> to vector<1x16xf32>
      tpu.vector_store %arg8[%parallel_loop3A_678, %parallel_loop3A_679], %parallel_loop3A_682 {add = true, strides = array<i32>} : memref<64x1024xf32, #tpu.memory_space<vmem>>, vector<1x16xf32>,
      %parallel_loop3A_683 = arith.constant 16 : i32
      %parallel_loop3A_684 = arith.muli %parallel_loop3A_589, %parallel_loop3A_683 : i32
      %parallel_loop3A_685 = arith.constant 27 : i32
      %parallel_loop3A_686 = arith.index_cast %parallel_loop3A_685 : i32 to index
      %parallel_loop3A_687 = arith.index_cast %parallel_loop3A_684 : i32 to index
      %parallel_loop3A_688 = tpu.vector_load %arg8[%parallel_loop3A_686, %parallel_loop3A_687] {strides = array<i32>} : memref<64x1024xf32, #tpu.memory_space<vmem>>, vector<1x16xf32>,
      %parallel_loop3A_689 = vector.shape_cast %parallel_loop3A_688 : vector<1x16xf32> to vector<16xf32>
      %parallel_loop3A_690 = vector.shape_cast %parallel_loop3A_594 : vector<16xf32> to vector<1x16xf32>
      tpu.vector_store %arg8[%parallel_loop3A_686, %parallel_loop3A_687], %parallel_loop3A_690 {add = true, strides = array<i32>} : memref<64x1024xf32, #tpu.memory_space<vmem>>, vector<1x16xf32>,
      %parallel_loop3A_691 = arith.constant 16 : i32
      %parallel_loop3A_692 = arith.muli %parallel_loop3A_589, %parallel_loop3A_691 : i32
      %parallel_loop3A_693 = arith.constant 28 : i32
      %parallel_loop3A_694 = arith.index_cast %parallel_loop3A_693 : i32 to index
      %parallel_loop3A_695 = arith.index_cast %parallel_loop3A_692 : i32 to index
      %parallel_loop3A_696 = tpu.vector_load %arg8[%parallel_loop3A_694, %parallel_loop3A_695] {strides = array<i32>} : memref<64x1024xf32, #tpu.memory_space<vmem>>, vector<1x16xf32>,
      %parallel_loop3A_697 = vector.shape_cast %parallel_loop3A_696 : vector<1x16xf32> to vector<16xf32>
      %parallel_loop3A_698 = vector.shape_cast %parallel_loop3A_594 : vector<16xf32> to vector<1x16xf32>
      tpu.vector_store %arg8[%parallel_loop3A_694, %parallel_loop3A_695], %parallel_loop3A_698 {add = true, strides = array<i32>} : memref<64x1024xf32, #tpu.memory_space<vmem>>, vector<1x16xf32>,
      %parallel_loop3A_699 = arith.constant 16 : i32
      %parallel_loop3A_700 = arith.muli %parallel_loop3A_589, %parallel_loop3A_699 : i32
      %parallel_loop3A_701 = arith.constant 29 : i32
      %parallel_loop3A_702 = arith.index_cast %parallel_loop3A_701 : i32 to index
      %parallel_loop3A_703 = arith.index_cast %parallel_loop3A_700 : i32 to index
      %parallel_loop3A_704 = tpu.vector_load %arg8[%parallel_loop3A_702, %parallel_loop3A_703] {strides = array<i32>} : memref<64x1024xf32, #tpu.memory_space<vmem>>, vector<1x16xf32>,
      %parallel_loop3A_705 = vector.shape_cast %parallel_loop3A_704 : vector<1x16xf32> to vector<16xf32>
      %parallel_loop3A_706 = vector.shape_cast %parallel_loop3A_594 : vector<16xf32> to vector<1x16xf32>
      tpu.vector_store %arg8[%parallel_loop3A_702, %parallel_loop3A_703], %parallel_loop3A_706 {add = true, strides = array<i32>} : memref<64x1024xf32, #tpu.memory_space<vmem>>, vector<1x16xf32>,
      %parallel_loop3A_707 = arith.constant 16 : i32
      %parallel_loop3A_708 = arith.muli %parallel_loop3A_589, %parallel_loop3A_707 : i32
      %parallel_loop3A_709 = arith.constant 30 : i32
      %parallel_loop3A_710 = arith.index_cast %parallel_loop3A_709 : i32 to index
      %parallel_loop3A_711 = arith.index_cast %parallel_loop3A_708 : i32 to index
      %parallel_loop3A_712 = tpu.vector_load %arg8[%parallel_loop3A_710, %parallel_loop3A_711] {strides = array<i32>} : memref<64x1024xf32, #tpu.memory_space<vmem>>, vector<1x16xf32>,
      %parallel_loop3A_713 = vector.shape_cast %parallel_loop3A_712 : vector<1x16xf32> to vector<16xf32>
      %parallel_loop3A_714 = vector.shape_cast %parallel_loop3A_594 : vector<16xf32> to vector<1x16xf32>
      tpu.vector_store %arg8[%parallel_loop3A_710, %parallel_loop3A_711], %parallel_loop3A_714 {add = true, strides = array<i32>} : memref<64x1024xf32, #tpu.memory_space<vmem>>, vector<1x16xf32>,
      %parallel_loop3A_715 = arith.constant 16 : i32
      %parallel_loop3A_716 = arith.muli %parallel_loop3A_589, %parallel_loop3A_715 : i32
      %parallel_loop3A_717 = arith.constant 31 : i32
      %parallel_loop3A_718 = arith.index_cast %parallel_loop3A_717 : i32 to index
      %parallel_loop3A_719 = arith.index_cast %parallel_loop3A_716 : i32 to index
      %parallel_loop3A_720 = tpu.vector_load %arg8[%parallel_loop3A_718, %parallel_loop3A_719] {strides = array<i32>} : memref<64x1024xf32, #tpu.memory_space<vmem>>, vector<1x16xf32>,
      %parallel_loop3A_721 = vector.shape_cast %parallel_loop3A_720 : vector<1x16xf32> to vector<16xf32>
      %parallel_loop3A_722 = vector.shape_cast %parallel_loop3A_594 : vector<16xf32> to vector<1x16xf32>
      tpu.vector_store %arg8[%parallel_loop3A_718, %parallel_loop3A_719], %parallel_loop3A_722 {add = true, strides = array<i32>} : memref<64x1024xf32, #tpu.memory_space<vmem>>, vector<1x16xf32>,
    } {sc.loop_unroll_factor = 1 : i64, sc.parallel_access}
    %add3A_338 = arith.constant 120 : i32
    %add3A_339 = arith.addi %mul3A_32, %add3A_338 : i32
    %add3A_340 = arith.constant 16 : i32
    %add3A_341 = arith.addi %add3A_339, %add3A_340 : i32
    %dma_start3A_342 = arith.constant 0 : i32
    %dma_start3A_343 = arith.constant 16 : i32
    %dma_start3A_344 = arith.constant 0 : i32
    %dma_start3A_345 = tpu.memref_slice %arg8[%dma_start3A_343, %dma_start3A_344] : memref<64x1024xf32, #tpu.memory_space<vmem>> -> memref<16x1024xf32, #tpu.memory_space<vmem>>
    %dma_start3A_346 = arith.constant 0 : i32
    %dma_start3A_347 = tpu.memref_slice %arg5[%select_n3A, %add3A_341, %dma_start3A_346] : memref<2x4096x1024xf32, #tpu.memory_space<hbm>> -> memref<1x16x1024xf32, #tpu.memory_space<hbm>>
    %dma_start3A_348 = tpu.memref_squeeze %dma_start3A_347 : memref<1x16x1024xf32, #tpu.memory_space<hbm>> -> memref<16x1024xf32, #tpu.memory_space<hbm>>
    %dma_start3A_349 = tpu.memref_slice %arg11[%dma_start3A_342] : memref<2x!tpu.dma_semaphore, #tpu.memory_space<semaphore_mem>> -> memref<1x!tpu.dma_semaphore, #tpu.memory_space<semaphore_mem>>
    %dma_start3A_350 = tpu.memref_squeeze %dma_start3A_349 : memref<1x!tpu.dma_semaphore, #tpu.memory_space<semaphore_mem>> -> memref<!tpu.dma_semaphore, #tpu.memory_space<semaphore_mem>>
    %dma_start3A_351 = arith.constant 0 : i32
    %dma_start3A_352 = tpu.memref_slice %arg5[%select_n3A, %add3A_341, %dma_start3A_351] : memref<2x4096x1024xf32, #tpu.memory_space<hbm>> -> memref<1x16x1024xf32, #tpu.memory_space<hbm>>
    %dma_start3A_353 = tpu.memref_squeeze %dma_start3A_352 : memref<1x16x1024xf32, #tpu.memory_space<hbm>> -> memref<16x1024xf32, #tpu.memory_space<hbm>>
    %dma_start3A_354 = arith.constant 16 : i32
    %dma_start3A_355 = arith.constant 0 : i32
    %dma_start3A_356 = tpu.memref_slice %arg8[%dma_start3A_354, %dma_start3A_355] : memref<64x1024xf32, #tpu.memory_space<vmem>> -> memref<16x1024xf32, #tpu.memory_space<vmem>>
    tpu.enqueue_dma source(%dma_start3A_356 : memref<16x1024xf32, #tpu.memory_space<vmem>>) target(%dma_start3A_353 : memref<16x1024xf32, #tpu.memory_space<hbm>>) target_semaphore(%dma_start3A_350 : memref<!tpu.dma_semaphore, #tpu.memory_space<semaphore_mem>>)
    %parallel_loop3A_357 = arith.constant 0 : i32
    %parallel_loop3A_358 = arith.constant 64 : i32
    %parallel_loop3A_359 = arith.constant 1 : i32
    scf.for %parallel_loop3A_589 = %parallel_loop3A_357 to %parallel_loop3A_358 step %parallel_loop3A_359  : i32 {
      %parallel_loop3A_590 = arith.constant 16 : i32
      %parallel_loop3A_591 = arith.muli %parallel_loop3A_589, %parallel_loop3A_590 : i32
      %parallel_loop3A_592 = arith.index_cast %parallel_loop3A_591 : i32 to index
      %parallel_loop3A_593 = tpu.vector_load %arg7[%parallel_loop3A_592] {strides = array<i32>} : memref<1024xf32, #tpu.memory_space<vmem>>, vector<16xf32>,
      %parallel_loop3A_594 = vector.shape_cast %parallel_loop3A_593 : vector<16xf32> to vector<16xf32>
      %parallel_loop3A_595 = arith.constant 16 : i32
      %parallel_loop3A_596 = arith.muli %parallel_loop3A_589, %parallel_loop3A_595 : i32
      %parallel_loop3A_597 = arith.constant 32 : i32
      %parallel_loop3A_598 = arith.index_cast %parallel_loop3A_597 : i32 to index
      %parallel_loop3A_599 = arith.index_cast %parallel_loop3A_596 : i32 to index
      %parallel_loop3A_600 = tpu.vector_load %arg8[%parallel_loop3A_598, %parallel_loop3A_599] {strides = array<i32>} : memref<64x1024xf32, #tpu.memory_space<vmem>>, vector<1x16xf32>,
      %parallel_loop3A_601 = vector.shape_cast %parallel_loop3A_600 : vector<1x16xf32> to vector<16xf32>
      %parallel_loop3A_602 = vector.shape_cast %parallel_loop3A_594 : vector<16xf32> to vector<1x16xf32>
      tpu.vector_store %arg8[%parallel_loop3A_598, %parallel_loop3A_599], %parallel_loop3A_602 {add = true, strides = array<i32>} : memref<64x1024xf32, #tpu.memory_space<vmem>>, vector<1x16xf32>,
      %parallel_loop3A_603 = arith.constant 16 : i32
      %parallel_loop3A_604 = arith.muli %parallel_loop3A_589, %parallel_loop3A_603 : i32
      %parallel_loop3A_605 = arith.constant 33 : i32
      %parallel_loop3A_606 = arith.index_cast %parallel_loop3A_605 : i32 to index
      %parallel_loop3A_607 = arith.index_cast %parallel_loop3A_604 : i32 to index
      %parallel_loop3A_608 = tpu.vector_load %arg8[%parallel_loop3A_606, %parallel_loop3A_607] {strides = array<i32>} : memref<64x1024xf32, #tpu.memory_space<vmem>>, vector<1x16xf32>,
      %parallel_loop3A_609 = vector.shape_cast %parallel_loop3A_608 : vector<1x16xf32> to vector<16xf32>
      %parallel_loop3A_610 = vector.shape_cast %parallel_loop3A_594 : vector<16xf32> to vector<1x16xf32>
      tpu.vector_store %arg8[%parallel_loop3A_606, %parallel_loop3A_607], %parallel_loop3A_610 {add = true, strides = array<i32>} : memref<64x1024xf32, #tpu.memory_space<vmem>>, vector<1x16xf32>,
      %parallel_loop3A_611 = arith.constant 16 : i32
      %parallel_loop3A_612 = arith.muli %parallel_loop3A_589, %parallel_loop3A_611 : i32
      %parallel_loop3A_613 = arith.constant 34 : i32
      %parallel_loop3A_614 = arith.index_cast %parallel_loop3A_613 : i32 to index
      %parallel_loop3A_615 = arith.index_cast %parallel_loop3A_612 : i32 to index
      %parallel_loop3A_616 = tpu.vector_load %arg8[%parallel_loop3A_614, %parallel_loop3A_615] {strides = array<i32>} : memref<64x1024xf32, #tpu.memory_space<vmem>>, vector<1x16xf32>,
      %parallel_loop3A_617 = vector.shape_cast %parallel_loop3A_616 : vector<1x16xf32> to vector<16xf32>
      %parallel_loop3A_618 = vector.shape_cast %parallel_loop3A_594 : vector<16xf32> to vector<1x16xf32>
      tpu.vector_store %arg8[%parallel_loop3A_614, %parallel_loop3A_615], %parallel_loop3A_618 {add = true, strides = array<i32>} : memref<64x1024xf32, #tpu.memory_space<vmem>>, vector<1x16xf32>,
      %parallel_loop3A_619 = arith.constant 16 : i32
      %parallel_loop3A_620 = arith.muli %parallel_loop3A_589, %parallel_loop3A_619 : i32
      %parallel_loop3A_621 = arith.constant 35 : i32
      %parallel_loop3A_622 = arith.index_cast %parallel_loop3A_621 : i32 to index
      %parallel_loop3A_623 = arith.index_cast %parallel_loop3A_620 : i32 to index
      %parallel_loop3A_624 = tpu.vector_load %arg8[%parallel_loop3A_622, %parallel_loop3A_623] {strides = array<i32>} : memref<64x1024xf32, #tpu.memory_space<vmem>>, vector<1x16xf32>,
      %parallel_loop3A_625 = vector.shape_cast %parallel_loop3A_624 : vector<1x16xf32> to vector<16xf32>
      %parallel_loop3A_626 = vector.shape_cast %parallel_loop3A_594 : vector<16xf32> to vector<1x16xf32>
      tpu.vector_store %arg8[%parallel_loop3A_622, %parallel_loop3A_623], %parallel_loop3A_626 {add = true, strides = array<i32>} : memref<64x1024xf32, #tpu.memory_space<vmem>>, vector<1x16xf32>,
      %parallel_loop3A_627 = arith.constant 16 : i32
      %parallel_loop3A_628 = arith.muli %parallel_loop3A_589, %parallel_loop3A_627 : i32
      %parallel_loop3A_629 = arith.constant 36 : i32
      %parallel_loop3A_630 = arith.index_cast %parallel_loop3A_629 : i32 to index
      %parallel_loop3A_631 = arith.index_cast %parallel_loop3A_628 : i32 to index
      %parallel_loop3A_632 = tpu.vector_load %arg8[%parallel_loop3A_630, %parallel_loop3A_631] {strides = array<i32>} : memref<64x1024xf32, #tpu.memory_space<vmem>>, vector<1x16xf32>,
      %parallel_loop3A_633 = vector.shape_cast %parallel_loop3A_632 : vector<1x16xf32> to vector<16xf32>
      %parallel_loop3A_634 = vector.shape_cast %parallel_loop3A_594 : vector<16xf32> to vector<1x16xf32>
      tpu.vector_store %arg8[%parallel_loop3A_630, %parallel_loop3A_631], %parallel_loop3A_634 {add = true, strides = array<i32>} : memref<64x1024xf32, #tpu.memory_space<vmem>>, vector<1x16xf32>,
      %parallel_loop3A_635 = arith.constant 16 : i32
      %parallel_loop3A_636 = arith.muli %parallel_loop3A_589, %parallel_loop3A_635 : i32
      %parallel_loop3A_637 = arith.constant 37 : i32
      %parallel_loop3A_638 = arith.index_cast %parallel_loop3A_637 : i32 to index
      %parallel_loop3A_639 = arith.index_cast %parallel_loop3A_636 : i32 to index
      %parallel_loop3A_640 = tpu.vector_load %arg8[%parallel_loop3A_638, %parallel_loop3A_639] {strides = array<i32>} : memref<64x1024xf32, #tpu.memory_space<vmem>>, vector<1x16xf32>,
      %parallel_loop3A_641 = vector.shape_cast %parallel_loop3A_640 : vector<1x16xf32> to vector<16xf32>
      %parallel_loop3A_642 = vector.shape_cast %parallel_loop3A_594 : vector<16xf32> to vector<1x16xf32>
      tpu.vector_store %arg8[%parallel_loop3A_638, %parallel_loop3A_639], %parallel_loop3A_642 {add = true, strides = array<i32>} : memref<64x1024xf32, #tpu.memory_space<vmem>>, vector<1x16xf32>,
      %parallel_loop3A_643 = arith.constant 16 : i32
      %parallel_loop3A_644 = arith.muli %parallel_loop3A_589, %parallel_loop3A_643 : i32
      %parallel_loop3A_645 = arith.constant 38 : i32
      %parallel_loop3A_646 = arith.index_cast %parallel_loop3A_645 : i32 to index
      %parallel_loop3A_647 = arith.index_cast %parallel_loop3A_644 : i32 to index
      %parallel_loop3A_648 = tpu.vector_load %arg8[%parallel_loop3A_646, %parallel_loop3A_647] {strides = array<i32>} : memref<64x1024xf32, #tpu.memory_space<vmem>>, vector<1x16xf32>,
      %parallel_loop3A_649 = vector.shape_cast %parallel_loop3A_648 : vector<1x16xf32> to vector<16xf32>
      %parallel_loop3A_650 = vector.shape_cast %parallel_loop3A_594 : vector<16xf32> to vector<1x16xf32>
      tpu.vector_store %arg8[%parallel_loop3A_646, %parallel_loop3A_647], %parallel_loop3A_650 {add = true, strides = array<i32>} : memref<64x1024xf32, #tpu.memory_space<vmem>>, vector<1x16xf32>,
      %parallel_loop3A_651 = arith.constant 16 : i32
      %parallel_loop3A_652 = arith.muli %parallel_loop3A_589, %parallel_loop3A_651 : i32
      %parallel_loop3A_653 = arith.constant 39 : i32
      %parallel_loop3A_654 = arith.index_cast %parallel_loop3A_653 : i32 to index
      %parallel_loop3A_655 = arith.index_cast %parallel_loop3A_652 : i32 to index
      %parallel_loop3A_656 = tpu.vector_load %arg8[%parallel_loop3A_654, %parallel_loop3A_655] {strides = array<i32>} : memref<64x1024xf32, #tpu.memory_space<vmem>>, vector<1x16xf32>,
      %parallel_loop3A_657 = vector.shape_cast %parallel_loop3A_656 : vector<1x16xf32> to vector<16xf32>
      %parallel_loop3A_658 = vector.shape_cast %parallel_loop3A_594 : vector<16xf32> to vector<1x16xf32>
      tpu.vector_store %arg8[%parallel_loop3A_654, %parallel_loop3A_655], %parallel_loop3A_658 {add = true, strides = array<i32>} : memref<64x1024xf32, #tpu.memory_space<vmem>>, vector<1x16xf32>,
      %parallel_loop3A_659 = arith.constant 16 : i32
      %parallel_loop3A_660 = arith.muli %parallel_loop3A_589, %parallel_loop3A_659 : i32
      %parallel_loop3A_661 = arith.constant 40 : i32
      %parallel_loop3A_662 = arith.index_cast %parallel_loop3A_661 : i32 to index
      %parallel_loop3A_663 = arith.index_cast %parallel_loop3A_660 : i32 to index
      %parallel_loop3A_664 = tpu.vector_load %arg8[%parallel_loop3A_662, %parallel_loop3A_663] {strides = array<i32>} : memref<64x1024xf32, #tpu.memory_space<vmem>>, vector<1x16xf32>,
      %parallel_loop3A_665 = vector.shape_cast %parallel_loop3A_664 : vector<1x16xf32> to vector<16xf32>
      %parallel_loop3A_666 = vector.shape_cast %parallel_loop3A_594 : vector<16xf32> to vector<1x16xf32>
      tpu.vector_store %arg8[%parallel_loop3A_662, %parallel_loop3A_663], %parallel_loop3A_666 {add = true, strides = array<i32>} : memref<64x1024xf32, #tpu.memory_space<vmem>>, vector<1x16xf32>,
      %parallel_loop3A_667 = arith.constant 16 : i32
      %parallel_loop3A_668 = arith.muli %parallel_loop3A_589, %parallel_loop3A_667 : i32
      %parallel_loop3A_669 = arith.constant 41 : i32
      %parallel_loop3A_670 = arith.index_cast %parallel_loop3A_669 : i32 to index
      %parallel_loop3A_671 = arith.index_cast %parallel_loop3A_668 : i32 to index
      %parallel_loop3A_672 = tpu.vector_load %arg8[%parallel_loop3A_670, %parallel_loop3A_671] {strides = array<i32>} : memref<64x1024xf32, #tpu.memory_space<vmem>>, vector<1x16xf32>,
      %parallel_loop3A_673 = vector.shape_cast %parallel_loop3A_672 : vector<1x16xf32> to vector<16xf32>
      %parallel_loop3A_674 = vector.shape_cast %parallel_loop3A_594 : vector<16xf32> to vector<1x16xf32>
      tpu.vector_store %arg8[%parallel_loop3A_670, %parallel_loop3A_671], %parallel_loop3A_674 {add = true, strides = array<i32>} : memref<64x1024xf32, #tpu.memory_space<vmem>>, vector<1x16xf32>,
      %parallel_loop3A_675 = arith.constant 16 : i32
      %parallel_loop3A_676 = arith.muli %parallel_loop3A_589, %parallel_loop3A_675 : i32
      %parallel_loop3A_677 = arith.constant 42 : i32
      %parallel_loop3A_678 = arith.index_cast %parallel_loop3A_677 : i32 to index
      %parallel_loop3A_679 = arith.index_cast %parallel_loop3A_676 : i32 to index
      %parallel_loop3A_680 = tpu.vector_load %arg8[%parallel_loop3A_678, %parallel_loop3A_679] {strides = array<i32>} : memref<64x1024xf32, #tpu.memory_space<vmem>>, vector<1x16xf32>,
      %parallel_loop3A_681 = vector.shape_cast %parallel_loop3A_680 : vector<1x16xf32> to vector<16xf32>
      %parallel_loop3A_682 = vector.shape_cast %parallel_loop3A_594 : vector<16xf32> to vector<1x16xf32>
      tpu.vector_store %arg8[%parallel_loop3A_678, %parallel_loop3A_679], %parallel_loop3A_682 {add = true, strides = array<i32>} : memref<64x1024xf32, #tpu.memory_space<vmem>>, vector<1x16xf32>,
      %parallel_loop3A_683 = arith.constant 16 : i32
      %parallel_loop3A_684 = arith.muli %parallel_loop3A_589, %parallel_loop3A_683 : i32
      %parallel_loop3A_685 = arith.constant 43 : i32
      %parallel_loop3A_686 = arith.index_cast %parallel_loop3A_685 : i32 to index
      %parallel_loop3A_687 = arith.index_cast %parallel_loop3A_684 : i32 to index
      %parallel_loop3A_688 = tpu.vector_load %arg8[%parallel_loop3A_686, %parallel_loop3A_687] {strides = array<i32>} : memref<64x1024xf32, #tpu.memory_space<vmem>>, vector<1x16xf32>,
      %parallel_loop3A_689 = vector.shape_cast %parallel_loop3A_688 : vector<1x16xf32> to vector<16xf32>
      %parallel_loop3A_690 = vector.shape_cast %parallel_loop3A_594 : vector<16xf32> to vector<1x16xf32>
      tpu.vector_store %arg8[%parallel_loop3A_686, %parallel_loop3A_687], %parallel_loop3A_690 {add = true, strides = array<i32>} : memref<64x1024xf32, #tpu.memory_space<vmem>>, vector<1x16xf32>,
      %parallel_loop3A_691 = arith.constant 16 : i32
      %parallel_loop3A_692 = arith.muli %parallel_loop3A_589, %parallel_loop3A_691 : i32
      %parallel_loop3A_693 = arith.constant 44 : i32
      %parallel_loop3A_694 = arith.index_cast %parallel_loop3A_693 : i32 to index
      %parallel_loop3A_695 = arith.index_cast %parallel_loop3A_692 : i32 to index
      %parallel_loop3A_696 = tpu.vector_load %arg8[%parallel_loop3A_694, %parallel_loop3A_695] {strides = array<i32>} : memref<64x1024xf32, #tpu.memory_space<vmem>>, vector<1x16xf32>,
      %parallel_loop3A_697 = vector.shape_cast %parallel_loop3A_696 : vector<1x16xf32> to vector<16xf32>
      %parallel_loop3A_698 = vector.shape_cast %parallel_loop3A_594 : vector<16xf32> to vector<1x16xf32>
      tpu.vector_store %arg8[%parallel_loop3A_694, %parallel_loop3A_695], %parallel_loop3A_698 {add = true, strides = array<i32>} : memref<64x1024xf32, #tpu.memory_space<vmem>>, vector<1x16xf32>,
      %parallel_loop3A_699 = arith.constant 16 : i32
      %parallel_loop3A_700 = arith.muli %parallel_loop3A_589, %parallel_loop3A_699 : i32
      %parallel_loop3A_701 = arith.constant 45 : i32
      %parallel_loop3A_702 = arith.index_cast %parallel_loop3A_701 : i32 to index
      %parallel_loop3A_703 = arith.index_cast %parallel_loop3A_700 : i32 to index
      %parallel_loop3A_704 = tpu.vector_load %arg8[%parallel_loop3A_702, %parallel_loop3A_703] {strides = array<i32>} : memref<64x1024xf32, #tpu.memory_space<vmem>>, vector<1x16xf32>,
      %parallel_loop3A_705 = vector.shape_cast %parallel_loop3A_704 : vector<1x16xf32> to vector<16xf32>
      %parallel_loop3A_706 = vector.shape_cast %parallel_loop3A_594 : vector<16xf32> to vector<1x16xf32>
      tpu.vector_store %arg8[%parallel_loop3A_702, %parallel_loop3A_703], %parallel_loop3A_706 {add = true, strides = array<i32>} : memref<64x1024xf32, #tpu.memory_space<vmem>>, vector<1x16xf32>,
      %parallel_loop3A_707 = arith.constant 16 : i32
      %parallel_loop3A_708 = arith.muli %parallel_loop3A_589, %parallel_loop3A_707 : i32
      %parallel_loop3A_709 = arith.constant 46 : i32
      %parallel_loop3A_710 = arith.index_cast %parallel_loop3A_709 : i32 to index
      %parallel_loop3A_711 = arith.index_cast %parallel_loop3A_708 : i32 to index
      %parallel_loop3A_712 = tpu.vector_load %arg8[%parallel_loop3A_710, %parallel_loop3A_711] {strides = array<i32>} : memref<64x1024xf32, #tpu.memory_space<vmem>>, vector<1x16xf32>,
      %parallel_loop3A_713 = vector.shape_cast %parallel_loop3A_712 : vector<1x16xf32> to vector<16xf32>
      %parallel_loop3A_714 = vector.shape_cast %parallel_loop3A_594 : vector<16xf32> to vector<1x16xf32>
      tpu.vector_store %arg8[%parallel_loop3A_710, %parallel_loop3A_711], %parallel_loop3A_714 {add = true, strides = array<i32>} : memref<64x1024xf32, #tpu.memory_space<vmem>>, vector<1x16xf32>,
      %parallel_loop3A_715 = arith.constant 16 : i32
      %parallel_loop3A_716 = arith.muli %parallel_loop3A_589, %parallel_loop3A_715 : i32
      %parallel_loop3A_717 = arith.constant 47 : i32
      %parallel_loop3A_718 = arith.index_cast %parallel_loop3A_717 : i32 to index
      %parallel_loop3A_719 = arith.index_cast %parallel_loop3A_716 : i32 to index
      %parallel_loop3A_720 = tpu.vector_load %arg8[%parallel_loop3A_718, %parallel_loop3A_719] {strides = array<i32>} : memref<64x1024xf32, #tpu.memory_space<vmem>>, vector<1x16xf32>,
      %parallel_loop3A_721 = vector.shape_cast %parallel_loop3A_720 : vector<1x16xf32> to vector<16xf32>
      %parallel_loop3A_722 = vector.shape_cast %parallel_loop3A_594 : vector<16xf32> to vector<1x16xf32>
      tpu.vector_store %arg8[%parallel_loop3A_718, %parallel_loop3A_719], %parallel_loop3A_722 {add = true, strides = array<i32>} : memref<64x1024xf32, #tpu.memory_space<vmem>>, vector<1x16xf32>,
    } {sc.loop_unroll_factor = 1 : i64, sc.parallel_access}
    %add3A_360 = arith.constant 120 : i32
    %add3A_361 = arith.addi %mul3A_32, %add3A_360 : i32
    %add3A_362 = arith.constant 32 : i32
    %add3A_363 = arith.addi %add3A_361, %add3A_362 : i32
    %dma_start3A_364 = arith.constant 0 : i32
    %dma_start3A_365 = arith.constant 32 : i32
    %dma_start3A_366 = arith.constant 0 : i32
    %dma_start3A_367 = tpu.memref_slice %arg8[%dma_start3A_365, %dma_start3A_366] : memref<64x1024xf32, #tpu.memory_space<vmem>> -> memref<16x1024xf32, #tpu.memory_space<vmem>>
    %dma_start3A_368 = arith.constant 0 : i32
    %dma_start3A_369 = tpu.memref_slice %arg5[%select_n3A, %add3A_363, %dma_start3A_368] : memref<2x4096x1024xf32, #tpu.memory_space<hbm>> -> memref<1x16x1024xf32, #tpu.memory_space<hbm>>
    %dma_start3A_370 = tpu.memref_squeeze %dma_start3A_369 : memref<1x16x1024xf32, #tpu.memory_space<hbm>> -> memref<16x1024xf32, #tpu.memory_space<hbm>>
    %dma_start3A_371 = tpu.memref_slice %arg11[%dma_start3A_364] : memref<2x!tpu.dma_semaphore, #tpu.memory_space<semaphore_mem>> -> memref<1x!tpu.dma_semaphore, #tpu.memory_space<semaphore_mem>>
    %dma_start3A_372 = tpu.memref_squeeze %dma_start3A_371 : memref<1x!tpu.dma_semaphore, #tpu.memory_space<semaphore_mem>> -> memref<!tpu.dma_semaphore, #tpu.memory_space<semaphore_mem>>
    %dma_start3A_373 = arith.constant 0 : i32
    %dma_start3A_374 = tpu.memref_slice %arg5[%select_n3A, %add3A_363, %dma_start3A_373] : memref<2x4096x1024xf32, #tpu.memory_space<hbm>> -> memref<1x16x1024xf32, #tpu.memory_space<hbm>>
    %dma_start3A_375 = tpu.memref_squeeze %dma_start3A_374 : memref<1x16x1024xf32, #tpu.memory_space<hbm>> -> memref<16x1024xf32, #tpu.memory_space<hbm>>
    %dma_start3A_376 = arith.constant 32 : i32
    %dma_start3A_377 = arith.constant 0 : i32
    %dma_start3A_378 = tpu.memref_slice %arg8[%dma_start3A_376, %dma_start3A_377] : memref<64x1024xf32, #tpu.memory_space<vmem>> -> memref<16x1024xf32, #tpu.memory_space<vmem>>
    tpu.enqueue_dma source(%dma_start3A_378 : memref<16x1024xf32, #tpu.memory_space<vmem>>) target(%dma_start3A_375 : memref<16x1024xf32, #tpu.memory_space<hbm>>) target_semaphore(%dma_start3A_372 : memref<!tpu.dma_semaphore, #tpu.memory_space<semaphore_mem>>)
    %parallel_loop3A_379 = arith.constant 0 : i32
    %parallel_loop3A_380 = arith.constant 64 : i32
    %parallel_loop3A_381 = arith.constant 1 : i32
    scf.for %parallel_loop3A_589 = %parallel_loop3A_379 to %parallel_loop3A_380 step %parallel_loop3A_381  : i32 {
      %parallel_loop3A_590 = arith.constant 16 : i32
      %parallel_loop3A_591 = arith.muli %parallel_loop3A_589, %parallel_loop3A_590 : i32
      %parallel_loop3A_592 = arith.index_cast %parallel_loop3A_591 : i32 to index
      %parallel_loop3A_593 = tpu.vector_load %arg7[%parallel_loop3A_592] {strides = array<i32>} : memref<1024xf32, #tpu.memory_space<vmem>>, vector<16xf32>,
      %parallel_loop3A_594 = vector.shape_cast %parallel_loop3A_593 : vector<16xf32> to vector<16xf32>
      %parallel_loop3A_595 = arith.constant 16 : i32
      %parallel_loop3A_596 = arith.muli %parallel_loop3A_589, %parallel_loop3A_595 : i32
      %parallel_loop3A_597 = arith.constant 48 : i32
      %parallel_loop3A_598 = arith.index_cast %parallel_loop3A_597 : i32 to index
      %parallel_loop3A_599 = arith.index_cast %parallel_loop3A_596 : i32 to index
      %parallel_loop3A_600 = tpu.vector_load %arg8[%parallel_loop3A_598, %parallel_loop3A_599] {strides = array<i32>} : memref<64x1024xf32, #tpu.memory_space<vmem>>, vector<1x16xf32>,
      %parallel_loop3A_601 = vector.shape_cast %parallel_loop3A_600 : vector<1x16xf32> to vector<16xf32>
      %parallel_loop3A_602 = vector.shape_cast %parallel_loop3A_594 : vector<16xf32> to vector<1x16xf32>
      tpu.vector_store %arg8[%parallel_loop3A_598, %parallel_loop3A_599], %parallel_loop3A_602 {add = true, strides = array<i32>} : memref<64x1024xf32, #tpu.memory_space<vmem>>, vector<1x16xf32>,
      %parallel_loop3A_603 = arith.constant 16 : i32
      %parallel_loop3A_604 = arith.muli %parallel_loop3A_589, %parallel_loop3A_603 : i32
      %parallel_loop3A_605 = arith.constant 49 : i32
      %parallel_loop3A_606 = arith.index_cast %parallel_loop3A_605 : i32 to index
      %parallel_loop3A_607 = arith.index_cast %parallel_loop3A_604 : i32 to index
      %parallel_loop3A_608 = tpu.vector_load %arg8[%parallel_loop3A_606, %parallel_loop3A_607] {strides = array<i32>} : memref<64x1024xf32, #tpu.memory_space<vmem>>, vector<1x16xf32>,
      %parallel_loop3A_609 = vector.shape_cast %parallel_loop3A_608 : vector<1x16xf32> to vector<16xf32>
      %parallel_loop3A_610 = vector.shape_cast %parallel_loop3A_594 : vector<16xf32> to vector<1x16xf32>
      tpu.vector_store %arg8[%parallel_loop3A_606, %parallel_loop3A_607], %parallel_loop3A_610 {add = true, strides = array<i32>} : memref<64x1024xf32, #tpu.memory_space<vmem>>, vector<1x16xf32>,
      %parallel_loop3A_611 = arith.constant 16 : i32
      %parallel_loop3A_612 = arith.muli %parallel_loop3A_589, %parallel_loop3A_611 : i32
      %parallel_loop3A_613 = arith.constant 50 : i32
      %parallel_loop3A_614 = arith.index_cast %parallel_loop3A_613 : i32 to index
      %parallel_loop3A_615 = arith.index_cast %parallel_loop3A_612 : i32 to index
      %parallel_loop3A_616 = tpu.vector_load %arg8[%parallel_loop3A_614, %parallel_loop3A_615] {strides = array<i32>} : memref<64x1024xf32, #tpu.memory_space<vmem>>, vector<1x16xf32>,
      %parallel_loop3A_617 = vector.shape_cast %parallel_loop3A_616 : vector<1x16xf32> to vector<16xf32>
      %parallel_loop3A_618 = vector.shape_cast %parallel_loop3A_594 : vector<16xf32> to vector<1x16xf32>
      tpu.vector_store %arg8[%parallel_loop3A_614, %parallel_loop3A_615], %parallel_loop3A_618 {add = true, strides = array<i32>} : memref<64x1024xf32, #tpu.memory_space<vmem>>, vector<1x16xf32>,
      %parallel_loop3A_619 = arith.constant 16 : i32
      %parallel_loop3A_620 = arith.muli %parallel_loop3A_589, %parallel_loop3A_619 : i32
      %parallel_loop3A_621 = arith.constant 51 : i32
      %parallel_loop3A_622 = arith.index_cast %parallel_loop3A_621 : i32 to index
      %parallel_loop3A_623 = arith.index_cast %parallel_loop3A_620 : i32 to index
      %parallel_loop3A_624 = tpu.vector_load %arg8[%parallel_loop3A_622, %parallel_loop3A_623] {strides = array<i32>} : memref<64x1024xf32, #tpu.memory_space<vmem>>, vector<1x16xf32>,
      %parallel_loop3A_625 = vector.shape_cast %parallel_loop3A_624 : vector<1x16xf32> to vector<16xf32>
      %parallel_loop3A_626 = vector.shape_cast %parallel_loop3A_594 : vector<16xf32> to vector<1x16xf32>
      tpu.vector_store %arg8[%parallel_loop3A_622, %parallel_loop3A_623], %parallel_loop3A_626 {add = true, strides = array<i32>} : memref<64x1024xf32, #tpu.memory_space<vmem>>, vector<1x16xf32>,
      %parallel_loop3A_627 = arith.constant 16 : i32
      %parallel_loop3A_628 = arith.muli %parallel_loop3A_589, %parallel_loop3A_627 : i32
      %parallel_loop3A_629 = arith.constant 52 : i32
      %parallel_loop3A_630 = arith.index_cast %parallel_loop3A_629 : i32 to index
      %parallel_loop3A_631 = arith.index_cast %parallel_loop3A_628 : i32 to index
      %parallel_loop3A_632 = tpu.vector_load %arg8[%parallel_loop3A_630, %parallel_loop3A_631] {strides = array<i32>} : memref<64x1024xf32, #tpu.memory_space<vmem>>, vector<1x16xf32>,
      %parallel_loop3A_633 = vector.shape_cast %parallel_loop3A_632 : vector<1x16xf32> to vector<16xf32>
      %parallel_loop3A_634 = vector.shape_cast %parallel_loop3A_594 : vector<16xf32> to vector<1x16xf32>
      tpu.vector_store %arg8[%parallel_loop3A_630, %parallel_loop3A_631], %parallel_loop3A_634 {add = true, strides = array<i32>} : memref<64x1024xf32, #tpu.memory_space<vmem>>, vector<1x16xf32>,
      %parallel_loop3A_635 = arith.constant 16 : i32
      %parallel_loop3A_636 = arith.muli %parallel_loop3A_589, %parallel_loop3A_635 : i32
      %parallel_loop3A_637 = arith.constant 53 : i32
      %parallel_loop3A_638 = arith.index_cast %parallel_loop3A_637 : i32 to index
      %parallel_loop3A_639 = arith.index_cast %parallel_loop3A_636 : i32 to index
      %parallel_loop3A_640 = tpu.vector_load %arg8[%parallel_loop3A_638, %parallel_loop3A_639] {strides = array<i32>} : memref<64x1024xf32, #tpu.memory_space<vmem>>, vector<1x16xf32>,
      %parallel_loop3A_641 = vector.shape_cast %parallel_loop3A_640 : vector<1x16xf32> to vector<16xf32>
      %parallel_loop3A_642 = vector.shape_cast %parallel_loop3A_594 : vector<16xf32> to vector<1x16xf32>
      tpu.vector_store %arg8[%parallel_loop3A_638, %parallel_loop3A_639], %parallel_loop3A_642 {add = true, strides = array<i32>} : memref<64x1024xf32, #tpu.memory_space<vmem>>, vector<1x16xf32>,
      %parallel_loop3A_643 = arith.constant 16 : i32
      %parallel_loop3A_644 = arith.muli %parallel_loop3A_589, %parallel_loop3A_643 : i32
      %parallel_loop3A_645 = arith.constant 54 : i32
      %parallel_loop3A_646 = arith.index_cast %parallel_loop3A_645 : i32 to index
      %parallel_loop3A_647 = arith.index_cast %parallel_loop3A_644 : i32 to index
      %parallel_loop3A_648 = tpu.vector_load %arg8[%parallel_loop3A_646, %parallel_loop3A_647] {strides = array<i32>} : memref<64x1024xf32, #tpu.memory_space<vmem>>, vector<1x16xf32>,
      %parallel_loop3A_649 = vector.shape_cast %parallel_loop3A_648 : vector<1x16xf32> to vector<16xf32>
      %parallel_loop3A_650 = vector.shape_cast %parallel_loop3A_594 : vector<16xf32> to vector<1x16xf32>
      tpu.vector_store %arg8[%parallel_loop3A_646, %parallel_loop3A_647], %parallel_loop3A_650 {add = true, strides = array<i32>} : memref<64x1024xf32, #tpu.memory_space<vmem>>, vector<1x16xf32>,
      %parallel_loop3A_651 = arith.constant 16 : i32
      %parallel_loop3A_652 = arith.muli %parallel_loop3A_589, %parallel_loop3A_651 : i32
      %parallel_loop3A_653 = arith.constant 55 : i32
      %parallel_loop3A_654 = arith.index_cast %parallel_loop3A_653 : i32 to index
      %parallel_loop3A_655 = arith.index_cast %parallel_loop3A_652 : i32 to index
      %parallel_loop3A_656 = tpu.vector_load %arg8[%parallel_loop3A_654, %parallel_loop3A_655] {strides = array<i32>} : memref<64x1024xf32, #tpu.memory_space<vmem>>, vector<1x16xf32>,
      %parallel_loop3A_657 = vector.shape_cast %parallel_loop3A_656 : vector<1x16xf32> to vector<16xf32>
      %parallel_loop3A_658 = vector.shape_cast %parallel_loop3A_594 : vector<16xf32> to vector<1x16xf32>
      tpu.vector_store %arg8[%parallel_loop3A_654, %parallel_loop3A_655], %parallel_loop3A_658 {add = true, strides = array<i32>} : memref<64x1024xf32, #tpu.memory_space<vmem>>, vector<1x16xf32>,
      %parallel_loop3A_659 = arith.constant 16 : i32
      %parallel_loop3A_660 = arith.muli %parallel_loop3A_589, %parallel_loop3A_659 : i32
      %parallel_loop3A_661 = arith.constant 56 : i32
      %parallel_loop3A_662 = arith.index_cast %parallel_loop3A_661 : i32 to index
      %parallel_loop3A_663 = arith.index_cast %parallel_loop3A_660 : i32 to index
      %parallel_loop3A_664 = tpu.vector_load %arg8[%parallel_loop3A_662, %parallel_loop3A_663] {strides = array<i32>} : memref<64x1024xf32, #tpu.memory_space<vmem>>, vector<1x16xf32>,
      %parallel_loop3A_665 = vector.shape_cast %parallel_loop3A_664 : vector<1x16xf32> to vector<16xf32>
      %parallel_loop3A_666 = vector.shape_cast %parallel_loop3A_594 : vector<16xf32> to vector<1x16xf32>
      tpu.vector_store %arg8[%parallel_loop3A_662, %parallel_loop3A_663], %parallel_loop3A_666 {add = true, strides = array<i32>} : memref<64x1024xf32, #tpu.memory_space<vmem>>, vector<1x16xf32>,
      %parallel_loop3A_667 = arith.constant 16 : i32
      %parallel_loop3A_668 = arith.muli %parallel_loop3A_589, %parallel_loop3A_667 : i32
      %parallel_loop3A_669 = arith.constant 57 : i32
      %parallel_loop3A_670 = arith.index_cast %parallel_loop3A_669 : i32 to index
      %parallel_loop3A_671 = arith.index_cast %parallel_loop3A_668 : i32 to index
      %parallel_loop3A_672 = tpu.vector_load %arg8[%parallel_loop3A_670, %parallel_loop3A_671] {strides = array<i32>} : memref<64x1024xf32, #tpu.memory_space<vmem>>, vector<1x16xf32>,
      %parallel_loop3A_673 = vector.shape_cast %parallel_loop3A_672 : vector<1x16xf32> to vector<16xf32>
      %parallel_loop3A_674 = vector.shape_cast %parallel_loop3A_594 : vector<16xf32> to vector<1x16xf32>
      tpu.vector_store %arg8[%parallel_loop3A_670, %parallel_loop3A_671], %parallel_loop3A_674 {add = true, strides = array<i32>} : memref<64x1024xf32, #tpu.memory_space<vmem>>, vector<1x16xf32>,
      %parallel_loop3A_675 = arith.constant 16 : i32
      %parallel_loop3A_676 = arith.muli %parallel_loop3A_589, %parallel_loop3A_675 : i32
      %parallel_loop3A_677 = arith.constant 58 : i32
      %parallel_loop3A_678 = arith.index_cast %parallel_loop3A_677 : i32 to index
      %parallel_loop3A_679 = arith.index_cast %parallel_loop3A_676 : i32 to index
      %parallel_loop3A_680 = tpu.vector_load %arg8[%parallel_loop3A_678, %parallel_loop3A_679] {strides = array<i32>} : memref<64x1024xf32, #tpu.memory_space<vmem>>, vector<1x16xf32>,
      %parallel_loop3A_681 = vector.shape_cast %parallel_loop3A_680 : vector<1x16xf32> to vector<16xf32>
      %parallel_loop3A_682 = vector.shape_cast %parallel_loop3A_594 : vector<16xf32> to vector<1x16xf32>
      tpu.vector_store %arg8[%parallel_loop3A_678, %parallel_loop3A_679], %parallel_loop3A_682 {add = true, strides = array<i32>} : memref<64x1024xf32, #tpu.memory_space<vmem>>, vector<1x16xf32>,
      %parallel_loop3A_683 = arith.constant 16 : i32
      %parallel_loop3A_684 = arith.muli %parallel_loop3A_589, %parallel_loop3A_683 : i32
      %parallel_loop3A_685 = arith.constant 59 : i32
      %parallel_loop3A_686 = arith.index_cast %parallel_loop3A_685 : i32 to index
      %parallel_loop3A_687 = arith.index_cast %parallel_loop3A_684 : i32 to index
      %parallel_loop3A_688 = tpu.vector_load %arg8[%parallel_loop3A_686, %parallel_loop3A_687] {strides = array<i32>} : memref<64x1024xf32, #tpu.memory_space<vmem>>, vector<1x16xf32>,
      %parallel_loop3A_689 = vector.shape_cast %parallel_loop3A_688 : vector<1x16xf32> to vector<16xf32>
      %parallel_loop3A_690 = vector.shape_cast %parallel_loop3A_594 : vector<16xf32> to vector<1x16xf32>
      tpu.vector_store %arg8[%parallel_loop3A_686, %parallel_loop3A_687], %parallel_loop3A_690 {add = true, strides = array<i32>} : memref<64x1024xf32, #tpu.memory_space<vmem>>, vector<1x16xf32>,
      %parallel_loop3A_691 = arith.constant 16 : i32
      %parallel_loop3A_692 = arith.muli %parallel_loop3A_589, %parallel_loop3A_691 : i32
      %parallel_loop3A_693 = arith.constant 60 : i32
      %parallel_loop3A_694 = arith.index_cast %parallel_loop3A_693 : i32 to index
      %parallel_loop3A_695 = arith.index_cast %parallel_loop3A_692 : i32 to index
      %parallel_loop3A_696 = tpu.vector_load %arg8[%parallel_loop3A_694, %parallel_loop3A_695] {strides = array<i32>} : memref<64x1024xf32, #tpu.memory_space<vmem>>, vector<1x16xf32>,
      %parallel_loop3A_697 = vector.shape_cast %parallel_loop3A_696 : vector<1x16xf32> to vector<16xf32>
      %parallel_loop3A_698 = vector.shape_cast %parallel_loop3A_594 : vector<16xf32> to vector<1x16xf32>
      tpu.vector_store %arg8[%parallel_loop3A_694, %parallel_loop3A_695], %parallel_loop3A_698 {add = true, strides = array<i32>} : memref<64x1024xf32, #tpu.memory_space<vmem>>, vector<1x16xf32>,
      %parallel_loop3A_699 = arith.constant 16 : i32
      %parallel_loop3A_700 = arith.muli %parallel_loop3A_589, %parallel_loop3A_699 : i32
      %parallel_loop3A_701 = arith.constant 61 : i32
      %parallel_loop3A_702 = arith.index_cast %parallel_loop3A_701 : i32 to index
      %parallel_loop3A_703 = arith.index_cast %parallel_loop3A_700 : i32 to index
      %parallel_loop3A_704 = tpu.vector_load %arg8[%parallel_loop3A_702, %parallel_loop3A_703] {strides = array<i32>} : memref<64x1024xf32, #tpu.memory_space<vmem>>, vector<1x16xf32>,
      %parallel_loop3A_705 = vector.shape_cast %parallel_loop3A_704 : vector<1x16xf32> to vector<16xf32>
      %parallel_loop3A_706 = vector.shape_cast %parallel_loop3A_594 : vector<16xf32> to vector<1x16xf32>
      tpu.vector_store %arg8[%parallel_loop3A_702, %parallel_loop3A_703], %parallel_loop3A_706 {add = true, strides = array<i32>} : memref<64x1024xf32, #tpu.memory_space<vmem>>, vector<1x16xf32>,
      %parallel_loop3A_707 = arith.constant 16 : i32
      %parallel_loop3A_708 = arith.muli %parallel_loop3A_589, %parallel_loop3A_707 : i32
      %parallel_loop3A_709 = arith.constant 62 : i32
      %parallel_loop3A_710 = arith.index_cast %parallel_loop3A_709 : i32 to index
      %parallel_loop3A_711 = arith.index_cast %parallel_loop3A_708 : i32 to index
      %parallel_loop3A_712 = tpu.vector_load %arg8[%parallel_loop3A_710, %parallel_loop3A_711] {strides = array<i32>} : memref<64x1024xf32, #tpu.memory_space<vmem>>, vector<1x16xf32>,
      %parallel_loop3A_713 = vector.shape_cast %parallel_loop3A_712 : vector<1x16xf32> to vector<16xf32>
      %parallel_loop3A_714 = vector.shape_cast %parallel_loop3A_594 : vector<16xf32> to vector<1x16xf32>
      tpu.vector_store %arg8[%parallel_loop3A_710, %parallel_loop3A_711], %parallel_loop3A_714 {add = true, strides = array<i32>} : memref<64x1024xf32, #tpu.memory_space<vmem>>, vector<1x16xf32>,
      %parallel_loop3A_715 = arith.constant 16 : i32
      %parallel_loop3A_716 = arith.muli %parallel_loop3A_589, %parallel_loop3A_715 : i32
      %parallel_loop3A_717 = arith.constant 63 : i32
      %parallel_loop3A_718 = arith.index_cast %parallel_loop3A_717 : i32 to index
      %parallel_loop3A_719 = arith.index_cast %parallel_loop3A_716 : i32 to index
      %parallel_loop3A_720 = tpu.vector_load %arg8[%parallel_loop3A_718, %parallel_loop3A_719] {strides = array<i32>} : memref<64x1024xf32, #tpu.memory_space<vmem>>, vector<1x16xf32>,
      %parallel_loop3A_721 = vector.shape_cast %parallel_loop3A_720 : vector<1x16xf32> to vector<16xf32>
      %parallel_loop3A_722 = vector.shape_cast %parallel_loop3A_594 : vector<16xf32> to vector<1x16xf32>
      tpu.vector_store %arg8[%parallel_loop3A_718, %parallel_loop3A_719], %parallel_loop3A_722 {add = true, strides = array<i32>} : memref<64x1024xf32, #tpu.memory_space<vmem>>, vector<1x16xf32>,
    } {sc.loop_unroll_factor = 1 : i64, sc.parallel_access}
    %add3A_382 = arith.constant 120 : i32
    %add3A_383 = arith.addi %mul3A_32, %add3A_382 : i32
    %add3A_384 = arith.constant 48 : i32
    %add3A_385 = arith.addi %add3A_383, %add3A_384 : i32
    %dma_start3A_386 = arith.constant 0 : i32
    %dma_start3A_387 = arith.constant 48 : i32
    %dma_start3A_388 = arith.constant 0 : i32
    %dma_start3A_389 = tpu.memref_slice %arg8[%dma_start3A_387, %dma_start3A_388] : memref<64x1024xf32, #tpu.memory_space<vmem>> -> memref<16x1024xf32, #tpu.memory_space<vmem>>
    %dma_start3A_390 = arith.constant 0 : i32
    %dma_start3A_391 = tpu.memref_slice %arg5[%select_n3A, %add3A_385, %dma_start3A_390] : memref<2x4096x1024xf32, #tpu.memory_space<hbm>> -> memref<1x16x1024xf32, #tpu.memory_space<hbm>>
    %dma_start3A_392 = tpu.memref_squeeze %dma_start3A_391 : memref<1x16x1024xf32, #tpu.memory_space<hbm>> -> memref<16x1024xf32, #tpu.memory_space<hbm>>
    %dma_start3A_393 = tpu.memref_slice %arg11[%dma_start3A_386] : memref<2x!tpu.dma_semaphore, #tpu.memory_space<semaphore_mem>> -> memref<1x!tpu.dma_semaphore, #tpu.memory_space<semaphore_mem>>
    %dma_start3A_394 = tpu.memref_squeeze %dma_start3A_393 : memref<1x!tpu.dma_semaphore, #tpu.memory_space<semaphore_mem>> -> memref<!tpu.dma_semaphore, #tpu.memory_space<semaphore_mem>>
    %dma_start3A_395 = arith.constant 0 : i32
    %dma_start3A_396 = tpu.memref_slice %arg5[%select_n3A, %add3A_385, %dma_start3A_395] : memref<2x4096x1024xf32, #tpu.memory_space<hbm>> -> memref<1x16x1024xf32, #tpu.memory_space<hbm>>
    %dma_start3A_397 = tpu.memref_squeeze %dma_start3A_396 : memref<1x16x1024xf32, #tpu.memory_space<hbm>> -> memref<16x1024xf32, #tpu.memory_space<hbm>>
    %dma_start3A_398 = arith.constant 48 : i32
    %dma_start3A_399 = arith.constant 0 : i32
    %dma_start3A_400 = tpu.memref_slice %arg8[%dma_start3A_398, %dma_start3A_399] : memref<64x1024xf32, #tpu.memory_space<vmem>> -> memref<16x1024xf32, #tpu.memory_space<vmem>>
    tpu.enqueue_dma source(%dma_start3A_400 : memref<16x1024xf32, #tpu.memory_space<vmem>>) target(%dma_start3A_397 : memref<16x1024xf32, #tpu.memory_space<hbm>>) target_semaphore(%dma_start3A_394 : memref<!tpu.dma_semaphore, #tpu.memory_space<semaphore_mem>>)
    %dma_wait3A_401 = arith.constant 1 : i32
    %dma_wait3A_402 = arith.constant 0 : i32
    %dma_wait3A_403 = arith.constant 0 : i32
    %dma_wait3A_404 = tpu.memref_slice %arg9[%dma_wait3A_402, %dma_wait3A_403] : memref<56x1024xf32, #tpu.memory_space<vmem>> -> memref<56x1024xf32, #tpu.memory_space<vmem>>
    %dma_wait3A_405 = arith.constant 184 : i32
    %dma_wait3A_406 = tpu.memref_slice %arg6[%dma_wait3A_405] : memref<256xi32, #tpu.memory_space<vmem>> -> memref<56xi32, #tpu.memory_space<vmem>>
    %dma_wait3A_407 = arith.constant 0 : i32
    %dma_wait3A_408 = arith.constant 0 : i32
    %dma_wait3A_409 = tpu.memref_slice %arg4[%dma_wait3A_407, %dma_wait3A_408] : memref<250002x1024xf32, #tpu.memory_space<hbm>> -> memref<250002x1024xf32, #tpu.memory_space<hbm>>
    %dma_wait3A_410 = tpu.memref_slice %arg10[%dma_wait3A_401] : memref<2x!tpu.dma_semaphore, #tpu.memory_space<semaphore_mem>> -> memref<1x!tpu.dma_semaphore, #tpu.memory_space<semaphore_mem>>
    %dma_wait3A_411 = tpu.memref_squeeze %dma_wait3A_410 : memref<1x!tpu.dma_semaphore, #tpu.memory_space<semaphore_mem>> -> memref<!tpu.dma_semaphore, #tpu.memory_space<semaphore_mem>>
    tpu.wait_indirect_dma semaphore(%dma_wait3A_411 : memref<!tpu.dma_semaphore, #tpu.memory_space<semaphore_mem>>) src(%dma_wait3A_409 : memref<250002x1024xf32, #tpu.memory_space<hbm>>) dst(%dma_wait3A_404 : memref<56x1024xf32, #tpu.memory_space<vmem>>)
    %dma_wait3A_412 = arith.constant 0 : i32
    %dma_wait3A_413 = arith.constant 0 : i32
    %dma_wait3A_414 = arith.constant 0 : i32
    %dma_wait3A_415 = tpu.memref_slice %arg8[%dma_wait3A_413, %dma_wait3A_414] : memref<64x1024xf32, #tpu.memory_space<vmem>> -> memref<64x1024xf32, #tpu.memory_space<vmem>>
    %dma_wait3A_416 = arith.constant 0 : i32
    %dma_wait3A_417 = tpu.memref_slice %arg5[%select_n3A, %mul3A_32, %dma_wait3A_416] : memref<2x4096x1024xf32, #tpu.memory_space<hbm>> -> memref<1x64x1024xf32, #tpu.memory_space<hbm>>
    %dma_wait3A_418 = tpu.memref_squeeze %dma_wait3A_417 : memref<1x64x1024xf32, #tpu.memory_space<hbm>> -> memref<64x1024xf32, #tpu.memory_space<hbm>>
    %dma_wait3A_419 = tpu.memref_slice %arg11[%dma_wait3A_412] : memref<2x!tpu.dma_semaphore, #tpu.memory_space<semaphore_mem>> -> memref<1x!tpu.dma_semaphore, #tpu.memory_space<semaphore_mem>>
    %dma_wait3A_420 = tpu.memref_squeeze %dma_wait3A_419 : memref<1x!tpu.dma_semaphore, #tpu.memory_space<semaphore_mem>> -> memref<!tpu.dma_semaphore, #tpu.memory_space<semaphore_mem>>
    %dma_wait3A_421 = arith.constant 0 : i32
    %dma_wait3A_422 = tpu.memref_slice %arg5[%select_n3A, %mul3A_32, %dma_wait3A_421] : memref<2x4096x1024xf32, #tpu.memory_space<hbm>> -> memref<1x64x1024xf32, #tpu.memory_space<hbm>>
    %dma_wait3A_423 = tpu.memref_squeeze %dma_wait3A_422 : memref<1x64x1024xf32, #tpu.memory_space<hbm>> -> memref<64x1024xf32, #tpu.memory_space<hbm>>
    %dma_wait3A_424 = arith.constant 0 : i32
    %dma_wait3A_425 = arith.constant 0 : i32
    %dma_wait3A_426 = tpu.memref_slice %arg8[%dma_wait3A_424, %dma_wait3A_425] : memref<64x1024xf32, #tpu.memory_space<vmem>> -> memref<64x1024xf32, #tpu.memory_space<vmem>>
    tpu.wait_dma2 semaphore(%dma_wait3A_420 : memref<!tpu.dma_semaphore, #tpu.memory_space<semaphore_mem>>) src(%dma_wait3A_426 : memref<64x1024xf32, #tpu.memory_space<vmem>>) dst(%dma_wait3A_423 : memref<64x1024xf32, #tpu.memory_space<hbm>>)
    %dma_start3A_427 = arith.constant 0 : i32
    %dma_start3A_428 = arith.constant 0 : i32
    %dma_start3A_429 = arith.constant 0 : i32
    %dma_start3A_430 = tpu.memref_slice %arg8[%dma_start3A_428, %dma_start3A_429] : memref<64x1024xf32, #tpu.memory_space<vmem>> -> memref<16x1024xf32, #tpu.memory_space<vmem>>
    %dma_start3A_431 = arith.constant 240 : i32
    %dma_start3A_432 = tpu.memref_slice %arg6[%dma_start3A_431] : memref<256xi32, #tpu.memory_space<vmem>> -> memref<16xi32, #tpu.memory_space<vmem>>
    %dma_start3A_433 = arith.constant 0 : i32
    %dma_start3A_434 = arith.constant 0 : i32
    %dma_start3A_435 = tpu.memref_slice %arg4[%dma_start3A_433, %dma_start3A_434] : memref<250002x1024xf32, #tpu.memory_space<hbm>> -> memref<250002x1024xf32, #tpu.memory_space<hbm>>
    %dma_start3A_436 = tpu.memref_slice %arg10[%dma_start3A_427] : memref<2x!tpu.dma_semaphore, #tpu.memory_space<semaphore_mem>> -> memref<1x!tpu.dma_semaphore, #tpu.memory_space<semaphore_mem>>
    %dma_start3A_437 = tpu.memref_squeeze %dma_start3A_436 : memref<1x!tpu.dma_semaphore, #tpu.memory_space<semaphore_mem>> -> memref<!tpu.dma_semaphore, #tpu.memory_space<semaphore_mem>>
    tpu.enqueue_indirect_dma source(%dma_start3A_435 : memref<250002x1024xf32, #tpu.memory_space<hbm>>) target(%dma_start3A_430 : memref<16x1024xf32, #tpu.memory_space<vmem>>) offsets(%dma_start3A_432 : memref<16xi32, #tpu.memory_space<vmem>>) semaphore(%dma_start3A_437 : memref<!tpu.dma_semaphore, #tpu.memory_space<semaphore_mem>>)
    %parallel_loop3A_438 = arith.constant 0 : i32
    %parallel_loop3A_439 = arith.constant 64 : i32
    %parallel_loop3A_440 = arith.constant 1 : i32
    scf.for %parallel_loop3A_589 = %parallel_loop3A_438 to %parallel_loop3A_439 step %parallel_loop3A_440  : i32 {
      %parallel_loop3A_590 = arith.constant 16 : i32
      %parallel_loop3A_591 = arith.muli %parallel_loop3A_589, %parallel_loop3A_590 : i32
      %parallel_loop3A_592 = arith.index_cast %parallel_loop3A_591 : i32 to index
      %parallel_loop3A_593 = tpu.vector_load %arg7[%parallel_loop3A_592] {strides = array<i32>} : memref<1024xf32, #tpu.memory_space<vmem>>, vector<16xf32>,
      %parallel_loop3A_594 = vector.shape_cast %parallel_loop3A_593 : vector<16xf32> to vector<16xf32>
      %parallel_loop3A_595 = arith.constant 16 : i32
      %parallel_loop3A_596 = arith.muli %parallel_loop3A_589, %parallel_loop3A_595 : i32
      %parallel_loop3A_597 = arith.constant 0 : i32
      %parallel_loop3A_598 = arith.index_cast %parallel_loop3A_597 : i32 to index
      %parallel_loop3A_599 = arith.index_cast %parallel_loop3A_596 : i32 to index
      %parallel_loop3A_600 = tpu.vector_load %arg9[%parallel_loop3A_598, %parallel_loop3A_599] {strides = array<i32>} : memref<56x1024xf32, #tpu.memory_space<vmem>>, vector<1x16xf32>,
      %parallel_loop3A_601 = vector.shape_cast %parallel_loop3A_600 : vector<1x16xf32> to vector<16xf32>
      %parallel_loop3A_602 = vector.shape_cast %parallel_loop3A_594 : vector<16xf32> to vector<1x16xf32>
      tpu.vector_store %arg9[%parallel_loop3A_598, %parallel_loop3A_599], %parallel_loop3A_602 {add = true, strides = array<i32>} : memref<56x1024xf32, #tpu.memory_space<vmem>>, vector<1x16xf32>,
      %parallel_loop3A_603 = arith.constant 16 : i32
      %parallel_loop3A_604 = arith.muli %parallel_loop3A_589, %parallel_loop3A_603 : i32
      %parallel_loop3A_605 = arith.constant 1 : i32
      %parallel_loop3A_606 = arith.index_cast %parallel_loop3A_605 : i32 to index
      %parallel_loop3A_607 = arith.index_cast %parallel_loop3A_604 : i32 to index
      %parallel_loop3A_608 = tpu.vector_load %arg9[%parallel_loop3A_606, %parallel_loop3A_607] {strides = array<i32>} : memref<56x1024xf32, #tpu.memory_space<vmem>>, vector<1x16xf32>,
      %parallel_loop3A_609 = vector.shape_cast %parallel_loop3A_608 : vector<1x16xf32> to vector<16xf32>
      %parallel_loop3A_610 = vector.shape_cast %parallel_loop3A_594 : vector<16xf32> to vector<1x16xf32>
      tpu.vector_store %arg9[%parallel_loop3A_606, %parallel_loop3A_607], %parallel_loop3A_610 {add = true, strides = array<i32>} : memref<56x1024xf32, #tpu.memory_space<vmem>>, vector<1x16xf32>,
      %parallel_loop3A_611 = arith.constant 16 : i32
      %parallel_loop3A_612 = arith.muli %parallel_loop3A_589, %parallel_loop3A_611 : i32
      %parallel_loop3A_613 = arith.constant 2 : i32
      %parallel_loop3A_614 = arith.index_cast %parallel_loop3A_613 : i32 to index
      %parallel_loop3A_615 = arith.index_cast %parallel_loop3A_612 : i32 to index
      %parallel_loop3A_616 = tpu.vector_load %arg9[%parallel_loop3A_614, %parallel_loop3A_615] {strides = array<i32>} : memref<56x1024xf32, #tpu.memory_space<vmem>>, vector<1x16xf32>,
      %parallel_loop3A_617 = vector.shape_cast %parallel_loop3A_616 : vector<1x16xf32> to vector<16xf32>
      %parallel_loop3A_618 = vector.shape_cast %parallel_loop3A_594 : vector<16xf32> to vector<1x16xf32>
      tpu.vector_store %arg9[%parallel_loop3A_614, %parallel_loop3A_615], %parallel_loop3A_618 {add = true, strides = array<i32>} : memref<56x1024xf32, #tpu.memory_space<vmem>>, vector<1x16xf32>,
      %parallel_loop3A_619 = arith.constant 16 : i32
      %parallel_loop3A_620 = arith.muli %parallel_loop3A_589, %parallel_loop3A_619 : i32
      %parallel_loop3A_621 = arith.constant 3 : i32
      %parallel_loop3A_622 = arith.index_cast %parallel_loop3A_621 : i32 to index
      %parallel_loop3A_623 = arith.index_cast %parallel_loop3A_620 : i32 to index
      %parallel_loop3A_624 = tpu.vector_load %arg9[%parallel_loop3A_622, %parallel_loop3A_623] {strides = array<i32>} : memref<56x1024xf32, #tpu.memory_space<vmem>>, vector<1x16xf32>,
      %parallel_loop3A_625 = vector.shape_cast %parallel_loop3A_624 : vector<1x16xf32> to vector<16xf32>
      %parallel_loop3A_626 = vector.shape_cast %parallel_loop3A_594 : vector<16xf32> to vector<1x16xf32>
      tpu.vector_store %arg9[%parallel_loop3A_622, %parallel_loop3A_623], %parallel_loop3A_626 {add = true, strides = array<i32>} : memref<56x1024xf32, #tpu.memory_space<vmem>>, vector<1x16xf32>,
      %parallel_loop3A_627 = arith.constant 16 : i32
      %parallel_loop3A_628 = arith.muli %parallel_loop3A_589, %parallel_loop3A_627 : i32
      %parallel_loop3A_629 = arith.constant 4 : i32
      %parallel_loop3A_630 = arith.index_cast %parallel_loop3A_629 : i32 to index
      %parallel_loop3A_631 = arith.index_cast %parallel_loop3A_628 : i32 to index
      %parallel_loop3A_632 = tpu.vector_load %arg9[%parallel_loop3A_630, %parallel_loop3A_631] {strides = array<i32>} : memref<56x1024xf32, #tpu.memory_space<vmem>>, vector<1x16xf32>,
      %parallel_loop3A_633 = vector.shape_cast %parallel_loop3A_632 : vector<1x16xf32> to vector<16xf32>
      %parallel_loop3A_634 = vector.shape_cast %parallel_loop3A_594 : vector<16xf32> to vector<1x16xf32>
      tpu.vector_store %arg9[%parallel_loop3A_630, %parallel_loop3A_631], %parallel_loop3A_634 {add = true, strides = array<i32>} : memref<56x1024xf32, #tpu.memory_space<vmem>>, vector<1x16xf32>,
      %parallel_loop3A_635 = arith.constant 16 : i32
      %parallel_loop3A_636 = arith.muli %parallel_loop3A_589, %parallel_loop3A_635 : i32
      %parallel_loop3A_637 = arith.constant 5 : i32
      %parallel_loop3A_638 = arith.index_cast %parallel_loop3A_637 : i32 to index
      %parallel_loop3A_639 = arith.index_cast %parallel_loop3A_636 : i32 to index
      %parallel_loop3A_640 = tpu.vector_load %arg9[%parallel_loop3A_638, %parallel_loop3A_639] {strides = array<i32>} : memref<56x1024xf32, #tpu.memory_space<vmem>>, vector<1x16xf32>,
      %parallel_loop3A_641 = vector.shape_cast %parallel_loop3A_640 : vector<1x16xf32> to vector<16xf32>
      %parallel_loop3A_642 = vector.shape_cast %parallel_loop3A_594 : vector<16xf32> to vector<1x16xf32>
      tpu.vector_store %arg9[%parallel_loop3A_638, %parallel_loop3A_639], %parallel_loop3A_642 {add = true, strides = array<i32>} : memref<56x1024xf32, #tpu.memory_space<vmem>>, vector<1x16xf32>,
      %parallel_loop3A_643 = arith.constant 16 : i32
      %parallel_loop3A_644 = arith.muli %parallel_loop3A_589, %parallel_loop3A_643 : i32
      %parallel_loop3A_645 = arith.constant 6 : i32
      %parallel_loop3A_646 = arith.index_cast %parallel_loop3A_645 : i32 to index
      %parallel_loop3A_647 = arith.index_cast %parallel_loop3A_644 : i32 to index
      %parallel_loop3A_648 = tpu.vector_load %arg9[%parallel_loop3A_646, %parallel_loop3A_647] {strides = array<i32>} : memref<56x1024xf32, #tpu.memory_space<vmem>>, vector<1x16xf32>,
      %parallel_loop3A_649 = vector.shape_cast %parallel_loop3A_648 : vector<1x16xf32> to vector<16xf32>
      %parallel_loop3A_650 = vector.shape_cast %parallel_loop3A_594 : vector<16xf32> to vector<1x16xf32>
      tpu.vector_store %arg9[%parallel_loop3A_646, %parallel_loop3A_647], %parallel_loop3A_650 {add = true, strides = array<i32>} : memref<56x1024xf32, #tpu.memory_space<vmem>>, vector<1x16xf32>,
      %parallel_loop3A_651 = arith.constant 16 : i32
      %parallel_loop3A_652 = arith.muli %parallel_loop3A_589, %parallel_loop3A_651 : i32
      %parallel_loop3A_653 = arith.constant 7 : i32
      %parallel_loop3A_654 = arith.index_cast %parallel_loop3A_653 : i32 to index
      %parallel_loop3A_655 = arith.index_cast %parallel_loop3A_652 : i32 to index
      %parallel_loop3A_656 = tpu.vector_load %arg9[%parallel_loop3A_654, %parallel_loop3A_655] {strides = array<i32>} : memref<56x1024xf32, #tpu.memory_space<vmem>>, vector<1x16xf32>,
      %parallel_loop3A_657 = vector.shape_cast %parallel_loop3A_656 : vector<1x16xf32> to vector<16xf32>
      %parallel_loop3A_658 = vector.shape_cast %parallel_loop3A_594 : vector<16xf32> to vector<1x16xf32>
      tpu.vector_store %arg9[%parallel_loop3A_654, %parallel_loop3A_655], %parallel_loop3A_658 {add = true, strides = array<i32>} : memref<56x1024xf32, #tpu.memory_space<vmem>>, vector<1x16xf32>,
      %parallel_loop3A_659 = arith.constant 16 : i32
      %parallel_loop3A_660 = arith.muli %parallel_loop3A_589, %parallel_loop3A_659 : i32
      %parallel_loop3A_661 = arith.constant 8 : i32
      %parallel_loop3A_662 = arith.index_cast %parallel_loop3A_661 : i32 to index
      %parallel_loop3A_663 = arith.index_cast %parallel_loop3A_660 : i32 to index
      %parallel_loop3A_664 = tpu.vector_load %arg9[%parallel_loop3A_662, %parallel_loop3A_663] {strides = array<i32>} : memref<56x1024xf32, #tpu.memory_space<vmem>>, vector<1x16xf32>,
      %parallel_loop3A_665 = vector.shape_cast %parallel_loop3A_664 : vector<1x16xf32> to vector<16xf32>
      %parallel_loop3A_666 = vector.shape_cast %parallel_loop3A_594 : vector<16xf32> to vector<1x16xf32>
      tpu.vector_store %arg9[%parallel_loop3A_662, %parallel_loop3A_663], %parallel_loop3A_666 {add = true, strides = array<i32>} : memref<56x1024xf32, #tpu.memory_space<vmem>>, vector<1x16xf32>,
      %parallel_loop3A_667 = arith.constant 16 : i32
      %parallel_loop3A_668 = arith.muli %parallel_loop3A_589, %parallel_loop3A_667 : i32
      %parallel_loop3A_669 = arith.constant 9 : i32
      %parallel_loop3A_670 = arith.index_cast %parallel_loop3A_669 : i32 to index
      %parallel_loop3A_671 = arith.index_cast %parallel_loop3A_668 : i32 to index
      %parallel_loop3A_672 = tpu.vector_load %arg9[%parallel_loop3A_670, %parallel_loop3A_671] {strides = array<i32>} : memref<56x1024xf32, #tpu.memory_space<vmem>>, vector<1x16xf32>,
      %parallel_loop3A_673 = vector.shape_cast %parallel_loop3A_672 : vector<1x16xf32> to vector<16xf32>
      %parallel_loop3A_674 = vector.shape_cast %parallel_loop3A_594 : vector<16xf32> to vector<1x16xf32>
      tpu.vector_store %arg9[%parallel_loop3A_670, %parallel_loop3A_671], %parallel_loop3A_674 {add = true, strides = array<i32>} : memref<56x1024xf32, #tpu.memory_space<vmem>>, vector<1x16xf32>,
      %parallel_loop3A_675 = arith.constant 16 : i32
      %parallel_loop3A_676 = arith.muli %parallel_loop3A_589, %parallel_loop3A_675 : i32
      %parallel_loop3A_677 = arith.constant 10 : i32
      %parallel_loop3A_678 = arith.index_cast %parallel_loop3A_677 : i32 to index
      %parallel_loop3A_679 = arith.index_cast %parallel_loop3A_676 : i32 to index
      %parallel_loop3A_680 = tpu.vector_load %arg9[%parallel_loop3A_678, %parallel_loop3A_679] {strides = array<i32>} : memref<56x1024xf32, #tpu.memory_space<vmem>>, vector<1x16xf32>,
      %parallel_loop3A_681 = vector.shape_cast %parallel_loop3A_680 : vector<1x16xf32> to vector<16xf32>
      %parallel_loop3A_682 = vector.shape_cast %parallel_loop3A_594 : vector<16xf32> to vector<1x16xf32>
      tpu.vector_store %arg9[%parallel_loop3A_678, %parallel_loop3A_679], %parallel_loop3A_682 {add = true, strides = array<i32>} : memref<56x1024xf32, #tpu.memory_space<vmem>>, vector<1x16xf32>,
      %parallel_loop3A_683 = arith.constant 16 : i32
      %parallel_loop3A_684 = arith.muli %parallel_loop3A_589, %parallel_loop3A_683 : i32
      %parallel_loop3A_685 = arith.constant 11 : i32
      %parallel_loop3A_686 = arith.index_cast %parallel_loop3A_685 : i32 to index
      %parallel_loop3A_687 = arith.index_cast %parallel_loop3A_684 : i32 to index
      %parallel_loop3A_688 = tpu.vector_load %arg9[%parallel_loop3A_686, %parallel_loop3A_687] {strides = array<i32>} : memref<56x1024xf32, #tpu.memory_space<vmem>>, vector<1x16xf32>,
      %parallel_loop3A_689 = vector.shape_cast %parallel_loop3A_688 : vector<1x16xf32> to vector<16xf32>
      %parallel_loop3A_690 = vector.shape_cast %parallel_loop3A_594 : vector<16xf32> to vector<1x16xf32>
      tpu.vector_store %arg9[%parallel_loop3A_686, %parallel_loop3A_687], %parallel_loop3A_690 {add = true, strides = array<i32>} : memref<56x1024xf32, #tpu.memory_space<vmem>>, vector<1x16xf32>,
      %parallel_loop3A_691 = arith.constant 16 : i32
      %parallel_loop3A_692 = arith.muli %parallel_loop3A_589, %parallel_loop3A_691 : i32
      %parallel_loop3A_693 = arith.constant 12 : i32
      %parallel_loop3A_694 = arith.index_cast %parallel_loop3A_693 : i32 to index
      %parallel_loop3A_695 = arith.index_cast %parallel_loop3A_692 : i32 to index
      %parallel_loop3A_696 = tpu.vector_load %arg9[%parallel_loop3A_694, %parallel_loop3A_695] {strides = array<i32>} : memref<56x1024xf32, #tpu.memory_space<vmem>>, vector<1x16xf32>,
      %parallel_loop3A_697 = vector.shape_cast %parallel_loop3A_696 : vector<1x16xf32> to vector<16xf32>
      %parallel_loop3A_698 = vector.shape_cast %parallel_loop3A_594 : vector<16xf32> to vector<1x16xf32>
      tpu.vector_store %arg9[%parallel_loop3A_694, %parallel_loop3A_695], %parallel_loop3A_698 {add = true, strides = array<i32>} : memref<56x1024xf32, #tpu.memory_space<vmem>>, vector<1x16xf32>,
      %parallel_loop3A_699 = arith.constant 16 : i32
      %parallel_loop3A_700 = arith.muli %parallel_loop3A_589, %parallel_loop3A_699 : i32
      %parallel_loop3A_701 = arith.constant 13 : i32
      %parallel_loop3A_702 = arith.index_cast %parallel_loop3A_701 : i32 to index
      %parallel_loop3A_703 = arith.index_cast %parallel_loop3A_700 : i32 to index
      %parallel_loop3A_704 = tpu.vector_load %arg9[%parallel_loop3A_702, %parallel_loop3A_703] {strides = array<i32>} : memref<56x1024xf32, #tpu.memory_space<vmem>>, vector<1x16xf32>,
      %parallel_loop3A_705 = vector.shape_cast %parallel_loop3A_704 : vector<1x16xf32> to vector<16xf32>
      %parallel_loop3A_706 = vector.shape_cast %parallel_loop3A_594 : vector<16xf32> to vector<1x16xf32>
      tpu.vector_store %arg9[%parallel_loop3A_702, %parallel_loop3A_703], %parallel_loop3A_706 {add = true, strides = array<i32>} : memref<56x1024xf32, #tpu.memory_space<vmem>>, vector<1x16xf32>,
      %parallel_loop3A_707 = arith.constant 16 : i32
      %parallel_loop3A_708 = arith.muli %parallel_loop3A_589, %parallel_loop3A_707 : i32
      %parallel_loop3A_709 = arith.constant 14 : i32
      %parallel_loop3A_710 = arith.index_cast %parallel_loop3A_709 : i32 to index
      %parallel_loop3A_711 = arith.index_cast %parallel_loop3A_708 : i32 to index
      %parallel_loop3A_712 = tpu.vector_load %arg9[%parallel_loop3A_710, %parallel_loop3A_711] {strides = array<i32>} : memref<56x1024xf32, #tpu.memory_space<vmem>>, vector<1x16xf32>,
      %parallel_loop3A_713 = vector.shape_cast %parallel_loop3A_712 : vector<1x16xf32> to vector<16xf32>
      %parallel_loop3A_714 = vector.shape_cast %parallel_loop3A_594 : vector<16xf32> to vector<1x16xf32>
      tpu.vector_store %arg9[%parallel_loop3A_710, %parallel_loop3A_711], %parallel_loop3A_714 {add = true, strides = array<i32>} : memref<56x1024xf32, #tpu.memory_space<vmem>>, vector<1x16xf32>,
      %parallel_loop3A_715 = arith.constant 16 : i32
      %parallel_loop3A_716 = arith.muli %parallel_loop3A_589, %parallel_loop3A_715 : i32
      %parallel_loop3A_717 = arith.constant 15 : i32
      %parallel_loop3A_718 = arith.index_cast %parallel_loop3A_717 : i32 to index
      %parallel_loop3A_719 = arith.index_cast %parallel_loop3A_716 : i32 to index
      %parallel_loop3A_720 = tpu.vector_load %arg9[%parallel_loop3A_718, %parallel_loop3A_719] {strides = array<i32>} : memref<56x1024xf32, #tpu.memory_space<vmem>>, vector<1x16xf32>,
      %parallel_loop3A_721 = vector.shape_cast %parallel_loop3A_720 : vector<1x16xf32> to vector<16xf32>
      %parallel_loop3A_722 = vector.shape_cast %parallel_loop3A_594 : vector<16xf32> to vector<1x16xf32>
      tpu.vector_store %arg9[%parallel_loop3A_718, %parallel_loop3A_719], %parallel_loop3A_722 {add = true, strides = array<i32>} : memref<56x1024xf32, #tpu.memory_space<vmem>>, vector<1x16xf32>,
    } {sc.loop_unroll_factor = 1 : i64, sc.parallel_access}
    %add3A_441 = arith.constant 184 : i32
    %add3A_442 = arith.addi %mul3A_32, %add3A_441 : i32
    %add3A_443 = arith.constant 0 : i32
    %add3A_444 = arith.addi %add3A_442, %add3A_443 : i32
    %dma_start3A_445 = arith.constant 1 : i32
    %dma_start3A_446 = arith.constant 0 : i32
    %dma_start3A_447 = arith.constant 0 : i32
    %dma_start3A_448 = tpu.memref_slice %arg9[%dma_start3A_446, %dma_start3A_447] : memref<56x1024xf32, #tpu.memory_space<vmem>> -> memref<16x1024xf32, #tpu.memory_space<vmem>>
    %dma_start3A_449 = arith.constant 0 : i32
    %dma_start3A_450 = tpu.memref_slice %arg5[%select_n3A, %add3A_444, %dma_start3A_449] : memref<2x4096x1024xf32, #tpu.memory_space<hbm>> -> memref<1x16x1024xf32, #tpu.memory_space<hbm>>
    %dma_start3A_451 = tpu.memref_squeeze %dma_start3A_450 : memref<1x16x1024xf32, #tpu.memory_space<hbm>> -> memref<16x1024xf32, #tpu.memory_space<hbm>>
    %dma_start3A_452 = tpu.memref_slice %arg11[%dma_start3A_445] : memref<2x!tpu.dma_semaphore, #tpu.memory_space<semaphore_mem>> -> memref<1x!tpu.dma_semaphore, #tpu.memory_space<semaphore_mem>>
    %dma_start3A_453 = tpu.memref_squeeze %dma_start3A_452 : memref<1x!tpu.dma_semaphore, #tpu.memory_space<semaphore_mem>> -> memref<!tpu.dma_semaphore, #tpu.memory_space<semaphore_mem>>
    %dma_start3A_454 = arith.constant 0 : i32
    %dma_start3A_455 = tpu.memref_slice %arg5[%select_n3A, %add3A_444, %dma_start3A_454] : memref<2x4096x1024xf32, #tpu.memory_space<hbm>> -> memref<1x16x1024xf32, #tpu.memory_space<hbm>>
    %dma_start3A_456 = tpu.memref_squeeze %dma_start3A_455 : memref<1x16x1024xf32, #tpu.memory_space<hbm>> -> memref<16x1024xf32, #tpu.memory_space<hbm>>
    %dma_start3A_457 = arith.constant 0 : i32
    %dma_start3A_458 = arith.constant 0 : i32
    %dma_start3A_459 = tpu.memref_slice %arg9[%dma_start3A_457, %dma_start3A_458] : memref<56x1024xf32, #tpu.memory_space<vmem>> -> memref<16x1024xf32, #tpu.memory_space<vmem>>
    tpu.enqueue_dma source(%dma_start3A_459 : memref<16x1024xf32, #tpu.memory_space<vmem>>) target(%dma_start3A_456 : memref<16x1024xf32, #tpu.memory_space<hbm>>) target_semaphore(%dma_start3A_453 : memref<!tpu.dma_semaphore, #tpu.memory_space<semaphore_mem>>)
    %parallel_loop3A_460 = arith.constant 0 : i32
    %parallel_loop3A_461 = arith.constant 64 : i32
    %parallel_loop3A_462 = arith.constant 1 : i32
    scf.for %parallel_loop3A_589 = %parallel_loop3A_460 to %parallel_loop3A_461 step %parallel_loop3A_462  : i32 {
      %parallel_loop3A_590 = arith.constant 16 : i32
      %parallel_loop3A_591 = arith.muli %parallel_loop3A_589, %parallel_loop3A_590 : i32
      %parallel_loop3A_592 = arith.index_cast %parallel_loop3A_591 : i32 to index
      %parallel_loop3A_593 = tpu.vector_load %arg7[%parallel_loop3A_592] {strides = array<i32>} : memref<1024xf32, #tpu.memory_space<vmem>>, vector<16xf32>,
      %parallel_loop3A_594 = vector.shape_cast %parallel_loop3A_593 : vector<16xf32> to vector<16xf32>
      %parallel_loop3A_595 = arith.constant 16 : i32
      %parallel_loop3A_596 = arith.muli %parallel_loop3A_589, %parallel_loop3A_595 : i32
      %parallel_loop3A_597 = arith.constant 16 : i32
      %parallel_loop3A_598 = arith.index_cast %parallel_loop3A_597 : i32 to index
      %parallel_loop3A_599 = arith.index_cast %parallel_loop3A_596 : i32 to index
      %parallel_loop3A_600 = tpu.vector_load %arg9[%parallel_loop3A_598, %parallel_loop3A_599] {strides = array<i32>} : memref<56x1024xf32, #tpu.memory_space<vmem>>, vector<1x16xf32>,
      %parallel_loop3A_601 = vector.shape_cast %parallel_loop3A_600 : vector<1x16xf32> to vector<16xf32>
      %parallel_loop3A_602 = vector.shape_cast %parallel_loop3A_594 : vector<16xf32> to vector<1x16xf32>
      tpu.vector_store %arg9[%parallel_loop3A_598, %parallel_loop3A_599], %parallel_loop3A_602 {add = true, strides = array<i32>} : memref<56x1024xf32, #tpu.memory_space<vmem>>, vector<1x16xf32>,
      %parallel_loop3A_603 = arith.constant 16 : i32
      %parallel_loop3A_604 = arith.muli %parallel_loop3A_589, %parallel_loop3A_603 : i32
      %parallel_loop3A_605 = arith.constant 17 : i32
      %parallel_loop3A_606 = arith.index_cast %parallel_loop3A_605 : i32 to index
      %parallel_loop3A_607 = arith.index_cast %parallel_loop3A_604 : i32 to index
      %parallel_loop3A_608 = tpu.vector_load %arg9[%parallel_loop3A_606, %parallel_loop3A_607] {strides = array<i32>} : memref<56x1024xf32, #tpu.memory_space<vmem>>, vector<1x16xf32>,
      %parallel_loop3A_609 = vector.shape_cast %parallel_loop3A_608 : vector<1x16xf32> to vector<16xf32>
      %parallel_loop3A_610 = vector.shape_cast %parallel_loop3A_594 : vector<16xf32> to vector<1x16xf32>
      tpu.vector_store %arg9[%parallel_loop3A_606, %parallel_loop3A_607], %parallel_loop3A_610 {add = true, strides = array<i32>} : memref<56x1024xf32, #tpu.memory_space<vmem>>, vector<1x16xf32>,
      %parallel_loop3A_611 = arith.constant 16 : i32
      %parallel_loop3A_612 = arith.muli %parallel_loop3A_589, %parallel_loop3A_611 : i32
      %parallel_loop3A_613 = arith.constant 18 : i32
      %parallel_loop3A_614 = arith.index_cast %parallel_loop3A_613 : i32 to index
      %parallel_loop3A_615 = arith.index_cast %parallel_loop3A_612 : i32 to index
      %parallel_loop3A_616 = tpu.vector_load %arg9[%parallel_loop3A_614, %parallel_loop3A_615] {strides = array<i32>} : memref<56x1024xf32, #tpu.memory_space<vmem>>, vector<1x16xf32>,
      %parallel_loop3A_617 = vector.shape_cast %parallel_loop3A_616 : vector<1x16xf32> to vector<16xf32>
      %parallel_loop3A_618 = vector.shape_cast %parallel_loop3A_594 : vector<16xf32> to vector<1x16xf32>
      tpu.vector_store %arg9[%parallel_loop3A_614, %parallel_loop3A_615], %parallel_loop3A_618 {add = true, strides = array<i32>} : memref<56x1024xf32, #tpu.memory_space<vmem>>, vector<1x16xf32>,
      %parallel_loop3A_619 = arith.constant 16 : i32
      %parallel_loop3A_620 = arith.muli %parallel_loop3A_589, %parallel_loop3A_619 : i32
      %parallel_loop3A_621 = arith.constant 19 : i32
      %parallel_loop3A_622 = arith.index_cast %parallel_loop3A_621 : i32 to index
      %parallel_loop3A_623 = arith.index_cast %parallel_loop3A_620 : i32 to index
      %parallel_loop3A_624 = tpu.vector_load %arg9[%parallel_loop3A_622, %parallel_loop3A_623] {strides = array<i32>} : memref<56x1024xf32, #tpu.memory_space<vmem>>, vector<1x16xf32>,
      %parallel_loop3A_625 = vector.shape_cast %parallel_loop3A_624 : vector<1x16xf32> to vector<16xf32>
      %parallel_loop3A_626 = vector.shape_cast %parallel_loop3A_594 : vector<16xf32> to vector<1x16xf32>
      tpu.vector_store %arg9[%parallel_loop3A_622, %parallel_loop3A_623], %parallel_loop3A_626 {add = true, strides = array<i32>} : memref<56x1024xf32, #tpu.memory_space<vmem>>, vector<1x16xf32>,
      %parallel_loop3A_627 = arith.constant 16 : i32
      %parallel_loop3A_628 = arith.muli %parallel_loop3A_589, %parallel_loop3A_627 : i32
      %parallel_loop3A_629 = arith.constant 20 : i32
      %parallel_loop3A_630 = arith.index_cast %parallel_loop3A_629 : i32 to index
      %parallel_loop3A_631 = arith.index_cast %parallel_loop3A_628 : i32 to index
      %parallel_loop3A_632 = tpu.vector_load %arg9[%parallel_loop3A_630, %parallel_loop3A_631] {strides = array<i32>} : memref<56x1024xf32, #tpu.memory_space<vmem>>, vector<1x16xf32>,
      %parallel_loop3A_633 = vector.shape_cast %parallel_loop3A_632 : vector<1x16xf32> to vector<16xf32>
      %parallel_loop3A_634 = vector.shape_cast %parallel_loop3A_594 : vector<16xf32> to vector<1x16xf32>
      tpu.vector_store %arg9[%parallel_loop3A_630, %parallel_loop3A_631], %parallel_loop3A_634 {add = true, strides = array<i32>} : memref<56x1024xf32, #tpu.memory_space<vmem>>, vector<1x16xf32>,
      %parallel_loop3A_635 = arith.constant 16 : i32
      %parallel_loop3A_636 = arith.muli %parallel_loop3A_589, %parallel_loop3A_635 : i32
      %parallel_loop3A_637 = arith.constant 21 : i32
      %parallel_loop3A_638 = arith.index_cast %parallel_loop3A_637 : i32 to index
      %parallel_loop3A_639 = arith.index_cast %parallel_loop3A_636 : i32 to index
      %parallel_loop3A_640 = tpu.vector_load %arg9[%parallel_loop3A_638, %parallel_loop3A_639] {strides = array<i32>} : memref<56x1024xf32, #tpu.memory_space<vmem>>, vector<1x16xf32>,
      %parallel_loop3A_641 = vector.shape_cast %parallel_loop3A_640 : vector<1x16xf32> to vector<16xf32>
      %parallel_loop3A_642 = vector.shape_cast %parallel_loop3A_594 : vector<16xf32> to vector<1x16xf32>
      tpu.vector_store %arg9[%parallel_loop3A_638, %parallel_loop3A_639], %parallel_loop3A_642 {add = true, strides = array<i32>} : memref<56x1024xf32, #tpu.memory_space<vmem>>, vector<1x16xf32>,
      %parallel_loop3A_643 = arith.constant 16 : i32
      %parallel_loop3A_644 = arith.muli %parallel_loop3A_589, %parallel_loop3A_643 : i32
      %parallel_loop3A_645 = arith.constant 22 : i32
      %parallel_loop3A_646 = arith.index_cast %parallel_loop3A_645 : i32 to index
      %parallel_loop3A_647 = arith.index_cast %parallel_loop3A_644 : i32 to index
      %parallel_loop3A_648 = tpu.vector_load %arg9[%parallel_loop3A_646, %parallel_loop3A_647] {strides = array<i32>} : memref<56x1024xf32, #tpu.memory_space<vmem>>, vector<1x16xf32>,
      %parallel_loop3A_649 = vector.shape_cast %parallel_loop3A_648 : vector<1x16xf32> to vector<16xf32>
      %parallel_loop3A_650 = vector.shape_cast %parallel_loop3A_594 : vector<16xf32> to vector<1x16xf32>
      tpu.vector_store %arg9[%parallel_loop3A_646, %parallel_loop3A_647], %parallel_loop3A_650 {add = true, strides = array<i32>} : memref<56x1024xf32, #tpu.memory_space<vmem>>, vector<1x16xf32>,
      %parallel_loop3A_651 = arith.constant 16 : i32
      %parallel_loop3A_652 = arith.muli %parallel_loop3A_589, %parallel_loop3A_651 : i32
      %parallel_loop3A_653 = arith.constant 23 : i32
      %parallel_loop3A_654 = arith.index_cast %parallel_loop3A_653 : i32 to index
      %parallel_loop3A_655 = arith.index_cast %parallel_loop3A_652 : i32 to index
      %parallel_loop3A_656 = tpu.vector_load %arg9[%parallel_loop3A_654, %parallel_loop3A_655] {strides = array<i32>} : memref<56x1024xf32, #tpu.memory_space<vmem>>, vector<1x16xf32>,
      %parallel_loop3A_657 = vector.shape_cast %parallel_loop3A_656 : vector<1x16xf32> to vector<16xf32>
      %parallel_loop3A_658 = vector.shape_cast %parallel_loop3A_594 : vector<16xf32> to vector<1x16xf32>
      tpu.vector_store %arg9[%parallel_loop3A_654, %parallel_loop3A_655], %parallel_loop3A_658 {add = true, strides = array<i32>} : memref<56x1024xf32, #tpu.memory_space<vmem>>, vector<1x16xf32>,
      %parallel_loop3A_659 = arith.constant 16 : i32
      %parallel_loop3A_660 = arith.muli %parallel_loop3A_589, %parallel_loop3A_659 : i32
      %parallel_loop3A_661 = arith.constant 24 : i32
      %parallel_loop3A_662 = arith.index_cast %parallel_loop3A_661 : i32 to index
      %parallel_loop3A_663 = arith.index_cast %parallel_loop3A_660 : i32 to index
      %parallel_loop3A_664 = tpu.vector_load %arg9[%parallel_loop3A_662, %parallel_loop3A_663] {strides = array<i32>} : memref<56x1024xf32, #tpu.memory_space<vmem>>, vector<1x16xf32>,
      %parallel_loop3A_665 = vector.shape_cast %parallel_loop3A_664 : vector<1x16xf32> to vector<16xf32>
      %parallel_loop3A_666 = vector.shape_cast %parallel_loop3A_594 : vector<16xf32> to vector<1x16xf32>
      tpu.vector_store %arg9[%parallel_loop3A_662, %parallel_loop3A_663], %parallel_loop3A_666 {add = true, strides = array<i32>} : memref<56x1024xf32, #tpu.memory_space<vmem>>, vector<1x16xf32>,
      %parallel_loop3A_667 = arith.constant 16 : i32
      %parallel_loop3A_668 = arith.muli %parallel_loop3A_589, %parallel_loop3A_667 : i32
      %parallel_loop3A_669 = arith.constant 25 : i32
      %parallel_loop3A_670 = arith.index_cast %parallel_loop3A_669 : i32 to index
      %parallel_loop3A_671 = arith.index_cast %parallel_loop3A_668 : i32 to index
      %parallel_loop3A_672 = tpu.vector_load %arg9[%parallel_loop3A_670, %parallel_loop3A_671] {strides = array<i32>} : memref<56x1024xf32, #tpu.memory_space<vmem>>, vector<1x16xf32>,
      %parallel_loop3A_673 = vector.shape_cast %parallel_loop3A_672 : vector<1x16xf32> to vector<16xf32>
      %parallel_loop3A_674 = vector.shape_cast %parallel_loop3A_594 : vector<16xf32> to vector<1x16xf32>
      tpu.vector_store %arg9[%parallel_loop3A_670, %parallel_loop3A_671], %parallel_loop3A_674 {add = true, strides = array<i32>} : memref<56x1024xf32, #tpu.memory_space<vmem>>, vector<1x16xf32>,
      %parallel_loop3A_675 = arith.constant 16 : i32
      %parallel_loop3A_676 = arith.muli %parallel_loop3A_589, %parallel_loop3A_675 : i32
      %parallel_loop3A_677 = arith.constant 26 : i32
      %parallel_loop3A_678 = arith.index_cast %parallel_loop3A_677 : i32 to index
      %parallel_loop3A_679 = arith.index_cast %parallel_loop3A_676 : i32 to index
      %parallel_loop3A_680 = tpu.vector_load %arg9[%parallel_loop3A_678, %parallel_loop3A_679] {strides = array<i32>} : memref<56x1024xf32, #tpu.memory_space<vmem>>, vector<1x16xf32>,
      %parallel_loop3A_681 = vector.shape_cast %parallel_loop3A_680 : vector<1x16xf32> to vector<16xf32>
      %parallel_loop3A_682 = vector.shape_cast %parallel_loop3A_594 : vector<16xf32> to vector<1x16xf32>
      tpu.vector_store %arg9[%parallel_loop3A_678, %parallel_loop3A_679], %parallel_loop3A_682 {add = true, strides = array<i32>} : memref<56x1024xf32, #tpu.memory_space<vmem>>, vector<1x16xf32>,
      %parallel_loop3A_683 = arith.constant 16 : i32
      %parallel_loop3A_684 = arith.muli %parallel_loop3A_589, %parallel_loop3A_683 : i32
      %parallel_loop3A_685 = arith.constant 27 : i32
      %parallel_loop3A_686 = arith.index_cast %parallel_loop3A_685 : i32 to index
      %parallel_loop3A_687 = arith.index_cast %parallel_loop3A_684 : i32 to index
      %parallel_loop3A_688 = tpu.vector_load %arg9[%parallel_loop3A_686, %parallel_loop3A_687] {strides = array<i32>} : memref<56x1024xf32, #tpu.memory_space<vmem>>, vector<1x16xf32>,
      %parallel_loop3A_689 = vector.shape_cast %parallel_loop3A_688 : vector<1x16xf32> to vector<16xf32>
      %parallel_loop3A_690 = vector.shape_cast %parallel_loop3A_594 : vector<16xf32> to vector<1x16xf32>
      tpu.vector_store %arg9[%parallel_loop3A_686, %parallel_loop3A_687], %parallel_loop3A_690 {add = true, strides = array<i32>} : memref<56x1024xf32, #tpu.memory_space<vmem>>, vector<1x16xf32>,
      %parallel_loop3A_691 = arith.constant 16 : i32
      %parallel_loop3A_692 = arith.muli %parallel_loop3A_589, %parallel_loop3A_691 : i32
      %parallel_loop3A_693 = arith.constant 28 : i32
      %parallel_loop3A_694 = arith.index_cast %parallel_loop3A_693 : i32 to index
      %parallel_loop3A_695 = arith.index_cast %parallel_loop3A_692 : i32 to index
      %parallel_loop3A_696 = tpu.vector_load %arg9[%parallel_loop3A_694, %parallel_loop3A_695] {strides = array<i32>} : memref<56x1024xf32, #tpu.memory_space<vmem>>, vector<1x16xf32>,
      %parallel_loop3A_697 = vector.shape_cast %parallel_loop3A_696 : vector<1x16xf32> to vector<16xf32>
      %parallel_loop3A_698 = vector.shape_cast %parallel_loop3A_594 : vector<16xf32> to vector<1x16xf32>
      tpu.vector_store %arg9[%parallel_loop3A_694, %parallel_loop3A_695], %parallel_loop3A_698 {add = true, strides = array<i32>} : memref<56x1024xf32, #tpu.memory_space<vmem>>, vector<1x16xf32>,
      %parallel_loop3A_699 = arith.constant 16 : i32
      %parallel_loop3A_700 = arith.muli %parallel_loop3A_589, %parallel_loop3A_699 : i32
      %parallel_loop3A_701 = arith.constant 29 : i32
      %parallel_loop3A_702 = arith.index_cast %parallel_loop3A_701 : i32 to index
      %parallel_loop3A_703 = arith.index_cast %parallel_loop3A_700 : i32 to index
      %parallel_loop3A_704 = tpu.vector_load %arg9[%parallel_loop3A_702, %parallel_loop3A_703] {strides = array<i32>} : memref<56x1024xf32, #tpu.memory_space<vmem>>, vector<1x16xf32>,
      %parallel_loop3A_705 = vector.shape_cast %parallel_loop3A_704 : vector<1x16xf32> to vector<16xf32>
      %parallel_loop3A_706 = vector.shape_cast %parallel_loop3A_594 : vector<16xf32> to vector<1x16xf32>
      tpu.vector_store %arg9[%parallel_loop3A_702, %parallel_loop3A_703], %parallel_loop3A_706 {add = true, strides = array<i32>} : memref<56x1024xf32, #tpu.memory_space<vmem>>, vector<1x16xf32>,
      %parallel_loop3A_707 = arith.constant 16 : i32
      %parallel_loop3A_708 = arith.muli %parallel_loop3A_589, %parallel_loop3A_707 : i32
      %parallel_loop3A_709 = arith.constant 30 : i32
      %parallel_loop3A_710 = arith.index_cast %parallel_loop3A_709 : i32 to index
      %parallel_loop3A_711 = arith.index_cast %parallel_loop3A_708 : i32 to index
      %parallel_loop3A_712 = tpu.vector_load %arg9[%parallel_loop3A_710, %parallel_loop3A_711] {strides = array<i32>} : memref<56x1024xf32, #tpu.memory_space<vmem>>, vector<1x16xf32>,
      %parallel_loop3A_713 = vector.shape_cast %parallel_loop3A_712 : vector<1x16xf32> to vector<16xf32>
      %parallel_loop3A_714 = vector.shape_cast %parallel_loop3A_594 : vector<16xf32> to vector<1x16xf32>
      tpu.vector_store %arg9[%parallel_loop3A_710, %parallel_loop3A_711], %parallel_loop3A_714 {add = true, strides = array<i32>} : memref<56x1024xf32, #tpu.memory_space<vmem>>, vector<1x16xf32>,
      %parallel_loop3A_715 = arith.constant 16 : i32
      %parallel_loop3A_716 = arith.muli %parallel_loop3A_589, %parallel_loop3A_715 : i32
      %parallel_loop3A_717 = arith.constant 31 : i32
      %parallel_loop3A_718 = arith.index_cast %parallel_loop3A_717 : i32 to index
      %parallel_loop3A_719 = arith.index_cast %parallel_loop3A_716 : i32 to index
      %parallel_loop3A_720 = tpu.vector_load %arg9[%parallel_loop3A_718, %parallel_loop3A_719] {strides = array<i32>} : memref<56x1024xf32, #tpu.memory_space<vmem>>, vector<1x16xf32>,
      %parallel_loop3A_721 = vector.shape_cast %parallel_loop3A_720 : vector<1x16xf32> to vector<16xf32>
      %parallel_loop3A_722 = vector.shape_cast %parallel_loop3A_594 : vector<16xf32> to vector<1x16xf32>
      tpu.vector_store %arg9[%parallel_loop3A_718, %parallel_loop3A_719], %parallel_loop3A_722 {add = true, strides = array<i32>} : memref<56x1024xf32, #tpu.memory_space<vmem>>, vector<1x16xf32>,
    } {sc.loop_unroll_factor = 1 : i64, sc.parallel_access}
    %add3A_463 = arith.constant 184 : i32
    %add3A_464 = arith.addi %mul3A_32, %add3A_463 : i32
    %add3A_465 = arith.constant 16 : i32
    %add3A_466 = arith.addi %add3A_464, %add3A_465 : i32
    %dma_start3A_467 = arith.constant 1 : i32
    %dma_start3A_468 = arith.constant 16 : i32
    %dma_start3A_469 = arith.constant 0 : i32
    %dma_start3A_470 = tpu.memref_slice %arg9[%dma_start3A_468, %dma_start3A_469] : memref<56x1024xf32, #tpu.memory_space<vmem>> -> memref<16x1024xf32, #tpu.memory_space<vmem>>
    %dma_start3A_471 = arith.constant 0 : i32
    %dma_start3A_472 = tpu.memref_slice %arg5[%select_n3A, %add3A_466, %dma_start3A_471] : memref<2x4096x1024xf32, #tpu.memory_space<hbm>> -> memref<1x16x1024xf32, #tpu.memory_space<hbm>>
    %dma_start3A_473 = tpu.memref_squeeze %dma_start3A_472 : memref<1x16x1024xf32, #tpu.memory_space<hbm>> -> memref<16x1024xf32, #tpu.memory_space<hbm>>
    %dma_start3A_474 = tpu.memref_slice %arg11[%dma_start3A_467] : memref<2x!tpu.dma_semaphore, #tpu.memory_space<semaphore_mem>> -> memref<1x!tpu.dma_semaphore, #tpu.memory_space<semaphore_mem>>
    %dma_start3A_475 = tpu.memref_squeeze %dma_start3A_474 : memref<1x!tpu.dma_semaphore, #tpu.memory_space<semaphore_mem>> -> memref<!tpu.dma_semaphore, #tpu.memory_space<semaphore_mem>>
    %dma_start3A_476 = arith.constant 0 : i32
    %dma_start3A_477 = tpu.memref_slice %arg5[%select_n3A, %add3A_466, %dma_start3A_476] : memref<2x4096x1024xf32, #tpu.memory_space<hbm>> -> memref<1x16x1024xf32, #tpu.memory_space<hbm>>
    %dma_start3A_478 = tpu.memref_squeeze %dma_start3A_477 : memref<1x16x1024xf32, #tpu.memory_space<hbm>> -> memref<16x1024xf32, #tpu.memory_space<hbm>>
    %dma_start3A_479 = arith.constant 16 : i32
    %dma_start3A_480 = arith.constant 0 : i32
    %dma_start3A_481 = tpu.memref_slice %arg9[%dma_start3A_479, %dma_start3A_480] : memref<56x1024xf32, #tpu.memory_space<vmem>> -> memref<16x1024xf32, #tpu.memory_space<vmem>>
    tpu.enqueue_dma source(%dma_start3A_481 : memref<16x1024xf32, #tpu.memory_space<vmem>>) target(%dma_start3A_478 : memref<16x1024xf32, #tpu.memory_space<hbm>>) target_semaphore(%dma_start3A_475 : memref<!tpu.dma_semaphore, #tpu.memory_space<semaphore_mem>>)
    %parallel_loop3A_482 = arith.constant 0 : i32
    %parallel_loop3A_483 = arith.constant 64 : i32
    %parallel_loop3A_484 = arith.constant 1 : i32
    scf.for %parallel_loop3A_589 = %parallel_loop3A_482 to %parallel_loop3A_483 step %parallel_loop3A_484  : i32 {
      %parallel_loop3A_590 = arith.constant 16 : i32
      %parallel_loop3A_591 = arith.muli %parallel_loop3A_589, %parallel_loop3A_590 : i32
      %parallel_loop3A_592 = arith.index_cast %parallel_loop3A_591 : i32 to index
      %parallel_loop3A_593 = tpu.vector_load %arg7[%parallel_loop3A_592] {strides = array<i32>} : memref<1024xf32, #tpu.memory_space<vmem>>, vector<16xf32>,
      %parallel_loop3A_594 = vector.shape_cast %parallel_loop3A_593 : vector<16xf32> to vector<16xf32>
      %parallel_loop3A_595 = arith.constant 16 : i32
      %parallel_loop3A_596 = arith.muli %parallel_loop3A_589, %parallel_loop3A_595 : i32
      %parallel_loop3A_597 = arith.constant 32 : i32
      %parallel_loop3A_598 = arith.index_cast %parallel_loop3A_597 : i32 to index
      %parallel_loop3A_599 = arith.index_cast %parallel_loop3A_596 : i32 to index
      %parallel_loop3A_600 = tpu.vector_load %arg9[%parallel_loop3A_598, %parallel_loop3A_599] {strides = array<i32>} : memref<56x1024xf32, #tpu.memory_space<vmem>>, vector<1x16xf32>,
      %parallel_loop3A_601 = vector.shape_cast %parallel_loop3A_600 : vector<1x16xf32> to vector<16xf32>
      %parallel_loop3A_602 = vector.shape_cast %parallel_loop3A_594 : vector<16xf32> to vector<1x16xf32>
      tpu.vector_store %arg9[%parallel_loop3A_598, %parallel_loop3A_599], %parallel_loop3A_602 {add = true, strides = array<i32>} : memref<56x1024xf32, #tpu.memory_space<vmem>>, vector<1x16xf32>,
      %parallel_loop3A_603 = arith.constant 16 : i32
      %parallel_loop3A_604 = arith.muli %parallel_loop3A_589, %parallel_loop3A_603 : i32
      %parallel_loop3A_605 = arith.constant 33 : i32
      %parallel_loop3A_606 = arith.index_cast %parallel_loop3A_605 : i32 to index
      %parallel_loop3A_607 = arith.index_cast %parallel_loop3A_604 : i32 to index
      %parallel_loop3A_608 = tpu.vector_load %arg9[%parallel_loop3A_606, %parallel_loop3A_607] {strides = array<i32>} : memref<56x1024xf32, #tpu.memory_space<vmem>>, vector<1x16xf32>,
      %parallel_loop3A_609 = vector.shape_cast %parallel_loop3A_608 : vector<1x16xf32> to vector<16xf32>
      %parallel_loop3A_610 = vector.shape_cast %parallel_loop3A_594 : vector<16xf32> to vector<1x16xf32>
      tpu.vector_store %arg9[%parallel_loop3A_606, %parallel_loop3A_607], %parallel_loop3A_610 {add = true, strides = array<i32>} : memref<56x1024xf32, #tpu.memory_space<vmem>>, vector<1x16xf32>,
      %parallel_loop3A_611 = arith.constant 16 : i32
      %parallel_loop3A_612 = arith.muli %parallel_loop3A_589, %parallel_loop3A_611 : i32
      %parallel_loop3A_613 = arith.constant 34 : i32
      %parallel_loop3A_614 = arith.index_cast %parallel_loop3A_613 : i32 to index
      %parallel_loop3A_615 = arith.index_cast %parallel_loop3A_612 : i32 to index
      %parallel_loop3A_616 = tpu.vector_load %arg9[%parallel_loop3A_614, %parallel_loop3A_615] {strides = array<i32>} : memref<56x1024xf32, #tpu.memory_space<vmem>>, vector<1x16xf32>,
      %parallel_loop3A_617 = vector.shape_cast %parallel_loop3A_616 : vector<1x16xf32> to vector<16xf32>
      %parallel_loop3A_618 = vector.shape_cast %parallel_loop3A_594 : vector<16xf32> to vector<1x16xf32>
      tpu.vector_store %arg9[%parallel_loop3A_614, %parallel_loop3A_615], %parallel_loop3A_618 {add = true, strides = array<i32>} : memref<56x1024xf32, #tpu.memory_space<vmem>>, vector<1x16xf32>,
      %parallel_loop3A_619 = arith.constant 16 : i32
      %parallel_loop3A_620 = arith.muli %parallel_loop3A_589, %parallel_loop3A_619 : i32
      %parallel_loop3A_621 = arith.constant 35 : i32
      %parallel_loop3A_622 = arith.index_cast %parallel_loop3A_621 : i32 to index
      %parallel_loop3A_623 = arith.index_cast %parallel_loop3A_620 : i32 to index
      %parallel_loop3A_624 = tpu.vector_load %arg9[%parallel_loop3A_622, %parallel_loop3A_623] {strides = array<i32>} : memref<56x1024xf32, #tpu.memory_space<vmem>>, vector<1x16xf32>,
      %parallel_loop3A_625 = vector.shape_cast %parallel_loop3A_624 : vector<1x16xf32> to vector<16xf32>
      %parallel_loop3A_626 = vector.shape_cast %parallel_loop3A_594 : vector<16xf32> to vector<1x16xf32>
      tpu.vector_store %arg9[%parallel_loop3A_622, %parallel_loop3A_623], %parallel_loop3A_626 {add = true, strides = array<i32>} : memref<56x1024xf32, #tpu.memory_space<vmem>>, vector<1x16xf32>,
      %parallel_loop3A_627 = arith.constant 16 : i32
      %parallel_loop3A_628 = arith.muli %parallel_loop3A_589, %parallel_loop3A_627 : i32
      %parallel_loop3A_629 = arith.constant 36 : i32
      %parallel_loop3A_630 = arith.index_cast %parallel_loop3A_629 : i32 to index
      %parallel_loop3A_631 = arith.index_cast %parallel_loop3A_628 : i32 to index
      %parallel_loop3A_632 = tpu.vector_load %arg9[%parallel_loop3A_630, %parallel_loop3A_631] {strides = array<i32>} : memref<56x1024xf32, #tpu.memory_space<vmem>>, vector<1x16xf32>,
      %parallel_loop3A_633 = vector.shape_cast %parallel_loop3A_632 : vector<1x16xf32> to vector<16xf32>
      %parallel_loop3A_634 = vector.shape_cast %parallel_loop3A_594 : vector<16xf32> to vector<1x16xf32>
      tpu.vector_store %arg9[%parallel_loop3A_630, %parallel_loop3A_631], %parallel_loop3A_634 {add = true, strides = array<i32>} : memref<56x1024xf32, #tpu.memory_space<vmem>>, vector<1x16xf32>,
      %parallel_loop3A_635 = arith.constant 16 : i32
      %parallel_loop3A_636 = arith.muli %parallel_loop3A_589, %parallel_loop3A_635 : i32
      %parallel_loop3A_637 = arith.constant 37 : i32
      %parallel_loop3A_638 = arith.index_cast %parallel_loop3A_637 : i32 to index
      %parallel_loop3A_639 = arith.index_cast %parallel_loop3A_636 : i32 to index
      %parallel_loop3A_640 = tpu.vector_load %arg9[%parallel_loop3A_638, %parallel_loop3A_639] {strides = array<i32>} : memref<56x1024xf32, #tpu.memory_space<vmem>>, vector<1x16xf32>,
      %parallel_loop3A_641 = vector.shape_cast %parallel_loop3A_640 : vector<1x16xf32> to vector<16xf32>
      %parallel_loop3A_642 = vector.shape_cast %parallel_loop3A_594 : vector<16xf32> to vector<1x16xf32>
      tpu.vector_store %arg9[%parallel_loop3A_638, %parallel_loop3A_639], %parallel_loop3A_642 {add = true, strides = array<i32>} : memref<56x1024xf32, #tpu.memory_space<vmem>>, vector<1x16xf32>,
      %parallel_loop3A_643 = arith.constant 16 : i32
      %parallel_loop3A_644 = arith.muli %parallel_loop3A_589, %parallel_loop3A_643 : i32
      %parallel_loop3A_645 = arith.constant 38 : i32
      %parallel_loop3A_646 = arith.index_cast %parallel_loop3A_645 : i32 to index
      %parallel_loop3A_647 = arith.index_cast %parallel_loop3A_644 : i32 to index
      %parallel_loop3A_648 = tpu.vector_load %arg9[%parallel_loop3A_646, %parallel_loop3A_647] {strides = array<i32>} : memref<56x1024xf32, #tpu.memory_space<vmem>>, vector<1x16xf32>,
      %parallel_loop3A_649 = vector.shape_cast %parallel_loop3A_648 : vector<1x16xf32> to vector<16xf32>
      %parallel_loop3A_650 = vector.shape_cast %parallel_loop3A_594 : vector<16xf32> to vector<1x16xf32>
      tpu.vector_store %arg9[%parallel_loop3A_646, %parallel_loop3A_647], %parallel_loop3A_650 {add = true, strides = array<i32>} : memref<56x1024xf32, #tpu.memory_space<vmem>>, vector<1x16xf32>,
      %parallel_loop3A_651 = arith.constant 16 : i32
      %parallel_loop3A_652 = arith.muli %parallel_loop3A_589, %parallel_loop3A_651 : i32
      %parallel_loop3A_653 = arith.constant 39 : i32
      %parallel_loop3A_654 = arith.index_cast %parallel_loop3A_653 : i32 to index
      %parallel_loop3A_655 = arith.index_cast %parallel_loop3A_652 : i32 to index
      %parallel_loop3A_656 = tpu.vector_load %arg9[%parallel_loop3A_654, %parallel_loop3A_655] {strides = array<i32>} : memref<56x1024xf32, #tpu.memory_space<vmem>>, vector<1x16xf32>,
      %parallel_loop3A_657 = vector.shape_cast %parallel_loop3A_656 : vector<1x16xf32> to vector<16xf32>
      %parallel_loop3A_658 = vector.shape_cast %parallel_loop3A_594 : vector<16xf32> to vector<1x16xf32>
      tpu.vector_store %arg9[%parallel_loop3A_654, %parallel_loop3A_655], %parallel_loop3A_658 {add = true, strides = array<i32>} : memref<56x1024xf32, #tpu.memory_space<vmem>>, vector<1x16xf32>,
      %parallel_loop3A_659 = arith.constant 16 : i32
      %parallel_loop3A_660 = arith.muli %parallel_loop3A_589, %parallel_loop3A_659 : i32
      %parallel_loop3A_661 = arith.constant 40 : i32
      %parallel_loop3A_662 = arith.index_cast %parallel_loop3A_661 : i32 to index
      %parallel_loop3A_663 = arith.index_cast %parallel_loop3A_660 : i32 to index
      %parallel_loop3A_664 = tpu.vector_load %arg9[%parallel_loop3A_662, %parallel_loop3A_663] {strides = array<i32>} : memref<56x1024xf32, #tpu.memory_space<vmem>>, vector<1x16xf32>,
      %parallel_loop3A_665 = vector.shape_cast %parallel_loop3A_664 : vector<1x16xf32> to vector<16xf32>
      %parallel_loop3A_666 = vector.shape_cast %parallel_loop3A_594 : vector<16xf32> to vector<1x16xf32>
      tpu.vector_store %arg9[%parallel_loop3A_662, %parallel_loop3A_663], %parallel_loop3A_666 {add = true, strides = array<i32>} : memref<56x1024xf32, #tpu.memory_space<vmem>>, vector<1x16xf32>,
      %parallel_loop3A_667 = arith.constant 16 : i32
      %parallel_loop3A_668 = arith.muli %parallel_loop3A_589, %parallel_loop3A_667 : i32
      %parallel_loop3A_669 = arith.constant 41 : i32
      %parallel_loop3A_670 = arith.index_cast %parallel_loop3A_669 : i32 to index
      %parallel_loop3A_671 = arith.index_cast %parallel_loop3A_668 : i32 to index
      %parallel_loop3A_672 = tpu.vector_load %arg9[%parallel_loop3A_670, %parallel_loop3A_671] {strides = array<i32>} : memref<56x1024xf32, #tpu.memory_space<vmem>>, vector<1x16xf32>,
      %parallel_loop3A_673 = vector.shape_cast %parallel_loop3A_672 : vector<1x16xf32> to vector<16xf32>
      %parallel_loop3A_674 = vector.shape_cast %parallel_loop3A_594 : vector<16xf32> to vector<1x16xf32>
      tpu.vector_store %arg9[%parallel_loop3A_670, %parallel_loop3A_671], %parallel_loop3A_674 {add = true, strides = array<i32>} : memref<56x1024xf32, #tpu.memory_space<vmem>>, vector<1x16xf32>,
      %parallel_loop3A_675 = arith.constant 16 : i32
      %parallel_loop3A_676 = arith.muli %parallel_loop3A_589, %parallel_loop3A_675 : i32
      %parallel_loop3A_677 = arith.constant 42 : i32
      %parallel_loop3A_678 = arith.index_cast %parallel_loop3A_677 : i32 to index
      %parallel_loop3A_679 = arith.index_cast %parallel_loop3A_676 : i32 to index
      %parallel_loop3A_680 = tpu.vector_load %arg9[%parallel_loop3A_678, %parallel_loop3A_679] {strides = array<i32>} : memref<56x1024xf32, #tpu.memory_space<vmem>>, vector<1x16xf32>,
      %parallel_loop3A_681 = vector.shape_cast %parallel_loop3A_680 : vector<1x16xf32> to vector<16xf32>
      %parallel_loop3A_682 = vector.shape_cast %parallel_loop3A_594 : vector<16xf32> to vector<1x16xf32>
      tpu.vector_store %arg9[%parallel_loop3A_678, %parallel_loop3A_679], %parallel_loop3A_682 {add = true, strides = array<i32>} : memref<56x1024xf32, #tpu.memory_space<vmem>>, vector<1x16xf32>,
      %parallel_loop3A_683 = arith.constant 16 : i32
      %parallel_loop3A_684 = arith.muli %parallel_loop3A_589, %parallel_loop3A_683 : i32
      %parallel_loop3A_685 = arith.constant 43 : i32
      %parallel_loop3A_686 = arith.index_cast %parallel_loop3A_685 : i32 to index
      %parallel_loop3A_687 = arith.index_cast %parallel_loop3A_684 : i32 to index
      %parallel_loop3A_688 = tpu.vector_load %arg9[%parallel_loop3A_686, %parallel_loop3A_687] {strides = array<i32>} : memref<56x1024xf32, #tpu.memory_space<vmem>>, vector<1x16xf32>,
      %parallel_loop3A_689 = vector.shape_cast %parallel_loop3A_688 : vector<1x16xf32> to vector<16xf32>
      %parallel_loop3A_690 = vector.shape_cast %parallel_loop3A_594 : vector<16xf32> to vector<1x16xf32>
      tpu.vector_store %arg9[%parallel_loop3A_686, %parallel_loop3A_687], %parallel_loop3A_690 {add = true, strides = array<i32>} : memref<56x1024xf32, #tpu.memory_space<vmem>>, vector<1x16xf32>,
      %parallel_loop3A_691 = arith.constant 16 : i32
      %parallel_loop3A_692 = arith.muli %parallel_loop3A_589, %parallel_loop3A_691 : i32
      %parallel_loop3A_693 = arith.constant 44 : i32
      %parallel_loop3A_694 = arith.index_cast %parallel_loop3A_693 : i32 to index
      %parallel_loop3A_695 = arith.index_cast %parallel_loop3A_692 : i32 to index
      %parallel_loop3A_696 = tpu.vector_load %arg9[%parallel_loop3A_694, %parallel_loop3A_695] {strides = array<i32>} : memref<56x1024xf32, #tpu.memory_space<vmem>>, vector<1x16xf32>,
      %parallel_loop3A_697 = vector.shape_cast %parallel_loop3A_696 : vector<1x16xf32> to vector<16xf32>
      %parallel_loop3A_698 = vector.shape_cast %parallel_loop3A_594 : vector<16xf32> to vector<1x16xf32>
      tpu.vector_store %arg9[%parallel_loop3A_694, %parallel_loop3A_695], %parallel_loop3A_698 {add = true, strides = array<i32>} : memref<56x1024xf32, #tpu.memory_space<vmem>>, vector<1x16xf32>,
      %parallel_loop3A_699 = arith.constant 16 : i32
      %parallel_loop3A_700 = arith.muli %parallel_loop3A_589, %parallel_loop3A_699 : i32
      %parallel_loop3A_701 = arith.constant 45 : i32
      %parallel_loop3A_702 = arith.index_cast %parallel_loop3A_701 : i32 to index
      %parallel_loop3A_703 = arith.index_cast %parallel_loop3A_700 : i32 to index
      %parallel_loop3A_704 = tpu.vector_load %arg9[%parallel_loop3A_702, %parallel_loop3A_703] {strides = array<i32>} : memref<56x1024xf32, #tpu.memory_space<vmem>>, vector<1x16xf32>,
      %parallel_loop3A_705 = vector.shape_cast %parallel_loop3A_704 : vector<1x16xf32> to vector<16xf32>
      %parallel_loop3A_706 = vector.shape_cast %parallel_loop3A_594 : vector<16xf32> to vector<1x16xf32>
      tpu.vector_store %arg9[%parallel_loop3A_702, %parallel_loop3A_703], %parallel_loop3A_706 {add = true, strides = array<i32>} : memref<56x1024xf32, #tpu.memory_space<vmem>>, vector<1x16xf32>,
      %parallel_loop3A_707 = arith.constant 16 : i32
      %parallel_loop3A_708 = arith.muli %parallel_loop3A_589, %parallel_loop3A_707 : i32
      %parallel_loop3A_709 = arith.constant 46 : i32
      %parallel_loop3A_710 = arith.index_cast %parallel_loop3A_709 : i32 to index
      %parallel_loop3A_711 = arith.index_cast %parallel_loop3A_708 : i32 to index
      %parallel_loop3A_712 = tpu.vector_load %arg9[%parallel_loop3A_710, %parallel_loop3A_711] {strides = array<i32>} : memref<56x1024xf32, #tpu.memory_space<vmem>>, vector<1x16xf32>,
      %parallel_loop3A_713 = vector.shape_cast %parallel_loop3A_712 : vector<1x16xf32> to vector<16xf32>
      %parallel_loop3A_714 = vector.shape_cast %parallel_loop3A_594 : vector<16xf32> to vector<1x16xf32>
      tpu.vector_store %arg9[%parallel_loop3A_710, %parallel_loop3A_711], %parallel_loop3A_714 {add = true, strides = array<i32>} : memref<56x1024xf32, #tpu.memory_space<vmem>>, vector<1x16xf32>,
      %parallel_loop3A_715 = arith.constant 16 : i32
      %parallel_loop3A_716 = arith.muli %parallel_loop3A_589, %parallel_loop3A_715 : i32
      %parallel_loop3A_717 = arith.constant 47 : i32
      %parallel_loop3A_718 = arith.index_cast %parallel_loop3A_717 : i32 to index
      %parallel_loop3A_719 = arith.index_cast %parallel_loop3A_716 : i32 to index
      %parallel_loop3A_720 = tpu.vector_load %arg9[%parallel_loop3A_718, %parallel_loop3A_719] {strides = array<i32>} : memref<56x1024xf32, #tpu.memory_space<vmem>>, vector<1x16xf32>,
      %parallel_loop3A_721 = vector.shape_cast %parallel_loop3A_720 : vector<1x16xf32> to vector<16xf32>
      %parallel_loop3A_722 = vector.shape_cast %parallel_loop3A_594 : vector<16xf32> to vector<1x16xf32>
      tpu.vector_store %arg9[%parallel_loop3A_718, %parallel_loop3A_719], %parallel_loop3A_722 {add = true, strides = array<i32>} : memref<56x1024xf32, #tpu.memory_space<vmem>>, vector<1x16xf32>,
    } {sc.loop_unroll_factor = 1 : i64, sc.parallel_access}
    %add3A_485 = arith.constant 184 : i32
    %add3A_486 = arith.addi %mul3A_32, %add3A_485 : i32
    %add3A_487 = arith.constant 32 : i32
    %add3A_488 = arith.addi %add3A_486, %add3A_487 : i32
    %dma_start3A_489 = arith.constant 1 : i32
    %dma_start3A_490 = arith.constant 32 : i32
    %dma_start3A_491 = arith.constant 0 : i32
    %dma_start3A_492 = tpu.memref_slice %arg9[%dma_start3A_490, %dma_start3A_491] : memref<56x1024xf32, #tpu.memory_space<vmem>> -> memref<16x1024xf32, #tpu.memory_space<vmem>>
    %dma_start3A_493 = arith.constant 0 : i32
    %dma_start3A_494 = tpu.memref_slice %arg5[%select_n3A, %add3A_488, %dma_start3A_493] : memref<2x4096x1024xf32, #tpu.memory_space<hbm>> -> memref<1x16x1024xf32, #tpu.memory_space<hbm>>
    %dma_start3A_495 = tpu.memref_squeeze %dma_start3A_494 : memref<1x16x1024xf32, #tpu.memory_space<hbm>> -> memref<16x1024xf32, #tpu.memory_space<hbm>>
    %dma_start3A_496 = tpu.memref_slice %arg11[%dma_start3A_489] : memref<2x!tpu.dma_semaphore, #tpu.memory_space<semaphore_mem>> -> memref<1x!tpu.dma_semaphore, #tpu.memory_space<semaphore_mem>>
    %dma_start3A_497 = tpu.memref_squeeze %dma_start3A_496 : memref<1x!tpu.dma_semaphore, #tpu.memory_space<semaphore_mem>> -> memref<!tpu.dma_semaphore, #tpu.memory_space<semaphore_mem>>
    %dma_start3A_498 = arith.constant 0 : i32
    %dma_start3A_499 = tpu.memref_slice %arg5[%select_n3A, %add3A_488, %dma_start3A_498] : memref<2x4096x1024xf32, #tpu.memory_space<hbm>> -> memref<1x16x1024xf32, #tpu.memory_space<hbm>>
    %dma_start3A_500 = tpu.memref_squeeze %dma_start3A_499 : memref<1x16x1024xf32, #tpu.memory_space<hbm>> -> memref<16x1024xf32, #tpu.memory_space<hbm>>
    %dma_start3A_501 = arith.constant 32 : i32
    %dma_start3A_502 = arith.constant 0 : i32
    %dma_start3A_503 = tpu.memref_slice %arg9[%dma_start3A_501, %dma_start3A_502] : memref<56x1024xf32, #tpu.memory_space<vmem>> -> memref<16x1024xf32, #tpu.memory_space<vmem>>
    tpu.enqueue_dma source(%dma_start3A_503 : memref<16x1024xf32, #tpu.memory_space<vmem>>) target(%dma_start3A_500 : memref<16x1024xf32, #tpu.memory_space<hbm>>) target_semaphore(%dma_start3A_497 : memref<!tpu.dma_semaphore, #tpu.memory_space<semaphore_mem>>)
    %parallel_loop3A_504 = arith.constant 0 : i32
    %parallel_loop3A_505 = arith.constant 64 : i32
    %parallel_loop3A_506 = arith.constant 1 : i32
    scf.for %parallel_loop3A_589 = %parallel_loop3A_504 to %parallel_loop3A_505 step %parallel_loop3A_506  : i32 {
      %parallel_loop3A_590 = arith.constant 16 : i32
      %parallel_loop3A_591 = arith.muli %parallel_loop3A_589, %parallel_loop3A_590 : i32
      %parallel_loop3A_592 = arith.index_cast %parallel_loop3A_591 : i32 to index
      %parallel_loop3A_593 = tpu.vector_load %arg7[%parallel_loop3A_592] {strides = array<i32>} : memref<1024xf32, #tpu.memory_space<vmem>>, vector<16xf32>,
      %parallel_loop3A_594 = vector.shape_cast %parallel_loop3A_593 : vector<16xf32> to vector<16xf32>
      %parallel_loop3A_595 = arith.constant 16 : i32
      %parallel_loop3A_596 = arith.muli %parallel_loop3A_589, %parallel_loop3A_595 : i32
      %parallel_loop3A_597 = arith.constant 48 : i32
      %parallel_loop3A_598 = arith.index_cast %parallel_loop3A_597 : i32 to index
      %parallel_loop3A_599 = arith.index_cast %parallel_loop3A_596 : i32 to index
      %parallel_loop3A_600 = tpu.vector_load %arg9[%parallel_loop3A_598, %parallel_loop3A_599] {strides = array<i32>} : memref<56x1024xf32, #tpu.memory_space<vmem>>, vector<1x16xf32>,
      %parallel_loop3A_601 = vector.shape_cast %parallel_loop3A_600 : vector<1x16xf32> to vector<16xf32>
      %parallel_loop3A_602 = vector.shape_cast %parallel_loop3A_594 : vector<16xf32> to vector<1x16xf32>
      tpu.vector_store %arg9[%parallel_loop3A_598, %parallel_loop3A_599], %parallel_loop3A_602 {add = true, strides = array<i32>} : memref<56x1024xf32, #tpu.memory_space<vmem>>, vector<1x16xf32>,
      %parallel_loop3A_603 = arith.constant 16 : i32
      %parallel_loop3A_604 = arith.muli %parallel_loop3A_589, %parallel_loop3A_603 : i32
      %parallel_loop3A_605 = arith.constant 49 : i32
      %parallel_loop3A_606 = arith.index_cast %parallel_loop3A_605 : i32 to index
      %parallel_loop3A_607 = arith.index_cast %parallel_loop3A_604 : i32 to index
      %parallel_loop3A_608 = tpu.vector_load %arg9[%parallel_loop3A_606, %parallel_loop3A_607] {strides = array<i32>} : memref<56x1024xf32, #tpu.memory_space<vmem>>, vector<1x16xf32>,
      %parallel_loop3A_609 = vector.shape_cast %parallel_loop3A_608 : vector<1x16xf32> to vector<16xf32>
      %parallel_loop3A_610 = vector.shape_cast %parallel_loop3A_594 : vector<16xf32> to vector<1x16xf32>
      tpu.vector_store %arg9[%parallel_loop3A_606, %parallel_loop3A_607], %parallel_loop3A_610 {add = true, strides = array<i32>} : memref<56x1024xf32, #tpu.memory_space<vmem>>, vector<1x16xf32>,
      %parallel_loop3A_611 = arith.constant 16 : i32
      %parallel_loop3A_612 = arith.muli %parallel_loop3A_589, %parallel_loop3A_611 : i32
      %parallel_loop3A_613 = arith.constant 50 : i32
      %parallel_loop3A_614 = arith.index_cast %parallel_loop3A_613 : i32 to index
      %parallel_loop3A_615 = arith.index_cast %parallel_loop3A_612 : i32 to index
      %parallel_loop3A_616 = tpu.vector_load %arg9[%parallel_loop3A_614, %parallel_loop3A_615] {strides = array<i32>} : memref<56x1024xf32, #tpu.memory_space<vmem>>, vector<1x16xf32>,
      %parallel_loop3A_617 = vector.shape_cast %parallel_loop3A_616 : vector<1x16xf32> to vector<16xf32>
      %parallel_loop3A_618 = vector.shape_cast %parallel_loop3A_594 : vector<16xf32> to vector<1x16xf32>
      tpu.vector_store %arg9[%parallel_loop3A_614, %parallel_loop3A_615], %parallel_loop3A_618 {add = true, strides = array<i32>} : memref<56x1024xf32, #tpu.memory_space<vmem>>, vector<1x16xf32>,
      %parallel_loop3A_619 = arith.constant 16 : i32
      %parallel_loop3A_620 = arith.muli %parallel_loop3A_589, %parallel_loop3A_619 : i32
      %parallel_loop3A_621 = arith.constant 51 : i32
      %parallel_loop3A_622 = arith.index_cast %parallel_loop3A_621 : i32 to index
      %parallel_loop3A_623 = arith.index_cast %parallel_loop3A_620 : i32 to index
      %parallel_loop3A_624 = tpu.vector_load %arg9[%parallel_loop3A_622, %parallel_loop3A_623] {strides = array<i32>} : memref<56x1024xf32, #tpu.memory_space<vmem>>, vector<1x16xf32>,
      %parallel_loop3A_625 = vector.shape_cast %parallel_loop3A_624 : vector<1x16xf32> to vector<16xf32>
      %parallel_loop3A_626 = vector.shape_cast %parallel_loop3A_594 : vector<16xf32> to vector<1x16xf32>
      tpu.vector_store %arg9[%parallel_loop3A_622, %parallel_loop3A_623], %parallel_loop3A_626 {add = true, strides = array<i32>} : memref<56x1024xf32, #tpu.memory_space<vmem>>, vector<1x16xf32>,
      %parallel_loop3A_627 = arith.constant 16 : i32
      %parallel_loop3A_628 = arith.muli %parallel_loop3A_589, %parallel_loop3A_627 : i32
      %parallel_loop3A_629 = arith.constant 52 : i32
      %parallel_loop3A_630 = arith.index_cast %parallel_loop3A_629 : i32 to index
      %parallel_loop3A_631 = arith.index_cast %parallel_loop3A_628 : i32 to index
      %parallel_loop3A_632 = tpu.vector_load %arg9[%parallel_loop3A_630, %parallel_loop3A_631] {strides = array<i32>} : memref<56x1024xf32, #tpu.memory_space<vmem>>, vector<1x16xf32>,
      %parallel_loop3A_633 = vector.shape_cast %parallel_loop3A_632 : vector<1x16xf32> to vector<16xf32>
      %parallel_loop3A_634 = vector.shape_cast %parallel_loop3A_594 : vector<16xf32> to vector<1x16xf32>
      tpu.vector_store %arg9[%parallel_loop3A_630, %parallel_loop3A_631], %parallel_loop3A_634 {add = true, strides = array<i32>} : memref<56x1024xf32, #tpu.memory_space<vmem>>, vector<1x16xf32>,
      %parallel_loop3A_635 = arith.constant 16 : i32
      %parallel_loop3A_636 = arith.muli %parallel_loop3A_589, %parallel_loop3A_635 : i32
      %parallel_loop3A_637 = arith.constant 53 : i32
      %parallel_loop3A_638 = arith.index_cast %parallel_loop3A_637 : i32 to index
      %parallel_loop3A_639 = arith.index_cast %parallel_loop3A_636 : i32 to index
      %parallel_loop3A_640 = tpu.vector_load %arg9[%parallel_loop3A_638, %parallel_loop3A_639] {strides = array<i32>} : memref<56x1024xf32, #tpu.memory_space<vmem>>, vector<1x16xf32>,
      %parallel_loop3A_641 = vector.shape_cast %parallel_loop3A_640 : vector<1x16xf32> to vector<16xf32>
      %parallel_loop3A_642 = vector.shape_cast %parallel_loop3A_594 : vector<16xf32> to vector<1x16xf32>
      tpu.vector_store %arg9[%parallel_loop3A_638, %parallel_loop3A_639], %parallel_loop3A_642 {add = true, strides = array<i32>} : memref<56x1024xf32, #tpu.memory_space<vmem>>, vector<1x16xf32>,
      %parallel_loop3A_643 = arith.constant 16 : i32
      %parallel_loop3A_644 = arith.muli %parallel_loop3A_589, %parallel_loop3A_643 : i32
      %parallel_loop3A_645 = arith.constant 54 : i32
      %parallel_loop3A_646 = arith.index_cast %parallel_loop3A_645 : i32 to index
      %parallel_loop3A_647 = arith.index_cast %parallel_loop3A_644 : i32 to index
      %parallel_loop3A_648 = tpu.vector_load %arg9[%parallel_loop3A_646, %parallel_loop3A_647] {strides = array<i32>} : memref<56x1024xf32, #tpu.memory_space<vmem>>, vector<1x16xf32>,
      %parallel_loop3A_649 = vector.shape_cast %parallel_loop3A_648 : vector<1x16xf32> to vector<16xf32>
      %parallel_loop3A_650 = vector.shape_cast %parallel_loop3A_594 : vector<16xf32> to vector<1x16xf32>
      tpu.vector_store %arg9[%parallel_loop3A_646, %parallel_loop3A_647], %parallel_loop3A_650 {add = true, strides = array<i32>} : memref<56x1024xf32, #tpu.memory_space<vmem>>, vector<1x16xf32>,
      %parallel_loop3A_651 = arith.constant 16 : i32
      %parallel_loop3A_652 = arith.muli %parallel_loop3A_589, %parallel_loop3A_651 : i32
      %parallel_loop3A_653 = arith.constant 55 : i32
      %parallel_loop3A_654 = arith.index_cast %parallel_loop3A_653 : i32 to index
      %parallel_loop3A_655 = arith.index_cast %parallel_loop3A_652 : i32 to index
      %parallel_loop3A_656 = tpu.vector_load %arg9[%parallel_loop3A_654, %parallel_loop3A_655] {strides = array<i32>} : memref<56x1024xf32, #tpu.memory_space<vmem>>, vector<1x16xf32>,
      %parallel_loop3A_657 = vector.shape_cast %parallel_loop3A_656 : vector<1x16xf32> to vector<16xf32>
      %parallel_loop3A_658 = vector.shape_cast %parallel_loop3A_594 : vector<16xf32> to vector<1x16xf32>
      tpu.vector_store %arg9[%parallel_loop3A_654, %parallel_loop3A_655], %parallel_loop3A_658 {add = true, strides = array<i32>} : memref<56x1024xf32, #tpu.memory_space<vmem>>, vector<1x16xf32>,
    } {sc.loop_unroll_factor = 1 : i64, sc.parallel_access}
    %add3A_507 = arith.constant 184 : i32
    %add3A_508 = arith.addi %mul3A_32, %add3A_507 : i32
    %add3A_509 = arith.constant 48 : i32
    %add3A_510 = arith.addi %add3A_508, %add3A_509 : i32
    %dma_start3A_511 = arith.constant 1 : i32
    %dma_start3A_512 = arith.constant 48 : i32
    %dma_start3A_513 = arith.constant 0 : i32
    %dma_start3A_514 = tpu.memref_slice %arg9[%dma_start3A_512, %dma_start3A_513] : memref<56x1024xf32, #tpu.memory_space<vmem>> -> memref<8x1024xf32, #tpu.memory_space<vmem>>
    %dma_start3A_515 = arith.constant 0 : i32
    %dma_start3A_516 = tpu.memref_slice %arg5[%select_n3A, %add3A_510, %dma_start3A_515] : memref<2x4096x1024xf32, #tpu.memory_space<hbm>> -> memref<1x8x1024xf32, #tpu.memory_space<hbm>>
    %dma_start3A_517 = tpu.memref_squeeze %dma_start3A_516 : memref<1x8x1024xf32, #tpu.memory_space<hbm>> -> memref<8x1024xf32, #tpu.memory_space<hbm>>
    %dma_start3A_518 = tpu.memref_slice %arg11[%dma_start3A_511] : memref<2x!tpu.dma_semaphore, #tpu.memory_space<semaphore_mem>> -> memref<1x!tpu.dma_semaphore, #tpu.memory_space<semaphore_mem>>
    %dma_start3A_519 = tpu.memref_squeeze %dma_start3A_518 : memref<1x!tpu.dma_semaphore, #tpu.memory_space<semaphore_mem>> -> memref<!tpu.dma_semaphore, #tpu.memory_space<semaphore_mem>>
    %dma_start3A_520 = arith.constant 0 : i32
    %dma_start3A_521 = tpu.memref_slice %arg5[%select_n3A, %add3A_510, %dma_start3A_520] : memref<2x4096x1024xf32, #tpu.memory_space<hbm>> -> memref<1x8x1024xf32, #tpu.memory_space<hbm>>
    %dma_start3A_522 = tpu.memref_squeeze %dma_start3A_521 : memref<1x8x1024xf32, #tpu.memory_space<hbm>> -> memref<8x1024xf32, #tpu.memory_space<hbm>>
    %dma_start3A_523 = arith.constant 48 : i32
    %dma_start3A_524 = arith.constant 0 : i32
    %dma_start3A_525 = tpu.memref_slice %arg9[%dma_start3A_523, %dma_start3A_524] : memref<56x1024xf32, #tpu.memory_space<vmem>> -> memref<8x1024xf32, #tpu.memory_space<vmem>>
    tpu.enqueue_dma source(%dma_start3A_525 : memref<8x1024xf32, #tpu.memory_space<vmem>>) target(%dma_start3A_522 : memref<8x1024xf32, #tpu.memory_space<hbm>>) target_semaphore(%dma_start3A_519 : memref<!tpu.dma_semaphore, #tpu.memory_space<semaphore_mem>>)
    %dma_wait3A_526 = arith.constant 0 : i32
    %dma_wait3A_527 = arith.constant 0 : i32
    %dma_wait3A_528 = arith.constant 0 : i32
    %dma_wait3A_529 = tpu.memref_slice %arg8[%dma_wait3A_527, %dma_wait3A_528] : memref<64x1024xf32, #tpu.memory_space<vmem>> -> memref<16x1024xf32, #tpu.memory_space<vmem>>
    %dma_wait3A_530 = arith.constant 240 : i32
    %dma_wait3A_531 = tpu.memref_slice %arg6[%dma_wait3A_530] : memref<256xi32, #tpu.memory_space<vmem>> -> memref<16xi32, #tpu.memory_space<vmem>>
    %dma_wait3A_532 = arith.constant 0 : i32
    %dma_wait3A_533 = arith.constant 0 : i32
    %dma_wait3A_534 = tpu.memref_slice %arg4[%dma_wait3A_532, %dma_wait3A_533] : memref<250002x1024xf32, #tpu.memory_space<hbm>> -> memref<250002x1024xf32, #tpu.memory_space<hbm>>
    %dma_wait3A_535 = tpu.memref_slice %arg10[%dma_wait3A_526] : memref<2x!tpu.dma_semaphore, #tpu.memory_space<semaphore_mem>> -> memref<1x!tpu.dma_semaphore, #tpu.memory_space<semaphore_mem>>
    %dma_wait3A_536 = tpu.memref_squeeze %dma_wait3A_535 : memref<1x!tpu.dma_semaphore, #tpu.memory_space<semaphore_mem>> -> memref<!tpu.dma_semaphore, #tpu.memory_space<semaphore_mem>>
    tpu.wait_indirect_dma semaphore(%dma_wait3A_536 : memref<!tpu.dma_semaphore, #tpu.memory_space<semaphore_mem>>) src(%dma_wait3A_534 : memref<250002x1024xf32, #tpu.memory_space<hbm>>) dst(%dma_wait3A_529 : memref<16x1024xf32, #tpu.memory_space<vmem>>)
    %parallel_loop3A_537 = arith.constant 0 : i32
    %parallel_loop3A_538 = arith.constant 64 : i32
    %parallel_loop3A_539 = arith.constant 1 : i32
    scf.for %parallel_loop3A_589 = %parallel_loop3A_537 to %parallel_loop3A_538 step %parallel_loop3A_539  : i32 {
      %parallel_loop3A_590 = arith.constant 16 : i32
      %parallel_loop3A_591 = arith.muli %parallel_loop3A_589, %parallel_loop3A_590 : i32
      %parallel_loop3A_592 = arith.index_cast %parallel_loop3A_591 : i32 to index
      %parallel_loop3A_593 = tpu.vector_load %arg7[%parallel_loop3A_592] {strides = array<i32>} : memref<1024xf32, #tpu.memory_space<vmem>>, vector<16xf32>,
      %parallel_loop3A_594 = vector.shape_cast %parallel_loop3A_593 : vector<16xf32> to vector<16xf32>
      %parallel_loop3A_595 = arith.constant 16 : i32
      %parallel_loop3A_596 = arith.muli %parallel_loop3A_589, %parallel_loop3A_595 : i32
      %parallel_loop3A_597 = arith.constant 0 : i32
      %parallel_loop3A_598 = arith.index_cast %parallel_loop3A_597 : i32 to index
      %parallel_loop3A_599 = arith.index_cast %parallel_loop3A_596 : i32 to index
      %parallel_loop3A_600 = tpu.vector_load %arg8[%parallel_loop3A_598, %parallel_loop3A_599] {strides = array<i32>} : memref<64x1024xf32, #tpu.memory_space<vmem>>, vector<1x16xf32>,
      %parallel_loop3A_601 = vector.shape_cast %parallel_loop3A_600 : vector<1x16xf32> to vector<16xf32>
      %parallel_loop3A_602 = vector.shape_cast %parallel_loop3A_594 : vector<16xf32> to vector<1x16xf32>
      tpu.vector_store %arg8[%parallel_loop3A_598, %parallel_loop3A_599], %parallel_loop3A_602 {add = true, strides = array<i32>} : memref<64x1024xf32, #tpu.memory_space<vmem>>, vector<1x16xf32>,
      %parallel_loop3A_603 = arith.constant 16 : i32
      %parallel_loop3A_604 = arith.muli %parallel_loop3A_589, %parallel_loop3A_603 : i32
      %parallel_loop3A_605 = arith.constant 1 : i32
      %parallel_loop3A_606 = arith.index_cast %parallel_loop3A_605 : i32 to index
      %parallel_loop3A_607 = arith.index_cast %parallel_loop3A_604 : i32 to index
      %parallel_loop3A_608 = tpu.vector_load %arg8[%parallel_loop3A_606, %parallel_loop3A_607] {strides = array<i32>} : memref<64x1024xf32, #tpu.memory_space<vmem>>, vector<1x16xf32>,
      %parallel_loop3A_609 = vector.shape_cast %parallel_loop3A_608 : vector<1x16xf32> to vector<16xf32>
      %parallel_loop3A_610 = vector.shape_cast %parallel_loop3A_594 : vector<16xf32> to vector<1x16xf32>
      tpu.vector_store %arg8[%parallel_loop3A_606, %parallel_loop3A_607], %parallel_loop3A_610 {add = true, strides = array<i32>} : memref<64x1024xf32, #tpu.memory_space<vmem>>, vector<1x16xf32>,
      %parallel_loop3A_611 = arith.constant 16 : i32
      %parallel_loop3A_612 = arith.muli %parallel_loop3A_589, %parallel_loop3A_611 : i32
      %parallel_loop3A_613 = arith.constant 2 : i32
      %parallel_loop3A_614 = arith.index_cast %parallel_loop3A_613 : i32 to index
      %parallel_loop3A_615 = arith.index_cast %parallel_loop3A_612 : i32 to index
      %parallel_loop3A_616 = tpu.vector_load %arg8[%parallel_loop3A_614, %parallel_loop3A_615] {strides = array<i32>} : memref<64x1024xf32, #tpu.memory_space<vmem>>, vector<1x16xf32>,
      %parallel_loop3A_617 = vector.shape_cast %parallel_loop3A_616 : vector<1x16xf32> to vector<16xf32>
      %parallel_loop3A_618 = vector.shape_cast %parallel_loop3A_594 : vector<16xf32> to vector<1x16xf32>
      tpu.vector_store %arg8[%parallel_loop3A_614, %parallel_loop3A_615], %parallel_loop3A_618 {add = true, strides = array<i32>} : memref<64x1024xf32, #tpu.memory_space<vmem>>, vector<1x16xf32>,
      %parallel_loop3A_619 = arith.constant 16 : i32
      %parallel_loop3A_620 = arith.muli %parallel_loop3A_589, %parallel_loop3A_619 : i32
      %parallel_loop3A_621 = arith.constant 3 : i32
      %parallel_loop3A_622 = arith.index_cast %parallel_loop3A_621 : i32 to index
      %parallel_loop3A_623 = arith.index_cast %parallel_loop3A_620 : i32 to index
      %parallel_loop3A_624 = tpu.vector_load %arg8[%parallel_loop3A_622, %parallel_loop3A_623] {strides = array<i32>} : memref<64x1024xf32, #tpu.memory_space<vmem>>, vector<1x16xf32>,
      %parallel_loop3A_625 = vector.shape_cast %parallel_loop3A_624 : vector<1x16xf32> to vector<16xf32>
      %parallel_loop3A_626 = vector.shape_cast %parallel_loop3A_594 : vector<16xf32> to vector<1x16xf32>
      tpu.vector_store %arg8[%parallel_loop3A_622, %parallel_loop3A_623], %parallel_loop3A_626 {add = true, strides = array<i32>} : memref<64x1024xf32, #tpu.memory_space<vmem>>, vector<1x16xf32>,
      %parallel_loop3A_627 = arith.constant 16 : i32
      %parallel_loop3A_628 = arith.muli %parallel_loop3A_589, %parallel_loop3A_627 : i32
      %parallel_loop3A_629 = arith.constant 4 : i32
      %parallel_loop3A_630 = arith.index_cast %parallel_loop3A_629 : i32 to index
      %parallel_loop3A_631 = arith.index_cast %parallel_loop3A_628 : i32 to index
      %parallel_loop3A_632 = tpu.vector_load %arg8[%parallel_loop3A_630, %parallel_loop3A_631] {strides = array<i32>} : memref<64x1024xf32, #tpu.memory_space<vmem>>, vector<1x16xf32>,
      %parallel_loop3A_633 = vector.shape_cast %parallel_loop3A_632 : vector<1x16xf32> to vector<16xf32>
      %parallel_loop3A_634 = vector.shape_cast %parallel_loop3A_594 : vector<16xf32> to vector<1x16xf32>
      tpu.vector_store %arg8[%parallel_loop3A_630, %parallel_loop3A_631], %parallel_loop3A_634 {add = true, strides = array<i32>} : memref<64x1024xf32, #tpu.memory_space<vmem>>, vector<1x16xf32>,
      %parallel_loop3A_635 = arith.constant 16 : i32
      %parallel_loop3A_636 = arith.muli %parallel_loop3A_589, %parallel_loop3A_635 : i32
      %parallel_loop3A_637 = arith.constant 5 : i32
      %parallel_loop3A_638 = arith.index_cast %parallel_loop3A_637 : i32 to index
      %parallel_loop3A_639 = arith.index_cast %parallel_loop3A_636 : i32 to index
      %parallel_loop3A_640 = tpu.vector_load %arg8[%parallel_loop3A_638, %parallel_loop3A_639] {strides = array<i32>} : memref<64x1024xf32, #tpu.memory_space<vmem>>, vector<1x16xf32>,
      %parallel_loop3A_641 = vector.shape_cast %parallel_loop3A_640 : vector<1x16xf32> to vector<16xf32>
      %parallel_loop3A_642 = vector.shape_cast %parallel_loop3A_594 : vector<16xf32> to vector<1x16xf32>
      tpu.vector_store %arg8[%parallel_loop3A_638, %parallel_loop3A_639], %parallel_loop3A_642 {add = true, strides = array<i32>} : memref<64x1024xf32, #tpu.memory_space<vmem>>, vector<1x16xf32>,
      %parallel_loop3A_643 = arith.constant 16 : i32
      %parallel_loop3A_644 = arith.muli %parallel_loop3A_589, %parallel_loop3A_643 : i32
      %parallel_loop3A_645 = arith.constant 6 : i32
      %parallel_loop3A_646 = arith.index_cast %parallel_loop3A_645 : i32 to index
      %parallel_loop3A_647 = arith.index_cast %parallel_loop3A_644 : i32 to index
      %parallel_loop3A_648 = tpu.vector_load %arg8[%parallel_loop3A_646, %parallel_loop3A_647] {strides = array<i32>} : memref<64x1024xf32, #tpu.memory_space<vmem>>, vector<1x16xf32>,
      %parallel_loop3A_649 = vector.shape_cast %parallel_loop3A_648 : vector<1x16xf32> to vector<16xf32>
      %parallel_loop3A_650 = vector.shape_cast %parallel_loop3A_594 : vector<16xf32> to vector<1x16xf32>
      tpu.vector_store %arg8[%parallel_loop3A_646, %parallel_loop3A_647], %parallel_loop3A_650 {add = true, strides = array<i32>} : memref<64x1024xf32, #tpu.memory_space<vmem>>, vector<1x16xf32>,
      %parallel_loop3A_651 = arith.constant 16 : i32
      %parallel_loop3A_652 = arith.muli %parallel_loop3A_589, %parallel_loop3A_651 : i32
      %parallel_loop3A_653 = arith.constant 7 : i32
      %parallel_loop3A_654 = arith.index_cast %parallel_loop3A_653 : i32 to index
      %parallel_loop3A_655 = arith.index_cast %parallel_loop3A_652 : i32 to index
      %parallel_loop3A_656 = tpu.vector_load %arg8[%parallel_loop3A_654, %parallel_loop3A_655] {strides = array<i32>} : memref<64x1024xf32, #tpu.memory_space<vmem>>, vector<1x16xf32>,
      %parallel_loop3A_657 = vector.shape_cast %parallel_loop3A_656 : vector<1x16xf32> to vector<16xf32>
      %parallel_loop3A_658 = vector.shape_cast %parallel_loop3A_594 : vector<16xf32> to vector<1x16xf32>
      tpu.vector_store %arg8[%parallel_loop3A_654, %parallel_loop3A_655], %parallel_loop3A_658 {add = true, strides = array<i32>} : memref<64x1024xf32, #tpu.memory_space<vmem>>, vector<1x16xf32>,
      %parallel_loop3A_659 = arith.constant 16 : i32
      %parallel_loop3A_660 = arith.muli %parallel_loop3A_589, %parallel_loop3A_659 : i32
      %parallel_loop3A_661 = arith.constant 8 : i32
      %parallel_loop3A_662 = arith.index_cast %parallel_loop3A_661 : i32 to index
      %parallel_loop3A_663 = arith.index_cast %parallel_loop3A_660 : i32 to index
      %parallel_loop3A_664 = tpu.vector_load %arg8[%parallel_loop3A_662, %parallel_loop3A_663] {strides = array<i32>} : memref<64x1024xf32, #tpu.memory_space<vmem>>, vector<1x16xf32>,
      %parallel_loop3A_665 = vector.shape_cast %parallel_loop3A_664 : vector<1x16xf32> to vector<16xf32>
      %parallel_loop3A_666 = vector.shape_cast %parallel_loop3A_594 : vector<16xf32> to vector<1x16xf32>
      tpu.vector_store %arg8[%parallel_loop3A_662, %parallel_loop3A_663], %parallel_loop3A_666 {add = true, strides = array<i32>} : memref<64x1024xf32, #tpu.memory_space<vmem>>, vector<1x16xf32>,
      %parallel_loop3A_667 = arith.constant 16 : i32
      %parallel_loop3A_668 = arith.muli %parallel_loop3A_589, %parallel_loop3A_667 : i32
      %parallel_loop3A_669 = arith.constant 9 : i32
      %parallel_loop3A_670 = arith.index_cast %parallel_loop3A_669 : i32 to index
      %parallel_loop3A_671 = arith.index_cast %parallel_loop3A_668 : i32 to index
      %parallel_loop3A_672 = tpu.vector_load %arg8[%parallel_loop3A_670, %parallel_loop3A_671] {strides = array<i32>} : memref<64x1024xf32, #tpu.memory_space<vmem>>, vector<1x16xf32>,
      %parallel_loop3A_673 = vector.shape_cast %parallel_loop3A_672 : vector<1x16xf32> to vector<16xf32>
      %parallel_loop3A_674 = vector.shape_cast %parallel_loop3A_594 : vector<16xf32> to vector<1x16xf32>
      tpu.vector_store %arg8[%parallel_loop3A_670, %parallel_loop3A_671], %parallel_loop3A_674 {add = true, strides = array<i32>} : memref<64x1024xf32, #tpu.memory_space<vmem>>, vector<1x16xf32>,
      %parallel_loop3A_675 = arith.constant 16 : i32
      %parallel_loop3A_676 = arith.muli %parallel_loop3A_589, %parallel_loop3A_675 : i32
      %parallel_loop3A_677 = arith.constant 10 : i32
      %parallel_loop3A_678 = arith.index_cast %parallel_loop3A_677 : i32 to index
      %parallel_loop3A_679 = arith.index_cast %parallel_loop3A_676 : i32 to index
      %parallel_loop3A_680 = tpu.vector_load %arg8[%parallel_loop3A_678, %parallel_loop3A_679] {strides = array<i32>} : memref<64x1024xf32, #tpu.memory_space<vmem>>, vector<1x16xf32>,
      %parallel_loop3A_681 = vector.shape_cast %parallel_loop3A_680 : vector<1x16xf32> to vector<16xf32>
      %parallel_loop3A_682 = vector.shape_cast %parallel_loop3A_594 : vector<16xf32> to vector<1x16xf32>
      tpu.vector_store %arg8[%parallel_loop3A_678, %parallel_loop3A_679], %parallel_loop3A_682 {add = true, strides = array<i32>} : memref<64x1024xf32, #tpu.memory_space<vmem>>, vector<1x16xf32>,
      %parallel_loop3A_683 = arith.constant 16 : i32
      %parallel_loop3A_684 = arith.muli %parallel_loop3A_589, %parallel_loop3A_683 : i32
      %parallel_loop3A_685 = arith.constant 11 : i32
      %parallel_loop3A_686 = arith.index_cast %parallel_loop3A_685 : i32 to index
      %parallel_loop3A_687 = arith.index_cast %parallel_loop3A_684 : i32 to index
      %parallel_loop3A_688 = tpu.vector_load %arg8[%parallel_loop3A_686, %parallel_loop3A_687] {strides = array<i32>} : memref<64x1024xf32, #tpu.memory_space<vmem>>, vector<1x16xf32>,
      %parallel_loop3A_689 = vector.shape_cast %parallel_loop3A_688 : vector<1x16xf32> to vector<16xf32>
      %parallel_loop3A_690 = vector.shape_cast %parallel_loop3A_594 : vector<16xf32> to vector<1x16xf32>
      tpu.vector_store %arg8[%parallel_loop3A_686, %parallel_loop3A_687], %parallel_loop3A_690 {add = true, strides = array<i32>} : memref<64x1024xf32, #tpu.memory_space<vmem>>, vector<1x16xf32>,
      %parallel_loop3A_691 = arith.constant 16 : i32
      %parallel_loop3A_692 = arith.muli %parallel_loop3A_589, %parallel_loop3A_691 : i32
      %parallel_loop3A_693 = arith.constant 12 : i32
      %parallel_loop3A_694 = arith.index_cast %parallel_loop3A_693 : i32 to index
      %parallel_loop3A_695 = arith.index_cast %parallel_loop3A_692 : i32 to index
      %parallel_loop3A_696 = tpu.vector_load %arg8[%parallel_loop3A_694, %parallel_loop3A_695] {strides = array<i32>} : memref<64x1024xf32, #tpu.memory_space<vmem>>, vector<1x16xf32>,
      %parallel_loop3A_697 = vector.shape_cast %parallel_loop3A_696 : vector<1x16xf32> to vector<16xf32>
      %parallel_loop3A_698 = vector.shape_cast %parallel_loop3A_594 : vector<16xf32> to vector<1x16xf32>
      tpu.vector_store %arg8[%parallel_loop3A_694, %parallel_loop3A_695], %parallel_loop3A_698 {add = true, strides = array<i32>} : memref<64x1024xf32, #tpu.memory_space<vmem>>, vector<1x16xf32>,
      %parallel_loop3A_699 = arith.constant 16 : i32
      %parallel_loop3A_700 = arith.muli %parallel_loop3A_589, %parallel_loop3A_699 : i32
      %parallel_loop3A_701 = arith.constant 13 : i32
      %parallel_loop3A_702 = arith.index_cast %parallel_loop3A_701 : i32 to index
      %parallel_loop3A_703 = arith.index_cast %parallel_loop3A_700 : i32 to index
      %parallel_loop3A_704 = tpu.vector_load %arg8[%parallel_loop3A_702, %parallel_loop3A_703] {strides = array<i32>} : memref<64x1024xf32, #tpu.memory_space<vmem>>, vector<1x16xf32>,
      %parallel_loop3A_705 = vector.shape_cast %parallel_loop3A_704 : vector<1x16xf32> to vector<16xf32>
      %parallel_loop3A_706 = vector.shape_cast %parallel_loop3A_594 : vector<16xf32> to vector<1x16xf32>
      tpu.vector_store %arg8[%parallel_loop3A_702, %parallel_loop3A_703], %parallel_loop3A_706 {add = true, strides = array<i32>} : memref<64x1024xf32, #tpu.memory_space<vmem>>, vector<1x16xf32>,
      %parallel_loop3A_707 = arith.constant 16 : i32
      %parallel_loop3A_708 = arith.muli %parallel_loop3A_589, %parallel_loop3A_707 : i32
      %parallel_loop3A_709 = arith.constant 14 : i32
      %parallel_loop3A_710 = arith.index_cast %parallel_loop3A_709 : i32 to index
      %parallel_loop3A_711 = arith.index_cast %parallel_loop3A_708 : i32 to index
      %parallel_loop3A_712 = tpu.vector_load %arg8[%parallel_loop3A_710, %parallel_loop3A_711] {strides = array<i32>} : memref<64x1024xf32, #tpu.memory_space<vmem>>, vector<1x16xf32>,
      %parallel_loop3A_713 = vector.shape_cast %parallel_loop3A_712 : vector<1x16xf32> to vector<16xf32>
      %parallel_loop3A_714 = vector.shape_cast %parallel_loop3A_594 : vector<16xf32> to vector<1x16xf32>
      tpu.vector_store %arg8[%parallel_loop3A_710, %parallel_loop3A_711], %parallel_loop3A_714 {add = true, strides = array<i32>} : memref<64x1024xf32, #tpu.memory_space<vmem>>, vector<1x16xf32>,
      %parallel_loop3A_715 = arith.constant 16 : i32
      %parallel_loop3A_716 = arith.muli %parallel_loop3A_589, %parallel_loop3A_715 : i32
      %parallel_loop3A_717 = arith.constant 15 : i32
      %parallel_loop3A_718 = arith.index_cast %parallel_loop3A_717 : i32 to index
      %parallel_loop3A_719 = arith.index_cast %parallel_loop3A_716 : i32 to index
      %parallel_loop3A_720 = tpu.vector_load %arg8[%parallel_loop3A_718, %parallel_loop3A_719] {strides = array<i32>} : memref<64x1024xf32, #tpu.memory_space<vmem>>, vector<1x16xf32>,
      %parallel_loop3A_721 = vector.shape_cast %parallel_loop3A_720 : vector<1x16xf32> to vector<16xf32>
      %parallel_loop3A_722 = vector.shape_cast %parallel_loop3A_594 : vector<16xf32> to vector<1x16xf32>
      tpu.vector_store %arg8[%parallel_loop3A_718, %parallel_loop3A_719], %parallel_loop3A_722 {add = true, strides = array<i32>} : memref<64x1024xf32, #tpu.memory_space<vmem>>, vector<1x16xf32>,
    } {sc.loop_unroll_factor = 1 : i64, sc.parallel_access}
    %add3A_540 = arith.constant 240 : i32
    %add3A_541 = arith.addi %mul3A_32, %add3A_540 : i32
    %add3A_542 = arith.constant 0 : i32
    %add3A_543 = arith.addi %add3A_541, %add3A_542 : i32
    %dma_start3A_544 = arith.constant 0 : i32
    %dma_start3A_545 = arith.constant 0 : i32
    %dma_start3A_546 = arith.constant 0 : i32
    %dma_start3A_547 = tpu.memref_slice %arg8[%dma_start3A_545, %dma_start3A_546] : memref<64x1024xf32, #tpu.memory_space<vmem>> -> memref<16x1024xf32, #tpu.memory_space<vmem>>
    %dma_start3A_548 = arith.constant 0 : i32
    %dma_start3A_549 = tpu.memref_slice %arg5[%select_n3A, %add3A_543, %dma_start3A_548] : memref<2x4096x1024xf32, #tpu.memory_space<hbm>> -> memref<1x16x1024xf32, #tpu.memory_space<hbm>>
    %dma_start3A_550 = tpu.memref_squeeze %dma_start3A_549 : memref<1x16x1024xf32, #tpu.memory_space<hbm>> -> memref<16x1024xf32, #tpu.memory_space<hbm>>
    %dma_start3A_551 = tpu.memref_slice %arg11[%dma_start3A_544] : memref<2x!tpu.dma_semaphore, #tpu.memory_space<semaphore_mem>> -> memref<1x!tpu.dma_semaphore, #tpu.memory_space<semaphore_mem>>
    %dma_start3A_552 = tpu.memref_squeeze %dma_start3A_551 : memref<1x!tpu.dma_semaphore, #tpu.memory_space<semaphore_mem>> -> memref<!tpu.dma_semaphore, #tpu.memory_space<semaphore_mem>>
    %dma_start3A_553 = arith.constant 0 : i32
    %dma_start3A_554 = tpu.memref_slice %arg5[%select_n3A, %add3A_543, %dma_start3A_553] : memref<2x4096x1024xf32, #tpu.memory_space<hbm>> -> memref<1x16x1024xf32, #tpu.memory_space<hbm>>
    %dma_start3A_555 = tpu.memref_squeeze %dma_start3A_554 : memref<1x16x1024xf32, #tpu.memory_space<hbm>> -> memref<16x1024xf32, #tpu.memory_space<hbm>>
    %dma_start3A_556 = arith.constant 0 : i32
    %dma_start3A_557 = arith.constant 0 : i32
    %dma_start3A_558 = tpu.memref_slice %arg8[%dma_start3A_556, %dma_start3A_557] : memref<64x1024xf32, #tpu.memory_space<vmem>> -> memref<16x1024xf32, #tpu.memory_space<vmem>>
    tpu.enqueue_dma source(%dma_start3A_558 : memref<16x1024xf32, #tpu.memory_space<vmem>>) target(%dma_start3A_555 : memref<16x1024xf32, #tpu.memory_space<hbm>>) target_semaphore(%dma_start3A_552 : memref<!tpu.dma_semaphore, #tpu.memory_space<semaphore_mem>>)
    %dma_wait3A_559 = arith.constant 1 : i32
    %dma_wait3A_560 = arith.constant 0 : i32
    %dma_wait3A_561 = arith.constant 0 : i32
    %dma_wait3A_562 = tpu.memref_slice %arg9[%dma_wait3A_560, %dma_wait3A_561] : memref<56x1024xf32, #tpu.memory_space<vmem>> -> memref<56x1024xf32, #tpu.memory_space<vmem>>
    %dma_wait3A_563 = arith.constant 0 : i32
    %dma_wait3A_564 = tpu.memref_slice %arg5[%select_n3A, %mul3A_32, %dma_wait3A_563] : memref<2x4096x1024xf32, #tpu.memory_space<hbm>> -> memref<1x56x1024xf32, #tpu.memory_space<hbm>>
    %dma_wait3A_565 = tpu.memref_squeeze %dma_wait3A_564 : memref<1x56x1024xf32, #tpu.memory_space<hbm>> -> memref<56x1024xf32, #tpu.memory_space<hbm>>
    %dma_wait3A_566 = tpu.memref_slice %arg11[%dma_wait3A_559] : memref<2x!tpu.dma_semaphore, #tpu.memory_space<semaphore_mem>> -> memref<1x!tpu.dma_semaphore, #tpu.memory_space<semaphore_mem>>
    %dma_wait3A_567 = tpu.memref_squeeze %dma_wait3A_566 : memref<1x!tpu.dma_semaphore, #tpu.memory_space<semaphore_mem>> -> memref<!tpu.dma_semaphore, #tpu.memory_space<semaphore_mem>>
    %dma_wait3A_568 = arith.constant 0 : i32
    %dma_wait3A_569 = tpu.memref_slice %arg5[%select_n3A, %mul3A_32, %dma_wait3A_568] : memref<2x4096x1024xf32, #tpu.memory_space<hbm>> -> memref<1x56x1024xf32, #tpu.memory_space<hbm>>
    %dma_wait3A_570 = tpu.memref_squeeze %dma_wait3A_569 : memref<1x56x1024xf32, #tpu.memory_space<hbm>> -> memref<56x1024xf32, #tpu.memory_space<hbm>>
    %dma_wait3A_571 = arith.constant 0 : i32
    %dma_wait3A_572 = arith.constant 0 : i32
    %dma_wait3A_573 = tpu.memref_slice %arg9[%dma_wait3A_571, %dma_wait3A_572] : memref<56x1024xf32, #tpu.memory_space<vmem>> -> memref<56x1024xf32, #tpu.memory_space<vmem>>
    tpu.wait_dma2 semaphore(%dma_wait3A_567 : memref<!tpu.dma_semaphore, #tpu.memory_space<semaphore_mem>>) src(%dma_wait3A_573 : memref<56x1024xf32, #tpu.memory_space<vmem>>) dst(%dma_wait3A_570 : memref<56x1024xf32, #tpu.memory_space<hbm>>)
    %dma_wait3A_574 = arith.constant 0 : i32
    %dma_wait3A_575 = arith.constant 0 : i32
    %dma_wait3A_576 = arith.constant 0 : i32
    %dma_wait3A_577 = tpu.memref_slice %arg8[%dma_wait3A_575, %dma_wait3A_576] : memref<64x1024xf32, #tpu.memory_space<vmem>> -> memref<16x1024xf32, #tpu.memory_space<vmem>>
    %dma_wait3A_578 = arith.constant 0 : i32
    %dma_wait3A_579 = tpu.memref_slice %arg5[%select_n3A, %mul3A_32, %dma_wait3A_578] : memref<2x4096x1024xf32, #tpu.memory_space<hbm>> -> memref<1x16x1024xf32, #tpu.memory_space<hbm>>
    %dma_wait3A_580 = tpu.memref_squeeze %dma_wait3A_579 : memref<1x16x1024xf32, #tpu.memory_space<hbm>> -> memref<16x1024xf32, #tpu.memory_space<hbm>>
    %dma_wait3A_581 = tpu.memref_slice %arg11[%dma_wait3A_574] : memref<2x!tpu.dma_semaphore, #tpu.memory_space<semaphore_mem>> -> memref<1x!tpu.dma_semaphore, #tpu.memory_space<semaphore_mem>>
    %dma_wait3A_582 = tpu.memref_squeeze %dma_wait3A_581 : memref<1x!tpu.dma_semaphore, #tpu.memory_space<semaphore_mem>> -> memref<!tpu.dma_semaphore, #tpu.memory_space<semaphore_mem>>
    %dma_wait3A_583 = arith.constant 0 : i32
    %dma_wait3A_584 = tpu.memref_slice %arg5[%select_n3A, %mul3A_32, %dma_wait3A_583] : memref<2x4096x1024xf32, #tpu.memory_space<hbm>> -> memref<1x16x1024xf32, #tpu.memory_space<hbm>>
    %dma_wait3A_585 = tpu.memref_squeeze %dma_wait3A_584 : memref<1x16x1024xf32, #tpu.memory_space<hbm>> -> memref<16x1024xf32, #tpu.memory_space<hbm>>
    %dma_wait3A_586 = arith.constant 0 : i32
    %dma_wait3A_587 = arith.constant 0 : i32
    %dma_wait3A_588 = tpu.memref_slice %arg8[%dma_wait3A_586, %dma_wait3A_587] : memref<64x1024xf32, #tpu.memory_space<vmem>> -> memref<16x1024xf32, #tpu.memory_space<vmem>>
    tpu.wait_dma2 semaphore(%dma_wait3A_582 : memref<!tpu.dma_semaphore, #tpu.memory_space<semaphore_mem>>) src(%dma_wait3A_588 : memref<16x1024xf32, #tpu.memory_space<vmem>>) dst(%dma_wait3A_585 : memref<16x1024xf32, #tpu.memory_space<hbm>>)
    return
  }
}

</mosaic_0001>

<sc_bundles>
// kernel: kernel.3.cloned.1.call-start
scs
__scs_entry_jumppad:
0x0: {  	(pc) =	sbr.rel $0x88, $3  }
0x1: {  	(tag) =	ssettag $0x0;
	lr =	simm.s32 $0x1  }
0x2: {  	[smem:$0x3F9E] =	sst lr;
	_ =	strace $0xD0000000  }
0x3: {  	_ = 	snop  }
0x4: {  	_ = 	snop  }
0x5: {  	_ = 	snop  }
0x6: {  	_ = 	snop  }
0x7: {  	_ = 	snop  }
__scs_overlays_trampoline_lowered:
0x8: {  	[smem:$0x3FAD] =	sst s0  }
0x9: {  	[smem:$0x3FAE] =	sst s1  }
0xa: {  	[smem:$0x3FAF] =	sst s2  }
0xb: {  	[smem:$0x3FB0] =	sst s3  }
0xc: {  	[smem:$0x3FB1] =	sst s4  }
0xd: {  	[smem:$0x3FB2] =	sst s5  }
0xe: {  	[smem:$0x3FB3] =	sst s6  }
0xf: {  	[smem:$0x3FB4] =	sst s7  }
0x10: {  	[smem:$0x3FB5] =	sst s8  }
0x11: {  	[smem:$0x3FB6] =	sst s9;
	s0 =	simm.s32 @!p0 $0x0  }
0x12: {  	s1 =	sld [smem:$0x3F9C];
	s0 =	simm.s32 @p0 $0x1  }
0x13: {  	[smem:$0x3FB7] =	sst s0;
	s0 =	simm.s32 @!p1 $0x0  }
0x14: {  	s2 =	sld [smem:$0x3F9B];
	s0 =	simm.s32 @p1 $0x1  }
0x15: {  	[smem:$0x3FB8] =	sst s0;
	s0 =	simm.s32 @!p2 $0x0  }
0x16: {  	s3 =	sld [smem:$0x3FDB];
	s0 =	simm.s32 @p2 $0x1  }
0x17: {  	s4 =	simm.s32 $0x1BF5;
	[smem:$0x3FBA] =	sst s0  }
0x18: {  	s0 =	sld [smem:$0x3F9D];
	_ =	swait.ge [sflag:s4], $0x0  }
0x19: {  	s7 =	sld [smem:$0x3F9E]  }
0x1a: {  	s8 =	sadd.s32 $0xFFFFE003, lr  }
0x1b: {  	s9 =	sadd.s32 $0xFFFFFEF7, lr;
	s5 =	simm.s32 $0xFFFFFFFF;
	p2 =	slt.u32 s8, $0xFFFFF086  }
0x1c: {  	p1 =	slt.u32 s9, $0xF7A;
	s5 =	simm.s32 @!p2 $0x0  }
0x1d: {  	s5 =	simm.s32 @p1 $0x1;
	p0 =	seq.s32 s7, s2  }
0x1e: {  	s7 =	smul.u32 @!p0 $0xF7A, s2;
	p2 =	seq.s32 @!p0 s5, $0x0  }
0x1f: {  	s9 =	smul.u32 $0xF7A, s1;
	s8 =	simm.s32 @!p0 $0x1BF5;
	p2 =	por !p2, p0  }
0x20: {  	[sflag:s8] =	ssyncset.s32 @!p0 $0xFFFFF086;
	s6 =	sadd.s32 @!p0 s3, s7;
	s7 =	simm.s32 @!p0 $0x108  }
0x21: {  	s3 =	sadd.s32 s3, s9;
	s6 =	sadd.s32 @!p0 $0x88, s6;
	s7 =	simm.s32 @p2 $0x1082  }
0x22: {  	[simem:s7], [sflag:s8] =	dma.local @!p0 [hbm:s6], $0xF7A  }
0x23: {  	s9 =	sor.u32 $0xD0000000, s2;
	s6 =	simm.s32 $0x108;
	_ =	swait.ge @!p0 [sflag:s8], $0x0  }
0x24: {  	s3 =	sadd.s32 $0x88, s3;
	s6 =	simm.s32 @!p1 $0x1082;
	[sflag:s4] =	ssyncset.s32 $0xFFFFF086  }
0x25: {  	[simem:s6], [sflag:s4] =	dma.local [hbm:s3], $0xF7A  }
0x26: {  	[smem:$0x3F9E] =	sst s1;
	(tag) =	ssettag s2;
	_ =	strace s9  }
0x27: {  	s1 =	sld [smem:$0x3FAE]  }
0x28: {  	s2 =	sld [smem:$0x3FAF]  }
0x29: {  	s4 =	sld [smem:$0x3FB1]  }
0x2a: {  	p0 =	seq.s32 s5, $0x0;
	s5 =	sld [smem:$0x3FB2]  }
0x2b: {  	s6 =	sld [smem:$0x3FB3]  }
0x2c: {  	s7 =	sld [smem:$0x3FB4]  }
0x2d: {  	s3 =	simm.s32 $0x108;
	s8 =	sld [smem:$0x3FB5]  }
0x2e: {  	s3 =	simm.s32 @!p0 $0x1082;
	s9 =	sld [smem:$0x3FB6]  }
0x2f: {  	lr =	sadd.s32 s0, s3;
	s0 =	sld [smem:$0x3FAD]  }
0x30: {  	s3 =	sld [smem:$0x3FB0]  }
0x31: {  	[smem:$0x3FB9] =	sst s10  }
0x32: {  	s10 =	sld [smem:$0x3FB7];
	_ =	sdelay $0x3  }
0x33: {  	p0 =	seq.s32 s10, $0x1;
	s10 =	sld [smem:$0x3FB9];
	_ =	sdelay $0x3  }
0x34: {  	[smem:$0x3FB9] =	sst s10  }
0x35: {  	s10 =	sld [smem:$0x3FB8];
	_ =	sdelay $0x3  }
0x36: {  	p1 =	seq.s32 s10, $0x1;
	s10 =	sld [smem:$0x3FB9];
	_ =	sdelay $0x3  }
0x37: {  	[smem:$0x3FB9] =	sst s10  }
0x38: {  	s10 =	sld [smem:$0x3FBA]  }
0x39: {  	_ = 	snop;
	(pc) =	sbr.ind lr, $3  }
0x3a: {  	_ = 	snop  }
0x3b: {  	_ = 	snop  }
0x3c: {  	p2 =	seq.s32 s10, $0x1;
	s10 =	sld [smem:$0x3FB9]  }
0x3d: {  	_ =	shalt  }
0x3e: {  	_ =	shalt  }
0x3f: {  	_ =	shalt  }
0x40: {  	_ =	shalt  }
0x41: {  	_ =	shalt  }
0x42: {  	_ =	shalt  }
0x43: {  	_ =	shalt  }
0x44: {  	_ =	shalt  }
0x45: {  	_ =	shalt  }
0x46: {  	_ =	shalt  }
0x47: {  	_ =	shalt  }
0x48: {  	_ =	shalt  }
0x49: {  	_ =	shalt  }
0x4a: {  	_ =	shalt  }
0x4b: {  	_ =	shalt  }
0x4c: {  	_ =	shalt  }
0x4d: {  	_ =	shalt  }
0x4e: {  	_ =	shalt  }
0x4f: {  	_ =	shalt  }
0x50: {  	_ =	shalt  }
0x51: {  	_ =	shalt  }
0x52: {  	_ =	shalt  }
0x53: {  	_ =	shalt  }
0x54: {  	_ =	shalt  }
0x55: {  	_ =	shalt  }
0x56: {  	_ =	shalt  }
0x57: {  	_ =	shalt  }
0x58: {  	_ =	shalt  }
0x59: {  	_ =	shalt  }
0x5a: {  	_ =	shalt  }
0x5b: {  	_ =	shalt  }
0x5c: {  	_ =	shalt  }
0x5d: {  	_ =	shalt  }
0x5e: {  	_ =	shalt  }
0x5f: {  	_ =	shalt  }
0x60: {  	_ =	shalt  }
0x61: {  	_ =	shalt  }
0x62: {  	_ =	shalt  }
0x63: {  	_ =	shalt  }
0x64: {  	_ =	shalt  }
0x65: {  	_ =	shalt  }
0x66: {  	_ =	shalt  }
0x67: {  	_ =	shalt  }
0x68: {  	_ =	shalt  }
0x69: {  	_ =	shalt  }
0x6a: {  	_ =	shalt  }
0x6b: {  	_ =	shalt  }
0x6c: {  	_ =	shalt  }
0x6d: {  	_ =	shalt  }
0x6e: {  	_ =	shalt  }
0x6f: {  	_ =	shalt  }
0x70: {  	_ =	shalt  }
0x71: {  	_ =	shalt  }
0x72: {  	_ =	shalt  }
0x73: {  	_ =	shalt  }
0x74: {  	_ =	shalt  }
0x75: {  	_ =	shalt  }
0x76: {  	_ =	shalt  }
0x77: {  	_ =	shalt  }
0x78: {  	_ =	shalt  }
0x79: {  	_ =	shalt  }
0x7a: {  	_ =	shalt  }
0x7b: {  	_ =	shalt  }
0x7c: {  	_ =	shalt  }
0x7d: {  	_ =	shalt  }
0x7e: {  	_ =	shalt  }
0x7f: {  	_ =	shalt  }
0x80: {  	_ =	shalt  }
0x81: {  	_ =	shalt  }
0x82: {  	_ =	shalt  }
0x83: {  	_ =	shalt  }
0x84: {  	_ =	shalt  }
0x85: {  	_ =	shalt  }
0x86: {  	_ =	shalt  }
0x87: {  	_ =	shalt  }
.Lfunc_end0:
.L_simem_size_0:
called_computation_lowered:
.L_overlay_start_0:
0x88: {  	s2 =	sld [smem:$0x3FD9]  }
0x89: {  	s3 =	sld [smem:$0x3FFE];
	_ =	sdelay $0x1  }
0x8a: {  	s1 =	srdreg.scid  }
0x8b: {  	s0 =	sand.u32 $0x1, s1  }
0x8c: {  	s18 =	sshll.u32 s0, $0xA;
	s2 =	sadd.s32 s3, s2  }
0x8d: {  	s2 =	sadd.s32 s2, s18  }
0x8e: {  	[smem:$0x3FC5] =	sst s2  }
0x8f: {  	_ = 	snop  }
0x90: {  	s2 =	sld [smem:$0x3FC9]  }
0x91: {  	s19 =	sld [smem:$0x3FC8]  }
0x92: {  	s4 =	sld [smem:$0x3FC7]  }
0x93: {  	s5 =	sld [smem:$0x3FD0];
	(tm) =	ssettm $0x1  }
0x94: {  	s6 =	sld [smem:$0x3FFB];
	_ =	sdelay $0x3  }
0x95: {  	_ =	strace s6  }
0x96: {  	s6 =	sld [smem:$0x3FFC];
	_ =	sdelay $0x3  }
0x97: {  	_ =	strace s6  }
0x98: {  	s6 =	sld [smem:$0x3FFD];
	_ =	sdelay $0x3  }
0x99: {  	_ =	strace s6  }
0x9a: {  	_ =	strace $0x8FFFFFFF  }
0x9b: {  	s20 =	sld [smem:$0x3FDB];
	_ =	sdelay $0x1  }
0x9c: {  	s7 =	simm.s32 $_scs_section_size  }
0x9d: {  	s8 =	simm.s32 $_size__tile_overlayer_lowered;
	s9 =	simm.s32 $_tile_overlayer_lowered  }
0x9e: {  	s23 =	simm.s32 $0x1BFF;
	s22 =	sshll.u32 s9, $0x1;
	s6 =	sadd.s32 s7, s20  }
0x9f: {  	s10 =	simm.s32 $0x0;
	s21 =	sshll.u32 s8, $0x1;
	s8 =	sadd.s32 s22, s6  }
0xa0: {  	[timem:s10], [sflag:s23] =	dma.local [hbm:s8], s21  }
0xa1: {  	_ =	swait.ge [sflag:s23], s21  }
0xa2: {  	s7 =	ssub.s32 $0x0, s21;
	[sflag:s23] =	ssyncset.done $0x0  }
0xa3: {  	[sflag:s23] =	ssyncadd.s32 s7;
	_ =	sdelay $0x1  }
0xa4: {  	s24 =	simm.s32 $0x1B8B  }
0xa5: {  	_ =	swait.ge [sflag:s24], $0x1  }
0xa6: {  	[sflag:s24] =	ssyncset.done $0x0  }
0xa7: {  	s25 =	simm.s32 $0x1B8E;
	[sflag:s24] =	ssyncadd.s32 $0xFFFFFFFF  }
0xa8: {  	s26 =	simm.s32 $execute0_lowered;
	[smem:$0x3FD2] =	sst s25  }
0xa9: {  	s7 =	sshll.u32 s26, $0x1;
	_ =	strace $0x80000046;
	[dreg:$0x1] =	wrdreg $0xFFFFFFFF  }
0xaa: {  	s28 =	simm.s32 $_size_execute0_lowered;
	s6 =	sadd.s32 s6, s7;
	[dreg:$0x0] =	wrdreg $0x0  }
0xab: {  	s7 =	sshll.u32 s28, $0x1;
	[dreg:$0x2] =	wrdreg s6  }
0xac: {  	[dreg:$0x3] =	wrdreg s7  }
0xad: {  	[dreg:$0x4] =	wrdreg $0xC0  }
0xae: {  	_ =	task [dreg:s10], $0x5FFFF  }
0xaf: {  	[dreg:$0x1] =	wrdreg $0xFFFFFFFF  }
0xb0: {  	[dreg:$0x0] =	wrdreg $0x60  }
0xb1: {  	[dreg:$0x2] =	wrdreg s2  }
0xb2: {  	[dreg:$0x3] =	wrdreg s4  }
0xb3: {  	[dreg:$0x4] =	wrdreg s19  }
0xb4: {  	[dreg:$0x5] =	wrdreg s5  }
0xb5: {  	[dreg:$0x6] =	wrdreg $0x9  }
0xb6: {  	_ =	task.clear_ibuf [dreg:s10], $0x7FFFF;
	_ =	strace $0x90000046  }
0xb7: {  	s29 =	simm.s32 $0x9;
	_ =	strace $0x80000048  }
0xb8: {  	_ =	swait.ge [sflag:s29], $0x1  }
0xb9: {  	[sflag:s29] =	ssyncadd.s32 $0xFFFFFFFF  }
0xba: {  	_ =	strace $0x90000048  }
0xbb: {  	_ =	sfence  }
0xbc: {  	s30 =	sld [smem:$0x0];
	_ =	sdelay $0x2  }
0xbd: {  	s31 =	sshll.u32 s1, $0xD;
	s1 =	sshrl.u32 s1, $0x2  }
0xbe: {  	s3 =	sand.u32 $0x4000, s31;
	s1 =	sadd.s32 s1, s30  }
0xbf: {  	s0 =	sor.u32 s3, s0;
	s1 =	sshll.u32 s1, $0x11  }
0xc0: {  	s0 =	sor.u32 s1, s0  }
0xc1: {  	s0 =	sadd.s32 $0x8F2B, s0  }
0xc2: {  	[sflag:s0] =	ssyncadd.remote.s32 $0x1  }
0xc3: {  	_ =	sfence.sel $0xFFFF  }
0xc4: {  	[dreg:$0x0] =	wrdreg $0xFFFFFFFF;
	(pc) =	sbr.abs _section_cstart, $3  }
0xc5: {  	[dreg:$0x1] =	wrdreg $0xFFFFFFFF  }
0xc6: {  	_ =	task.clear_ibuf [dreg:s10], $0x2FFFF;
	_ =	strace $0x9FFFFFFF  }
0xc7: {  	(tm) =	ssettm $0x7FFFFFFF  }
tec
execute0_lowered:
.L_overlay_start_1:
0x0: {  	(tag) =	ssettag $0x1  }
0x1: {  	s0 =	rddreg [dreg:$0x0]  }
0x2: {  	s2 =	rddreg [dreg:$0x2]  }
0x3: {  	s1 =	rddreg [dreg:$0x3];
	s4 =	simm.s32 $0x0;
	s3 =	srdreg.scid  }
0x4: {  	s8 =	stileid.u32;
	[smem:$0x7FF] =	sst s4  }
0x5: {  	s3 =	sand.u32 $0x1, s3;
	s5 =	sshll.u32 s8, $0x1;
	s8 =	sshrl.u32 s8, $0x3  }
0x6: {  	_ =	strace $0x80000047;
	s6 =	ssub.s32 $0x2, s3;
	s5 =	sand.u32 $0xE, s5  }
0x7: {  	s11 =	sshll.u32 s8, $0x4;
	s7 =	sshrl.u32 s6, $0x1;
	s3 =	sor.u32 s3, s5  }
0x8: {  	s0 =	sadd.s32 s0, s11;
	s10 =	sshll.u32 s3, $0xF;
	s3 =	sshll.u32 s3, $0x6  }
0x9: {  	s8 =	sshll.u32 s8, $0x13;
	s9 =	ssub.s32 s6, s7;
	s0 =	sadd.s32 s3, s0  }
0xa: {  	s12 =	sor.u32 s8, s10;
	s31 =	smax.u32 s9, $0x1;
	[dreg:$0x5] =	wrdreg s0  }
0xb: {  	s0 =	sadd.s32 s1, s12;
	[dreg:$0x16] =	wrdreg s31  }
0xc: {  	s1 =	sadd.s32 $0x800, s0;
	[dreg:$0x6] =	wrdreg s0  }
0xd: {  	s13 =	sadd.s32 $0x1000, s0;
	[dreg:$0x7] =	wrdreg s1  }
0xe: {  	s14 =	sadd.s32 $0x1800, s0;
	[dreg:$0x8] =	wrdreg s13  }
0xf: {  	s15 =	sadd.s32 $0x2000, s0;
	[dreg:$0x9] =	wrdreg s14  }
0x10: {  	s16 =	sadd.s32 $0x2800, s0;
	[dreg:$0xa] =	wrdreg s15  }
0x11: {  	s29 =	simm.s32 $0x5;
	s17 =	sadd.s32 $0x3000, s0;
	[dreg:$0xb] =	wrdreg s16  }
0x12: {  	s30 =	simm.s32 $0x500;
	s18 =	sadd.s32 $0x3800, s0;
	[dreg:$0xc] =	wrdreg s17  }
0x13: {  	s28 =	simm.s32 $0x2D00;
	s19 =	sadd.s32 $0x3C00, s0;
	[dreg:$0xd] =	wrdreg s18  }
0x14: {  	s5 =	simm.s32 $0x3500;
	s20 =	sadd.s32 $0x4400, s0;
	[dreg:$0xe] =	wrdreg s19  }
0x15: {  	s11 =	simm.s32 $0x4500;
	s21 =	sadd.s32 $0x4C00, s0;
	[dreg:$0xf] =	wrdreg s20  }
0x16: {  	s6 =	sadd.s32 $0x100, s2;
	s22 =	sadd.s32 $0x5400, s0;
	[dreg:$0x10] =	wrdreg s21  }
0x17: {  	s7 =	sadd.s32 $0x200, s2;
	s23 =	sadd.s32 $0x5C00, s0;
	[dreg:$0x11] =	wrdreg s22  }
0x18: {  	s8 =	sadd.s32 $0x300, s2;
	s24 =	sadd.s32 $0x6400, s0;
	[dreg:$0x12] =	wrdreg s23  }
0x19: {  	s3 =	simm.s32 $0x1D00;
	s25 =	sadd.s32 $0x6C00, s0;
	[dreg:$0x13] =	wrdreg s24  }
0x1a: {  	s10 =	simm.s32 $0x3D00;
	s26 =	sadd.s32 $0x7400, s0;
	[dreg:$0x14] =	wrdreg s25  }
0x1b: {  	s12 =	simm.s32 $0x2;
	s0 =	sadd.s32 $0x7800, s0;
	[dreg:$0x15] =	wrdreg s26  }
0x1c: {  	[dreg:$0x17] =	wrdreg s0;
	s1 =	simm.s32 $0x2500;
	s14 =	simm.s32 $0x8500  }
0x1d: {  	v2 =	vlaneseq.u32;
	s15 =	simm.s32 $0xC500;
	s13 =	simm.s32 $0x10500;
	s20 =	simm.s32 $0x14500  }
0x1e: {  	vm0 =	vmmov $0xffff;
	v1 =	vshrl.u32 v2, $0x3;
	s25 =	simm.s32 $0x18500;
	s23 =	simm.s32 $0x1C500;
	s26 =	simm.s32 $0x1  }
0x1f: {  	v0 =	vand.u32 $0x7, v2;
	v2 =	vor.u32 $0x8, v2;
	v1 =	vmul.u32 $0x8, v1;
	s16 =	simm.s32 $0x3;
	s21 =	simm.s32 $0x4;
	s17 =	simm.s32 $0x0  }
.LBB2_1:
0x20: {  	s22 =	simm.s32 $0x100;
	s0 =	rddreg [dreg:$0x5];
	s9 =	simm.s32 $0x80  }
0x21: {  	[tilespmem:s4], [sflag:$0x5] =	stream.strided.gather [hbm4b:s0+s9], $0x100, s22, s9, $0x38;
	[tilespmem:$0x1E500] =	vst v63  }
0x22: {  	_ =	swait.ge [sflag:s29], $0x100  }
0x23: {  	[sflag:s29] =	ssyncset.done $0x0  }
0x24: {  	[sflag:s29] =	ssyncadd.s32 $0xFFFFFF00  }
0x25: {  	v3 =	vld [tilespmem:$0x0];
	_ =	sdelay $0x4  }
0x26: {  	v4 =	vshll.u32 v3, $0x3  }
0x27: {  	v3 =	vand.u32 $0x7, v3;
	v4 =	vand.u32 $0xFFFFFFC0, v4  }
0x28: {  	v3 =	vor.u32 v3, v4  }
0x29: {  	v4 =	vperm.xlane v3, v0;
	_ =	sdelay $0x1  }
0x2a: {  	v4 =	vadd.s32 v1, v4;
	_ =	sdelay $0x4  }
0x2b: {  	[tilespmem:s30], [sflag:$0x1] =	stream.indirect_vreg.gather [hbm4b:s2+s4], $0x80, v4, vm0, $0xb8;
	[tilespmem:$0x1E500] =	vst v63  }
0x2c: {  	s9 =	simm.s32 $0xD00;
	v3 =	vperm.xlane v3, v2  }
0x2d: {  	[tilespmem:s9], [sflag:$0x1] =	stream.indirect_vreg.gather [hbm4b:s6+s4], $0x80, v4, vm0, $0xb8;
	[tilespmem:$0x1E500] =	vst v63  }
0x2e: {  	s18 =	simm.s32 $0x1500;
	v3 =	vadd.s32 v1, v3  }
0x2f: {  	[tilespmem:s18], [sflag:$0x1] =	stream.indirect_vreg.gather [hbm4b:s7+s4], $0x80, v4, vm0, $0xb8;
	[tilespmem:$0x1E500] =	vst v63  }
0x30: {  	_ = 	snop  }
0x31: {  	[tilespmem:s3], [sflag:$0x1] =	stream.indirect_vreg.gather [hbm4b:s8+s4], $0x80, v4, vm0, $0xb8;
	[tilespmem:$0x1E500] =	vst v63  }
0x32: {  	_ = 	snop  }
0x33: {  	[tilespmem:s1], [sflag:$0x1] =	stream.indirect_vreg.gather [hbm4b:s2+s4], $0x80, v3, vm0, $0xb8;
	[tilespmem:$0x1E500] =	vst v63  }
0x34: {  	_ = 	snop  }
0x35: {  	[tilespmem:s28], [sflag:$0x1] =	stream.indirect_vreg.gather [hbm4b:s6+s4], $0x80, v3, vm0, $0xb8;
	[tilespmem:$0x1E500] =	vst v63  }
0x36: {  	_ = 	snop  }
0x37: {  	[tilespmem:s5], [sflag:$0x1] =	stream.indirect_vreg.gather [hbm4b:s7+s4], $0x80, v3, vm0, $0xb8;
	[tilespmem:$0x1E500] =	vst v63  }
0x38: {  	_ = 	snop  }
0x39: {  	[tilespmem:s10], [sflag:$0x1] =	stream.indirect_vreg.gather [hbm4b:s8+s4], $0x80, v3, vm0, $0xb8;
	[tilespmem:$0x1E500] =	vst v63  }
0x3a: {  	v3 =	vld [tilespmem:$0x10];
	_ =	sdelay $0x4  }
0x3b: {  	v4 =	vshll.u32 v3, $0x3  }
0x3c: {  	v3 =	vand.u32 $0x7, v3;
	v4 =	vand.u32 $0xFFFFFFC0, v4  }
0x3d: {  	v3 =	vor.u32 v3, v4  }
0x3e: {  	v4 =	vperm.xlane v3, v0;
	_ =	sdelay $0x1  }
0x3f: {  	v4 =	vadd.s32 v1, v4;
	_ =	sdelay $0x4  }
0x40: {  	[tilespmem:s11], [sflag:$0x1] =	stream.indirect_vreg.gather [hbm4b:s2+s4], $0x80, v4, vm0, $0xb8;
	[tilespmem:$0x1E500] =	vst v63  }
0x41: {  	s19 =	simm.s32 $0x4D00;
	v3 =	vperm.xlane v3, v2  }
0x42: {  	[tilespmem:s19], [sflag:$0x1] =	stream.indirect_vreg.gather [hbm4b:s6+s4], $0x80, v4, vm0, $0xb8;
	[tilespmem:$0x1E500] =	vst v63  }
0x43: {  	s24 =	simm.s32 $0x5500;
	v3 =	vadd.s32 v1, v3  }
0x44: {  	[tilespmem:s24], [sflag:$0x1] =	stream.indirect_vreg.gather [hbm4b:s7+s4], $0x80, v4, vm0, $0xb8;
	[tilespmem:$0x1E500] =	vst v63  }
0x45: {  	s31 =	simm.s32 $0x5D00  }
0x46: {  	[tilespmem:s31], [sflag:$0x1] =	stream.indirect_vreg.gather [hbm4b:s8+s4], $0x80, v4, vm0, $0xb8;
	[tilespmem:$0x1E500] =	vst v63  }
0x47: {  	s9 =	simm.s32 $0x6500  }
0x48: {  	[tilespmem:s9], [sflag:$0x1] =	stream.indirect_vreg.gather [hbm4b:s2+s4], $0x80, v3, vm0, $0xb8;
	[tilespmem:$0x1E500] =	vst v63  }
0x49: {  	s18 =	simm.s32 $0x6D00  }
0x4a: {  	[tilespmem:s18], [sflag:$0x1] =	stream.indirect_vreg.gather [hbm4b:s6+s4], $0x80, v3, vm0, $0xb8;
	[tilespmem:$0x1E500] =	vst v63  }
0x4b: {  	s19 =	simm.s32 $0x7500  }
0x4c: {  	[tilespmem:s19], [sflag:$0x1] =	stream.indirect_vreg.gather [hbm4b:s7+s4], $0x80, v3, vm0, $0xb8;
	[tilespmem:$0x1E500] =	vst v63  }
0x4d: {  	s24 =	simm.s32 $0x7D00  }
0x4e: {  	[tilespmem:s24], [sflag:$0x1] =	stream.indirect_vreg.gather [hbm4b:s8+s4], $0x80, v3, vm0, $0xb8;
	[tilespmem:$0x1E500] =	vst v63  }
0x4f: {  	v3 =	vld [tilespmem:$0x20];
	_ =	sdelay $0x4  }
0x50: {  	v4 =	vshll.u32 v3, $0x3  }
0x51: {  	v3 =	vand.u32 $0x7, v3;
	v4 =	vand.u32 $0xFFFFFFC0, v4  }
0x52: {  	v3 =	vor.u32 v3, v4  }
0x53: {  	v4 =	vperm.xlane v3, v0;
	_ =	sdelay $0x1  }
0x54: {  	v4 =	vadd.s32 v1, v4;
	_ =	sdelay $0x4  }
0x55: {  	[tilespmem:s14], [sflag:$0x1] =	stream.indirect_vreg.gather [hbm4b:s2+s4], $0x80, v4, vm0, $0xb8;
	[tilespmem:$0x1E500] =	vst v63  }
0x56: {  	s31 =	simm.s32 $0x8D00;
	v3 =	vperm.xlane v3, v2  }
0x57: {  	[tilespmem:s31], [sflag:$0x1] =	stream.indirect_vreg.gather [hbm4b:s6+s4], $0x80, v4, vm0, $0xb8;
	[tilespmem:$0x1E500] =	vst v63  }
0x58: {  	s9 =	simm.s32 $0x9500;
	v3 =	vadd.s32 v1, v3  }
0x59: {  	[tilespmem:s9], [sflag:$0x1] =	stream.indirect_vreg.gather [hbm4b:s7+s4], $0x80, v4, vm0, $0xb8;
	[tilespmem:$0x1E500] =	vst v63  }
0x5a: {  	s18 =	simm.s32 $0x9D00  }
0x5b: {  	[tilespmem:s18], [sflag:$0x1] =	stream.indirect_vreg.gather [hbm4b:s8+s4], $0x80, v4, vm0, $0xb8;
	[tilespmem:$0x1E500] =	vst v63  }
0x5c: {  	s19 =	simm.s32 $0xA500  }
0x5d: {  	[tilespmem:s19], [sflag:$0x1] =	stream.indirect_vreg.gather [hbm4b:s2+s4], $0x80, v3, vm0, $0xb8;
	[tilespmem:$0x1E500] =	vst v63  }
0x5e: {  	s24 =	simm.s32 $0xAD00  }
0x5f: {  	[tilespmem:s24], [sflag:$0x1] =	stream.indirect_vreg.gather [hbm4b:s6+s4], $0x80, v3, vm0, $0xb8;
	[tilespmem:$0x1E500] =	vst v63  }
0x60: {  	s31 =	simm.s32 $0xB500  }
0x61: {  	[tilespmem:s31], [sflag:$0x1] =	stream.indirect_vreg.gather [hbm4b:s7+s4], $0x80, v3, vm0, $0xb8;
	[tilespmem:$0x1E500] =	vst v63  }
0x62: {  	s9 =	simm.s32 $0xBD00  }
0x63: {  	[tilespmem:s9], [sflag:$0x1] =	stream.indirect_vreg.gather [hbm4b:s8+s4], $0x80, v3, vm0, $0xb8;
	[tilespmem:$0x1E500] =	vst v63  }
0x64: {  	v3 =	vld [tilespmem:$0x30];
	_ =	sdelay $0x4  }
0x65: {  	v4 =	vshll.u32 v3, $0x3  }
0x66: {  	v3 =	vand.u32 $0x7, v3;
	v4 =	vand.u32 $0xFFFFFFC0, v4  }
0x67: {  	v3 =	vor.u32 v3, v4  }
0x68: {  	v4 =	vperm.xlane v3, v0;
	_ =	sdelay $0x1  }
0x69: {  	v4 =	vadd.s32 v1, v4;
	_ =	sdelay $0x4  }
0x6a: {  	[tilespmem:s15], [sflag:$0x1] =	stream.indirect_vreg.gather [hbm4b:s2+s4], $0x80, v4, vm0, $0xb8;
	[tilespmem:$0x1E500] =	vst v63  }
0x6b: {  	s18 =	simm.s32 $0xCD00;
	v3 =	vperm.xlane v3, v2  }
0x6c: {  	[tilespmem:s18], [sflag:$0x1] =	stream.indirect_vreg.gather [hbm4b:s6+s4], $0x80, v4, vm0, $0xb8;
	[tilespmem:$0x1E500] =	vst v63  }
0x6d: {  	s19 =	simm.s32 $0xD500;
	v3 =	vadd.s32 v1, v3  }
0x6e: {  	[tilespmem:s19], [sflag:$0x1] =	stream.indirect_vreg.gather [hbm4b:s7+s4], $0x80, v4, vm0, $0xb8;
	[tilespmem:$0x1E500] =	vst v63  }
0x6f: {  	s24 =	simm.s32 $0xDD00  }
0x70: {  	[tilespmem:s24], [sflag:$0x1] =	stream.indirect_vreg.gather [hbm4b:s8+s4], $0x80, v4, vm0, $0xb8;
	[tilespmem:$0x1E500] =	vst v63  }
0x71: {  	s31 =	simm.s32 $0xE500  }
0x72: {  	[tilespmem:s31], [sflag:$0x1] =	stream.indirect_vreg.gather [hbm4b:s2+s4], $0x80, v3, vm0, $0xb8;
	[tilespmem:$0x1E500] =	vst v63  }
0x73: {  	s9 =	simm.s32 $0xED00  }
0x74: {  	[tilespmem:s9], [sflag:$0x1] =	stream.indirect_vreg.gather [hbm4b:s6+s4], $0x80, v3, vm0, $0xb8;
	[tilespmem:$0x1E500] =	vst v63  }
0x75: {  	s18 =	simm.s32 $0xF500  }
0x76: {  	[tilespmem:s18], [sflag:$0x1] =	stream.indirect_vreg.gather [hbm4b:s7+s4], $0x80, v3, vm0, $0xb8;
	[tilespmem:$0x1E500] =	vst v63  }
0x77: {  	s19 =	simm.s32 $0xFD00  }
0x78: {  	[tilespmem:s19], [sflag:$0x1] =	stream.indirect_vreg.gather [hbm4b:s8+s4], $0x80, v3, vm0, $0xb8;
	[tilespmem:$0x1E500] =	vst v63  }
0x79: {  	v3 =	vld [tilespmem:$0x40];
	_ =	sdelay $0x4  }
0x7a: {  	v4 =	vshll.u32 v3, $0x3  }
0x7b: {  	v3 =	vand.u32 $0x7, v3;
	v4 =	vand.u32 $0xFFFFFFC0, v4  }
0x7c: {  	v3 =	vor.u32 v3, v4  }
0x7d: {  	v4 =	vperm.xlane v3, v0;
	_ =	sdelay $0x1  }
0x7e: {  	v4 =	vadd.s32 v1, v4;
	_ =	sdelay $0x4  }
0x7f: {  	[tilespmem:s13], [sflag:$0x2] =	stream.indirect_vreg.gather [hbm4b:s2+s4], $0x80, v4, vm0, $0xb8;
	[tilespmem:$0x1E500] =	vst v63  }
0x80: {  	s24 =	simm.s32 $0x10D00;
	v3 =	vperm.xlane v3, v2  }
0x81: {  	[tilespmem:s24], [sflag:$0x2] =	stream.indirect_vreg.gather [hbm4b:s6+s4], $0x80, v4, vm0, $0xb8;
	[tilespmem:$0x1E500] =	vst v63  }
0x82: {  	s31 =	simm.s32 $0x11500;
	v3 =	vadd.s32 v1, v3  }
0x83: {  	[tilespmem:s31], [sflag:$0x2] =	stream.indirect_vreg.gather [hbm4b:s7+s4], $0x80, v4, vm0, $0xb8;
	[tilespmem:$0x1E500] =	vst v63  }
0x84: {  	s9 =	simm.s32 $0x11D00  }
0x85: {  	[tilespmem:s9], [sflag:$0x2] =	stream.indirect_vreg.gather [hbm4b:s8+s4], $0x80, v4, vm0, $0xb8;
	[tilespmem:$0x1E500] =	vst v63  }
0x86: {  	s18 =	simm.s32 $0x12500  }
0x87: {  	[tilespmem:s18], [sflag:$0x2] =	stream.indirect_vreg.gather [hbm4b:s2+s4], $0x80, v3, vm0, $0xb8;
	[tilespmem:$0x1E500] =	vst v63  }
0x88: {  	s19 =	simm.s32 $0x12D00  }
0x89: {  	[tilespmem:s19], [sflag:$0x2] =	stream.indirect_vreg.gather [hbm4b:s6+s4], $0x80, v3, vm0, $0xb8;
	[tilespmem:$0x1E500] =	vst v63  }
0x8a: {  	s24 =	simm.s32 $0x13500  }
0x8b: {  	[tilespmem:s24], [sflag:$0x2] =	stream.indirect_vreg.gather [hbm4b:s7+s4], $0x80, v3, vm0, $0xb8;
	[tilespmem:$0x1E500] =	vst v63  }
0x8c: {  	s31 =	simm.s32 $0x13D00  }
0x8d: {  	[tilespmem:s31], [sflag:$0x2] =	stream.indirect_vreg.gather [hbm4b:s8+s4], $0x80, v3, vm0, $0xb8;
	[tilespmem:$0x1E500] =	vst v63  }
0x8e: {  	v3 =	vld [tilespmem:$0x50];
	_ =	sdelay $0x4  }
0x8f: {  	v4 =	vshll.u32 v3, $0x3  }
0x90: {  	v3 =	vand.u32 $0x7, v3;
	v4 =	vand.u32 $0xFFFFFFC0, v4  }
0x91: {  	v3 =	vor.u32 v3, v4  }
0x92: {  	v4 =	vperm.xlane v3, v0;
	_ =	sdelay $0x1  }
0x93: {  	v4 =	vadd.s32 v1, v4;
	_ =	sdelay $0x4  }
0x94: {  	[tilespmem:s20], [sflag:$0x2] =	stream.indirect_vreg.gather [hbm4b:s2+s4], $0x80, v4, vm0, $0xb8;
	[tilespmem:$0x1E500] =	vst v63  }
0x95: {  	s9 =	simm.s32 $0x14D00;
	v3 =	vperm.xlane v3, v2  }
0x96: {  	[tilespmem:s9], [sflag:$0x2] =	stream.indirect_vreg.gather [hbm4b:s6+s4], $0x80, v4, vm0, $0xb8;
	[tilespmem:$0x1E500] =	vst v63  }
0x97: {  	s18 =	simm.s32 $0x15500;
	v3 =	vadd.s32 v1, v3  }
0x98: {  	[tilespmem:s18], [sflag:$0x2] =	stream.indirect_vreg.gather [hbm4b:s7+s4], $0x80, v4, vm0, $0xb8;
	[tilespmem:$0x1E500] =	vst v63  }
0x99: {  	s19 =	simm.s32 $0x15D00  }
0x9a: {  	[tilespmem:s19], [sflag:$0x2] =	stream.indirect_vreg.gather [hbm4b:s8+s4], $0x80, v4, vm0, $0xb8;
	[tilespmem:$0x1E500] =	vst v63  }
0x9b: {  	s24 =	simm.s32 $0x16500  }
0x9c: {  	[tilespmem:s24], [sflag:$0x2] =	stream.indirect_vreg.gather [hbm4b:s2+s4], $0x80, v3, vm0, $0xb8;
	[tilespmem:$0x1E500] =	vst v63  }
0x9d: {  	s31 =	simm.s32 $0x16D00  }
0x9e: {  	[tilespmem:s31], [sflag:$0x2] =	stream.indirect_vreg.gather [hbm4b:s6+s4], $0x80, v3, vm0, $0xb8;
	[tilespmem:$0x1E500] =	vst v63  }
0x9f: {  	s9 =	simm.s32 $0x17500  }
0xa0: {  	[tilespmem:s9], [sflag:$0x2] =	stream.indirect_vreg.gather [hbm4b:s7+s4], $0x80, v3, vm0, $0xb8;
	[tilespmem:$0x1E500] =	vst v63  }
0xa1: {  	s18 =	simm.s32 $0x17D00  }
0xa2: {  	[tilespmem:s18], [sflag:$0x2] =	stream.indirect_vreg.gather [hbm4b:s8+s4], $0x80, v3, vm0, $0xb8;
	[tilespmem:$0x1E500] =	vst v63  }
0xa3: {  	v3 =	vld [tilespmem:$0x60];
	_ =	sdelay $0x4  }
0xa4: {  	v4 =	vshll.u32 v3, $0x3  }
0xa5: {  	v3 =	vand.u32 $0x7, v3;
	v4 =	vand.u32 $0xFFFFFFC0, v4  }
0xa6: {  	v3 =	vor.u32 v3, v4  }
0xa7: {  	v4 =	vperm.xlane v3, v0;
	_ =	sdelay $0x1  }
0xa8: {  	v4 =	vadd.s32 v1, v4;
	_ =	sdelay $0x4  }
0xa9: {  	[tilespmem:s25], [sflag:$0x2] =	stream.indirect_vreg.gather [hbm4b:s2+s4], $0x80, v4, vm0, $0xb8;
	[tilespmem:$0x1E500] =	vst v63  }
0xaa: {  	s19 =	simm.s32 $0x18D00;
	v3 =	vperm.xlane v3, v2  }
0xab: {  	[tilespmem:s19], [sflag:$0x2] =	stream.indirect_vreg.gather [hbm4b:s6+s4], $0x80, v4, vm0, $0xb8;
	[tilespmem:$0x1E500] =	vst v63  }
0xac: {  	s24 =	simm.s32 $0x19500;
	v3 =	vadd.s32 v1, v3  }
0xad: {  	[tilespmem:s24], [sflag:$0x2] =	stream.indirect_vreg.gather [hbm4b:s7+s4], $0x80, v4, vm0, $0xb8;
	[tilespmem:$0x1E500] =	vst v63  }
0xae: {  	s31 =	simm.s32 $0x19D00  }
0xaf: {  	[tilespmem:s31], [sflag:$0x2] =	stream.indirect_vreg.gather [hbm4b:s8+s4], $0x80, v4, vm0, $0xb8;
	[tilespmem:$0x1E500] =	vst v63  }
0xb0: {  	s9 =	simm.s32 $0x1A500  }
0xb1: {  	[tilespmem:s9], [sflag:$0x2] =	stream.indirect_vreg.gather [hbm4b:s2+s4], $0x80, v3, vm0, $0xb8;
	[tilespmem:$0x1E500] =	vst v63  }
0xb2: {  	s18 =	simm.s32 $0x1AD00  }
0xb3: {  	[tilespmem:s18], [sflag:$0x2] =	stream.indirect_vreg.gather [hbm4b:s6+s4], $0x80, v3, vm0, $0xb8;
	[tilespmem:$0x1E500] =	vst v63  }
0xb4: {  	s19 =	simm.s32 $0x1B500  }
0xb5: {  	[tilespmem:s19], [sflag:$0x2] =	stream.indirect_vreg.gather [hbm4b:s7+s4], $0x80, v3, vm0, $0xb8;
	[tilespmem:$0x1E500] =	vst v63  }
0xb6: {  	s24 =	simm.s32 $0x1BD00  }
0xb7: {  	[tilespmem:s24], [sflag:$0x2] =	stream.indirect_vreg.gather [hbm4b:s8+s4], $0x80, v3, vm0, $0xb8;
	[tilespmem:$0x1E500] =	vst v63  }
0xb8: {  	v3 =	vld.msk [tilespmem:$0x70], $0xff;
	_ =	sdelay $0x4  }
0xb9: {  	v4 =	vshll.u32 v3, $0x3  }
0xba: {  	v3 =	vand.u32 $0x7, v3;
	v4 =	vand.u32 $0xFFFFFFC0, v4  }
0xbb: {  	v3 =	vor.u32 v3, v4  }
0xbc: {  	v3 =	vperm.xlane v3, v0;
	_ =	sdelay $0x1  }
0xbd: {  	v3 =	vadd.s32 v1, v3;
	_ =	sdelay $0x4  }
0xbe: {  	[tilespmem:s23], [sflag:$0x2] =	stream.indirect_vreg.gather [hbm4b:s2+s4], $0x80, v3, vm0, $0xb8;
	[tilespmem:$0x1E500] =	vst v63  }
0xbf: {  	s31 =	simm.s32 $0x1CD00  }
0xc0: {  	[tilespmem:s31], [sflag:$0x2] =	stream.indirect_vreg.gather [hbm4b:s6+s4], $0x80, v3, vm0, $0xb8;
	[tilespmem:$0x1E500] =	vst v63  }
0xc1: {  	s9 =	simm.s32 $0x1D500  }
0xc2: {  	[tilespmem:s9], [sflag:$0x2] =	stream.indirect_vreg.gather [hbm4b:s7+s4], $0x80, v3, vm0, $0xb8;
	[tilespmem:$0x1E500] =	vst v63  }
0xc3: {  	s18 =	simm.s32 $0x1DD00  }
0xc4: {  	[tilespmem:s18], [sflag:$0x2] =	stream.indirect_vreg.gather [hbm4b:s8+s4], $0x80, v3, vm0, $0xb8;
	[tilespmem:$0x1E500] =	vst v63  }
0xc5: {  	s19 =	rddreg [dreg:$0x1]  }
0xc6: {  	[tilespmem:s22], [sflag:$0x5] =	stream.linear.gather [hbm4b:s19+s4], $0x400, $0x38;
	[tilespmem:$0x1E500] =	vst v63  }
0xc7: {  	_ =	swait.ge [sflag:s29], $0x400  }
0xc8: {  	[sflag:s29] =	ssyncset.done $0x0  }
0xc9: {  	[sflag:s29] =	ssyncadd.s32 $0xFFFFFC00  }
0xca: {  	_ =	swait.ge [sflag:s26], $0x10000  }
0xcb: {  	[sflag:s26] =	ssyncset.done $0x0  }
0xcc: {  	[sflag:s26] =	ssyncadd.s32 $0xFFFF0000  }
0xcd: {  	v3 =	vld [tilespmem:s22+$0x0];
	_ =	sdelay $0x2  }
0xce: {  	s24 =	sand.u32 $0x70, s4;
	s31 =	sand.u32 $0x1C00, s4  }
0xcf: {  	s18 =	sor.u32 s24, s31  }
0xd0: {  	[tilespmem:s18+$0x500] =	vst.add.f32.msk $0xffff, v3  }
0xd1: {  	[tilespmem:s18+$0x580] =	vst.add.f32.msk $0xffff, v3  }
0xd2: {  	[tilespmem:s18+$0x600] =	vst.add.f32.msk $0xffff, v3  }
0xd3: {  	s9 =	simm.s32 $0x0;
	s24 =	simm.s32 $0x10;
	s19 =	simm.s32 $0x0;
	[tilespmem:s18+$0x680] =	vst.add.f32.msk $0xffff, v3  }
.LBB2_2:
0xd4: {  	p0 =	sne.s32 s24, $0x3F0;
	[tilespmem:s18+$0x700] =	vst.add.f32.msk $0xffff, v3  }
0xd5: {  	s0 =	sor.u32 s19, s9;
	s9 =	smov.u32 s24;
	[tilespmem:s18+$0x780] =	vst.add.f32.msk $0xffff, v3  }
0xd6: {  	s0 =	sor.u32 $0x380, s0;
	[tilespmem:s18+$0x800] =	vst.add.f32.msk $0xffff, v3  }
0xd7: {  	[tilespmem:s0+$0x500] =	vst.add.f32.msk $0xffff, v3  }
0xd8: {  	[tilespmem:s18+$0x2880] =	vst.add.f32.msk $0xffff, v3  }
0xd9: {  	[tilespmem:s18+$0x2500] =	vst.add.f32.msk $0xffff, v3  }
0xda: {  	[tilespmem:s18+$0x2580] =	vst.add.f32.msk $0xffff, v3  }
0xdb: {  	s22 =	sadd.s32 $0x10, s22;
	[tilespmem:s18+$0x2600] =	vst.add.f32.msk $0xffff, v3  }
0xdc: {  	v4 =	vld [tilespmem:s22+$0x0]  }
0xdd: {  	[tilespmem:s18+$0x2680] =	vst.add.f32.msk $0xffff, v3  }
0xde: {  	s19 =	sadd.s32 $0x80, s19;
	[tilespmem:s18+$0x2700] =	vst.add.f32.msk $0xffff, v3  }
0xdf: {  	s31 =	sand.u32 $0x1C00, s19;
	s0 =	sand.u32 $0x70, s24;
	[tilespmem:s18+$0x2780] =	vst.add.f32.msk $0xffff, v3  }
.Ltmp0:
0xe0: {  	[tilespmem:s18+$0x2800] =	vst.add.f32.msk $0xffff, v3;
	s18 =	sor.u32 s0, s31;
	(pc) =	sbr.rel @p0 .LBB2_2-.Ltmp0, $4  }
0xe1: {  	[tilespmem:s18+$0x500] =	vst.add.f32.msk $0xffff, v4;
	v3 =	vmov v4  }
0xe2: {  	[tilespmem:s18+$0x580] =	vst.add.f32.msk $0xffff, v3  }
0xe3: {  	[tilespmem:s18+$0x600] =	vst.add.f32.msk $0xffff, v3  }
0xe4: {  	s24 =	sadd.s32 $0x10, s24;
	[tilespmem:s18+$0x680] =	vst.add.f32.msk $0xffff, v3  }
0xe5: {  	[tilespmem:s18+$0x700] =	vst.add.f32.msk $0xffff, v3  }
0xe6: {  	[tilespmem:s18+$0x780] =	vst.add.f32.msk $0xffff, v3;
	s0 =	sor.u32 s19, s9  }
0xe7: {  	[tilespmem:s18+$0x800] =	vst.add.f32.msk $0xffff, v3;
	s0 =	sor.u32 $0x380, s0  }
0xe8: {  	[tilespmem:s0+$0x500] =	vst.add.f32.msk $0xffff, v3  }
0xe9: {  	[tilespmem:s18+$0x2880] =	vst.add.f32.msk $0xffff, v3  }
0xea: {  	[tilespmem:s18+$0x2500] =	vst.add.f32.msk $0xffff, v3  }
0xeb: {  	[tilespmem:s18+$0x2580] =	vst.add.f32.msk $0xffff, v3  }
0xec: {  	[tilespmem:s18+$0x2600] =	vst.add.f32.msk $0xffff, v3  }
0xed: {  	[tilespmem:s18+$0x2680] =	vst.add.f32.msk $0xffff, v3  }
0xee: {  	[tilespmem:s18+$0x2700] =	vst.add.f32.msk $0xffff, v3  }
0xef: {  	[tilespmem:s18+$0x2780] =	vst.add.f32.msk $0xffff, v3  }
0xf0: {  	[tilespmem:s18+$0x2800] =	vst.add.f32.msk $0xffff, v3  }
0xf1: {  	s22 =	simm.s32 $0x100;
	s18 =	simm.s32 $0x0;
	s0 =	rddreg [dreg:$0x6]  }
0xf2: {  	[hbm4b:s0+s18] =	stream.linear.scatter [tilespmem:s30], [sflag:$0x3], $0x4000, $0x38;
	[tilespmem:$0x1E500] =	vst v63  }
0xf3: {  	v3 =	vld [tilespmem:s22+$0x0];
	_ =	sdelay $0x2  }
0xf4: {  	s19 =	simm.s32 $0x110;
	s24 =	sand.u32 $0x70, s18;
	s31 =	sand.u32 $0x1C00, s18  }
0xf5: {  	s22 =	sor.u32 s24, s31;
	v4 =	vld [tilespmem:s19+$0x0]  }
0xf6: {  	[tilespmem:s22+$0x6880] =	vst.add.f32.msk $0xffff, v3  }
0xf7: {  	[tilespmem:s22+$0x4500] =	vst.add.f32.msk $0xffff, v3  }
0xf8: {  	[tilespmem:s22+$0x4580] =	vst.add.f32.msk $0xffff, v3  }
0xf9: {  	[tilespmem:s22+$0x4600] =	vst.add.f32.msk $0xffff, v3  }
0xfa: {  	[tilespmem:s22+$0x4680] =	vst.add.f32.msk $0xffff, v3  }
0xfb: {  	[tilespmem:s22+$0x4700] =	vst.add.f32.msk $0xffff, v3  }
0xfc: {  	[tilespmem:s22+$0x4780] =	vst.add.f32.msk $0xffff, v3  }
0xfd: {  	[tilespmem:s22+$0x4800] =	vst.add.f32.msk $0xffff, v3  }
0xfe: {  	[tilespmem:s22+$0x4880] =	vst.add.f32.msk $0xffff, v3  }
0xff: {  	[tilespmem:s22+$0x6500] =	vst.add.f32.msk $0xffff, v3  }
0x100: {  	[tilespmem:s22+$0x6580] =	vst.add.f32.msk $0xffff, v3  }
0x101: {  	s9 =	simm.s32 $0x10;
	s24 =	simm.s32 $0x20;
	[tilespmem:s22+$0x6600] =	vst.add.f32.msk $0xffff, v3  }
.LBB2_4:
0x102: {  	p0 =	sne.s32 s24, $0x3F0;
	[tilespmem:s22+$0x6680] =	vst.add.f32.msk $0xffff, v3  }
0x103: {  	s18 =	sadd.s32 $0x80, s18;
	[tilespmem:s22+$0x6700] =	vst.add.f32.msk $0xffff, v3  }
0x104: {  	s0 =	sand.u32 $0x70, s9;
	s9 =	smov.u32 s24;
	s31 =	sand.u32 $0x1C00, s18;
	[tilespmem:s22+$0x6780] =	vst.add.f32.msk $0xffff, v3  }
0x105: {  	[tilespmem:s22+$0x6800] =	vst.add.f32.msk $0xffff, v3;
	s22 =	sor.u32 s0, s31  }
0x106: {  	[tilespmem:s22+$0x6880] =	vst.add.f32.msk $0xffff, v4;
	v3 =	vmov v4  }
0x107: {  	[tilespmem:s22+$0x4500] =	vst.add.f32.msk $0xffff, v3  }
0x108: {  	[tilespmem:s22+$0x4580] =	vst.add.f32.msk $0xffff, v3  }
0x109: {  	[tilespmem:s22+$0x4600] =	vst.add.f32.msk $0xffff, v3  }
0x10a: {  	[tilespmem:s22+$0x4680] =	vst.add.f32.msk $0xffff, v3  }
0x10b: {  	[tilespmem:s22+$0x4700] =	vst.add.f32.msk $0xffff, v3  }
0x10c: {  	[tilespmem:s22+$0x4780] =	vst.add.f32.msk $0xffff, v3  }
0x10d: {  	[tilespmem:s22+$0x4800] =	vst.add.f32.msk $0xffff, v3  }
.Ltmp1:
0x10e: {  	[tilespmem:s22+$0x4880] =	vst.add.f32.msk $0xffff, v3;
	(pc) =	sbr.rel @p0 .LBB2_4-.Ltmp1, $4  }
0x10f: {  	[tilespmem:s22+$0x6500] =	vst.add.f32.msk $0xffff, v3  }
0x110: {  	[tilespmem:s22+$0x6580] =	vst.add.f32.msk $0xffff, v3  }
0x111: {  	s19 =	sadd.s32 $0x10, s19;
	[tilespmem:s22+$0x6600] =	vst.add.f32.msk $0xffff, v3  }
0x112: {  	s24 =	sadd.s32 $0x10, s24;
	v4 =	vld [tilespmem:s19+$0x0]  }
0x113: {  	[tilespmem:s22+$0x6680] =	vst.add.f32.msk $0xffff, v3  }
0x114: {  	[tilespmem:s22+$0x6700] =	vst.add.f32.msk $0xffff, v3;
	s0 =	sadd.s32 $0x80, s18  }
0x115: {  	s9 =	sand.u32 $0x70, s9;
	[tilespmem:s22+$0x6780] =	vst.add.f32.msk $0xffff, v3;
	s0 =	sand.u32 $0x1C00, s0  }
0x116: {  	[tilespmem:s22+$0x6800] =	vst.add.f32.msk $0xffff, v3;
	s0 =	sor.u32 s9, s0  }
0x117: {  	[tilespmem:s0+$0x6880] =	vst.add.f32.msk $0xffff, v4  }
0x118: {  	[tilespmem:s0+$0x4500] =	vst.add.f32.msk $0xffff, v4  }
0x119: {  	[tilespmem:s0+$0x4580] =	vst.add.f32.msk $0xffff, v4  }
0x11a: {  	[tilespmem:s0+$0x4600] =	vst.add.f32.msk $0xffff, v4  }
0x11b: {  	[tilespmem:s0+$0x4680] =	vst.add.f32.msk $0xffff, v4  }
0x11c: {  	[tilespmem:s0+$0x4700] =	vst.add.f32.msk $0xffff, v4  }
0x11d: {  	[tilespmem:s0+$0x4780] =	vst.add.f32.msk $0xffff, v4  }
0x11e: {  	[tilespmem:s0+$0x4800] =	vst.add.f32.msk $0xffff, v4  }
0x11f: {  	[tilespmem:s0+$0x4880] =	vst.add.f32.msk $0xffff, v4  }
0x120: {  	[tilespmem:s0+$0x6500] =	vst.add.f32.msk $0xffff, v4  }
0x121: {  	[tilespmem:s0+$0x6580] =	vst.add.f32.msk $0xffff, v4  }
0x122: {  	[tilespmem:s0+$0x6600] =	vst.add.f32.msk $0xffff, v4  }
0x123: {  	[tilespmem:s0+$0x6680] =	vst.add.f32.msk $0xffff, v4  }
0x124: {  	[tilespmem:s0+$0x6700] =	vst.add.f32.msk $0xffff, v4  }
0x125: {  	[tilespmem:s0+$0x6780] =	vst.add.f32.msk $0xffff, v4  }
0x126: {  	[tilespmem:s0+$0x6800] =	vst.add.f32.msk $0xffff, v4  }
0x127: {  	s18 =	simm.s32 $0x0;
	s22 =	simm.s32 $0x100;
	s0 =	rddreg [dreg:$0x7]  }
0x128: {  	[hbm4b:s0+s18] =	stream.linear.scatter [tilespmem:s11], [sflag:$0x3], $0x4000, $0x38;
	[tilespmem:$0x1E500] =	vst v63  }
0x129: {  	v3 =	vld [tilespmem:s22+$0x0];
	_ =	sdelay $0x2  }
0x12a: {  	s19 =	simm.s32 $0x110;
	s24 =	sand.u32 $0x70, s18;
	s31 =	sand.u32 $0x1C00, s18  }
0x12b: {  	s22 =	sor.u32 s24, s31;
	v4 =	vld [tilespmem:s19+$0x0]  }
0x12c: {  	[tilespmem:s22+$0xA880] =	vst.add.f32.msk $0xffff, v3  }
0x12d: {  	[tilespmem:s22+$0x8500] =	vst.add.f32.msk $0xffff, v3  }
0x12e: {  	[tilespmem:s22+$0x8580] =	vst.add.f32.msk $0xffff, v3  }
0x12f: {  	[tilespmem:s22+$0x8600] =	vst.add.f32.msk $0xffff, v3  }
0x130: {  	[tilespmem:s22+$0x8680] =	vst.add.f32.msk $0xffff, v3  }
0x131: {  	[tilespmem:s22+$0x8700] =	vst.add.f32.msk $0xffff, v3  }
0x132: {  	[tilespmem:s22+$0x8780] =	vst.add.f32.msk $0xffff, v3  }
0x133: {  	[tilespmem:s22+$0x8800] =	vst.add.f32.msk $0xffff, v3  }
0x134: {  	[tilespmem:s22+$0x8880] =	vst.add.f32.msk $0xffff, v3  }
0x135: {  	[tilespmem:s22+$0xA500] =	vst.add.f32.msk $0xffff, v3  }
0x136: {  	[tilespmem:s22+$0xA580] =	vst.add.f32.msk $0xffff, v3  }
0x137: {  	s9 =	simm.s32 $0x10;
	s24 =	simm.s32 $0x20;
	[tilespmem:s22+$0xA600] =	vst.add.f32.msk $0xffff, v3  }
.LBB2_6:
0x138: {  	p0 =	sne.s32 s24, $0x3F0;
	[tilespmem:s22+$0xA680] =	vst.add.f32.msk $0xffff, v3  }
0x139: {  	s18 =	sadd.s32 $0x80, s18;
	[tilespmem:s22+$0xA700] =	vst.add.f32.msk $0xffff, v3  }
0x13a: {  	s0 =	sand.u32 $0x70, s9;
	s9 =	smov.u32 s24;
	s31 =	sand.u32 $0x1C00, s18;
	[tilespmem:s22+$0xA780] =	vst.add.f32.msk $0xffff, v3  }
0x13b: {  	[tilespmem:s22+$0xA800] =	vst.add.f32.msk $0xffff, v3;
	s22 =	sor.u32 s0, s31  }
0x13c: {  	[tilespmem:s22+$0xA880] =	vst.add.f32.msk $0xffff, v4;
	v3 =	vmov v4  }
0x13d: {  	[tilespmem:s22+$0x8500] =	vst.add.f32.msk $0xffff, v3  }
0x13e: {  	[tilespmem:s22+$0x8580] =	vst.add.f32.msk $0xffff, v3  }
0x13f: {  	[tilespmem:s22+$0x8600] =	vst.add.f32.msk $0xffff, v3  }
0x140: {  	[tilespmem:s22+$0x8680] =	vst.add.f32.msk $0xffff, v3  }
0x141: {  	[tilespmem:s22+$0x8700] =	vst.add.f32.msk $0xffff, v3  }
0x142: {  	[tilespmem:s22+$0x8780] =	vst.add.f32.msk $0xffff, v3  }
0x143: {  	[tilespmem:s22+$0x8800] =	vst.add.f32.msk $0xffff, v3  }
.Ltmp2:
0x144: {  	[tilespmem:s22+$0x8880] =	vst.add.f32.msk $0xffff, v3;
	(pc) =	sbr.rel @p0 .LBB2_6-.Ltmp2, $4  }
0x145: {  	[tilespmem:s22+$0xA500] =	vst.add.f32.msk $0xffff, v3  }
0x146: {  	[tilespmem:s22+$0xA580] =	vst.add.f32.msk $0xffff, v3  }
0x147: {  	s19 =	sadd.s32 $0x10, s19;
	[tilespmem:s22+$0xA600] =	vst.add.f32.msk $0xffff, v3  }
0x148: {  	s24 =	sadd.s32 $0x10, s24;
	v4 =	vld [tilespmem:s19+$0x0]  }
0x149: {  	[tilespmem:s22+$0xA680] =	vst.add.f32.msk $0xffff, v3  }
0x14a: {  	[tilespmem:s22+$0xA700] =	vst.add.f32.msk $0xffff, v3;
	s0 =	sadd.s32 $0x80, s18  }
0x14b: {  	s9 =	sand.u32 $0x70, s9;
	[tilespmem:s22+$0xA780] =	vst.add.f32.msk $0xffff, v3;
	s0 =	sand.u32 $0x1C00, s0  }
0x14c: {  	[tilespmem:s22+$0xA800] =	vst.add.f32.msk $0xffff, v3;
	s0 =	sor.u32 s9, s0  }
0x14d: {  	[tilespmem:s0+$0xA880] =	vst.add.f32.msk $0xffff, v4  }
0x14e: {  	[tilespmem:s0+$0x8500] =	vst.add.f32.msk $0xffff, v4  }
0x14f: {  	[tilespmem:s0+$0x8580] =	vst.add.f32.msk $0xffff, v4  }
0x150: {  	[tilespmem:s0+$0x8600] =	vst.add.f32.msk $0xffff, v4  }
0x151: {  	[tilespmem:s0+$0x8680] =	vst.add.f32.msk $0xffff, v4  }
0x152: {  	[tilespmem:s0+$0x8700] =	vst.add.f32.msk $0xffff, v4  }
0x153: {  	[tilespmem:s0+$0x8780] =	vst.add.f32.msk $0xffff, v4  }
0x154: {  	[tilespmem:s0+$0x8800] =	vst.add.f32.msk $0xffff, v4  }
0x155: {  	[tilespmem:s0+$0x8880] =	vst.add.f32.msk $0xffff, v4  }
0x156: {  	[tilespmem:s0+$0xA500] =	vst.add.f32.msk $0xffff, v4  }
0x157: {  	[tilespmem:s0+$0xA580] =	vst.add.f32.msk $0xffff, v4  }
0x158: {  	[tilespmem:s0+$0xA600] =	vst.add.f32.msk $0xffff, v4  }
0x159: {  	[tilespmem:s0+$0xA680] =	vst.add.f32.msk $0xffff, v4  }
0x15a: {  	[tilespmem:s0+$0xA700] =	vst.add.f32.msk $0xffff, v4  }
0x15b: {  	[tilespmem:s0+$0xA780] =	vst.add.f32.msk $0xffff, v4  }
0x15c: {  	[tilespmem:s0+$0xA800] =	vst.add.f32.msk $0xffff, v4  }
0x15d: {  	s18 =	simm.s32 $0x0;
	s22 =	simm.s32 $0x100;
	s0 =	rddreg [dreg:$0x8]  }
0x15e: {  	[hbm4b:s0+s18] =	stream.linear.scatter [tilespmem:s14], [sflag:$0x3], $0x4000, $0x38;
	[tilespmem:$0x1E500] =	vst v63  }
0x15f: {  	v3 =	vld [tilespmem:s22+$0x0];
	_ =	sdelay $0x2  }
0x160: {  	s19 =	simm.s32 $0x110;
	s24 =	sand.u32 $0x70, s18;
	s31 =	sand.u32 $0x1C00, s18  }
0x161: {  	s22 =	sor.u32 s24, s31;
	v4 =	vld [tilespmem:s19+$0x0]  }
0x162: {  	[tilespmem:s22+$0xE880] =	vst.add.f32.msk $0xffff, v3  }
0x163: {  	[tilespmem:s22+$0xC500] =	vst.add.f32.msk $0xffff, v3  }
0x164: {  	[tilespmem:s22+$0xC580] =	vst.add.f32.msk $0xffff, v3  }
0x165: {  	[tilespmem:s22+$0xC600] =	vst.add.f32.msk $0xffff, v3  }
0x166: {  	[tilespmem:s22+$0xC680] =	vst.add.f32.msk $0xffff, v3  }
0x167: {  	[tilespmem:s22+$0xC700] =	vst.add.f32.msk $0xffff, v3  }
0x168: {  	[tilespmem:s22+$0xC780] =	vst.add.f32.msk $0xffff, v3  }
0x169: {  	[tilespmem:s22+$0xC800] =	vst.add.f32.msk $0xffff, v3  }
0x16a: {  	[tilespmem:s22+$0xC880] =	vst.add.f32.msk $0xffff, v3  }
0x16b: {  	[tilespmem:s22+$0xE500] =	vst.add.f32.msk $0xffff, v3  }
0x16c: {  	[tilespmem:s22+$0xE580] =	vst.add.f32.msk $0xffff, v3  }
0x16d: {  	s9 =	simm.s32 $0x10;
	s24 =	simm.s32 $0x20;
	[tilespmem:s22+$0xE600] =	vst.add.f32.msk $0xffff, v3  }
.LBB2_8:
0x16e: {  	p0 =	sne.s32 s24, $0x3F0;
	[tilespmem:s22+$0xE680] =	vst.add.f32.msk $0xffff, v3  }
0x16f: {  	s18 =	sadd.s32 $0x80, s18;
	[tilespmem:s22+$0xE700] =	vst.add.f32.msk $0xffff, v3  }
0x170: {  	s0 =	sand.u32 $0x70, s9;
	s9 =	smov.u32 s24;
	s31 =	sand.u32 $0x1C00, s18;
	[tilespmem:s22+$0xE780] =	vst.add.f32.msk $0xffff, v3  }
0x171: {  	[tilespmem:s22+$0xE800] =	vst.add.f32.msk $0xffff, v3;
	s22 =	sor.u32 s0, s31  }
0x172: {  	[tilespmem:s22+$0xE880] =	vst.add.f32.msk $0xffff, v4;
	v3 =	vmov v4  }
0x173: {  	[tilespmem:s22+$0xC500] =	vst.add.f32.msk $0xffff, v3  }
0x174: {  	[tilespmem:s22+$0xC580] =	vst.add.f32.msk $0xffff, v3  }
0x175: {  	[tilespmem:s22+$0xC600] =	vst.add.f32.msk $0xffff, v3  }
0x176: {  	[tilespmem:s22+$0xC680] =	vst.add.f32.msk $0xffff, v3  }
0x177: {  	[tilespmem:s22+$0xC700] =	vst.add.f32.msk $0xffff, v3  }
0x178: {  	[tilespmem:s22+$0xC780] =	vst.add.f32.msk $0xffff, v3  }
0x179: {  	[tilespmem:s22+$0xC800] =	vst.add.f32.msk $0xffff, v3  }
.Ltmp3:
0x17a: {  	[tilespmem:s22+$0xC880] =	vst.add.f32.msk $0xffff, v3;
	(pc) =	sbr.rel @p0 .LBB2_8-.Ltmp3, $4  }
0x17b: {  	[tilespmem:s22+$0xE500] =	vst.add.f32.msk $0xffff, v3  }
0x17c: {  	[tilespmem:s22+$0xE580] =	vst.add.f32.msk $0xffff, v3  }
0x17d: {  	s19 =	sadd.s32 $0x10, s19;
	[tilespmem:s22+$0xE600] =	vst.add.f32.msk $0xffff, v3  }
0x17e: {  	s24 =	sadd.s32 $0x10, s24;
	v4 =	vld [tilespmem:s19+$0x0]  }
0x17f: {  	[tilespmem:s22+$0xE680] =	vst.add.f32.msk $0xffff, v3  }
0x180: {  	[tilespmem:s22+$0xE700] =	vst.add.f32.msk $0xffff, v3;
	s0 =	sadd.s32 $0x80, s18  }
0x181: {  	s9 =	sand.u32 $0x70, s9;
	[tilespmem:s22+$0xE780] =	vst.add.f32.msk $0xffff, v3;
	s0 =	sand.u32 $0x1C00, s0  }
0x182: {  	[tilespmem:s22+$0xE800] =	vst.add.f32.msk $0xffff, v3;
	s0 =	sor.u32 s9, s0  }
0x183: {  	[tilespmem:s0+$0xE880] =	vst.add.f32.msk $0xffff, v4  }
0x184: {  	[tilespmem:s0+$0xC500] =	vst.add.f32.msk $0xffff, v4  }
0x185: {  	[tilespmem:s0+$0xC580] =	vst.add.f32.msk $0xffff, v4  }
0x186: {  	[tilespmem:s0+$0xC600] =	vst.add.f32.msk $0xffff, v4  }
0x187: {  	[tilespmem:s0+$0xC680] =	vst.add.f32.msk $0xffff, v4  }
0x188: {  	[tilespmem:s0+$0xC700] =	vst.add.f32.msk $0xffff, v4  }
0x189: {  	[tilespmem:s0+$0xC780] =	vst.add.f32.msk $0xffff, v4  }
0x18a: {  	[tilespmem:s0+$0xC800] =	vst.add.f32.msk $0xffff, v4  }
0x18b: {  	[tilespmem:s0+$0xC880] =	vst.add.f32.msk $0xffff, v4  }
0x18c: {  	[tilespmem:s0+$0xE500] =	vst.add.f32.msk $0xffff, v4  }
0x18d: {  	[tilespmem:s0+$0xE580] =	vst.add.f32.msk $0xffff, v4  }
0x18e: {  	[tilespmem:s0+$0xE600] =	vst.add.f32.msk $0xffff, v4  }
0x18f: {  	[tilespmem:s0+$0xE680] =	vst.add.f32.msk $0xffff, v4  }
0x190: {  	[tilespmem:s0+$0xE700] =	vst.add.f32.msk $0xffff, v4  }
0x191: {  	[tilespmem:s0+$0xE780] =	vst.add.f32.msk $0xffff, v4  }
0x192: {  	[tilespmem:s0+$0xE800] =	vst.add.f32.msk $0xffff, v4  }
0x193: {  	s22 =	simm.s32 $0x0;
	s0 =	rddreg [dreg:$0x9]  }
0x194: {  	[hbm4b:s0+s22] =	stream.linear.scatter [tilespmem:s15], [sflag:$0x3], $0x4000, $0x38;
	[tilespmem:$0x1E500] =	vst v63  }
0x195: {  	_ =	swait.ge [sflag:s12], $0xE000  }
0x196: {  	[sflag:s12] =	ssyncset.done $0x0  }
0x197: {  	[sflag:s12] =	ssyncadd.s32 $0xFFFF2000  }
0x198: {  	_ =	swait.ge [sflag:s16], $0x10000  }
0x199: {  	[sflag:s16] =	ssyncset.done $0x0  }
0x19a: {  	[sflag:s16] =	ssyncadd.s32 $0xFFFF0000  }
0x19b: {  	v3 =	vld [tilespmem:$0x78];
	_ =	sdelay $0x4  }
0x19c: {  	v4 =	vshll.u32 v3, $0x3  }
0x19d: {  	v3 =	vand.u32 $0x7, v3;
	v4 =	vand.u32 $0xFFFFFFC0, v4  }
0x19e: {  	v3 =	vor.u32 v3, v4  }
0x19f: {  	v4 =	vperm.xlane v3, v0;
	_ =	sdelay $0x1  }
0x1a0: {  	v4 =	vadd.s32 v1, v4;
	_ =	sdelay $0x4  }
0x1a1: {  	[tilespmem:s30], [sflag:$0x1] =	stream.indirect_vreg.gather [hbm4b:s2+s22], $0x80, v4, vm0, $0xb8;
	[tilespmem:$0x1E500] =	vst v63  }
0x1a2: {  	s18 =	simm.s32 $0xD00;
	v3 =	vperm.xlane v3, v2  }
0x1a3: {  	[tilespmem:s18], [sflag:$0x1] =	stream.indirect_vreg.gather [hbm4b:s6+s22], $0x80, v4, vm0, $0xb8;
	[tilespmem:$0x1E500] =	vst v63  }
0x1a4: {  	s19 =	simm.s32 $0x1500;
	v3 =	vadd.s32 v1, v3  }
0x1a5: {  	[tilespmem:s19], [sflag:$0x1] =	stream.indirect_vreg.gather [hbm4b:s7+s22], $0x80, v4, vm0, $0xb8;
	[tilespmem:$0x1E500] =	vst v63  }
0x1a6: {  	_ = 	snop  }
0x1a7: {  	[tilespmem:s3], [sflag:$0x1] =	stream.indirect_vreg.gather [hbm4b:s8+s22], $0x80, v4, vm0, $0xb8;
	[tilespmem:$0x1E500] =	vst v63  }
0x1a8: {  	_ = 	snop  }
0x1a9: {  	[tilespmem:s1], [sflag:$0x1] =	stream.indirect_vreg.gather [hbm4b:s2+s22], $0x80, v3, vm0, $0xb8;
	[tilespmem:$0x1E500] =	vst v63  }
0x1aa: {  	_ = 	snop  }
0x1ab: {  	[tilespmem:s28], [sflag:$0x1] =	stream.indirect_vreg.gather [hbm4b:s6+s22], $0x80, v3, vm0, $0xb8;
	[tilespmem:$0x1E500] =	vst v63  }
0x1ac: {  	_ = 	snop  }
0x1ad: {  	[tilespmem:s5], [sflag:$0x1] =	stream.indirect_vreg.gather [hbm4b:s7+s22], $0x80, v3, vm0, $0xb8;
	[tilespmem:$0x1E500] =	vst v63  }
0x1ae: {  	_ = 	snop  }
0x1af: {  	[tilespmem:s10], [sflag:$0x1] =	stream.indirect_vreg.gather [hbm4b:s8+s22], $0x80, v3, vm0, $0xb8;
	[tilespmem:$0x1E500] =	vst v63  }
0x1b0: {  	v3 =	vld [tilespmem:$0x88];
	_ =	sdelay $0x4  }
0x1b1: {  	v4 =	vshll.u32 v3, $0x3  }
0x1b2: {  	v3 =	vand.u32 $0x7, v3;
	v4 =	vand.u32 $0xFFFFFFC0, v4  }
0x1b3: {  	v3 =	vor.u32 v3, v4  }
0x1b4: {  	v4 =	vperm.xlane v3, v0;
	_ =	sdelay $0x1  }
0x1b5: {  	v4 =	vadd.s32 v1, v4;
	_ =	sdelay $0x4  }
0x1b6: {  	[tilespmem:s11], [sflag:$0x1] =	stream.indirect_vreg.gather [hbm4b:s2+s22], $0x80, v4, vm0, $0xb8;
	[tilespmem:$0x1E500] =	vst v63  }
0x1b7: {  	s24 =	simm.s32 $0x4D00;
	v3 =	vperm.xlane v3, v2  }
0x1b8: {  	[tilespmem:s24], [sflag:$0x1] =	stream.indirect_vreg.gather [hbm4b:s6+s22], $0x80, v4, vm0, $0xb8;
	[tilespmem:$0x1E500] =	vst v63  }
0x1b9: {  	s9 =	simm.s32 $0x5500;
	v3 =	vadd.s32 v1, v3  }
0x1ba: {  	[tilespmem:s9], [sflag:$0x1] =	stream.indirect_vreg.gather [hbm4b:s7+s22], $0x80, v4, vm0, $0xb8;
	[tilespmem:$0x1E500] =	vst v63  }
0x1bb: {  	s18 =	simm.s32 $0x5D00  }
0x1bc: {  	[tilespmem:s18], [sflag:$0x1] =	stream.indirect_vreg.gather [hbm4b:s8+s22], $0x80, v4, vm0, $0xb8;
	[tilespmem:$0x1E500] =	vst v63  }
0x1bd: {  	s19 =	simm.s32 $0x6500  }
0x1be: {  	[tilespmem:s19], [sflag:$0x1] =	stream.indirect_vreg.gather [hbm4b:s2+s22], $0x80, v3, vm0, $0xb8;
	[tilespmem:$0x1E500] =	vst v63  }
0x1bf: {  	s24 =	simm.s32 $0x6D00  }
0x1c0: {  	[tilespmem:s24], [sflag:$0x1] =	stream.indirect_vreg.gather [hbm4b:s6+s22], $0x80, v3, vm0, $0xb8;
	[tilespmem:$0x1E500] =	vst v63  }
0x1c1: {  	s9 =	simm.s32 $0x7500  }
0x1c2: {  	[tilespmem:s9], [sflag:$0x1] =	stream.indirect_vreg.gather [hbm4b:s7+s22], $0x80, v3, vm0, $0xb8;
	[tilespmem:$0x1E500] =	vst v63  }
0x1c3: {  	s18 =	simm.s32 $0x7D00  }
0x1c4: {  	[tilespmem:s18], [sflag:$0x1] =	stream.indirect_vreg.gather [hbm4b:s8+s22], $0x80, v3, vm0, $0xb8;
	[tilespmem:$0x1E500] =	vst v63  }
0x1c5: {  	v3 =	vld [tilespmem:$0x98];
	_ =	sdelay $0x4  }
0x1c6: {  	v4 =	vshll.u32 v3, $0x3  }
0x1c7: {  	v3 =	vand.u32 $0x7, v3;
	v4 =	vand.u32 $0xFFFFFFC0, v4  }
0x1c8: {  	v3 =	vor.u32 v3, v4  }
0x1c9: {  	v4 =	vperm.xlane v3, v0;
	_ =	sdelay $0x1  }
0x1ca: {  	v4 =	vadd.s32 v1, v4;
	_ =	sdelay $0x4  }
0x1cb: {  	[tilespmem:s14], [sflag:$0x1] =	stream.indirect_vreg.gather [hbm4b:s2+s22], $0x80, v4, vm0, $0xb8;
	[tilespmem:$0x1E500] =	vst v63  }
0x1cc: {  	s19 =	simm.s32 $0x8D00;
	v3 =	vperm.xlane v3, v2  }
0x1cd: {  	[tilespmem:s19], [sflag:$0x1] =	stream.indirect_vreg.gather [hbm4b:s6+s22], $0x80, v4, vm0, $0xb8;
	[tilespmem:$0x1E500] =	vst v63  }
0x1ce: {  	s24 =	simm.s32 $0x9500;
	v3 =	vadd.s32 v1, v3  }
0x1cf: {  	[tilespmem:s24], [sflag:$0x1] =	stream.indirect_vreg.gather [hbm4b:s7+s22], $0x80, v4, vm0, $0xb8;
	[tilespmem:$0x1E500] =	vst v63  }
0x1d0: {  	s9 =	simm.s32 $0x9D00  }
0x1d1: {  	[tilespmem:s9], [sflag:$0x1] =	stream.indirect_vreg.gather [hbm4b:s8+s22], $0x80, v4, vm0, $0xb8;
	[tilespmem:$0x1E500] =	vst v63  }
0x1d2: {  	s18 =	simm.s32 $0xA500  }
0x1d3: {  	[tilespmem:s18], [sflag:$0x1] =	stream.indirect_vreg.gather [hbm4b:s2+s22], $0x80, v3, vm0, $0xb8;
	[tilespmem:$0x1E500] =	vst v63  }
0x1d4: {  	s19 =	simm.s32 $0xAD00  }
0x1d5: {  	[tilespmem:s19], [sflag:$0x1] =	stream.indirect_vreg.gather [hbm4b:s6+s22], $0x80, v3, vm0, $0xb8;
	[tilespmem:$0x1E500] =	vst v63  }
0x1d6: {  	s24 =	simm.s32 $0xB500  }
0x1d7: {  	[tilespmem:s24], [sflag:$0x1] =	stream.indirect_vreg.gather [hbm4b:s7+s22], $0x80, v3, vm0, $0xb8;
	[tilespmem:$0x1E500] =	vst v63  }
0x1d8: {  	s9 =	simm.s32 $0xBD00  }
0x1d9: {  	[tilespmem:s9], [sflag:$0x1] =	stream.indirect_vreg.gather [hbm4b:s8+s22], $0x80, v3, vm0, $0xb8;
	[tilespmem:$0x1E500] =	vst v63  }
0x1da: {  	v3 =	vld [tilespmem:$0xA8];
	_ =	sdelay $0x4  }
0x1db: {  	v4 =	vshll.u32 v3, $0x3  }
0x1dc: {  	v3 =	vand.u32 $0x7, v3;
	v4 =	vand.u32 $0xFFFFFFC0, v4  }
0x1dd: {  	v3 =	vor.u32 v3, v4  }
0x1de: {  	v4 =	vperm.xlane v3, v0;
	_ =	sdelay $0x1  }
0x1df: {  	v4 =	vadd.s32 v1, v4;
	_ =	sdelay $0x4  }
0x1e0: {  	[tilespmem:s15], [sflag:$0x1] =	stream.indirect_vreg.gather [hbm4b:s2+s22], $0x80, v4, vm0, $0xb8;
	[tilespmem:$0x1E500] =	vst v63  }
0x1e1: {  	s18 =	simm.s32 $0xCD00;
	v3 =	vperm.xlane v3, v2  }
0x1e2: {  	[tilespmem:s18], [sflag:$0x1] =	stream.indirect_vreg.gather [hbm4b:s6+s22], $0x80, v4, vm0, $0xb8;
	[tilespmem:$0x1E500] =	vst v63  }
0x1e3: {  	s19 =	simm.s32 $0xD500;
	v3 =	vadd.s32 v1, v3  }
0x1e4: {  	[tilespmem:s19], [sflag:$0x1] =	stream.indirect_vreg.gather [hbm4b:s7+s22], $0x80, v4, vm0, $0xb8;
	[tilespmem:$0x1E500] =	vst v63  }
0x1e5: {  	s24 =	simm.s32 $0xDD00  }
0x1e6: {  	[tilespmem:s24], [sflag:$0x1] =	stream.indirect_vreg.gather [hbm4b:s8+s22], $0x80, v4, vm0, $0xb8;
	[tilespmem:$0x1E500] =	vst v63  }
0x1e7: {  	s9 =	simm.s32 $0xE500  }
0x1e8: {  	[tilespmem:s9], [sflag:$0x1] =	stream.indirect_vreg.gather [hbm4b:s2+s22], $0x80, v3, vm0, $0xb8;
	[tilespmem:$0x1E500] =	vst v63  }
0x1e9: {  	s18 =	simm.s32 $0xED00  }
0x1ea: {  	[tilespmem:s18], [sflag:$0x1] =	stream.indirect_vreg.gather [hbm4b:s6+s22], $0x80, v3, vm0, $0xb8;
	[tilespmem:$0x1E500] =	vst v63  }
0x1eb: {  	s19 =	simm.s32 $0xF500  }
0x1ec: {  	[tilespmem:s19], [sflag:$0x1] =	stream.indirect_vreg.gather [hbm4b:s7+s22], $0x80, v3, vm0, $0xb8;
	[tilespmem:$0x1E500] =	vst v63  }
0x1ed: {  	s24 =	simm.s32 $0xFD00  }
0x1ee: {  	[tilespmem:s24], [sflag:$0x1] =	stream.indirect_vreg.gather [hbm4b:s8+s22], $0x80, v3, vm0, $0xb8;
	[tilespmem:$0x1E500] =	vst v63  }
0x1ef: {  	s24 =	simm.s32 $0x100  }
0x1f0: {  	v3 =	vld [tilespmem:s24+$0x0];
	_ =	sdelay $0x1  }
0x1f1: {  	s9 =	sand.u32 $0x70, s22;
	s18 =	sand.u32 $0x1C00, s22  }
0x1f2: {  	s18 =	sor.u32 s9, s18  }
0x1f3: {  	s31 =	sadd.s32 $0x10500, s18  }
0x1f4: {  	s19 =	sor.u32 $0x80, s31;
	[tilespmem:s18+$0x10500] =	vst.add.f32.msk $0xffff, v3  }
0x1f5: {  	[tilespmem:s19+$0x0] =	vst.add.f32.msk $0xffff, v3  }
0x1f6: {  	[tilespmem:s31+$0x100] =	vst.add.f32.msk $0xffff, v3  }
0x1f7: {  	s9 =	simm.s32 $0x10;
	s0 =	sor.u32 $0x200, s31;
	s19 =	simm.s32 $0x0;
	[tilespmem:s31+$0x180] =	vst.add.f32.msk $0xffff, v3  }
.LBB2_10:
0x1f8: {  	p0 =	sne.s32 s9, $0x3F0;
	[tilespmem:s0+$0x0] =	vst.add.f32.msk $0xffff, v3;
	s0 =	sor.u32 $0x280, s31  }
0x1f9: {  	[tilespmem:s0+$0x0] =	vst.add.f32.msk $0xffff, v3;
	s0 =	sor.u32 s19, s22;
	s22 =	smov.u32 s9  }
0x1fa: {  	[tilespmem:s31+$0x300] =	vst.add.f32.msk $0xffff, v3;
	s0 =	sor.u32 $0x380, s0  }
0x1fb: {  	[tilespmem:s0+$0x10500] =	vst.add.f32.msk $0xffff, v3  }
0x1fc: {  	[tilespmem:s18+$0x12880] =	vst.add.f32.msk $0xffff, v3  }
0x1fd: {  	[tilespmem:s18+$0x12500] =	vst.add.f32.msk $0xffff, v3  }
0x1fe: {  	[tilespmem:s18+$0x12580] =	vst.add.f32.msk $0xffff, v3  }
0x1ff: {  	s24 =	sadd.s32 $0x10, s24;
	[tilespmem:s18+$0x12600] =	vst.add.f32.msk $0xffff, v3  }
0x200: {  	v4 =	vld [tilespmem:s24+$0x0]  }
0x201: {  	s19 =	sadd.s32 $0x80, s19;
	[tilespmem:s18+$0x12680] =	vst.add.f32.msk $0xffff, v3  }
0x202: {  	s31 =	sand.u32 $0x1C00, s19;
	s0 =	sand.u32 $0x70, s9;
	[tilespmem:s18+$0x12700] =	vst.add.f32.msk $0xffff, v3  }
0x203: {  	s0 =	sor.u32 s0, s31;
	[tilespmem:s18+$0x12780] =	vst.add.f32.msk $0xffff, v3  }
.Ltmp4:
0x204: {  	s31 =	sadd.s32 $0x10500, s0;
	[tilespmem:s18+$0x12800] =	vst.add.f32.msk $0xffff, v3;
	s18 =	smov.u32 s0;
	(pc) =	sbr.rel @p0 .LBB2_10-.Ltmp4, $4  }
0x205: {  	s0 =	sor.u32 $0x80, s31;
	[tilespmem:s18+$0x10500] =	vst.add.f32.msk $0xffff, v4;
	v3 =	vmov v4  }
0x206: {  	[tilespmem:s0+$0x0] =	vst.add.f32.msk $0xffff, v3  }
0x207: {  	[tilespmem:s31+$0x100] =	vst.add.f32.msk $0xffff, v3  }
0x208: {  	s9 =	sadd.s32 $0x10, s9;
	s0 =	sor.u32 $0x200, s31;
	[tilespmem:s31+$0x180] =	vst.add.f32.msk $0xffff, v3  }
0x209: {  	[tilespmem:s0+$0x0] =	vst.add.f32.msk $0xffff, v3;
	s9 =	sor.u32 $0x280, s31  }
0x20a: {  	s22 =	sor.u32 s19, s22;
	[tilespmem:s9+$0x0] =	vst.add.f32.msk $0xffff, v3  }
0x20b: {  	s0 =	sor.u32 $0x380, s22;
	[tilespmem:s31+$0x300] =	vst.add.f32.msk $0xffff, v3  }
0x20c: {  	[tilespmem:s0+$0x10500] =	vst.add.f32.msk $0xffff, v3  }
0x20d: {  	[tilespmem:s18+$0x12880] =	vst.add.f32.msk $0xffff, v3  }
0x20e: {  	[tilespmem:s18+$0x12500] =	vst.add.f32.msk $0xffff, v3  }
0x20f: {  	[tilespmem:s18+$0x12580] =	vst.add.f32.msk $0xffff, v3  }
0x210: {  	[tilespmem:s18+$0x12600] =	vst.add.f32.msk $0xffff, v3  }
0x211: {  	[tilespmem:s18+$0x12680] =	vst.add.f32.msk $0xffff, v3  }
0x212: {  	[tilespmem:s18+$0x12700] =	vst.add.f32.msk $0xffff, v3  }
0x213: {  	[tilespmem:s18+$0x12780] =	vst.add.f32.msk $0xffff, v3  }
0x214: {  	[tilespmem:s18+$0x12800] =	vst.add.f32.msk $0xffff, v3  }
0x215: {  	s24 =	simm.s32 $0x100;
	s18 =	simm.s32 $0x0;
	s0 =	rddreg [dreg:$0xa]  }
0x216: {  	[hbm4b:s0+s18] =	stream.linear.scatter [tilespmem:s13], [sflag:$0x4], $0x4000, $0x38;
	[tilespmem:$0x1E500] =	vst v63  }
0x217: {  	v3 =	vld [tilespmem:s24+$0x0];
	_ =	sdelay $0x2  }
0x218: {  	s19 =	simm.s32 $0x110;
	s31 =	sand.u32 $0x70, s18;
	s9 =	sand.u32 $0x1C00, s18  }
0x219: {  	s22 =	sor.u32 s31, s9;
	v4 =	vld [tilespmem:s19+$0x0]  }
0x21a: {  	[tilespmem:s22+$0x16880] =	vst.add.f32.msk $0xffff, v3  }
0x21b: {  	[tilespmem:s22+$0x14500] =	vst.add.f32.msk $0xffff, v3  }
0x21c: {  	[tilespmem:s22+$0x14580] =	vst.add.f32.msk $0xffff, v3  }
0x21d: {  	[tilespmem:s22+$0x14600] =	vst.add.f32.msk $0xffff, v3  }
0x21e: {  	[tilespmem:s22+$0x14680] =	vst.add.f32.msk $0xffff, v3  }
0x21f: {  	[tilespmem:s22+$0x14700] =	vst.add.f32.msk $0xffff, v3  }
0x220: {  	[tilespmem:s22+$0x14780] =	vst.add.f32.msk $0xffff, v3  }
0x221: {  	[tilespmem:s22+$0x14800] =	vst.add.f32.msk $0xffff, v3  }
0x222: {  	[tilespmem:s22+$0x14880] =	vst.add.f32.msk $0xffff, v3  }
0x223: {  	[tilespmem:s22+$0x16500] =	vst.add.f32.msk $0xffff, v3  }
0x224: {  	[tilespmem:s22+$0x16580] =	vst.add.f32.msk $0xffff, v3  }
0x225: {  	s9 =	simm.s32 $0x10;
	s24 =	simm.s32 $0x20;
	[tilespmem:s22+$0x16600] =	vst.add.f32.msk $0xffff, v3  }
.LBB2_12:
0x226: {  	p0 =	sne.s32 s24, $0x3F0;
	[tilespmem:s22+$0x16680] =	vst.add.f32.msk $0xffff, v3  }
0x227: {  	s18 =	sadd.s32 $0x80, s18;
	[tilespmem:s22+$0x16700] =	vst.add.f32.msk $0xffff, v3  }
0x228: {  	s0 =	sand.u32 $0x70, s9;
	s9 =	smov.u32 s24;
	s31 =	sand.u32 $0x1C00, s18;
	[tilespmem:s22+$0x16780] =	vst.add.f32.msk $0xffff, v3  }
0x229: {  	[tilespmem:s22+$0x16800] =	vst.add.f32.msk $0xffff, v3;
	s22 =	sor.u32 s0, s31  }
0x22a: {  	[tilespmem:s22+$0x16880] =	vst.add.f32.msk $0xffff, v4;
	v3 =	vmov v4  }
0x22b: {  	[tilespmem:s22+$0x14500] =	vst.add.f32.msk $0xffff, v3  }
0x22c: {  	[tilespmem:s22+$0x14580] =	vst.add.f32.msk $0xffff, v3  }
0x22d: {  	[tilespmem:s22+$0x14600] =	vst.add.f32.msk $0xffff, v3  }
0x22e: {  	[tilespmem:s22+$0x14680] =	vst.add.f32.msk $0xffff, v3  }
0x22f: {  	[tilespmem:s22+$0x14700] =	vst.add.f32.msk $0xffff, v3  }
0x230: {  	[tilespmem:s22+$0x14780] =	vst.add.f32.msk $0xffff, v3  }
0x231: {  	[tilespmem:s22+$0x14800] =	vst.add.f32.msk $0xffff, v3  }
.Ltmp5:
0x232: {  	[tilespmem:s22+$0x14880] =	vst.add.f32.msk $0xffff, v3;
	(pc) =	sbr.rel @p0 .LBB2_12-.Ltmp5, $4  }
0x233: {  	[tilespmem:s22+$0x16500] =	vst.add.f32.msk $0xffff, v3  }
0x234: {  	[tilespmem:s22+$0x16580] =	vst.add.f32.msk $0xffff, v3  }
0x235: {  	s19 =	sadd.s32 $0x10, s19;
	[tilespmem:s22+$0x16600] =	vst.add.f32.msk $0xffff, v3  }
0x236: {  	s24 =	sadd.s32 $0x10, s24;
	v4 =	vld [tilespmem:s19+$0x0]  }
0x237: {  	[tilespmem:s22+$0x16680] =	vst.add.f32.msk $0xffff, v3  }
0x238: {  	[tilespmem:s22+$0x16700] =	vst.add.f32.msk $0xffff, v3;
	s0 =	sadd.s32 $0x80, s18  }
0x239: {  	s9 =	sand.u32 $0x70, s9;
	[tilespmem:s22+$0x16780] =	vst.add.f32.msk $0xffff, v3;
	s0 =	sand.u32 $0x1C00, s0  }
0x23a: {  	[tilespmem:s22+$0x16800] =	vst.add.f32.msk $0xffff, v3;
	s0 =	sor.u32 s9, s0  }
0x23b: {  	[tilespmem:s0+$0x16880] =	vst.add.f32.msk $0xffff, v4  }
0x23c: {  	[tilespmem:s0+$0x14500] =	vst.add.f32.msk $0xffff, v4  }
0x23d: {  	[tilespmem:s0+$0x14580] =	vst.add.f32.msk $0xffff, v4  }
0x23e: {  	[tilespmem:s0+$0x14600] =	vst.add.f32.msk $0xffff, v4  }
0x23f: {  	[tilespmem:s0+$0x14680] =	vst.add.f32.msk $0xffff, v4  }
0x240: {  	[tilespmem:s0+$0x14700] =	vst.add.f32.msk $0xffff, v4  }
0x241: {  	[tilespmem:s0+$0x14780] =	vst.add.f32.msk $0xffff, v4  }
0x242: {  	[tilespmem:s0+$0x14800] =	vst.add.f32.msk $0xffff, v4  }
0x243: {  	[tilespmem:s0+$0x14880] =	vst.add.f32.msk $0xffff, v4  }
0x244: {  	[tilespmem:s0+$0x16500] =	vst.add.f32.msk $0xffff, v4  }
0x245: {  	[tilespmem:s0+$0x16580] =	vst.add.f32.msk $0xffff, v4  }
0x246: {  	[tilespmem:s0+$0x16600] =	vst.add.f32.msk $0xffff, v4  }
0x247: {  	[tilespmem:s0+$0x16680] =	vst.add.f32.msk $0xffff, v4  }
0x248: {  	[tilespmem:s0+$0x16700] =	vst.add.f32.msk $0xffff, v4  }
0x249: {  	[tilespmem:s0+$0x16780] =	vst.add.f32.msk $0xffff, v4  }
0x24a: {  	[tilespmem:s0+$0x16800] =	vst.add.f32.msk $0xffff, v4  }
0x24b: {  	s18 =	simm.s32 $0x0;
	s22 =	simm.s32 $0x100;
	s0 =	rddreg [dreg:$0xb]  }
0x24c: {  	[hbm4b:s0+s18] =	stream.linear.scatter [tilespmem:s20], [sflag:$0x4], $0x4000, $0x38;
	[tilespmem:$0x1E500] =	vst v63  }
0x24d: {  	v3 =	vld [tilespmem:s22+$0x0];
	_ =	sdelay $0x2  }
0x24e: {  	s19 =	simm.s32 $0x110;
	s24 =	sand.u32 $0x70, s18;
	s31 =	sand.u32 $0x1C00, s18  }
0x24f: {  	s22 =	sor.u32 s24, s31;
	v4 =	vld [tilespmem:s19+$0x0]  }
0x250: {  	[tilespmem:s22+$0x1A880] =	vst.add.f32.msk $0xffff, v3  }
0x251: {  	[tilespmem:s22+$0x18500] =	vst.add.f32.msk $0xffff, v3  }
0x252: {  	[tilespmem:s22+$0x18580] =	vst.add.f32.msk $0xffff, v3  }
0x253: {  	[tilespmem:s22+$0x18600] =	vst.add.f32.msk $0xffff, v3  }
0x254: {  	[tilespmem:s22+$0x18680] =	vst.add.f32.msk $0xffff, v3  }
0x255: {  	[tilespmem:s22+$0x18700] =	vst.add.f32.msk $0xffff, v3  }
0x256: {  	[tilespmem:s22+$0x18780] =	vst.add.f32.msk $0xffff, v3  }
0x257: {  	[tilespmem:s22+$0x18800] =	vst.add.f32.msk $0xffff, v3  }
0x258: {  	[tilespmem:s22+$0x18880] =	vst.add.f32.msk $0xffff, v3  }
0x259: {  	[tilespmem:s22+$0x1A500] =	vst.add.f32.msk $0xffff, v3  }
0x25a: {  	[tilespmem:s22+$0x1A580] =	vst.add.f32.msk $0xffff, v3  }
0x25b: {  	s9 =	simm.s32 $0x10;
	s24 =	simm.s32 $0x20;
	[tilespmem:s22+$0x1A600] =	vst.add.f32.msk $0xffff, v3  }
.LBB2_14:
0x25c: {  	p0 =	sne.s32 s24, $0x3F0;
	[tilespmem:s22+$0x1A680] =	vst.add.f32.msk $0xffff, v3  }
0x25d: {  	s18 =	sadd.s32 $0x80, s18;
	[tilespmem:s22+$0x1A700] =	vst.add.f32.msk $0xffff, v3  }
0x25e: {  	s0 =	sand.u32 $0x70, s9;
	s9 =	smov.u32 s24;
	s31 =	sand.u32 $0x1C00, s18;
	[tilespmem:s22+$0x1A780] =	vst.add.f32.msk $0xffff, v3  }
0x25f: {  	[tilespmem:s22+$0x1A800] =	vst.add.f32.msk $0xffff, v3;
	s22 =	sor.u32 s0, s31  }
0x260: {  	[tilespmem:s22+$0x1A880] =	vst.add.f32.msk $0xffff, v4;
	v3 =	vmov v4  }
0x261: {  	[tilespmem:s22+$0x18500] =	vst.add.f32.msk $0xffff, v3  }
0x262: {  	[tilespmem:s22+$0x18580] =	vst.add.f32.msk $0xffff, v3  }
0x263: {  	[tilespmem:s22+$0x18600] =	vst.add.f32.msk $0xffff, v3  }
0x264: {  	[tilespmem:s22+$0x18680] =	vst.add.f32.msk $0xffff, v3  }
0x265: {  	[tilespmem:s22+$0x18700] =	vst.add.f32.msk $0xffff, v3  }
0x266: {  	[tilespmem:s22+$0x18780] =	vst.add.f32.msk $0xffff, v3  }
0x267: {  	[tilespmem:s22+$0x18800] =	vst.add.f32.msk $0xffff, v3  }
.Ltmp6:
0x268: {  	[tilespmem:s22+$0x18880] =	vst.add.f32.msk $0xffff, v3;
	(pc) =	sbr.rel @p0 .LBB2_14-.Ltmp6, $4  }
0x269: {  	[tilespmem:s22+$0x1A500] =	vst.add.f32.msk $0xffff, v3  }
0x26a: {  	[tilespmem:s22+$0x1A580] =	vst.add.f32.msk $0xffff, v3  }
0x26b: {  	s19 =	sadd.s32 $0x10, s19;
	[tilespmem:s22+$0x1A600] =	vst.add.f32.msk $0xffff, v3  }
0x26c: {  	s24 =	sadd.s32 $0x10, s24;
	v4 =	vld [tilespmem:s19+$0x0]  }
0x26d: {  	[tilespmem:s22+$0x1A680] =	vst.add.f32.msk $0xffff, v3  }
0x26e: {  	[tilespmem:s22+$0x1A700] =	vst.add.f32.msk $0xffff, v3;
	s0 =	sadd.s32 $0x80, s18  }
0x26f: {  	s9 =	sand.u32 $0x70, s9;
	[tilespmem:s22+$0x1A780] =	vst.add.f32.msk $0xffff, v3;
	s0 =	sand.u32 $0x1C00, s0  }
0x270: {  	[tilespmem:s22+$0x1A800] =	vst.add.f32.msk $0xffff, v3;
	s0 =	sor.u32 s9, s0  }
0x271: {  	[tilespmem:s0+$0x1A880] =	vst.add.f32.msk $0xffff, v4  }
0x272: {  	[tilespmem:s0+$0x18500] =	vst.add.f32.msk $0xffff, v4  }
0x273: {  	[tilespmem:s0+$0x18580] =	vst.add.f32.msk $0xffff, v4  }
0x274: {  	[tilespmem:s0+$0x18600] =	vst.add.f32.msk $0xffff, v4  }
0x275: {  	[tilespmem:s0+$0x18680] =	vst.add.f32.msk $0xffff, v4  }
0x276: {  	[tilespmem:s0+$0x18700] =	vst.add.f32.msk $0xffff, v4  }
0x277: {  	[tilespmem:s0+$0x18780] =	vst.add.f32.msk $0xffff, v4  }
0x278: {  	[tilespmem:s0+$0x18800] =	vst.add.f32.msk $0xffff, v4  }
0x279: {  	[tilespmem:s0+$0x18880] =	vst.add.f32.msk $0xffff, v4  }
0x27a: {  	[tilespmem:s0+$0x1A500] =	vst.add.f32.msk $0xffff, v4  }
0x27b: {  	[tilespmem:s0+$0x1A580] =	vst.add.f32.msk $0xffff, v4  }
0x27c: {  	[tilespmem:s0+$0x1A600] =	vst.add.f32.msk $0xffff, v4  }
0x27d: {  	[tilespmem:s0+$0x1A680] =	vst.add.f32.msk $0xffff, v4  }
0x27e: {  	[tilespmem:s0+$0x1A700] =	vst.add.f32.msk $0xffff, v4  }
0x27f: {  	[tilespmem:s0+$0x1A780] =	vst.add.f32.msk $0xffff, v4  }
0x280: {  	[tilespmem:s0+$0x1A800] =	vst.add.f32.msk $0xffff, v4  }
0x281: {  	s22 =	simm.s32 $0x100;
	s9 =	simm.s32 $0x0;
	s0 =	rddreg [dreg:$0xc]  }
0x282: {  	[hbm4b:s0+s9] =	stream.linear.scatter [tilespmem:s25], [sflag:$0x4], $0x4000, $0x38;
	[tilespmem:$0x1E500] =	vst v63  }
0x283: {  	v3 =	vld [tilespmem:s22+$0x0];
	_ =	sdelay $0x2  }
0x284: {  	s24 =	sand.u32 $0x70, s9;
	s31 =	sand.u32 $0x1C00, s9;
	s22 =	simm.s32 $0x110  }
0x285: {  	s18 =	sor.u32 s24, s31;
	v4 =	vld [tilespmem:s22+$0x0]  }
0x286: {  	[tilespmem:s18+$0x1C880] =	vst.add.f32.msk $0xffff, v3  }
0x287: {  	[tilespmem:s18+$0x1C500] =	vst.add.f32.msk $0xffff, v3  }
0x288: {  	[tilespmem:s18+$0x1C580] =	vst.add.f32.msk $0xffff, v3  }
0x289: {  	s19 =	simm.s32 $0x10;
	s24 =	simm.s32 $0x20;
	[tilespmem:s18+$0x1C600] =	vst.add.f32.msk $0xffff, v3  }
.LBB2_16:
0x28a: {  	p0 =	sne.s32 s24, $0x3F0;
	[tilespmem:s18+$0x1C680] =	vst.add.f32.msk $0xffff, v3  }
0x28b: {  	s9 =	sadd.s32 $0x80, s9;
	[tilespmem:s18+$0x1C700] =	vst.add.f32.msk $0xffff, v3  }
0x28c: {  	s0 =	sand.u32 $0x70, s19;
	s19 =	smov.u32 s24;
	s31 =	sand.u32 $0x1C00, s9;
	[tilespmem:s18+$0x1C780] =	vst.add.f32.msk $0xffff, v3  }
0x28d: {  	[tilespmem:s18+$0x1C800] =	vst.add.f32.msk $0xffff, v3;
	s18 =	sor.u32 s0, s31  }
.Ltmp7:
0x28e: {  	[tilespmem:s18+$0x1C880] =	vst.add.f32.msk $0xffff, v4;
	v3 =	vmov v4;
	(pc) =	sbr.rel @p0 .LBB2_16-.Ltmp7, $4  }
0x28f: {  	[tilespmem:s18+$0x1C500] =	vst.add.f32.msk $0xffff, v3  }
0x290: {  	[tilespmem:s18+$0x1C580] =	vst.add.f32.msk $0xffff, v3  }
0x291: {  	s22 =	sadd.s32 $0x10, s22;
	[tilespmem:s18+$0x1C600] =	vst.add.f32.msk $0xffff, v3  }
0x292: {  	s24 =	sadd.s32 $0x10, s24;
	v4 =	vld [tilespmem:s22+$0x0]  }
0x293: {  	[tilespmem:s18+$0x1C680] =	vst.add.f32.msk $0xffff, v3  }
0x294: {  	[tilespmem:s18+$0x1C700] =	vst.add.f32.msk $0xffff, v3;
	s0 =	sadd.s32 $0x80, s9  }
0x295: {  	s22 =	sand.u32 $0x70, s19;
	[tilespmem:s18+$0x1C780] =	vst.add.f32.msk $0xffff, v3;
	s0 =	sand.u32 $0x1C00, s0  }
0x296: {  	[tilespmem:s18+$0x1C800] =	vst.add.f32.msk $0xffff, v3;
	s0 =	sor.u32 s22, s0  }
0x297: {  	[tilespmem:s0+$0x1C880] =	vst.add.f32.msk $0xffff, v4  }
0x298: {  	[tilespmem:s0+$0x1C500] =	vst.add.f32.msk $0xffff, v4  }
0x299: {  	[tilespmem:s0+$0x1C580] =	vst.add.f32.msk $0xffff, v4  }
0x29a: {  	[tilespmem:s0+$0x1C600] =	vst.add.f32.msk $0xffff, v4  }
0x29b: {  	[tilespmem:s0+$0x1C680] =	vst.add.f32.msk $0xffff, v4  }
0x29c: {  	[tilespmem:s0+$0x1C700] =	vst.add.f32.msk $0xffff, v4  }
0x29d: {  	[tilespmem:s0+$0x1C780] =	vst.add.f32.msk $0xffff, v4  }
0x29e: {  	[tilespmem:s0+$0x1C800] =	vst.add.f32.msk $0xffff, v4  }
0x29f: {  	s22 =	simm.s32 $0x0;
	s0 =	rddreg [dreg:$0xd]  }
0x2a0: {  	[hbm4b:s0+s22] =	stream.linear.scatter [tilespmem:s23], [sflag:$0x4], $0x2000, $0x38;
	[tilespmem:$0x1E500] =	vst v63  }
0x2a1: {  	_ =	swait.ge [sflag:s26], $0x10000  }
0x2a2: {  	[sflag:s26] =	ssyncset.done $0x0  }
0x2a3: {  	[sflag:s26] =	ssyncadd.s32 $0xFFFF0000  }
0x2a4: {  	_ =	swait.ge [sflag:s21], $0xE000  }
0x2a5: {  	[sflag:s21] =	ssyncset.done $0x0  }
0x2a6: {  	[sflag:s21] =	ssyncadd.s32 $0xFFFF2000  }
0x2a7: {  	v3 =	vld [tilespmem:$0xB8];
	_ =	sdelay $0x4  }
0x2a8: {  	v4 =	vshll.u32 v3, $0x3  }
0x2a9: {  	v3 =	vand.u32 $0x7, v3;
	v4 =	vand.u32 $0xFFFFFFC0, v4  }
0x2aa: {  	v3 =	vor.u32 v3, v4  }
0x2ab: {  	v4 =	vperm.xlane v3, v0;
	_ =	sdelay $0x1  }
0x2ac: {  	v4 =	vadd.s32 v1, v4;
	_ =	sdelay $0x4  }
0x2ad: {  	[tilespmem:s13], [sflag:$0x2] =	stream.indirect_vreg.gather [hbm4b:s2+s22], $0x80, v4, vm0, $0xb8;
	[tilespmem:$0x1E500] =	vst v63  }
0x2ae: {  	s24 =	simm.s32 $0x10D00;
	v3 =	vperm.xlane v3, v2  }
0x2af: {  	[tilespmem:s24], [sflag:$0x2] =	stream.indirect_vreg.gather [hbm4b:s6+s22], $0x80, v4, vm0, $0xb8;
	[tilespmem:$0x1E500] =	vst v63  }
0x2b0: {  	s31 =	simm.s32 $0x11500;
	v3 =	vadd.s32 v1, v3  }
0x2b1: {  	[tilespmem:s31], [sflag:$0x2] =	stream.indirect_vreg.gather [hbm4b:s7+s22], $0x80, v4, vm0, $0xb8;
	[tilespmem:$0x1E500] =	vst v63  }
0x2b2: {  	s9 =	simm.s32 $0x11D00  }
0x2b3: {  	[tilespmem:s9], [sflag:$0x2] =	stream.indirect_vreg.gather [hbm4b:s8+s22], $0x80, v4, vm0, $0xb8;
	[tilespmem:$0x1E500] =	vst v63  }
0x2b4: {  	s18 =	simm.s32 $0x12500  }
0x2b5: {  	[tilespmem:s18], [sflag:$0x2] =	stream.indirect_vreg.gather [hbm4b:s2+s22], $0x80, v3, vm0, $0xb8;
	[tilespmem:$0x1E500] =	vst v63  }
0x2b6: {  	s19 =	simm.s32 $0x12D00  }
0x2b7: {  	[tilespmem:s19], [sflag:$0x2] =	stream.indirect_vreg.gather [hbm4b:s6+s22], $0x80, v3, vm0, $0xb8;
	[tilespmem:$0x1E500] =	vst v63  }
0x2b8: {  	s24 =	simm.s32 $0x13500  }
0x2b9: {  	[tilespmem:s24], [sflag:$0x2] =	stream.indirect_vreg.gather [hbm4b:s7+s22], $0x80, v3, vm0, $0xb8;
	[tilespmem:$0x1E500] =	vst v63  }
0x2ba: {  	s31 =	simm.s32 $0x13D00  }
0x2bb: {  	[tilespmem:s31], [sflag:$0x2] =	stream.indirect_vreg.gather [hbm4b:s8+s22], $0x80, v3, vm0, $0xb8;
	[tilespmem:$0x1E500] =	vst v63  }
0x2bc: {  	v3 =	vld [tilespmem:$0xC8];
	_ =	sdelay $0x4  }
0x2bd: {  	v4 =	vshll.u32 v3, $0x3  }
0x2be: {  	v3 =	vand.u32 $0x7, v3;
	v4 =	vand.u32 $0xFFFFFFC0, v4  }
0x2bf: {  	v3 =	vor.u32 v3, v4  }
0x2c0: {  	v4 =	vperm.xlane v3, v0;
	_ =	sdelay $0x1  }
0x2c1: {  	v4 =	vadd.s32 v1, v4;
	_ =	sdelay $0x4  }
0x2c2: {  	[tilespmem:s20], [sflag:$0x2] =	stream.indirect_vreg.gather [hbm4b:s2+s22], $0x80, v4, vm0, $0xb8;
	[tilespmem:$0x1E500] =	vst v63  }
0x2c3: {  	s9 =	simm.s32 $0x14D00;
	v3 =	vperm.xlane v3, v2  }
0x2c4: {  	[tilespmem:s9], [sflag:$0x2] =	stream.indirect_vreg.gather [hbm4b:s6+s22], $0x80, v4, vm0, $0xb8;
	[tilespmem:$0x1E500] =	vst v63  }
0x2c5: {  	s18 =	simm.s32 $0x15500;
	v3 =	vadd.s32 v1, v3  }
0x2c6: {  	[tilespmem:s18], [sflag:$0x2] =	stream.indirect_vreg.gather [hbm4b:s7+s22], $0x80, v4, vm0, $0xb8;
	[tilespmem:$0x1E500] =	vst v63  }
0x2c7: {  	s19 =	simm.s32 $0x15D00  }
0x2c8: {  	[tilespmem:s19], [sflag:$0x2] =	stream.indirect_vreg.gather [hbm4b:s8+s22], $0x80, v4, vm0, $0xb8;
	[tilespmem:$0x1E500] =	vst v63  }
0x2c9: {  	s24 =	simm.s32 $0x16500  }
0x2ca: {  	[tilespmem:s24], [sflag:$0x2] =	stream.indirect_vreg.gather [hbm4b:s2+s22], $0x80, v3, vm0, $0xb8;
	[tilespmem:$0x1E500] =	vst v63  }
0x2cb: {  	s31 =	simm.s32 $0x16D00  }
0x2cc: {  	[tilespmem:s31], [sflag:$0x2] =	stream.indirect_vreg.gather [hbm4b:s6+s22], $0x80, v3, vm0, $0xb8;
	[tilespmem:$0x1E500] =	vst v63  }
0x2cd: {  	s9 =	simm.s32 $0x17500  }
0x2ce: {  	[tilespmem:s9], [sflag:$0x2] =	stream.indirect_vreg.gather [hbm4b:s7+s22], $0x80, v3, vm0, $0xb8;
	[tilespmem:$0x1E500] =	vst v63  }
0x2cf: {  	s18 =	simm.s32 $0x17D00  }
0x2d0: {  	[tilespmem:s18], [sflag:$0x2] =	stream.indirect_vreg.gather [hbm4b:s8+s22], $0x80, v3, vm0, $0xb8;
	[tilespmem:$0x1E500] =	vst v63  }
0x2d1: {  	v3 =	vld [tilespmem:$0xD8];
	_ =	sdelay $0x4  }
0x2d2: {  	v4 =	vshll.u32 v3, $0x3  }
0x2d3: {  	v3 =	vand.u32 $0x7, v3;
	v4 =	vand.u32 $0xFFFFFFC0, v4  }
0x2d4: {  	v3 =	vor.u32 v3, v4  }
0x2d5: {  	v4 =	vperm.xlane v3, v0;
	_ =	sdelay $0x1  }
0x2d6: {  	v4 =	vadd.s32 v1, v4;
	_ =	sdelay $0x4  }
0x2d7: {  	[tilespmem:s25], [sflag:$0x2] =	stream.indirect_vreg.gather [hbm4b:s2+s22], $0x80, v4, vm0, $0xb8;
	[tilespmem:$0x1E500] =	vst v63  }
0x2d8: {  	s19 =	simm.s32 $0x18D00;
	v3 =	vperm.xlane v3, v2  }
0x2d9: {  	[tilespmem:s19], [sflag:$0x2] =	stream.indirect_vreg.gather [hbm4b:s6+s22], $0x80, v4, vm0, $0xb8;
	[tilespmem:$0x1E500] =	vst v63  }
0x2da: {  	s24 =	simm.s32 $0x19500;
	v3 =	vadd.s32 v1, v3  }
0x2db: {  	[tilespmem:s24], [sflag:$0x2] =	stream.indirect_vreg.gather [hbm4b:s7+s22], $0x80, v4, vm0, $0xb8;
	[tilespmem:$0x1E500] =	vst v63  }
0x2dc: {  	s31 =	simm.s32 $0x19D00  }
0x2dd: {  	[tilespmem:s31], [sflag:$0x2] =	stream.indirect_vreg.gather [hbm4b:s8+s22], $0x80, v4, vm0, $0xb8;
	[tilespmem:$0x1E500] =	vst v63  }
0x2de: {  	s9 =	simm.s32 $0x1A500  }
0x2df: {  	[tilespmem:s9], [sflag:$0x2] =	stream.indirect_vreg.gather [hbm4b:s2+s22], $0x80, v3, vm0, $0xb8;
	[tilespmem:$0x1E500] =	vst v63  }
0x2e0: {  	s18 =	simm.s32 $0x1AD00  }
0x2e1: {  	[tilespmem:s18], [sflag:$0x2] =	stream.indirect_vreg.gather [hbm4b:s6+s22], $0x80, v3, vm0, $0xb8;
	[tilespmem:$0x1E500] =	vst v63  }
0x2e2: {  	s19 =	simm.s32 $0x1B500  }
0x2e3: {  	[tilespmem:s19], [sflag:$0x2] =	stream.indirect_vreg.gather [hbm4b:s7+s22], $0x80, v3, vm0, $0xb8;
	[tilespmem:$0x1E500] =	vst v63  }
0x2e4: {  	s24 =	simm.s32 $0x1BD00  }
0x2e5: {  	[tilespmem:s24], [sflag:$0x2] =	stream.indirect_vreg.gather [hbm4b:s8+s22], $0x80, v3, vm0, $0xb8;
	[tilespmem:$0x1E500] =	vst v63  }
0x2e6: {  	v3 =	vld.msk [tilespmem:$0xE8], $0xff;
	_ =	sdelay $0x4  }
0x2e7: {  	v4 =	vshll.u32 v3, $0x3  }
0x2e8: {  	v3 =	vand.u32 $0x7, v3;
	v4 =	vand.u32 $0xFFFFFFC0, v4  }
0x2e9: {  	v3 =	vor.u32 v3, v4  }
0x2ea: {  	v3 =	vperm.xlane v3, v0;
	_ =	sdelay $0x1  }
0x2eb: {  	v3 =	vadd.s32 v1, v3;
	_ =	sdelay $0x4  }
0x2ec: {  	[tilespmem:s23], [sflag:$0x2] =	stream.indirect_vreg.gather [hbm4b:s2+s22], $0x80, v3, vm0, $0xb8;
	[tilespmem:$0x1E500] =	vst v63  }
0x2ed: {  	s31 =	simm.s32 $0x1CD00  }
0x2ee: {  	[tilespmem:s31], [sflag:$0x2] =	stream.indirect_vreg.gather [hbm4b:s6+s22], $0x80, v3, vm0, $0xb8;
	[tilespmem:$0x1E500] =	vst v63  }
0x2ef: {  	s9 =	simm.s32 $0x1D500  }
0x2f0: {  	[tilespmem:s9], [sflag:$0x2] =	stream.indirect_vreg.gather [hbm4b:s7+s22], $0x80, v3, vm0, $0xb8;
	[tilespmem:$0x1E500] =	vst v63  }
0x2f1: {  	s18 =	simm.s32 $0x1DD00;
	s24 =	simm.s32 $0x100  }
0x2f2: {  	[tilespmem:s18], [sflag:$0x2] =	stream.indirect_vreg.gather [hbm4b:s8+s22], $0x80, v3, vm0, $0xb8;
	[tilespmem:$0x1E500] =	vst v63  }
0x2f3: {  	v3 =	vld [tilespmem:s24+$0x0];
	_ =	sdelay $0x2  }
0x2f4: {  	s19 =	sand.u32 $0x70, s22;
	s31 =	sand.u32 $0x1C00, s22  }
0x2f5: {  	s18 =	sor.u32 s19, s31  }
0x2f6: {  	[tilespmem:s18+$0x500] =	vst.add.f32.msk $0xffff, v3  }
0x2f7: {  	[tilespmem:s18+$0x580] =	vst.add.f32.msk $0xffff, v3  }
0x2f8: {  	[tilespmem:s18+$0x600] =	vst.add.f32.msk $0xffff, v3  }
0x2f9: {  	s9 =	simm.s32 $0x0;
	s19 =	simm.s32 $0x10;
	[tilespmem:s18+$0x680] =	vst.add.f32.msk $0xffff, v3  }
.LBB2_18:
0x2fa: {  	p0 =	sne.s32 s19, $0x3F0;
	[tilespmem:s18+$0x700] =	vst.add.f32.msk $0xffff, v3  }
0x2fb: {  	s0 =	sor.u32 s9, s22;
	s22 =	smov.u32 s19;
	[tilespmem:s18+$0x780] =	vst.add.f32.msk $0xffff, v3  }
0x2fc: {  	s0 =	sor.u32 $0x380, s0;
	[tilespmem:s18+$0x800] =	vst.add.f32.msk $0xffff, v3  }
0x2fd: {  	[tilespmem:s0+$0x500] =	vst.add.f32.msk $0xffff, v3  }
0x2fe: {  	[tilespmem:s18+$0x2880] =	vst.add.f32.msk $0xffff, v3  }
0x2ff: {  	[tilespmem:s18+$0x2500] =	vst.add.f32.msk $0xffff, v3  }
0x300: {  	[tilespmem:s18+$0x2580] =	vst.add.f32.msk $0xffff, v3  }
0x301: {  	s24 =	sadd.s32 $0x10, s24;
	[tilespmem:s18+$0x2600] =	vst.add.f32.msk $0xffff, v3  }
0x302: {  	v4 =	vld [tilespmem:s24+$0x0]  }
0x303: {  	[tilespmem:s18+$0x2680] =	vst.add.f32.msk $0xffff, v3  }
0x304: {  	s9 =	sadd.s32 $0x80, s9;
	[tilespmem:s18+$0x2700] =	vst.add.f32.msk $0xffff, v3  }
0x305: {  	s31 =	sand.u32 $0x1C00, s9;
	s0 =	sand.u32 $0x70, s19;
	[tilespmem:s18+$0x2780] =	vst.add.f32.msk $0xffff, v3  }
.Ltmp8:
0x306: {  	[tilespmem:s18+$0x2800] =	vst.add.f32.msk $0xffff, v3;
	s18 =	sor.u32 s0, s31;
	(pc) =	sbr.rel @p0 .LBB2_18-.Ltmp8, $4  }
0x307: {  	[tilespmem:s18+$0x500] =	vst.add.f32.msk $0xffff, v4;
	v3 =	vmov v4  }
0x308: {  	[tilespmem:s18+$0x580] =	vst.add.f32.msk $0xffff, v3  }
0x309: {  	[tilespmem:s18+$0x600] =	vst.add.f32.msk $0xffff, v3  }
0x30a: {  	s19 =	sadd.s32 $0x10, s19;
	[tilespmem:s18+$0x680] =	vst.add.f32.msk $0xffff, v3  }
0x30b: {  	[tilespmem:s18+$0x700] =	vst.add.f32.msk $0xffff, v3  }
0x30c: {  	[tilespmem:s18+$0x780] =	vst.add.f32.msk $0xffff, v3;
	s0 =	sor.u32 s9, s22  }
0x30d: {  	[tilespmem:s18+$0x800] =	vst.add.f32.msk $0xffff, v3;
	s0 =	sor.u32 $0x380, s0  }
0x30e: {  	[tilespmem:s0+$0x500] =	vst.add.f32.msk $0xffff, v3  }
0x30f: {  	[tilespmem:s18+$0x2880] =	vst.add.f32.msk $0xffff, v3  }
0x310: {  	[tilespmem:s18+$0x2500] =	vst.add.f32.msk $0xffff, v3  }
0x311: {  	[tilespmem:s18+$0x2580] =	vst.add.f32.msk $0xffff, v3  }
0x312: {  	[tilespmem:s18+$0x2600] =	vst.add.f32.msk $0xffff, v3  }
0x313: {  	[tilespmem:s18+$0x2680] =	vst.add.f32.msk $0xffff, v3  }
0x314: {  	[tilespmem:s18+$0x2700] =	vst.add.f32.msk $0xffff, v3  }
0x315: {  	[tilespmem:s18+$0x2780] =	vst.add.f32.msk $0xffff, v3  }
0x316: {  	[tilespmem:s18+$0x2800] =	vst.add.f32.msk $0xffff, v3  }
0x317: {  	s22 =	simm.s32 $0x100;
	s18 =	simm.s32 $0x0;
	s0 =	rddreg [dreg:$0xe]  }
0x318: {  	[hbm4b:s0+s18] =	stream.linear.scatter [tilespmem:s30], [sflag:$0x3], $0x4000, $0x38;
	[tilespmem:$0x1E500] =	vst v63  }
0x319: {  	v3 =	vld [tilespmem:s22+$0x0];
	_ =	sdelay $0x2  }
0x31a: {  	s19 =	simm.s32 $0x110;
	s24 =	sand.u32 $0x70, s18;
	s31 =	sand.u32 $0x1C00, s18  }
0x31b: {  	s22 =	sor.u32 s24, s31;
	v4 =	vld [tilespmem:s19+$0x0]  }
0x31c: {  	[tilespmem:s22+$0x6880] =	vst.add.f32.msk $0xffff, v3  }
0x31d: {  	[tilespmem:s22+$0x4500] =	vst.add.f32.msk $0xffff, v3  }
0x31e: {  	[tilespmem:s22+$0x4580] =	vst.add.f32.msk $0xffff, v3  }
0x31f: {  	[tilespmem:s22+$0x4600] =	vst.add.f32.msk $0xffff, v3  }
0x320: {  	[tilespmem:s22+$0x4680] =	vst.add.f32.msk $0xffff, v3  }
0x321: {  	[tilespmem:s22+$0x4700] =	vst.add.f32.msk $0xffff, v3  }
0x322: {  	[tilespmem:s22+$0x4780] =	vst.add.f32.msk $0xffff, v3  }
0x323: {  	[tilespmem:s22+$0x4800] =	vst.add.f32.msk $0xffff, v3  }
0x324: {  	[tilespmem:s22+$0x4880] =	vst.add.f32.msk $0xffff, v3  }
0x325: {  	[tilespmem:s22+$0x6500] =	vst.add.f32.msk $0xffff, v3  }
0x326: {  	[tilespmem:s22+$0x6580] =	vst.add.f32.msk $0xffff, v3  }
0x327: {  	s9 =	simm.s32 $0x10;
	s24 =	simm.s32 $0x20;
	[tilespmem:s22+$0x6600] =	vst.add.f32.msk $0xffff, v3  }
.LBB2_20:
0x328: {  	p0 =	sne.s32 s24, $0x3F0;
	[tilespmem:s22+$0x6680] =	vst.add.f32.msk $0xffff, v3  }
0x329: {  	s18 =	sadd.s32 $0x80, s18;
	[tilespmem:s22+$0x6700] =	vst.add.f32.msk $0xffff, v3  }
0x32a: {  	s0 =	sand.u32 $0x70, s9;
	s9 =	smov.u32 s24;
	s31 =	sand.u32 $0x1C00, s18;
	[tilespmem:s22+$0x6780] =	vst.add.f32.msk $0xffff, v3  }
0x32b: {  	[tilespmem:s22+$0x6800] =	vst.add.f32.msk $0xffff, v3;
	s22 =	sor.u32 s0, s31  }
0x32c: {  	[tilespmem:s22+$0x6880] =	vst.add.f32.msk $0xffff, v4;
	v3 =	vmov v4  }
0x32d: {  	[tilespmem:s22+$0x4500] =	vst.add.f32.msk $0xffff, v3  }
0x32e: {  	[tilespmem:s22+$0x4580] =	vst.add.f32.msk $0xffff, v3  }
0x32f: {  	[tilespmem:s22+$0x4600] =	vst.add.f32.msk $0xffff, v3  }
0x330: {  	[tilespmem:s22+$0x4680] =	vst.add.f32.msk $0xffff, v3  }
0x331: {  	[tilespmem:s22+$0x4700] =	vst.add.f32.msk $0xffff, v3  }
0x332: {  	[tilespmem:s22+$0x4780] =	vst.add.f32.msk $0xffff, v3  }
0x333: {  	[tilespmem:s22+$0x4800] =	vst.add.f32.msk $0xffff, v3  }
.Ltmp9:
0x334: {  	[tilespmem:s22+$0x4880] =	vst.add.f32.msk $0xffff, v3;
	(pc) =	sbr.rel @p0 .LBB2_20-.Ltmp9, $4  }
0x335: {  	[tilespmem:s22+$0x6500] =	vst.add.f32.msk $0xffff, v3  }
0x336: {  	[tilespmem:s22+$0x6580] =	vst.add.f32.msk $0xffff, v3  }
0x337: {  	s19 =	sadd.s32 $0x10, s19;
	[tilespmem:s22+$0x6600] =	vst.add.f32.msk $0xffff, v3  }
0x338: {  	s24 =	sadd.s32 $0x10, s24;
	v4 =	vld [tilespmem:s19+$0x0]  }
0x339: {  	[tilespmem:s22+$0x6680] =	vst.add.f32.msk $0xffff, v3  }
0x33a: {  	[tilespmem:s22+$0x6700] =	vst.add.f32.msk $0xffff, v3;
	s0 =	sadd.s32 $0x80, s18  }
0x33b: {  	s9 =	sand.u32 $0x70, s9;
	[tilespmem:s22+$0x6780] =	vst.add.f32.msk $0xffff, v3;
	s0 =	sand.u32 $0x1C00, s0  }
0x33c: {  	[tilespmem:s22+$0x6800] =	vst.add.f32.msk $0xffff, v3;
	s0 =	sor.u32 s9, s0  }
0x33d: {  	[tilespmem:s0+$0x6880] =	vst.add.f32.msk $0xffff, v4  }
0x33e: {  	[tilespmem:s0+$0x4500] =	vst.add.f32.msk $0xffff, v4  }
0x33f: {  	[tilespmem:s0+$0x4580] =	vst.add.f32.msk $0xffff, v4  }
0x340: {  	[tilespmem:s0+$0x4600] =	vst.add.f32.msk $0xffff, v4  }
0x341: {  	[tilespmem:s0+$0x4680] =	vst.add.f32.msk $0xffff, v4  }
0x342: {  	[tilespmem:s0+$0x4700] =	vst.add.f32.msk $0xffff, v4  }
0x343: {  	[tilespmem:s0+$0x4780] =	vst.add.f32.msk $0xffff, v4  }
0x344: {  	[tilespmem:s0+$0x4800] =	vst.add.f32.msk $0xffff, v4  }
0x345: {  	[tilespmem:s0+$0x4880] =	vst.add.f32.msk $0xffff, v4  }
0x346: {  	[tilespmem:s0+$0x6500] =	vst.add.f32.msk $0xffff, v4  }
0x347: {  	[tilespmem:s0+$0x6580] =	vst.add.f32.msk $0xffff, v4  }
0x348: {  	[tilespmem:s0+$0x6600] =	vst.add.f32.msk $0xffff, v4  }
0x349: {  	[tilespmem:s0+$0x6680] =	vst.add.f32.msk $0xffff, v4  }
0x34a: {  	[tilespmem:s0+$0x6700] =	vst.add.f32.msk $0xffff, v4  }
0x34b: {  	[tilespmem:s0+$0x6780] =	vst.add.f32.msk $0xffff, v4  }
0x34c: {  	[tilespmem:s0+$0x6800] =	vst.add.f32.msk $0xffff, v4  }
0x34d: {  	s18 =	simm.s32 $0x0;
	s22 =	simm.s32 $0x100;
	s0 =	rddreg [dreg:$0xf]  }
0x34e: {  	[hbm4b:s0+s18] =	stream.linear.scatter [tilespmem:s11], [sflag:$0x3], $0x4000, $0x38;
	[tilespmem:$0x1E500] =	vst v63  }
0x34f: {  	v3 =	vld [tilespmem:s22+$0x0];
	_ =	sdelay $0x2  }
0x350: {  	s19 =	simm.s32 $0x110;
	s24 =	sand.u32 $0x70, s18;
	s31 =	sand.u32 $0x1C00, s18  }
0x351: {  	s22 =	sor.u32 s24, s31;
	v4 =	vld [tilespmem:s19+$0x0]  }
0x352: {  	[tilespmem:s22+$0xA880] =	vst.add.f32.msk $0xffff, v3  }
0x353: {  	[tilespmem:s22+$0x8500] =	vst.add.f32.msk $0xffff, v3  }
0x354: {  	[tilespmem:s22+$0x8580] =	vst.add.f32.msk $0xffff, v3  }
0x355: {  	[tilespmem:s22+$0x8600] =	vst.add.f32.msk $0xffff, v3  }
0x356: {  	[tilespmem:s22+$0x8680] =	vst.add.f32.msk $0xffff, v3  }
0x357: {  	[tilespmem:s22+$0x8700] =	vst.add.f32.msk $0xffff, v3  }
0x358: {  	[tilespmem:s22+$0x8780] =	vst.add.f32.msk $0xffff, v3  }
0x359: {  	[tilespmem:s22+$0x8800] =	vst.add.f32.msk $0xffff, v3  }
0x35a: {  	[tilespmem:s22+$0x8880] =	vst.add.f32.msk $0xffff, v3  }
0x35b: {  	[tilespmem:s22+$0xA500] =	vst.add.f32.msk $0xffff, v3  }
0x35c: {  	[tilespmem:s22+$0xA580] =	vst.add.f32.msk $0xffff, v3  }
0x35d: {  	s9 =	simm.s32 $0x10;
	s24 =	simm.s32 $0x20;
	[tilespmem:s22+$0xA600] =	vst.add.f32.msk $0xffff, v3  }
.LBB2_22:
0x35e: {  	p0 =	sne.s32 s24, $0x3F0;
	[tilespmem:s22+$0xA680] =	vst.add.f32.msk $0xffff, v3  }
0x35f: {  	s18 =	sadd.s32 $0x80, s18;
	[tilespmem:s22+$0xA700] =	vst.add.f32.msk $0xffff, v3  }
0x360: {  	s0 =	sand.u32 $0x70, s9;
	s9 =	smov.u32 s24;
	s31 =	sand.u32 $0x1C00, s18;
	[tilespmem:s22+$0xA780] =	vst.add.f32.msk $0xffff, v3  }
0x361: {  	[tilespmem:s22+$0xA800] =	vst.add.f32.msk $0xffff, v3;
	s22 =	sor.u32 s0, s31  }
0x362: {  	[tilespmem:s22+$0xA880] =	vst.add.f32.msk $0xffff, v4;
	v3 =	vmov v4  }
0x363: {  	[tilespmem:s22+$0x8500] =	vst.add.f32.msk $0xffff, v3  }
0x364: {  	[tilespmem:s22+$0x8580] =	vst.add.f32.msk $0xffff, v3  }
0x365: {  	[tilespmem:s22+$0x8600] =	vst.add.f32.msk $0xffff, v3  }
0x366: {  	[tilespmem:s22+$0x8680] =	vst.add.f32.msk $0xffff, v3  }
0x367: {  	[tilespmem:s22+$0x8700] =	vst.add.f32.msk $0xffff, v3  }
0x368: {  	[tilespmem:s22+$0x8780] =	vst.add.f32.msk $0xffff, v3  }
0x369: {  	[tilespmem:s22+$0x8800] =	vst.add.f32.msk $0xffff, v3  }
.Ltmp10:
0x36a: {  	[tilespmem:s22+$0x8880] =	vst.add.f32.msk $0xffff, v3;
	(pc) =	sbr.rel @p0 .LBB2_22-.Ltmp10, $4  }
0x36b: {  	[tilespmem:s22+$0xA500] =	vst.add.f32.msk $0xffff, v3  }
0x36c: {  	[tilespmem:s22+$0xA580] =	vst.add.f32.msk $0xffff, v3  }
0x36d: {  	s19 =	sadd.s32 $0x10, s19;
	[tilespmem:s22+$0xA600] =	vst.add.f32.msk $0xffff, v3  }
0x36e: {  	s24 =	sadd.s32 $0x10, s24;
	v4 =	vld [tilespmem:s19+$0x0]  }
0x36f: {  	[tilespmem:s22+$0xA680] =	vst.add.f32.msk $0xffff, v3  }
0x370: {  	[tilespmem:s22+$0xA700] =	vst.add.f32.msk $0xffff, v3;
	s0 =	sadd.s32 $0x80, s18  }
0x371: {  	s9 =	sand.u32 $0x70, s9;
	[tilespmem:s22+$0xA780] =	vst.add.f32.msk $0xffff, v3;
	s0 =	sand.u32 $0x1C00, s0  }
0x372: {  	[tilespmem:s22+$0xA800] =	vst.add.f32.msk $0xffff, v3;
	s0 =	sor.u32 s9, s0  }
0x373: {  	[tilespmem:s0+$0xA880] =	vst.add.f32.msk $0xffff, v4  }
0x374: {  	[tilespmem:s0+$0x8500] =	vst.add.f32.msk $0xffff, v4  }
0x375: {  	[tilespmem:s0+$0x8580] =	vst.add.f32.msk $0xffff, v4  }
0x376: {  	[tilespmem:s0+$0x8600] =	vst.add.f32.msk $0xffff, v4  }
0x377: {  	[tilespmem:s0+$0x8680] =	vst.add.f32.msk $0xffff, v4  }
0x378: {  	[tilespmem:s0+$0x8700] =	vst.add.f32.msk $0xffff, v4  }
0x379: {  	[tilespmem:s0+$0x8780] =	vst.add.f32.msk $0xffff, v4  }
0x37a: {  	[tilespmem:s0+$0x8800] =	vst.add.f32.msk $0xffff, v4  }
0x37b: {  	[tilespmem:s0+$0x8880] =	vst.add.f32.msk $0xffff, v4  }
0x37c: {  	[tilespmem:s0+$0xA500] =	vst.add.f32.msk $0xffff, v4  }
0x37d: {  	[tilespmem:s0+$0xA580] =	vst.add.f32.msk $0xffff, v4  }
0x37e: {  	[tilespmem:s0+$0xA600] =	vst.add.f32.msk $0xffff, v4  }
0x37f: {  	[tilespmem:s0+$0xA680] =	vst.add.f32.msk $0xffff, v4  }
0x380: {  	[tilespmem:s0+$0xA700] =	vst.add.f32.msk $0xffff, v4  }
0x381: {  	[tilespmem:s0+$0xA780] =	vst.add.f32.msk $0xffff, v4  }
0x382: {  	[tilespmem:s0+$0xA800] =	vst.add.f32.msk $0xffff, v4  }
0x383: {  	s18 =	simm.s32 $0x0;
	s22 =	simm.s32 $0x100;
	s0 =	rddreg [dreg:$0x10]  }
0x384: {  	[hbm4b:s0+s18] =	stream.linear.scatter [tilespmem:s14], [sflag:$0x3], $0x4000, $0x38;
	[tilespmem:$0x1E500] =	vst v63  }
0x385: {  	v3 =	vld [tilespmem:s22+$0x0];
	_ =	sdelay $0x2  }
0x386: {  	s19 =	simm.s32 $0x110;
	s24 =	sand.u32 $0x70, s18;
	s31 =	sand.u32 $0x1C00, s18  }
0x387: {  	s22 =	sor.u32 s24, s31;
	v4 =	vld [tilespmem:s19+$0x0]  }
0x388: {  	[tilespmem:s22+$0xE880] =	vst.add.f32.msk $0xffff, v3  }
0x389: {  	[tilespmem:s22+$0xC500] =	vst.add.f32.msk $0xffff, v3  }
0x38a: {  	[tilespmem:s22+$0xC580] =	vst.add.f32.msk $0xffff, v3  }
0x38b: {  	[tilespmem:s22+$0xC600] =	vst.add.f32.msk $0xffff, v3  }
0x38c: {  	[tilespmem:s22+$0xC680] =	vst.add.f32.msk $0xffff, v3  }
0x38d: {  	[tilespmem:s22+$0xC700] =	vst.add.f32.msk $0xffff, v3  }
0x38e: {  	[tilespmem:s22+$0xC780] =	vst.add.f32.msk $0xffff, v3  }
0x38f: {  	[tilespmem:s22+$0xC800] =	vst.add.f32.msk $0xffff, v3  }
0x390: {  	[tilespmem:s22+$0xC880] =	vst.add.f32.msk $0xffff, v3  }
0x391: {  	[tilespmem:s22+$0xE500] =	vst.add.f32.msk $0xffff, v3  }
0x392: {  	[tilespmem:s22+$0xE580] =	vst.add.f32.msk $0xffff, v3  }
0x393: {  	s9 =	simm.s32 $0x10;
	s24 =	simm.s32 $0x20;
	[tilespmem:s22+$0xE600] =	vst.add.f32.msk $0xffff, v3  }
.LBB2_24:
0x394: {  	p0 =	sne.s32 s24, $0x3F0;
	[tilespmem:s22+$0xE680] =	vst.add.f32.msk $0xffff, v3  }
0x395: {  	s18 =	sadd.s32 $0x80, s18;
	[tilespmem:s22+$0xE700] =	vst.add.f32.msk $0xffff, v3  }
0x396: {  	s0 =	sand.u32 $0x70, s9;
	s9 =	smov.u32 s24;
	s31 =	sand.u32 $0x1C00, s18;
	[tilespmem:s22+$0xE780] =	vst.add.f32.msk $0xffff, v3  }
0x397: {  	[tilespmem:s22+$0xE800] =	vst.add.f32.msk $0xffff, v3;
	s22 =	sor.u32 s0, s31  }
0x398: {  	[tilespmem:s22+$0xE880] =	vst.add.f32.msk $0xffff, v4;
	v3 =	vmov v4  }
0x399: {  	[tilespmem:s22+$0xC500] =	vst.add.f32.msk $0xffff, v3  }
0x39a: {  	[tilespmem:s22+$0xC580] =	vst.add.f32.msk $0xffff, v3  }
0x39b: {  	[tilespmem:s22+$0xC600] =	vst.add.f32.msk $0xffff, v3  }
0x39c: {  	[tilespmem:s22+$0xC680] =	vst.add.f32.msk $0xffff, v3  }
0x39d: {  	[tilespmem:s22+$0xC700] =	vst.add.f32.msk $0xffff, v3  }
0x39e: {  	[tilespmem:s22+$0xC780] =	vst.add.f32.msk $0xffff, v3  }
0x39f: {  	[tilespmem:s22+$0xC800] =	vst.add.f32.msk $0xffff, v3  }
.Ltmp11:
0x3a0: {  	[tilespmem:s22+$0xC880] =	vst.add.f32.msk $0xffff, v3;
	(pc) =	sbr.rel @p0 .LBB2_24-.Ltmp11, $4  }
0x3a1: {  	[tilespmem:s22+$0xE500] =	vst.add.f32.msk $0xffff, v3  }
0x3a2: {  	[tilespmem:s22+$0xE580] =	vst.add.f32.msk $0xffff, v3  }
0x3a3: {  	s19 =	sadd.s32 $0x10, s19;
	[tilespmem:s22+$0xE600] =	vst.add.f32.msk $0xffff, v3  }
0x3a4: {  	s24 =	sadd.s32 $0x10, s24;
	v4 =	vld [tilespmem:s19+$0x0]  }
0x3a5: {  	[tilespmem:s22+$0xE680] =	vst.add.f32.msk $0xffff, v3  }
0x3a6: {  	[tilespmem:s22+$0xE700] =	vst.add.f32.msk $0xffff, v3;
	s0 =	sadd.s32 $0x80, s18  }
0x3a7: {  	s9 =	sand.u32 $0x70, s9;
	[tilespmem:s22+$0xE780] =	vst.add.f32.msk $0xffff, v3;
	s0 =	sand.u32 $0x1C00, s0  }
0x3a8: {  	[tilespmem:s22+$0xE800] =	vst.add.f32.msk $0xffff, v3;
	s0 =	sor.u32 s9, s0  }
0x3a9: {  	[tilespmem:s0+$0xE880] =	vst.add.f32.msk $0xffff, v4  }
0x3aa: {  	[tilespmem:s0+$0xC500] =	vst.add.f32.msk $0xffff, v4  }
0x3ab: {  	[tilespmem:s0+$0xC580] =	vst.add.f32.msk $0xffff, v4  }
0x3ac: {  	[tilespmem:s0+$0xC600] =	vst.add.f32.msk $0xffff, v4  }
0x3ad: {  	[tilespmem:s0+$0xC680] =	vst.add.f32.msk $0xffff, v4  }
0x3ae: {  	[tilespmem:s0+$0xC700] =	vst.add.f32.msk $0xffff, v4  }
0x3af: {  	[tilespmem:s0+$0xC780] =	vst.add.f32.msk $0xffff, v4  }
0x3b0: {  	[tilespmem:s0+$0xC800] =	vst.add.f32.msk $0xffff, v4  }
0x3b1: {  	[tilespmem:s0+$0xC880] =	vst.add.f32.msk $0xffff, v4  }
0x3b2: {  	[tilespmem:s0+$0xE500] =	vst.add.f32.msk $0xffff, v4  }
0x3b3: {  	[tilespmem:s0+$0xE580] =	vst.add.f32.msk $0xffff, v4  }
0x3b4: {  	[tilespmem:s0+$0xE600] =	vst.add.f32.msk $0xffff, v4  }
0x3b5: {  	[tilespmem:s0+$0xE680] =	vst.add.f32.msk $0xffff, v4  }
0x3b6: {  	[tilespmem:s0+$0xE700] =	vst.add.f32.msk $0xffff, v4  }
0x3b7: {  	[tilespmem:s0+$0xE780] =	vst.add.f32.msk $0xffff, v4  }
0x3b8: {  	[tilespmem:s0+$0xE800] =	vst.add.f32.msk $0xffff, v4  }
0x3b9: {  	s22 =	simm.s32 $0x0;
	s0 =	rddreg [dreg:$0x11]  }
0x3ba: {  	[hbm4b:s0+s22] =	stream.linear.scatter [tilespmem:s15], [sflag:$0x3], $0x4000, $0x38;
	[tilespmem:$0x1E500] =	vst v63  }
0x3bb: {  	_ =	swait.ge [sflag:s12], $0xE000  }
0x3bc: {  	[sflag:s12] =	ssyncset.done $0x0  }
0x3bd: {  	[sflag:s12] =	ssyncadd.s32 $0xFFFF2000  }
0x3be: {  	_ =	swait.ge [sflag:s16], $0x10000  }
0x3bf: {  	[sflag:s16] =	ssyncset.done $0x0  }
0x3c0: {  	[sflag:s16] =	ssyncadd.s32 $0xFFFF0000  }
0x3c1: {  	v3 =	vld [tilespmem:$0xF0];
	_ =	sdelay $0x4  }
0x3c2: {  	v4 =	vshll.u32 v3, $0x3  }
0x3c3: {  	v3 =	vand.u32 $0x7, v3;
	v4 =	vand.u32 $0xFFFFFFC0, v4  }
0x3c4: {  	v3 =	vor.u32 v3, v4  }
0x3c5: {  	v4 =	vperm.xlane v3, v0;
	_ =	sdelay $0x1  }
0x3c6: {  	v4 =	vadd.s32 v1, v4;
	_ =	sdelay $0x4  }
0x3c7: {  	[tilespmem:s30], [sflag:$0x1] =	stream.indirect_vreg.gather [hbm4b:s2+s22], $0x80, v4, vm0, $0xb8;
	[tilespmem:$0x1E500] =	vst v63  }
0x3c8: {  	s19 =	simm.s32 $0xD00;
	v3 =	vperm.xlane v3, v2  }
0x3c9: {  	[tilespmem:s19], [sflag:$0x1] =	stream.indirect_vreg.gather [hbm4b:s6+s22], $0x80, v4, vm0, $0xb8;
	[tilespmem:$0x1E500] =	vst v63  }
0x3ca: {  	s24 =	simm.s32 $0x1500;
	v3 =	vadd.s32 v1, v3  }
0x3cb: {  	[tilespmem:s24], [sflag:$0x1] =	stream.indirect_vreg.gather [hbm4b:s7+s22], $0x80, v4, vm0, $0xb8;
	[tilespmem:$0x1E500] =	vst v63  }
0x3cc: {  	_ = 	snop  }
0x3cd: {  	[tilespmem:s3], [sflag:$0x1] =	stream.indirect_vreg.gather [hbm4b:s8+s22], $0x80, v4, vm0, $0xb8;
	[tilespmem:$0x1E500] =	vst v63  }
0x3ce: {  	_ = 	snop  }
0x3cf: {  	[tilespmem:s1], [sflag:$0x1] =	stream.indirect_vreg.gather [hbm4b:s2+s22], $0x80, v3, vm0, $0xb8;
	[tilespmem:$0x1E500] =	vst v63  }
0x3d0: {  	_ = 	snop  }
0x3d1: {  	[tilespmem:s28], [sflag:$0x1] =	stream.indirect_vreg.gather [hbm4b:s6+s22], $0x80, v3, vm0, $0xb8;
	[tilespmem:$0x1E500] =	vst v63  }
0x3d2: {  	_ = 	snop  }
0x3d3: {  	[tilespmem:s5], [sflag:$0x1] =	stream.indirect_vreg.gather [hbm4b:s7+s22], $0x80, v3, vm0, $0xb8;
	[tilespmem:$0x1E500] =	vst v63  }
0x3d4: {  	s24 =	simm.s32 $0x100  }
0x3d5: {  	[tilespmem:s10], [sflag:$0x1] =	stream.indirect_vreg.gather [hbm4b:s8+s22], $0x80, v3, vm0, $0xb8;
	[tilespmem:$0x1E500] =	vst v63  }
0x3d6: {  	v3 =	vld [tilespmem:s24+$0x0];
	_ =	sdelay $0x1  }
0x3d7: {  	s18 =	sand.u32 $0x1C00, s22;
	s9 =	sand.u32 $0x70, s22  }
0x3d8: {  	s18 =	sor.u32 s9, s18  }
0x3d9: {  	s31 =	sadd.s32 $0x10500, s18  }
0x3da: {  	s19 =	sor.u32 $0x80, s31;
	[tilespmem:s18+$0x10500] =	vst.add.f32.msk $0xffff, v3  }
0x3db: {  	[tilespmem:s19+$0x0] =	vst.add.f32.msk $0xffff, v3  }
0x3dc: {  	[tilespmem:s31+$0x100] =	vst.add.f32.msk $0xffff, v3  }
0x3dd: {  	s9 =	simm.s32 $0x10;
	s0 =	sor.u32 $0x200, s31;
	s19 =	simm.s32 $0x0;
	[tilespmem:s31+$0x180] =	vst.add.f32.msk $0xffff, v3  }
.LBB2_26:
0x3de: {  	p0 =	sne.s32 s9, $0x3F0;
	[tilespmem:s0+$0x0] =	vst.add.f32.msk $0xffff, v3;
	s0 =	sor.u32 $0x280, s31  }
0x3df: {  	[tilespmem:s0+$0x0] =	vst.add.f32.msk $0xffff, v3;
	s0 =	sor.u32 s19, s22;
	s22 =	smov.u32 s9  }
0x3e0: {  	[tilespmem:s31+$0x300] =	vst.add.f32.msk $0xffff, v3;
	s0 =	sor.u32 $0x380, s0  }
0x3e1: {  	[tilespmem:s0+$0x10500] =	vst.add.f32.msk $0xffff, v3  }
0x3e2: {  	[tilespmem:s18+$0x12880] =	vst.add.f32.msk $0xffff, v3  }
0x3e3: {  	[tilespmem:s18+$0x12500] =	vst.add.f32.msk $0xffff, v3  }
0x3e4: {  	[tilespmem:s18+$0x12580] =	vst.add.f32.msk $0xffff, v3  }
0x3e5: {  	s24 =	sadd.s32 $0x10, s24;
	[tilespmem:s18+$0x12600] =	vst.add.f32.msk $0xffff, v3  }
0x3e6: {  	v4 =	vld [tilespmem:s24+$0x0]  }
0x3e7: {  	s19 =	sadd.s32 $0x80, s19;
	[tilespmem:s18+$0x12680] =	vst.add.f32.msk $0xffff, v3  }
0x3e8: {  	s31 =	sand.u32 $0x1C00, s19;
	s0 =	sand.u32 $0x70, s9;
	[tilespmem:s18+$0x12700] =	vst.add.f32.msk $0xffff, v3  }
0x3e9: {  	s0 =	sor.u32 s0, s31;
	[tilespmem:s18+$0x12780] =	vst.add.f32.msk $0xffff, v3  }
.Ltmp12:
0x3ea: {  	s31 =	sadd.s32 $0x10500, s0;
	[tilespmem:s18+$0x12800] =	vst.add.f32.msk $0xffff, v3;
	s18 =	smov.u32 s0;
	(pc) =	sbr.rel @p0 .LBB2_26-.Ltmp12, $4  }
0x3eb: {  	s0 =	sor.u32 $0x80, s31;
	[tilespmem:s18+$0x10500] =	vst.add.f32.msk $0xffff, v4;
	v3 =	vmov v4  }
0x3ec: {  	[tilespmem:s0+$0x0] =	vst.add.f32.msk $0xffff, v3  }
0x3ed: {  	[tilespmem:s31+$0x100] =	vst.add.f32.msk $0xffff, v3  }
0x3ee: {  	s9 =	sadd.s32 $0x10, s9;
	s0 =	sor.u32 $0x200, s31;
	[tilespmem:s31+$0x180] =	vst.add.f32.msk $0xffff, v3  }
0x3ef: {  	[tilespmem:s0+$0x0] =	vst.add.f32.msk $0xffff, v3;
	s9 =	sor.u32 $0x280, s31  }
0x3f0: {  	s22 =	sor.u32 s19, s22;
	[tilespmem:s9+$0x0] =	vst.add.f32.msk $0xffff, v3  }
0x3f1: {  	s0 =	sor.u32 $0x380, s22;
	[tilespmem:s31+$0x300] =	vst.add.f32.msk $0xffff, v3  }
0x3f2: {  	[tilespmem:s0+$0x10500] =	vst.add.f32.msk $0xffff, v3  }
0x3f3: {  	[tilespmem:s18+$0x12880] =	vst.add.f32.msk $0xffff, v3  }
0x3f4: {  	[tilespmem:s18+$0x12500] =	vst.add.f32.msk $0xffff, v3  }
0x3f5: {  	[tilespmem:s18+$0x12580] =	vst.add.f32.msk $0xffff, v3  }
0x3f6: {  	[tilespmem:s18+$0x12600] =	vst.add.f32.msk $0xffff, v3  }
0x3f7: {  	[tilespmem:s18+$0x12680] =	vst.add.f32.msk $0xffff, v3  }
0x3f8: {  	[tilespmem:s18+$0x12700] =	vst.add.f32.msk $0xffff, v3  }
0x3f9: {  	[tilespmem:s18+$0x12780] =	vst.add.f32.msk $0xffff, v3  }
0x3fa: {  	[tilespmem:s18+$0x12800] =	vst.add.f32.msk $0xffff, v3  }
0x3fb: {  	s24 =	simm.s32 $0x100;
	s18 =	simm.s32 $0x0;
	s0 =	rddreg [dreg:$0x12]  }
0x3fc: {  	[hbm4b:s0+s18] =	stream.linear.scatter [tilespmem:s13], [sflag:$0x4], $0x4000, $0x38;
	[tilespmem:$0x1E500] =	vst v63  }
0x3fd: {  	v3 =	vld [tilespmem:s24+$0x0];
	_ =	sdelay $0x2  }
0x3fe: {  	s19 =	simm.s32 $0x110;
	s31 =	sand.u32 $0x70, s18;
	s9 =	sand.u32 $0x1C00, s18  }
0x3ff: {  	s22 =	sor.u32 s31, s9;
	v4 =	vld [tilespmem:s19+$0x0]  }
0x400: {  	[tilespmem:s22+$0x16880] =	vst.add.f32.msk $0xffff, v3  }
0x401: {  	[tilespmem:s22+$0x14500] =	vst.add.f32.msk $0xffff, v3  }
0x402: {  	[tilespmem:s22+$0x14580] =	vst.add.f32.msk $0xffff, v3  }
0x403: {  	[tilespmem:s22+$0x14600] =	vst.add.f32.msk $0xffff, v3  }
0x404: {  	[tilespmem:s22+$0x14680] =	vst.add.f32.msk $0xffff, v3  }
0x405: {  	[tilespmem:s22+$0x14700] =	vst.add.f32.msk $0xffff, v3  }
0x406: {  	[tilespmem:s22+$0x14780] =	vst.add.f32.msk $0xffff, v3  }
0x407: {  	[tilespmem:s22+$0x14800] =	vst.add.f32.msk $0xffff, v3  }
0x408: {  	[tilespmem:s22+$0x14880] =	vst.add.f32.msk $0xffff, v3  }
0x409: {  	[tilespmem:s22+$0x16500] =	vst.add.f32.msk $0xffff, v3  }
0x40a: {  	[tilespmem:s22+$0x16580] =	vst.add.f32.msk $0xffff, v3  }
0x40b: {  	s9 =	simm.s32 $0x10;
	s24 =	simm.s32 $0x20;
	[tilespmem:s22+$0x16600] =	vst.add.f32.msk $0xffff, v3  }
.LBB2_28:
0x40c: {  	p0 =	sne.s32 s24, $0x3F0;
	[tilespmem:s22+$0x16680] =	vst.add.f32.msk $0xffff, v3  }
0x40d: {  	s18 =	sadd.s32 $0x80, s18;
	[tilespmem:s22+$0x16700] =	vst.add.f32.msk $0xffff, v3  }
0x40e: {  	s0 =	sand.u32 $0x70, s9;
	s9 =	smov.u32 s24;
	s31 =	sand.u32 $0x1C00, s18;
	[tilespmem:s22+$0x16780] =	vst.add.f32.msk $0xffff, v3  }
0x40f: {  	[tilespmem:s22+$0x16800] =	vst.add.f32.msk $0xffff, v3;
	s22 =	sor.u32 s0, s31  }
0x410: {  	[tilespmem:s22+$0x16880] =	vst.add.f32.msk $0xffff, v4;
	v3 =	vmov v4  }
0x411: {  	[tilespmem:s22+$0x14500] =	vst.add.f32.msk $0xffff, v3  }
0x412: {  	[tilespmem:s22+$0x14580] =	vst.add.f32.msk $0xffff, v3  }
0x413: {  	[tilespmem:s22+$0x14600] =	vst.add.f32.msk $0xffff, v3  }
0x414: {  	[tilespmem:s22+$0x14680] =	vst.add.f32.msk $0xffff, v3  }
0x415: {  	[tilespmem:s22+$0x14700] =	vst.add.f32.msk $0xffff, v3  }
0x416: {  	[tilespmem:s22+$0x14780] =	vst.add.f32.msk $0xffff, v3  }
0x417: {  	[tilespmem:s22+$0x14800] =	vst.add.f32.msk $0xffff, v3  }
.Ltmp13:
0x418: {  	[tilespmem:s22+$0x14880] =	vst.add.f32.msk $0xffff, v3;
	(pc) =	sbr.rel @p0 .LBB2_28-.Ltmp13, $4  }
0x419: {  	[tilespmem:s22+$0x16500] =	vst.add.f32.msk $0xffff, v3  }
0x41a: {  	[tilespmem:s22+$0x16580] =	vst.add.f32.msk $0xffff, v3  }
0x41b: {  	s19 =	sadd.s32 $0x10, s19;
	[tilespmem:s22+$0x16600] =	vst.add.f32.msk $0xffff, v3  }
0x41c: {  	s24 =	sadd.s32 $0x10, s24;
	v4 =	vld [tilespmem:s19+$0x0]  }
0x41d: {  	[tilespmem:s22+$0x16680] =	vst.add.f32.msk $0xffff, v3  }
0x41e: {  	[tilespmem:s22+$0x16700] =	vst.add.f32.msk $0xffff, v3;
	s0 =	sadd.s32 $0x80, s18  }
0x41f: {  	s9 =	sand.u32 $0x70, s9;
	[tilespmem:s22+$0x16780] =	vst.add.f32.msk $0xffff, v3;
	s0 =	sand.u32 $0x1C00, s0  }
0x420: {  	[tilespmem:s22+$0x16800] =	vst.add.f32.msk $0xffff, v3;
	s0 =	sor.u32 s9, s0  }
0x421: {  	[tilespmem:s0+$0x16880] =	vst.add.f32.msk $0xffff, v4  }
0x422: {  	[tilespmem:s0+$0x14500] =	vst.add.f32.msk $0xffff, v4  }
0x423: {  	[tilespmem:s0+$0x14580] =	vst.add.f32.msk $0xffff, v4  }
0x424: {  	[tilespmem:s0+$0x14600] =	vst.add.f32.msk $0xffff, v4  }
0x425: {  	[tilespmem:s0+$0x14680] =	vst.add.f32.msk $0xffff, v4  }
0x426: {  	[tilespmem:s0+$0x14700] =	vst.add.f32.msk $0xffff, v4  }
0x427: {  	[tilespmem:s0+$0x14780] =	vst.add.f32.msk $0xffff, v4  }
0x428: {  	[tilespmem:s0+$0x14800] =	vst.add.f32.msk $0xffff, v4  }
0x429: {  	[tilespmem:s0+$0x14880] =	vst.add.f32.msk $0xffff, v4  }
0x42a: {  	[tilespmem:s0+$0x16500] =	vst.add.f32.msk $0xffff, v4  }
0x42b: {  	[tilespmem:s0+$0x16580] =	vst.add.f32.msk $0xffff, v4  }
0x42c: {  	[tilespmem:s0+$0x16600] =	vst.add.f32.msk $0xffff, v4  }
0x42d: {  	[tilespmem:s0+$0x16680] =	vst.add.f32.msk $0xffff, v4  }
0x42e: {  	[tilespmem:s0+$0x16700] =	vst.add.f32.msk $0xffff, v4  }
0x42f: {  	[tilespmem:s0+$0x16780] =	vst.add.f32.msk $0xffff, v4  }
0x430: {  	[tilespmem:s0+$0x16800] =	vst.add.f32.msk $0xffff, v4  }
0x431: {  	s18 =	simm.s32 $0x0;
	s22 =	simm.s32 $0x100;
	s0 =	rddreg [dreg:$0x13]  }
0x432: {  	[hbm4b:s0+s18] =	stream.linear.scatter [tilespmem:s20], [sflag:$0x4], $0x4000, $0x38;
	[tilespmem:$0x1E500] =	vst v63  }
0x433: {  	v3 =	vld [tilespmem:s22+$0x0];
	_ =	sdelay $0x2  }
0x434: {  	s19 =	simm.s32 $0x110;
	s24 =	sand.u32 $0x70, s18;
	s31 =	sand.u32 $0x1C00, s18  }
0x435: {  	s22 =	sor.u32 s24, s31;
	v4 =	vld [tilespmem:s19+$0x0]  }
0x436: {  	[tilespmem:s22+$0x1A880] =	vst.add.f32.msk $0xffff, v3  }
0x437: {  	[tilespmem:s22+$0x18500] =	vst.add.f32.msk $0xffff, v3  }
0x438: {  	[tilespmem:s22+$0x18580] =	vst.add.f32.msk $0xffff, v3  }
0x439: {  	[tilespmem:s22+$0x18600] =	vst.add.f32.msk $0xffff, v3  }
0x43a: {  	[tilespmem:s22+$0x18680] =	vst.add.f32.msk $0xffff, v3  }
0x43b: {  	[tilespmem:s22+$0x18700] =	vst.add.f32.msk $0xffff, v3  }
0x43c: {  	[tilespmem:s22+$0x18780] =	vst.add.f32.msk $0xffff, v3  }
0x43d: {  	[tilespmem:s22+$0x18800] =	vst.add.f32.msk $0xffff, v3  }
0x43e: {  	[tilespmem:s22+$0x18880] =	vst.add.f32.msk $0xffff, v3  }
0x43f: {  	[tilespmem:s22+$0x1A500] =	vst.add.f32.msk $0xffff, v3  }
0x440: {  	[tilespmem:s22+$0x1A580] =	vst.add.f32.msk $0xffff, v3  }
0x441: {  	s9 =	simm.s32 $0x10;
	s24 =	simm.s32 $0x20;
	[tilespmem:s22+$0x1A600] =	vst.add.f32.msk $0xffff, v3  }
.LBB2_30:
0x442: {  	p0 =	sne.s32 s24, $0x3F0;
	[tilespmem:s22+$0x1A680] =	vst.add.f32.msk $0xffff, v3  }
0x443: {  	s18 =	sadd.s32 $0x80, s18;
	[tilespmem:s22+$0x1A700] =	vst.add.f32.msk $0xffff, v3  }
0x444: {  	s0 =	sand.u32 $0x70, s9;
	s9 =	smov.u32 s24;
	s31 =	sand.u32 $0x1C00, s18;
	[tilespmem:s22+$0x1A780] =	vst.add.f32.msk $0xffff, v3  }
0x445: {  	[tilespmem:s22+$0x1A800] =	vst.add.f32.msk $0xffff, v3;
	s22 =	sor.u32 s0, s31  }
0x446: {  	[tilespmem:s22+$0x1A880] =	vst.add.f32.msk $0xffff, v4;
	v3 =	vmov v4  }
0x447: {  	[tilespmem:s22+$0x18500] =	vst.add.f32.msk $0xffff, v3  }
0x448: {  	[tilespmem:s22+$0x18580] =	vst.add.f32.msk $0xffff, v3  }
0x449: {  	[tilespmem:s22+$0x18600] =	vst.add.f32.msk $0xffff, v3  }
0x44a: {  	[tilespmem:s22+$0x18680] =	vst.add.f32.msk $0xffff, v3  }
0x44b: {  	[tilespmem:s22+$0x18700] =	vst.add.f32.msk $0xffff, v3  }
0x44c: {  	[tilespmem:s22+$0x18780] =	vst.add.f32.msk $0xffff, v3  }
0x44d: {  	[tilespmem:s22+$0x18800] =	vst.add.f32.msk $0xffff, v3  }
.Ltmp14:
0x44e: {  	[tilespmem:s22+$0x18880] =	vst.add.f32.msk $0xffff, v3;
	(pc) =	sbr.rel @p0 .LBB2_30-.Ltmp14, $4  }
0x44f: {  	[tilespmem:s22+$0x1A500] =	vst.add.f32.msk $0xffff, v3  }
0x450: {  	[tilespmem:s22+$0x1A580] =	vst.add.f32.msk $0xffff, v3  }
0x451: {  	s19 =	sadd.s32 $0x10, s19;
	[tilespmem:s22+$0x1A600] =	vst.add.f32.msk $0xffff, v3  }
0x452: {  	s24 =	sadd.s32 $0x10, s24;
	v4 =	vld [tilespmem:s19+$0x0]  }
0x453: {  	[tilespmem:s22+$0x1A680] =	vst.add.f32.msk $0xffff, v3  }
0x454: {  	[tilespmem:s22+$0x1A700] =	vst.add.f32.msk $0xffff, v3;
	s0 =	sadd.s32 $0x80, s18  }
0x455: {  	s9 =	sand.u32 $0x70, s9;
	[tilespmem:s22+$0x1A780] =	vst.add.f32.msk $0xffff, v3;
	s0 =	sand.u32 $0x1C00, s0  }
0x456: {  	[tilespmem:s22+$0x1A800] =	vst.add.f32.msk $0xffff, v3;
	s0 =	sor.u32 s9, s0  }
0x457: {  	[tilespmem:s0+$0x1A880] =	vst.add.f32.msk $0xffff, v4  }
0x458: {  	[tilespmem:s0+$0x18500] =	vst.add.f32.msk $0xffff, v4  }
0x459: {  	[tilespmem:s0+$0x18580] =	vst.add.f32.msk $0xffff, v4  }
0x45a: {  	[tilespmem:s0+$0x18600] =	vst.add.f32.msk $0xffff, v4  }
0x45b: {  	[tilespmem:s0+$0x18680] =	vst.add.f32.msk $0xffff, v4  }
0x45c: {  	[tilespmem:s0+$0x18700] =	vst.add.f32.msk $0xffff, v4  }
0x45d: {  	[tilespmem:s0+$0x18780] =	vst.add.f32.msk $0xffff, v4  }
0x45e: {  	[tilespmem:s0+$0x18800] =	vst.add.f32.msk $0xffff, v4  }
0x45f: {  	[tilespmem:s0+$0x18880] =	vst.add.f32.msk $0xffff, v4  }
0x460: {  	[tilespmem:s0+$0x1A500] =	vst.add.f32.msk $0xffff, v4  }
0x461: {  	[tilespmem:s0+$0x1A580] =	vst.add.f32.msk $0xffff, v4  }
0x462: {  	[tilespmem:s0+$0x1A600] =	vst.add.f32.msk $0xffff, v4  }
0x463: {  	[tilespmem:s0+$0x1A680] =	vst.add.f32.msk $0xffff, v4  }
0x464: {  	[tilespmem:s0+$0x1A700] =	vst.add.f32.msk $0xffff, v4  }
0x465: {  	[tilespmem:s0+$0x1A780] =	vst.add.f32.msk $0xffff, v4  }
0x466: {  	[tilespmem:s0+$0x1A800] =	vst.add.f32.msk $0xffff, v4  }
0x467: {  	s22 =	simm.s32 $0x100;
	s9 =	simm.s32 $0x0;
	s0 =	rddreg [dreg:$0x14]  }
0x468: {  	[hbm4b:s0+s9] =	stream.linear.scatter [tilespmem:s25], [sflag:$0x4], $0x4000, $0x38;
	[tilespmem:$0x1E500] =	vst v63  }
0x469: {  	v3 =	vld [tilespmem:s22+$0x0];
	_ =	sdelay $0x2  }
0x46a: {  	s24 =	sand.u32 $0x70, s9;
	s31 =	sand.u32 $0x1C00, s9;
	s22 =	simm.s32 $0x110  }
0x46b: {  	s18 =	sor.u32 s24, s31;
	v4 =	vld [tilespmem:s22+$0x0]  }
0x46c: {  	[tilespmem:s18+$0x1C880] =	vst.add.f32.msk $0xffff, v3  }
0x46d: {  	[tilespmem:s18+$0x1C500] =	vst.add.f32.msk $0xffff, v3  }
0x46e: {  	[tilespmem:s18+$0x1C580] =	vst.add.f32.msk $0xffff, v3  }
0x46f: {  	s19 =	simm.s32 $0x10;
	s24 =	simm.s32 $0x20;
	[tilespmem:s18+$0x1C600] =	vst.add.f32.msk $0xffff, v3  }
.LBB2_32:
0x470: {  	p0 =	sne.s32 s24, $0x3F0;
	[tilespmem:s18+$0x1C680] =	vst.add.f32.msk $0xffff, v3  }
0x471: {  	s9 =	sadd.s32 $0x80, s9;
	[tilespmem:s18+$0x1C700] =	vst.add.f32.msk $0xffff, v3  }
0x472: {  	s0 =	sand.u32 $0x70, s19;
	s19 =	smov.u32 s24;
	s31 =	sand.u32 $0x1C00, s9;
	[tilespmem:s18+$0x1C780] =	vst.add.f32.msk $0xffff, v3  }
0x473: {  	[tilespmem:s18+$0x1C800] =	vst.add.f32.msk $0xffff, v3;
	s18 =	sor.u32 s0, s31  }
.Ltmp15:
0x474: {  	[tilespmem:s18+$0x1C880] =	vst.add.f32.msk $0xffff, v4;
	v3 =	vmov v4;
	(pc) =	sbr.rel @p0 .LBB2_32-.Ltmp15, $4  }
0x475: {  	[tilespmem:s18+$0x1C500] =	vst.add.f32.msk $0xffff, v3  }
0x476: {  	[tilespmem:s18+$0x1C580] =	vst.add.f32.msk $0xffff, v3  }
0x477: {  	s22 =	sadd.s32 $0x10, s22;
	[tilespmem:s18+$0x1C600] =	vst.add.f32.msk $0xffff, v3  }
0x478: {  	s24 =	sadd.s32 $0x10, s24;
	v4 =	vld [tilespmem:s22+$0x0]  }
0x479: {  	[tilespmem:s18+$0x1C680] =	vst.add.f32.msk $0xffff, v3  }
0x47a: {  	[tilespmem:s18+$0x1C700] =	vst.add.f32.msk $0xffff, v3;
	s0 =	sadd.s32 $0x80, s9  }
0x47b: {  	s31 =	sand.u32 $0x70, s19;
	[tilespmem:s18+$0x1C780] =	vst.add.f32.msk $0xffff, v3;
	s0 =	sand.u32 $0x1C00, s0  }
0x47c: {  	[tilespmem:s18+$0x1C800] =	vst.add.f32.msk $0xffff, v3;
	s0 =	sor.u32 s31, s0  }
0x47d: {  	[tilespmem:s0+$0x1C880] =	vst.add.f32.msk $0xffff, v4  }
0x47e: {  	[tilespmem:s0+$0x1C500] =	vst.add.f32.msk $0xffff, v4  }
0x47f: {  	[tilespmem:s0+$0x1C580] =	vst.add.f32.msk $0xffff, v4  }
0x480: {  	[tilespmem:s0+$0x1C600] =	vst.add.f32.msk $0xffff, v4  }
0x481: {  	[tilespmem:s0+$0x1C680] =	vst.add.f32.msk $0xffff, v4  }
0x482: {  	[tilespmem:s0+$0x1C700] =	vst.add.f32.msk $0xffff, v4  }
0x483: {  	[tilespmem:s0+$0x1C780] =	vst.add.f32.msk $0xffff, v4  }
0x484: {  	[tilespmem:s0+$0x1C800] =	vst.add.f32.msk $0xffff, v4  }
0x485: {  	s22 =	simm.s32 $0x0;
	s0 =	rddreg [dreg:$0x15]  }
0x486: {  	[hbm4b:s0+s22] =	stream.linear.scatter [tilespmem:s23], [sflag:$0x4], $0x2000, $0x38;
	[tilespmem:$0x1E500] =	vst v63  }
0x487: {  	_ =	swait.ge [sflag:s26], $0x4000  }
0x488: {  	[sflag:s26] =	ssyncset.done $0x0  }
0x489: {  	s24 =	simm.s32 $0x100;
	[sflag:s26] =	ssyncadd.s32 $0xFFFFC000  }
0x48a: {  	v3 =	vld [tilespmem:s24+$0x0];
	_ =	sdelay $0x2  }
0x48b: {  	s19 =	sand.u32 $0x70, s22;
	s31 =	sand.u32 $0x1C00, s22  }
0x48c: {  	s18 =	sor.u32 s19, s31  }
0x48d: {  	[tilespmem:s18+$0x500] =	vst.add.f32.msk $0xffff, v3  }
0x48e: {  	[tilespmem:s18+$0x580] =	vst.add.f32.msk $0xffff, v3  }
0x48f: {  	[tilespmem:s18+$0x600] =	vst.add.f32.msk $0xffff, v3  }
0x490: {  	s9 =	simm.s32 $0x0;
	s19 =	simm.s32 $0x10;
	[tilespmem:s18+$0x680] =	vst.add.f32.msk $0xffff, v3  }
.LBB2_34:
0x491: {  	p0 =	sne.s32 s19, $0x3F0;
	[tilespmem:s18+$0x700] =	vst.add.f32.msk $0xffff, v3  }
0x492: {  	s0 =	sor.u32 s9, s22;
	s22 =	smov.u32 s19;
	[tilespmem:s18+$0x780] =	vst.add.f32.msk $0xffff, v3  }
0x493: {  	s0 =	sor.u32 $0x380, s0;
	[tilespmem:s18+$0x800] =	vst.add.f32.msk $0xffff, v3  }
0x494: {  	[tilespmem:s0+$0x500] =	vst.add.f32.msk $0xffff, v3  }
0x495: {  	[tilespmem:s18+$0x2880] =	vst.add.f32.msk $0xffff, v3  }
0x496: {  	[tilespmem:s18+$0x2500] =	vst.add.f32.msk $0xffff, v3  }
0x497: {  	[tilespmem:s18+$0x2580] =	vst.add.f32.msk $0xffff, v3  }
0x498: {  	s24 =	sadd.s32 $0x10, s24;
	[tilespmem:s18+$0x2600] =	vst.add.f32.msk $0xffff, v3  }
0x499: {  	v4 =	vld [tilespmem:s24+$0x0]  }
0x49a: {  	[tilespmem:s18+$0x2680] =	vst.add.f32.msk $0xffff, v3  }
0x49b: {  	s9 =	sadd.s32 $0x80, s9;
	[tilespmem:s18+$0x2700] =	vst.add.f32.msk $0xffff, v3  }
0x49c: {  	s31 =	sand.u32 $0x1C00, s9;
	s0 =	sand.u32 $0x70, s19;
	[tilespmem:s18+$0x2780] =	vst.add.f32.msk $0xffff, v3  }
.Ltmp16:
0x49d: {  	[tilespmem:s18+$0x2800] =	vst.add.f32.msk $0xffff, v3;
	s18 =	sor.u32 s0, s31;
	(pc) =	sbr.rel @p0 .LBB2_34-.Ltmp16, $4  }
0x49e: {  	[tilespmem:s18+$0x500] =	vst.add.f32.msk $0xffff, v4;
	v3 =	vmov v4  }
0x49f: {  	[tilespmem:s18+$0x580] =	vst.add.f32.msk $0xffff, v3  }
0x4a0: {  	[tilespmem:s18+$0x600] =	vst.add.f32.msk $0xffff, v3  }
0x4a1: {  	s19 =	sadd.s32 $0x10, s19;
	[tilespmem:s18+$0x680] =	vst.add.f32.msk $0xffff, v3  }
0x4a2: {  	[tilespmem:s18+$0x700] =	vst.add.f32.msk $0xffff, v3  }
0x4a3: {  	[tilespmem:s18+$0x780] =	vst.add.f32.msk $0xffff, v3;
	s0 =	sor.u32 s9, s22  }
0x4a4: {  	[tilespmem:s18+$0x800] =	vst.add.f32.msk $0xffff, v3;
	s0 =	sor.u32 $0x380, s0  }
0x4a5: {  	[tilespmem:s0+$0x500] =	vst.add.f32.msk $0xffff, v3  }
0x4a6: {  	[tilespmem:s18+$0x2880] =	vst.add.f32.msk $0xffff, v3  }
0x4a7: {  	[tilespmem:s18+$0x2500] =	vst.add.f32.msk $0xffff, v3  }
0x4a8: {  	[tilespmem:s18+$0x2580] =	vst.add.f32.msk $0xffff, v3  }
0x4a9: {  	[tilespmem:s18+$0x2600] =	vst.add.f32.msk $0xffff, v3  }
0x4aa: {  	[tilespmem:s18+$0x2680] =	vst.add.f32.msk $0xffff, v3  }
0x4ab: {  	[tilespmem:s18+$0x2700] =	vst.add.f32.msk $0xffff, v3  }
0x4ac: {  	[tilespmem:s18+$0x2780] =	vst.add.f32.msk $0xffff, v3  }
0x4ad: {  	[tilespmem:s18+$0x2800] =	vst.add.f32.msk $0xffff, v3  }
0x4ae: {  	s0 =	rddreg [dreg:$0x17]  }
0x4af: {  	[hbm4b:s0+s4] =	stream.linear.scatter [tilespmem:s30], [sflag:$0x3], $0x4000, $0x38;
	[tilespmem:$0x1E500] =	vst v63  }
0x4b0: {  	_ =	swait.ge [sflag:s21], $0xE000  }
0x4b1: {  	[sflag:s21] =	ssyncset.done $0x0  }
0x4b2: {  	[sflag:s21] =	ssyncadd.s32 $0xFFFF2000  }
0x4b3: {  	_ =	swait.ge [sflag:s16], $0x4000  }
0x4b4: {  	s17 =	sadd.s32 $0x1, s17;
	s31 =	rddreg [dreg:$0x16]  }
0x4b5: {  	p0 =	sne.s32 s17, s31  }
.Ltmp17:
0x4b6: {  	_ = 	snop;
	(pc) =	sbr.rel @p0 .LBB2_1-.Ltmp17, $3  }
0x4b7: {  	_ =	sdelay $0x1  }
0x4b8: {  	[sflag:s16] =	ssyncset.done $0x0  }
0x4b9: {  	[sflag:s16] =	ssyncadd.s32 $0xFFFFC000  }
0x4ba: {  	_ =	sfence.sel $0x180000  }
0x4bb: {  	[bflag:$0x0] =	sbarrier.arrive $0xFFFF  }
0x4bc: {  	_ =	strace $0x90000047  }
0x4bd: {  	s0 =	stileid.u32;
	[bflag:$0x2] =	sbarrier.arrive $0xFFFF  }
0x4be: {  	p0 =	sne.s32 s0, $0x0;
	s0 =	rddreg [dreg:$0x4]  }
0x4bf: {  	s0 =	sadd.s32 @!p0 $0x100000, s0  }
0x4c0: {  	[sflag:s0] =	ssyncadd.tile.s32 @!p0 $0x1;
	_ =	shalt  }
.Lfunc_end2:
_tile_overlayer_lowered:
.L_overlay_start_2:
0x4c1: {  	(tag) =	ssettag $0x2  }
0x4c2: {  	s0 =	rddreg [dreg:$0x0];
	s2 =	stileid.u32  }
0x4c3: {  	s1 =	rddreg [dreg:$0x1];
	p0 =	sne.s32 s2, $0x0  }
0x4c4: {  	s3 =	rddreg [dreg:$0x2];
	[bflag:$0x3] =	sbarrier.arrive $0xFFFF;
	s2 =	simm.s32 @!p0 $0x1C05  }
0x4c5: {  	[timem:s3], [sflag:s2] =	dma.local @!p0 [hbm:s0], s1  }
0x4c6: {  	s0 =	simm.s32 @!p0 $0x5  }
0x4c7: {  	_ =	swait.ge @!p0 [sflag:s0], s1  }
0x4c8: {  	s1 =	ssub.s32 @!p0 $0x0, s1;
	[sflag:s0] =	ssyncset.done @!p0 $0x0  }
0x4c9: {  	[sflag:s0] =	ssyncadd.s32 @!p0 s1  }
0x4ca: {  	[bflag:$0x3] =	sbarrier.arrive $0xFFFF  }
0x4cb: {  	_ =	shalt  }

</sc_bundles>
